<compile_context>
chip_gen: v7x
topology: tpu7x:2x2x1
jax: 0.10.2.dev20260603
libtpu: 0.0.44.dev20260713+nightly
codegen_flags: <defaults>
</compile_context>

<pallas_src>
import functools

import jax
import jax.numpy as jnp
from jax import lax
from jax.experimental import pallas as pl
from jax.experimental.pallas import tpu as pltpu
from jax.experimental.pallas import tpu_sc as plsc

L = 16
CH = 128


def _tab_body(x_ref, wb_ref, ws_ref, ab_ref, as_ref, tabb_ref, tabs_ref, hv_ref):
    xb = x_ref[...]
    hb = jnp.dot(xb, wb_ref[...], preferred_element_type=jnp.float32)
    hs = jnp.dot(xb, ws_ref[...], preferred_element_type=jnp.float32)
    blk = xb.shape[0]
    pb = jnp.dot(hb, ab_ref[...], preferred_element_type=jnp.float32)
    ps = jnp.dot(hs, as_ref[...], preferred_element_type=jnp.float32)
    lane = lax.broadcasted_iota(jnp.int32, (blk, L), 1)
    ones_col = (lane == 0).astype(jnp.float32)
    hs_lane = (lane == 1).astype(jnp.float32)
    tabb_ref[...] = jnp.concatenate(
        [hb, ones_col + pb[:, 0:1] * hs_lane], axis=1)
    tabs_ref[...] = jnp.concatenate(
        [hs, ones_col + ps[:, 0:1] * hs_lane], axis=1)
    hv_ref[...] = (pb[:, 0:1] * (lane == 0).astype(jnp.float32)
                   + pb[:, 1:2] * hs_lane
                   + ps[:, 0:1] * (lane == 2).astype(jnp.float32)
                   + ps[:, 1:2] * (lane == 3).astype(jnp.float32))


def _build_tables(x2d, wb, ws, ab, as_):
    R, F = x2d.shape
    BLK = 2000
    grid = (R // BLK,)
    W = F + L
    return pl.pallas_call(
        _tab_body,
        grid=grid,
        in_specs=[
            pl.BlockSpec((BLK, F), lambda i: (i, 0)),
            pl.BlockSpec((F, F), lambda i: (0, 0)),
            pl.BlockSpec((F, F), lambda i: (0, 0)),
            pl.BlockSpec((F, 2), lambda i: (0, 0)),
            pl.BlockSpec((F, 2), lambda i: (0, 0)),
        ],
        out_specs=[
            pl.BlockSpec((BLK, W), lambda i: (i, 0)),
            pl.BlockSpec((BLK, W), lambda i: (i, 0)),
            pl.BlockSpec((BLK, L), lambda i: (i, 0)),
        ],
        out_shape=[
            jax.ShapeDtypeStruct((R, W), jnp.float32),
            jax.ShapeDtypeStruct((R, W), jnp.float32),
            jax.ShapeDtypeStruct((R, L), jnp.float32),
        ],
    )(x2d, wb, ws, ab, as_)


def _et_body(ea_ref, v5_ref, out_ref, *, ep, ev):
    ea = ea_ref[...]
    et = jnp.sum(ea * v5_ref[...], axis=1)
    et2 = et.reshape(8, CH)
    pid = pl.program_id(0)
    g = (pid * 1024
         + lax.broadcasted_iota(jnp.int32, (8, CH), 0) * CH
         + lax.broadcasted_iota(jnp.int32, (8, CH), 1))
    valid = (g % ep) < ev
    out_ref[...] = jnp.where(valid, et2, -1e30)


def _edge_terms(ea5, v5, ep, ev):
    Ne = ea5.shape[0]
    grid = (Ne // 1024,)
    return pl.pallas_call(
        functools.partial(_et_body, ep=ep, ev=ev),
        grid=grid,
        in_specs=[
            pl.BlockSpec((1024, 5), lambda i: (i, 0)),
            pl.BlockSpec((1, 5), lambda i: (0, 0)),
        ],
        out_specs=pl.BlockSpec((8, CH), lambda i: (i, 0)),
        out_shape=jax.ShapeDtypeStruct((Ne // CH, CH), jnp.float32),
    )(ea5, v5)


def _make_sc_kernel(B, N, NPS, C, KB, KS):
    W = C + L
    NT = 16
    NPT = 640
    N2 = NT * NPT
    NCHK = 64
    mesh = plsc.VectorSubcoreMesh(core_axis_name="c", subcore_axis_name="s")

    @functools.partial(
        pl.kernel,
        out_type=jax.ShapeDtypeStruct((B * N2, C), jnp.float32),
        mesh=mesh,
        compiler_params=pltpu.CompilerParams(needs_layout_passes=False,
                                             use_tc_tiling_on_sc=False),
        scratch_types=[
            pltpu.VMEM_SHARED((N2, W), jnp.float32),
            pltpu.VMEM((CH,), jnp.int32),
            pltpu.VMEM((CH,), jnp.int32),
            pltpu.VMEM((CH,), jnp.float32),
            pltpu.VMEM((2, CH // 2), jnp.int32),
            pltpu.VMEM((2, CH // 2), jnp.int32),
            pltpu.VMEM((CH,), jnp.int32),
            pltpu.VMEM((CH,), jnp.int32),
            pltpu.VMEM((CH,), jnp.float32),
            pltpu.VMEM((CH, L), jnp.float32),
            pltpu.VMEM((CH, L), jnp.float32),
            pltpu.VMEM((CH // 2, W), jnp.float32),
            pltpu.VMEM((CH // 2, W), jnp.float32),
            pltpu.VMEM((NCHK, C), jnp.float32),
            pltpu.VMEM((2 * C + 2 * L,), jnp.float32),
            pltpu.SemaphoreType.DMA,
            pltpu.SemaphoreType.DMA,
            pltpu.SemaphoreType.DMA,
            pltpu.SemaphoreType.DMA,
        ],
    )
    def sc_kernel(tabb, tabs, hv_h, etb, ets,
                  bsrc, bdst, ssrc, sdst, par_h, out_h,
                  acc, sbuf, dbuf, ebuf, gbuf2, dbuf2, sgbuf, dgbuf, exbuf,
                  srow, drow, rowsA, rowsB, obuf, pbuf, sem, sem2, sem3, sem4):
        b = lax.axis_index("c")
        t = lax.axis_index("s")
        bN = b * N
        bN2 = b * N2

        pltpu.sync_copy(par_h, pbuf)

        def zero_rows():
            def zb(i, _):
                for c9 in range(W // L):
                    rowsA[i, pl.ds(L * c9, L)] = jnp.zeros((L,), jnp.float32)
                return 0
            lax.fori_loop(0, NCHK, zb, 0)

        def zero_acc():
            def zc(j, _):
                pltpu.sync_copy(rowsA,
                                acc.at[pl.ds(t * NPT + j * NCHK, NCHK)])
                return 0
            lax.fori_loop(0, NPT // NCHK, zc, 0)

        def edge_phase(tab_ref, et_ref, src2d, dst2d, hs_col,
                       nchunks, sec_off, src_row0, et_row0):
            H = CH // 2

            def issue_src_dst(k):
                pltpu.async_copy(src2d.at[src_row0 + k], sbuf, sem4)
                pltpu.async_copy(dst2d.at[src_row0 + k], dbuf, sem4)

            def issue_et(k):
                pltpu.async_copy(et_ref.at[et_row0 + k], ebuf, sem4)

            def wait_linear():
                pltpu.make_async_copy(src2d.at[src_row0], sbuf, sem4).wait()
                pltpu.make_async_copy(dst2d.at[src_row0], dbuf, sem4).wait()
                pltpu.make_async_copy(et_ref.at[et_row0], ebuf, sem4).wait()

            def scale_half(rowsX, off):
                for j in range(H // L):
                    idr = lax.iota(jnp.int32, L) + L * j
                    exv16 = exbuf[pl.ds(off + L * j, L)]
                    plsc.store_scatter(
                        rowsX, [idr, jnp.full((L,), C, jnp.int32)], exv16)

                @plsc.parallel_loop(0, H, unroll=8)
                def _(e):
                    exv = plsc.load_gather(
                        exbuf, [jnp.full((L,), e + off, jnp.int32)])
                    for c9 in range(C // L):
                        sl2 = pl.ds(L * c9, L)
                        rowsX[e, sl2] = rowsX[e, sl2] * exv

            def wait_scatters():
                pltpu.make_async_copy(rowsA, acc.at[dbuf2.at[0]], sem).wait()
                pltpu.make_async_copy(rowsB, acc.at[dbuf2.at[1]], sem2).wait()

            issue_src_dst(0)
            issue_et(0)

            def chunk(k, _):
                wait_linear()
                for j in range(CH // L):
                    sl = pl.ds(L * j, L)
                    si = sbuf[sl] + sec_off
                    di = dbuf[sl] + sec_off
                    gbuf2[j // 4, pl.ds(L * (j % 4), L)] = si + bN
                    sgbuf[sl] = si + bN
                    dgbuf[sl] = di + bN
                gs = pltpu.async_copy(hv_h.at[sgbuf], srow, sem3)
                gd = pltpu.async_copy(hv_h.at[dgbuf], drow, sem3)
                @pl.when(k > 0)
                def _():
                    wait_scatters()
                for j in range(CH // L):
                    dbuf2[j // 4, pl.ds(L * (j % 4), L)] = dbuf[pl.ds(L * j, L)] + sec_off

                @pl.when(k + 1 < nchunks)
                def _():
                    issue_src_dst(k + 1)
                gA = pltpu.async_copy(tab_ref.at[gbuf2.at[0]], rowsA, sem)
                gB = pltpu.async_copy(tab_ref.at[gbuf2.at[1]], rowsB, sem2)
                gs.wait()
                gd.wait()
                for j in range(CH // L):
                    sl = pl.ds(L * j, L)
                    idr = lax.iota(jnp.int32, L) + L * j
                    hsv = plsc.load_gather(
                        srow, [idr, jnp.full((L,), hs_col, jnp.int32)])
                    hdv = plsc.load_gather(
                        drow, [idr, jnp.full((L,), hs_col + 1, jnp.int32)])
                    al = hsv + hdv + ebuf[sl]
                    al = jnp.maximum(al, 0.2 * al)
                    exbuf[sl] = jnp.exp(al)

                @pl.when(k + 1 < nchunks)
                def _():
                    issue_et(k + 1)
                gA.wait()
                scale_half(rowsA, 0)
                pltpu.async_copy(rowsA, acc.at[dbuf2.at[0]], sem, add=True)
                gB.wait()
                scale_half(rowsB, H)
                pltpu.async_copy(rowsB, acc.at[dbuf2.at[1]], sem2, add=True)
                return 0
            lax.fori_loop(0, nchunks, chunk, 0)
            wait_scatters()

        def finalize(is_bend):
            def fch(jj, _):
                n0 = t * NPT + jj * NCHK
                pltpu.sync_copy(acc.at[pl.ds(n0, NCHK)], rowsA)
                if not is_bend:
                    pltpu.sync_copy(out_h.at[pl.ds(bN2 + n0, NCHK)], obuf)

                @plsc.parallel_loop(0, NCHK, unroll=2)
                def fn(n):
                    denv = plsc.load_gather(
                        rowsA, [jnp.full((L,), n, jnp.int32),
                                jnp.full((L,), C, jnp.int32)])
                    rcp = 1.0 / (denv + 1e-16)
                    for c9 in range(C // L):
                        sl = pl.ds(L * c9, L)
                        bias = pbuf[pl.ds((0 if is_bend else C) + L * c9, L)]
                        v = rowsA[n, sl] * rcp + bias
                        if is_bend:
                            r = jnp.maximum(v, 0.01 * v) * pbuf[pl.ds(2 * C, L)]
                            obuf[n, sl] = r
                        else:
                            obuf[n, sl] = obuf[n, sl] + v * pbuf[pl.ds(2 * C + L, L)]
                pltpu.sync_copy(obuf, out_h.at[pl.ds(bN2 + n0, NCHK)])
                return 0
            lax.fori_loop(0, NPT // NCHK, fch, 0)

        zero_rows()
        zero_acc()
        plsc.subcore_barrier()
        edge_phase(tabb, etb, bsrc, bdst, 0,
                   KB, jnp.int32(0), t * KB, b * (KB * NT) + t * KB)
        plsc.subcore_barrier()
        finalize(True)
        zero_rows()
        zero_acc()
        plsc.subcore_barrier()
        part = t % 2
        sec = t // 2
        edge_phase(tabs, ets, ssrc, sdst, 2,
                   KS, sec * NPS, part * KS, b * (KS * 2) + part * KS)
        plsc.subcore_barrier()
        finalize(False)

    return sc_kernel


def kernel(x, section_edge_index, bend_edge_index, section_edge_attr,
           bend_edge_attr, enc_W, enc_b, gatb_W, gatb_as, gatb_ad, gatb_ae,
           gatb_We, gatb_bias, gats_W, gats_as, gats_ad, gats_ae, gats_We,
           gats_bias, mix_w):
    B, S, NPS, F = x.shape
    N = S * NPS
    C = gatb_W.shape[1]
    ES = section_edge_index.shape[1]
    EB = bend_edge_index.shape[1]
    NT = 16
    KB = -(-(-(-EB // (NT * CH))) // 8) * 8
    EBp = KB * NT * CH
    KS = -(-(-(-ES // (2 * CH))) // 8) * 8
    ESp_half = KS * 2 * CH
    while (B * EBp) % 1024:
        KB += 1
        EBp = KB * NT * CH
    while (B * ESp_half) % 1024:
        KS += 1
        ESp_half = KS * 2 * CH
    ESp = ESp_half

    f32 = jnp.float32
    veb = enc_W @ (gatb_We @ gatb_ae)
    ceb = enc_b @ (gatb_We @ gatb_ae)
    ves = enc_W @ (gats_We @ gats_ae)
    ces = enc_b @ (gats_We @ gats_ae)
    v5b = jnp.concatenate([veb, ceb[None]])[None, :]
    v5s = jnp.concatenate([ves, ces[None]])[None, :]
    ab = jnp.concatenate([gatb_as[:, None], gatb_ad[:, None]], axis=1)
    as_ = jnp.concatenate([gats_as[:, None], gats_ad[:, None]], axis=1)
    w = jax.nn.softmax(mix_w)
    params = jnp.concatenate([gatb_bias, gats_bias,
                              jnp.full((L,), w[0], f32),
                              jnp.full((L,), w[1], f32)])

    x2d = x.reshape(B * N, F)
    tabb, tabs, hv = _build_tables(x2d, gatb_W, gats_W, ab, as_)

    def pad_ea(ea, Ep):
        E = ea.shape[1]
        eap = jnp.pad(ea, ((0, 0), (0, Ep - E), (0, 0)))
        flat = eap.reshape(B * Ep, 4)
        return jnp.concatenate([flat, jnp.ones((B * Ep, 1), f32)], axis=1)
    etb = _edge_terms(pad_ea(bend_edge_attr, EBp), v5b, EBp, EB)
    ets = _edge_terms(pad_ea(section_edge_attr, ESp), v5s, ESp, ES)

    def pad_idx(idx, Ep):
        E = idx.shape[0]
        return jnp.pad(idx, (0, Ep - E)).astype(jnp.int32).reshape(Ep // CH, CH)
    bsrc = pad_idx(bend_edge_index[0], EBp)
    bdst = pad_idx(bend_edge_index[1], EBp)
    ssrc = pad_idx(section_edge_index[0], ESp)
    sdst = pad_idx(section_edge_index[1], ESp)

    sc = _make_sc_kernel(B, N, NPS, C, KB, KS)
    out = sc(tabb, tabs, hv, etb, ets,
             bsrc, bdst, ssrc, sdst, params)
    N2 = out.shape[0] // B
    return out.reshape(B, N2, C)[:, :N]

# --- scband reference (transcript-rebuilt; emitter-appended) ---
"""Pipeline reference for scband-bending-model-30167850287109 (READ-ONLY COPY).

The authoritative reference and input builder live on the scoring server;
editing this copy changes nothing except your own understanding.
"""

import jax, jax.numpy as jnp
import numpy as np

B=2; S=8; NPS=1250; F=128; C=128; ED=4; ES=20000; EB=160000

def setup_inputs(seed: int = 0):
    key = jax.random.key(seed)
    ks = jax.random.split(key, 24)
    def p(i, shape, scale=0.1):
        return jax.random.normal(ks[i], shape, jnp.float32) * scale
    inp = {}
    inp['x'] = jax.random.normal(ks[0], (B, S, NPS, F), jnp.float32)
    inp['section_edge_index'] = jax.random.randint(ks[1], (2, ES), 0, NPS)
    inp['bend_edge_index'] = jax.random.randint(ks[2], (2, EB), 0, S * NPS)
    inp['section_edge_attr'] = jax.random.normal(ks[3], (B, ES, ED), jnp.float32)
    inp['bend_edge_attr'] = jax.random.normal(ks[4], (B, EB, ED), jnp.float32)
    inp['enc_W'] = p(5, (ED, ED), 0.5); inp['enc_b'] = jnp.zeros((ED,), jnp.float32)
    inp['gatb_W'] = p(6, (F, C)); inp['gatb_as'] = p(7, (C,)); inp['gatb_ad'] = p(8, (C,)); inp['gatb_ae'] = p(9, (C,)); inp['gatb_We'] = p(10, (ED, C), 0.5); inp['gatb_bias'] = jnp.zeros((C,), jnp.float32)
    inp['gats_W'] = p(11, (F, C)); inp['gats_as'] = p(12, (C,)); inp['gats_ad'] = p(13, (C,)); inp['gats_ae'] = p(14, (C,)); inp['gats_We'] = p(15, (ED, C), 0.5); inp['gats_bias'] = jnp.zeros((C,), jnp.float32)
    inp['mix_w'] = jnp.ones((2,), jnp.float32)
    return inp

def _gat(xn, src, dst, ea, W, a_s, a_d, a_e, We, bias):
    # PyG GATConv, heads=1, concat=False, with edge_dim features (eval mode: no dropout)
    h = xn @ W
    e = ea @ We
    al = (h * a_s).sum(-1)[src] + (h * a_d).sum(-1)[dst] + (e * a_e).sum(-1)
    al = jax.nn.leaky_relu(al, 0.2)
    N = xn.shape[0]
    amax = jax.ops.segment_max(al, dst, num_segments=N)
    amax = jnp.where(jnp.isfinite(amax), amax, 0.0)
    ex = jnp.exp(al - amax[dst])
    den = jax.ops.segment_sum(ex, dst, num_segments=N)
    coef = ex / (den[dst] + 1e-16)
    return jax.ops.segment_sum(coef[:, None] * h[src], dst, num_segments=N) + bias

def reference(x, section_edge_index, bend_edge_index, section_edge_attr, bend_edge_attr, enc_W, enc_b, gatb_W, gatb_as, gatb_ad, gatb_ae, gatb_We, gatb_bias, gats_W, gats_as, gats_ad, gats_ae, gats_We, gats_bias, mix_w):
    Bx, Sx, Nx, Fx = x.shape
    enc_bend = bend_edge_attr @ enc_W + enc_b
    enc_sec = section_edge_attr @ enc_W + enc_b
    bsrc, bdst = bend_edge_index[0], bend_edge_index[1]
    ssrc, sdst = section_edge_index[0], section_edge_index[1]
    x_b = x.reshape(Bx, Sx * Nx, Fx)
    gb = jax.vmap(lambda xi, ei: _gat(xi, bsrc, bdst, ei, gatb_W, gatb_as, gatb_ad, gatb_ae, gatb_We, gatb_bias))(x_b, enc_bend)
    x_b_out = jax.nn.leaky_relu(gb, 0.01)
    outs = []
    for si in range(Sx):
        o = jax.vmap(lambda xi, ei: _gat(xi, ssrc, sdst, ei, gats_W, gats_as, gats_ad, gats_ae, gats_We, gats_bias))(x[:, si], enc_sec)
        outs.append(o)
    x_s_out = jnp.stack(outs, 1).reshape(Bx, Sx * Nx, -1)
    w = jax.nn.softmax(mix_w)
    return w[0] * x_b_out + w[1] * x_s_out

if __name__ == "__main__":
    import jax
    _d = setup_inputs()
    print(jax.jit(kernel)(*tuple(_d.values())))

</pallas_src>

<mosaic_0001>
#map = affine_map<(d0, d1) -> (0, 0)>
#map1 = affine_map<(d0, d1) -> (0)>
module attributes {stable_mosaic.version = 14 : i64} {
  func.func @sc_kernel(%arg0: i32, %arg1: i32, %arg2: memref<20000x144xf32, #tpu.memory_space<hbm>>, %arg3: memref<20000x144xf32, #tpu.memory_space<hbm>>, %arg4: memref<20000x16xf32, #tpu.memory_space<hbm>>, %arg5: memref<2560x128xf32, #tpu.memory_space<hbm>>, %arg6: memref<320x128xf32, #tpu.memory_space<hbm>>, %arg7: memref<1280x128xi32, #tpu.memory_space<hbm>>, %arg8: memref<1280x128xi32, #tpu.memory_space<hbm>>, %arg9: memref<160x128xi32, #tpu.memory_space<hbm>>, %arg10: memref<160x128xi32, #tpu.memory_space<hbm>>, %arg11: memref<288xf32, #tpu.memory_space<hbm>>, %arg12: memref<20480x128xf32, #tpu.memory_space<hbm>>, %arg13: memref<10240x144xf32, #tpu.memory_space<vmem_shared>>, %arg14: memref<128xi32, #tpu.memory_space<vmem>>, %arg15: memref<128xi32, #tpu.memory_space<vmem>>, %arg16: memref<128xf32, #tpu.memory_space<vmem>>, %arg17: memref<2x64xi32, #tpu.memory_space<vmem>>, %arg18: memref<2x64xi32, #tpu.memory_space<vmem>>, %arg19: memref<128xi32, #tpu.memory_space<vmem>>, %arg20: memref<128xi32, #tpu.memory_space<vmem>>, %arg21: memref<128xf32, #tpu.memory_space<vmem>>, %arg22: memref<128x16xf32, #tpu.memory_space<vmem>>, %arg23: memref<128x16xf32, #tpu.memory_space<vmem>>, %arg24: memref<64x144xf32, #tpu.memory_space<vmem>>, %arg25: memref<64x144xf32, #tpu.memory_space<vmem>>, %arg26: memref<64x128xf32, #tpu.memory_space<vmem>>, %arg27: memref<288xf32, #tpu.memory_space<vmem>>, %arg28: memref<!tpu.dma_semaphore, #tpu.memory_space<semaphore_mem>>, %arg29: memref<!tpu.dma_semaphore, #tpu.memory_space<semaphore_mem>>, %arg30: memref<!tpu.dma_semaphore, #tpu.memory_space<semaphore_mem>>, %arg31: memref<!tpu.dma_semaphore, #tpu.memory_space<semaphore_mem>>) attributes {dimension_semantics = [#tpu.dimension_semantics<core_parallel>, #tpu.dimension_semantics<subcore_parallel>], iteration_bounds = array<i64: 2, 16>, scalar_prefetch = 0 : i64, scratch_operands = 19 : i64, tpu.core_type = #tpu.core_type<sc_vector_subcore>, window_params = [{transform_indices = #map}, {transform_indices = #map}, {transform_indices = #map}, {transform_indices = #map}, {transform_indices = #map}, {transform_indices = #map}, {transform_indices = #map}, {transform_indices = #map}, {transform_indices = #map}, {transform_indices = #map1}, {transform_indices = #map}]} {
    %mul3A = arith.constant 10000 : i32
    %mul3A_0 = arith.muli %arg0, %mul3A : i32
    %mul3A_1 = arith.constant 10240 : i32
    %mul3A_2 = arith.muli %arg0, %mul3A_1 : i32
    "tpu.region"() ({
      %run_scoped3A = tpu.sem_alloc : memref<!tpu.dma_semaphore, #tpu.memory_space<semaphore_mem>>
      tpu.enqueue_dma source(%arg11 : memref<288xf32, #tpu.memory_space<hbm>>) target(%arg27 : memref<288xf32, #tpu.memory_space<vmem>>) target_semaphore(%run_scoped3A : memref<!tpu.dma_semaphore, #tpu.memory_space<semaphore_mem>>)
      tpu.wait_dma2 semaphore(%run_scoped3A : memref<!tpu.dma_semaphore, #tpu.memory_space<semaphore_mem>>) src(%arg11 : memref<288xf32, #tpu.memory_space<hbm>>) dst(%arg27 : memref<288xf32, #tpu.memory_space<vmem>>)
      tpu.yield
    }) : () -> ()
    %scan3A = arith.constant 0 : i32
    %scan3A_3 = arith.constant 0 : i32
    %scan3A_4 = arith.constant 64 : i32
    %scan3A_5 = arith.addi %scan3A_3, %scan3A_4 : i32
    %scan3A_6 = arith.constant 1 : i32
    %scan3A_7 = scf.for %scan3A_181 = %scan3A_3 to %scan3A_5 step %scan3A_6 iter_args(%scan3A_182 = %scan3A) -> (i32)  : i32 {
      %broadcast_in_dim3A = arith.constant 0.000000e+00 : f32
      %broadcast_in_dim3A_183 = vector.broadcast %broadcast_in_dim3A : f32 to vector<16xf32>
      %swap3A = arith.index_cast %scan3A_181 : i32 to index
      %swap3A_184 = arith.constant 0 : index
      %swap3A_185 = tpu.vector_load %arg24[%swap3A, %swap3A_184] {strides = array<i32>} : memref<64x144xf32, #tpu.memory_space<vmem>>, vector<16xf32>,
      tpu.vector_store %arg24[%swap3A, %swap3A_184], %broadcast_in_dim3A_183 {strides = array<i32>} : memref<64x144xf32, #tpu.memory_space<vmem>>, vector<16xf32>,
      %broadcast_in_dim3A_186 = arith.constant 0.000000e+00 : f32
      %broadcast_in_dim3A_187 = vector.broadcast %broadcast_in_dim3A_186 : f32 to vector<16xf32>
      %swap3A_188 = arith.index_cast %scan3A_181 : i32 to index
      %swap3A_189 = arith.constant 16 : index
      %swap3A_190 = tpu.vector_load %arg24[%swap3A_188, %swap3A_189] {strides = array<i32>} : memref<64x144xf32, #tpu.memory_space<vmem>>, vector<16xf32>,
      tpu.vector_store %arg24[%swap3A_188, %swap3A_189], %broadcast_in_dim3A_187 {strides = array<i32>} : memref<64x144xf32, #tpu.memory_space<vmem>>, vector<16xf32>,
      %broadcast_in_dim3A_191 = arith.constant 0.000000e+00 : f32
      %broadcast_in_dim3A_192 = vector.broadcast %broadcast_in_dim3A_191 : f32 to vector<16xf32>
      %swap3A_193 = arith.index_cast %scan3A_181 : i32 to index
      %swap3A_194 = arith.constant 32 : index
      %swap3A_195 = tpu.vector_load %arg24[%swap3A_193, %swap3A_194] {strides = array<i32>} : memref<64x144xf32, #tpu.memory_space<vmem>>, vector<16xf32>,
      tpu.vector_store %arg24[%swap3A_193, %swap3A_194], %broadcast_in_dim3A_192 {strides = array<i32>} : memref<64x144xf32, #tpu.memory_space<vmem>>, vector<16xf32>,
      %broadcast_in_dim3A_196 = arith.constant 0.000000e+00 : f32
      %broadcast_in_dim3A_197 = vector.broadcast %broadcast_in_dim3A_196 : f32 to vector<16xf32>
      %swap3A_198 = arith.index_cast %scan3A_181 : i32 to index
      %swap3A_199 = arith.constant 48 : index
      %swap3A_200 = tpu.vector_load %arg24[%swap3A_198, %swap3A_199] {strides = array<i32>} : memref<64x144xf32, #tpu.memory_space<vmem>>, vector<16xf32>,
      tpu.vector_store %arg24[%swap3A_198, %swap3A_199], %broadcast_in_dim3A_197 {strides = array<i32>} : memref<64x144xf32, #tpu.memory_space<vmem>>, vector<16xf32>,
      %broadcast_in_dim3A_201 = arith.constant 0.000000e+00 : f32
      %broadcast_in_dim3A_202 = vector.broadcast %broadcast_in_dim3A_201 : f32 to vector<16xf32>
      %swap3A_203 = arith.index_cast %scan3A_181 : i32 to index
      %swap3A_204 = arith.constant 64 : index
      %swap3A_205 = tpu.vector_load %arg24[%swap3A_203, %swap3A_204] {strides = array<i32>} : memref<64x144xf32, #tpu.memory_space<vmem>>, vector<16xf32>,
      tpu.vector_store %arg24[%swap3A_203, %swap3A_204], %broadcast_in_dim3A_202 {strides = array<i32>} : memref<64x144xf32, #tpu.memory_space<vmem>>, vector<16xf32>,
      %broadcast_in_dim3A_206 = arith.constant 0.000000e+00 : f32
      %broadcast_in_dim3A_207 = vector.broadcast %broadcast_in_dim3A_206 : f32 to vector<16xf32>
      %swap3A_208 = arith.index_cast %scan3A_181 : i32 to index
      %swap3A_209 = arith.constant 80 : index
      %swap3A_210 = tpu.vector_load %arg24[%swap3A_208, %swap3A_209] {strides = array<i32>} : memref<64x144xf32, #tpu.memory_space<vmem>>, vector<16xf32>,
      tpu.vector_store %arg24[%swap3A_208, %swap3A_209], %broadcast_in_dim3A_207 {strides = array<i32>} : memref<64x144xf32, #tpu.memory_space<vmem>>, vector<16xf32>,
      %broadcast_in_dim3A_211 = arith.constant 0.000000e+00 : f32
      %broadcast_in_dim3A_212 = vector.broadcast %broadcast_in_dim3A_211 : f32 to vector<16xf32>
      %swap3A_213 = arith.index_cast %scan3A_181 : i32 to index
      %swap3A_214 = arith.constant 96 : index
      %swap3A_215 = tpu.vector_load %arg24[%swap3A_213, %swap3A_214] {strides = array<i32>} : memref<64x144xf32, #tpu.memory_space<vmem>>, vector<16xf32>,
      tpu.vector_store %arg24[%swap3A_213, %swap3A_214], %broadcast_in_dim3A_212 {strides = array<i32>} : memref<64x144xf32, #tpu.memory_space<vmem>>, vector<16xf32>,
      %broadcast_in_dim3A_216 = arith.constant 0.000000e+00 : f32
      %broadcast_in_dim3A_217 = vector.broadcast %broadcast_in_dim3A_216 : f32 to vector<16xf32>
      %swap3A_218 = arith.index_cast %scan3A_181 : i32 to index
      %swap3A_219 = arith.constant 112 : index
      %swap3A_220 = tpu.vector_load %arg24[%swap3A_218, %swap3A_219] {strides = array<i32>} : memref<64x144xf32, #tpu.memory_space<vmem>>, vector<16xf32>,
      tpu.vector_store %arg24[%swap3A_218, %swap3A_219], %broadcast_in_dim3A_217 {strides = array<i32>} : memref<64x144xf32, #tpu.memory_space<vmem>>, vector<16xf32>,
      %broadcast_in_dim3A_221 = arith.constant 0.000000e+00 : f32
      %broadcast_in_dim3A_222 = vector.broadcast %broadcast_in_dim3A_221 : f32 to vector<16xf32>
      %swap3A_223 = arith.index_cast %scan3A_181 : i32 to index
      %swap3A_224 = arith.constant 128 : index
      %swap3A_225 = tpu.vector_load %arg24[%swap3A_223, %swap3A_224] {strides = array<i32>} : memref<64x144xf32, #tpu.memory_space<vmem>>, vector<16xf32>,
      tpu.vector_store %arg24[%swap3A_223, %swap3A_224], %broadcast_in_dim3A_222 {strides = array<i32>} : memref<64x144xf32, #tpu.memory_space<vmem>>, vector<16xf32>,
      %scan3A_226 = arith.constant 0 : i32
      scf.yield %scan3A_226 : i32
    }
    %scan3A_8 = arith.constant 64 : i32
    %scan3A_9 = arith.constant 0 : i32
    %scan3A_10 = arith.constant 0 : i32
    %scan3A_11 = arith.constant 10 : i32
    %scan3A_12 = arith.addi %scan3A_10, %scan3A_11 : i32
    %scan3A_13 = arith.constant 1 : i32
    %scan3A_14 = scf.for %scan3A_181 = %scan3A_10 to %scan3A_12 step %scan3A_13 iter_args(%scan3A_182 = %scan3A_9) -> (i32)  : i32 {
      %mul3A_183 = arith.constant 640 : i32
      %mul3A_184 = arith.muli %arg1, %mul3A_183 : i32
      %mul3A_185 = arith.constant 64 : i32
      %mul3A_186 = arith.muli %scan3A_181, %mul3A_185 : i32
      %add3A_187 = arith.addi %mul3A_184, %mul3A_186 : i32
      "tpu.region"() ({
        %run_scoped3A = tpu.sem_alloc : memref<!tpu.dma_semaphore, #tpu.memory_space<semaphore_mem>>
        %dma_start3A_189 = arith.constant 0 : i32
        %dma_start3A_190 = tpu.memref_slice %arg13[%add3A_187, %dma_start3A_189] : memref<10240x144xf32, #tpu.memory_space<vmem_shared>> -> memref<64x144xf32, #tpu.memory_space<vmem_shared>>
        %dma_start3A_191 = arith.constant 0 : i32
        %dma_start3A_192 = tpu.memref_slice %arg13[%add3A_187, %dma_start3A_191] : memref<10240x144xf32, #tpu.memory_space<vmem_shared>> -> memref<64x144xf32, #tpu.memory_space<vmem_shared>>
        tpu.enqueue_dma source(%arg24 : memref<64x144xf32, #tpu.memory_space<vmem>>) target(%dma_start3A_192 : memref<64x144xf32, #tpu.memory_space<vmem_shared>>) target_semaphore(%run_scoped3A : memref<!tpu.dma_semaphore, #tpu.memory_space<semaphore_mem>>)
        %dma_wait3A_193 = arith.constant 0 : i32
        %dma_wait3A_194 = tpu.memref_slice %arg13[%add3A_187, %dma_wait3A_193] : memref<10240x144xf32, #tpu.memory_space<vmem_shared>> -> memref<64x144xf32, #tpu.memory_space<vmem_shared>>
        %dma_wait3A_195 = arith.constant 0 : i32
        %dma_wait3A_196 = tpu.memref_slice %arg13[%add3A_187, %dma_wait3A_195] : memref<10240x144xf32, #tpu.memory_space<vmem_shared>> -> memref<64x144xf32, #tpu.memory_space<vmem_shared>>
        tpu.wait_dma2 semaphore(%run_scoped3A : memref<!tpu.dma_semaphore, #tpu.memory_space<semaphore_mem>>) src(%arg24 : memref<64x144xf32, #tpu.memory_space<vmem>>) dst(%dma_wait3A_196 : memref<64x144xf32, #tpu.memory_space<vmem_shared>>)
        tpu.yield
      }) : () -> ()
      %scan3A_188 = arith.constant 0 : i32
      scf.yield %scan3A_188 : i32
    }
    %scan3A_15 = arith.constant 10 : i32
    %barrier3A = arith.constant 0 : index
    tpu.barrier barrier_id(%barrier3A)
    %mul3A_16 = arith.constant 80 : i32
    %mul3A_17 = arith.muli %arg1, %mul3A_16 : i32
    %mul3A_18 = arith.constant 1280 : i32
    %mul3A_19 = arith.muli %arg0, %mul3A_18 : i32
    %mul3A_20 = arith.constant 80 : i32
    %mul3A_21 = arith.muli %arg1, %mul3A_20 : i32
    %add3A = arith.addi %mul3A_19, %mul3A_21 : i32
    %add3A_22 = arith.constant 0 : i32
    %add3A_23 = arith.addi %mul3A_17, %add3A_22 : i32
    %dma_start3A = arith.constant 0 : i32
    %dma_start3A_24 = tpu.memref_slice %arg7[%add3A_23, %dma_start3A] : memref<1280x128xi32, #tpu.memory_space<hbm>> -> memref<1x128xi32, #tpu.memory_space<hbm>>
    %dma_start3A_25 = tpu.memref_squeeze %dma_start3A_24 : memref<1x128xi32, #tpu.memory_space<hbm>> -> memref<128xi32, #tpu.memory_space<hbm>>
    %dma_start3A_26 = arith.constant 0 : i32
    %dma_start3A_27 = tpu.memref_slice %arg7[%add3A_23, %dma_start3A_26] : memref<1280x128xi32, #tpu.memory_space<hbm>> -> memref<1x128xi32, #tpu.memory_space<hbm>>
    %dma_start3A_28 = tpu.memref_squeeze %dma_start3A_27 : memref<1x128xi32, #tpu.memory_space<hbm>> -> memref<128xi32, #tpu.memory_space<hbm>>
    tpu.enqueue_dma source(%dma_start3A_28 : memref<128xi32, #tpu.memory_space<hbm>>) target(%arg14 : memref<128xi32, #tpu.memory_space<vmem>>) target_semaphore(%arg31 : memref<!tpu.dma_semaphore, #tpu.memory_space<semaphore_mem>>)
    %add3A_29 = arith.constant 0 : i32
    %add3A_30 = arith.addi %mul3A_17, %add3A_29 : i32
    %dma_start3A_31 = arith.constant 0 : i32
    %dma_start3A_32 = tpu.memref_slice %arg8[%add3A_30, %dma_start3A_31] : memref<1280x128xi32, #tpu.memory_space<hbm>> -> memref<1x128xi32, #tpu.memory_space<hbm>>
    %dma_start3A_33 = tpu.memref_squeeze %dma_start3A_32 : memref<1x128xi32, #tpu.memory_space<hbm>> -> memref<128xi32, #tpu.memory_space<hbm>>
    %dma_start3A_34 = arith.constant 0 : i32
    %dma_start3A_35 = tpu.memref_slice %arg8[%add3A_30, %dma_start3A_34] : memref<1280x128xi32, #tpu.memory_space<hbm>> -> memref<1x128xi32, #tpu.memory_space<hbm>>
    %dma_start3A_36 = tpu.memref_squeeze %dma_start3A_35 : memref<1x128xi32, #tpu.memory_space<hbm>> -> memref<128xi32, #tpu.memory_space<hbm>>
    tpu.enqueue_dma source(%dma_start3A_36 : memref<128xi32, #tpu.memory_space<hbm>>) target(%arg15 : memref<128xi32, #tpu.memory_space<vmem>>) target_semaphore(%arg31 : memref<!tpu.dma_semaphore, #tpu.memory_space<semaphore_mem>>)
    %add3A_37 = arith.constant 0 : i32
    %add3A_38 = arith.addi %add3A, %add3A_37 : i32
    %dma_start3A_39 = arith.constant 0 : i32
    %dma_start3A_40 = tpu.memref_slice %arg5[%add3A_38, %dma_start3A_39] : memref<2560x128xf32, #tpu.memory_space<hbm>> -> memref<1x128xf32, #tpu.memory_space<hbm>>
    %dma_start3A_41 = tpu.memref_squeeze %dma_start3A_40 : memref<1x128xf32, #tpu.memory_space<hbm>> -> memref<128xf32, #tpu.memory_space<hbm>>
    %dma_start3A_42 = arith.constant 0 : i32
    %dma_start3A_43 = tpu.memref_slice %arg5[%add3A_38, %dma_start3A_42] : memref<2560x128xf32, #tpu.memory_space<hbm>> -> memref<1x128xf32, #tpu.memory_space<hbm>>
    %dma_start3A_44 = tpu.memref_squeeze %dma_start3A_43 : memref<1x128xf32, #tpu.memory_space<hbm>> -> memref<128xf32, #tpu.memory_space<hbm>>
    tpu.enqueue_dma source(%dma_start3A_44 : memref<128xf32, #tpu.memory_space<hbm>>) target(%arg16 : memref<128xf32, #tpu.memory_space<vmem>>) target_semaphore(%arg31 : memref<!tpu.dma_semaphore, #tpu.memory_space<semaphore_mem>>)
    %scan3A_45 = arith.constant 0 : i32
    %scan3A_46 = arith.constant 0 : i32
    %scan3A_47 = arith.constant 0 : i32
    %scan3A_48 = arith.constant 80 : i32
    %scan3A_49 = arith.addi %scan3A_47, %scan3A_48 : i32
    %scan3A_50 = arith.constant 1 : i32
    %scan3A_51 = scf.for %scan3A_181 = %scan3A_47 to %scan3A_49 step %scan3A_50 iter_args(%scan3A_182 = %scan3A_46) -> (i32)  : i32 {
      %dma_wait3A_183 = arith.constant 0 : i32
      %dma_wait3A_184 = tpu.memref_slice %arg7[%mul3A_17, %dma_wait3A_183] : memref<1280x128xi32, #tpu.memory_space<hbm>> -> memref<1x128xi32, #tpu.memory_space<hbm>>
      %dma_wait3A_185 = tpu.memref_squeeze %dma_wait3A_184 : memref<1x128xi32, #tpu.memory_space<hbm>> -> memref<128xi32, #tpu.memory_space<hbm>>
      %dma_wait3A_186 = arith.constant 0 : i32
      %dma_wait3A_187 = tpu.memref_slice %arg7[%mul3A_17, %dma_wait3A_186] : memref<1280x128xi32, #tpu.memory_space<hbm>> -> memref<1x128xi32, #tpu.memory_space<hbm>>
      %dma_wait3A_188 = tpu.memref_squeeze %dma_wait3A_187 : memref<1x128xi32, #tpu.memory_space<hbm>> -> memref<128xi32, #tpu.memory_space<hbm>>
      tpu.wait_dma2 semaphore(%arg31 : memref<!tpu.dma_semaphore, #tpu.memory_space<semaphore_mem>>) src(%dma_wait3A_188 : memref<128xi32, #tpu.memory_space<hbm>>) dst(%arg14 : memref<128xi32, #tpu.memory_space<vmem>>)
      %dma_wait3A_189 = arith.constant 0 : i32
      %dma_wait3A_190 = tpu.memref_slice %arg8[%mul3A_17, %dma_wait3A_189] : memref<1280x128xi32, #tpu.memory_space<hbm>> -> memref<1x128xi32, #tpu.memory_space<hbm>>
      %dma_wait3A_191 = tpu.memref_squeeze %dma_wait3A_190 : memref<1x128xi32, #tpu.memory_space<hbm>> -> memref<128xi32, #tpu.memory_space<hbm>>
      %dma_wait3A_192 = arith.constant 0 : i32
      %dma_wait3A_193 = tpu.memref_slice %arg8[%mul3A_17, %dma_wait3A_192] : memref<1280x128xi32, #tpu.memory_space<hbm>> -> memref<1x128xi32, #tpu.memory_space<hbm>>
      %dma_wait3A_194 = tpu.memref_squeeze %dma_wait3A_193 : memref<1x128xi32, #tpu.memory_space<hbm>> -> memref<128xi32, #tpu.memory_space<hbm>>
      tpu.wait_dma2 semaphore(%arg31 : memref<!tpu.dma_semaphore, #tpu.memory_space<semaphore_mem>>) src(%dma_wait3A_194 : memref<128xi32, #tpu.memory_space<hbm>>) dst(%arg15 : memref<128xi32, #tpu.memory_space<vmem>>)
      %dma_wait3A_195 = arith.constant 0 : i32
      %dma_wait3A_196 = tpu.memref_slice %arg5[%add3A, %dma_wait3A_195] : memref<2560x128xf32, #tpu.memory_space<hbm>> -> memref<1x128xf32, #tpu.memory_space<hbm>>
      %dma_wait3A_197 = tpu.memref_squeeze %dma_wait3A_196 : memref<1x128xf32, #tpu.memory_space<hbm>> -> memref<128xf32, #tpu.memory_space<hbm>>
      %dma_wait3A_198 = arith.constant 0 : i32
      %dma_wait3A_199 = tpu.memref_slice %arg5[%add3A, %dma_wait3A_198] : memref<2560x128xf32, #tpu.memory_space<hbm>> -> memref<1x128xf32, #tpu.memory_space<hbm>>
      %dma_wait3A_200 = tpu.memref_squeeze %dma_wait3A_199 : memref<1x128xf32, #tpu.memory_space<hbm>> -> memref<128xf32, #tpu.memory_space<hbm>>
      tpu.wait_dma2 semaphore(%arg31 : memref<!tpu.dma_semaphore, #tpu.memory_space<semaphore_mem>>) src(%dma_wait3A_200 : memref<128xf32, #tpu.memory_space<hbm>>) dst(%arg16 : memref<128xf32, #tpu.memory_space<vmem>>)
      %get3A = arith.constant 0 : index
      %get3A_201 = tpu.vector_load %arg14[%get3A] {strides = array<i32>} : memref<128xi32, #tpu.memory_space<vmem>>, vector<16xi32>,
      %add3A_202 = vector.broadcast %scan3A_45 : i32 to vector<16xi32>
      %add3A_203 = arith.addi %get3A_201, %add3A_202 : vector<16xi32>
      %get3A_204 = arith.constant 0 : index
      %get3A_205 = tpu.vector_load %arg15[%get3A_204] {strides = array<i32>} : memref<128xi32, #tpu.memory_space<vmem>>, vector<16xi32>,
      %add3A_206 = vector.broadcast %scan3A_45 : i32 to vector<16xi32>
      %add3A_207 = arith.addi %get3A_205, %add3A_206 : vector<16xi32>
      %add3A_208 = vector.broadcast %mul3A_0 : i32 to vector<16xi32>
      %add3A_209 = arith.addi %add3A_203, %add3A_208 : vector<16xi32>
      %swap3A = arith.constant 0 : i32
      %swap3A_210 = arith.index_cast %swap3A : i32 to index
      %swap3A_211 = arith.constant 0 : index
      %swap3A_212 = tpu.vector_load %arg17[%swap3A_210, %swap3A_211] {strides = array<i32>} : memref<2x64xi32, #tpu.memory_space<vmem>>, vector<16xi32>,
      tpu.vector_store %arg17[%swap3A_210, %swap3A_211], %add3A_209 {strides = array<i32>} : memref<2x64xi32, #tpu.memory_space<vmem>>, vector<16xi32>,
      %add3A_213 = vector.broadcast %mul3A_0 : i32 to vector<16xi32>
      %add3A_214 = arith.addi %add3A_203, %add3A_213 : vector<16xi32>
      %swap3A_215 = arith.constant 0 : index
      %swap3A_216 = tpu.vector_load %arg19[%swap3A_215] {strides = array<i32>} : memref<128xi32, #tpu.memory_space<vmem>>, vector<16xi32>,
      tpu.vector_store %arg19[%swap3A_215], %add3A_214 {strides = array<i32>} : memref<128xi32, #tpu.memory_space<vmem>>, vector<16xi32>,
      %add3A_217 = vector.broadcast %mul3A_0 : i32 to vector<16xi32>
      %add3A_218 = arith.addi %add3A_207, %add3A_217 : vector<16xi32>
      %swap3A_219 = arith.constant 0 : index
      %swap3A_220 = tpu.vector_load %arg20[%swap3A_219] {strides = array<i32>} : memref<128xi32, #tpu.memory_space<vmem>>, vector<16xi32>,
      tpu.vector_store %arg20[%swap3A_219], %add3A_218 {strides = array<i32>} : memref<128xi32, #tpu.memory_space<vmem>>, vector<16xi32>,
      %get3A_221 = arith.constant 16 : index
      %get3A_222 = tpu.vector_load %arg14[%get3A_221] {strides = array<i32>} : memref<128xi32, #tpu.memory_space<vmem>>, vector<16xi32>,
      %add3A_223 = vector.broadcast %scan3A_45 : i32 to vector<16xi32>
      %add3A_224 = arith.addi %get3A_222, %add3A_223 : vector<16xi32>
      %get3A_225 = arith.constant 16 : index
      %get3A_226 = tpu.vector_load %arg15[%get3A_225] {strides = array<i32>} : memref<128xi32, #tpu.memory_space<vmem>>, vector<16xi32>,
      %add3A_227 = vector.broadcast %scan3A_45 : i32 to vector<16xi32>
      %add3A_228 = arith.addi %get3A_226, %add3A_227 : vector<16xi32>
      %add3A_229 = vector.broadcast %mul3A_0 : i32 to vector<16xi32>
      %add3A_230 = arith.addi %add3A_224, %add3A_229 : vector<16xi32>
      %swap3A_231 = arith.constant 0 : i32
      %swap3A_232 = arith.index_cast %swap3A_231 : i32 to index
      %swap3A_233 = arith.constant 16 : index
      %swap3A_234 = tpu.vector_load %arg17[%swap3A_232, %swap3A_233] {strides = array<i32>} : memref<2x64xi32, #tpu.memory_space<vmem>>, vector<16xi32>,
      tpu.vector_store %arg17[%swap3A_232, %swap3A_233], %add3A_230 {strides = array<i32>} : memref<2x64xi32, #tpu.memory_space<vmem>>, vector<16xi32>,
      %add3A_235 = vector.broadcast %mul3A_0 : i32 to vector<16xi32>
      %add3A_236 = arith.addi %add3A_224, %add3A_235 : vector<16xi32>
      %swap3A_237 = arith.constant 16 : index
      %swap3A_238 = tpu.vector_load %arg19[%swap3A_237] {strides = array<i32>} : memref<128xi32, #tpu.memory_space<vmem>>, vector<16xi32>,
      tpu.vector_store %arg19[%swap3A_237], %add3A_236 {strides = array<i32>} : memref<128xi32, #tpu.memory_space<vmem>>, vector<16xi32>,
      %add3A_239 = vector.broadcast %mul3A_0 : i32 to vector<16xi32>
      %add3A_240 = arith.addi %add3A_228, %add3A_239 : vector<16xi32>
      %swap3A_241 = arith.constant 16 : index
      %swap3A_242 = tpu.vector_load %arg20[%swap3A_241] {strides = array<i32>} : memref<128xi32, #tpu.memory_space<vmem>>, vector<16xi32>,
      tpu.vector_store %arg20[%swap3A_241], %add3A_240 {strides = array<i32>} : memref<128xi32, #tpu.memory_space<vmem>>, vector<16xi32>,
      %get3A_243 = arith.constant 32 : index
      %get3A_244 = tpu.vector_load %arg14[%get3A_243] {strides = array<i32>} : memref<128xi32, #tpu.memory_space<vmem>>, vector<16xi32>,
      %add3A_245 = vector.broadcast %scan3A_45 : i32 to vector<16xi32>
      %add3A_246 = arith.addi %get3A_244, %add3A_245 : vector<16xi32>
      %get3A_247 = arith.constant 32 : index
      %get3A_248 = tpu.vector_load %arg15[%get3A_247] {strides = array<i32>} : memref<128xi32, #tpu.memory_space<vmem>>, vector<16xi32>,
      %add3A_249 = vector.broadcast %scan3A_45 : i32 to vector<16xi32>
      %add3A_250 = arith.addi %get3A_248, %add3A_249 : vector<16xi32>
      %add3A_251 = vector.broadcast %mul3A_0 : i32 to vector<16xi32>
      %add3A_252 = arith.addi %add3A_246, %add3A_251 : vector<16xi32>
      %swap3A_253 = arith.constant 0 : i32
      %swap3A_254 = arith.index_cast %swap3A_253 : i32 to index
      %swap3A_255 = arith.constant 32 : index
      %swap3A_256 = tpu.vector_load %arg17[%swap3A_254, %swap3A_255] {strides = array<i32>} : memref<2x64xi32, #tpu.memory_space<vmem>>, vector<16xi32>,
      tpu.vector_store %arg17[%swap3A_254, %swap3A_255], %add3A_252 {strides = array<i32>} : memref<2x64xi32, #tpu.memory_space<vmem>>, vector<16xi32>,
      %add3A_257 = vector.broadcast %mul3A_0 : i32 to vector<16xi32>
      %add3A_258 = arith.addi %add3A_246, %add3A_257 : vector<16xi32>
      %swap3A_259 = arith.constant 32 : index
      %swap3A_260 = tpu.vector_load %arg19[%swap3A_259] {strides = array<i32>} : memref<128xi32, #tpu.memory_space<vmem>>, vector<16xi32>,
      tpu.vector_store %arg19[%swap3A_259], %add3A_258 {strides = array<i32>} : memref<128xi32, #tpu.memory_space<vmem>>, vector<16xi32>,
      %add3A_261 = vector.broadcast %mul3A_0 : i32 to vector<16xi32>
      %add3A_262 = arith.addi %add3A_250, %add3A_261 : vector<16xi32>
      %swap3A_263 = arith.constant 32 : index
      %swap3A_264 = tpu.vector_load %arg20[%swap3A_263] {strides = array<i32>} : memref<128xi32, #tpu.memory_space<vmem>>, vector<16xi32>,
      tpu.vector_store %arg20[%swap3A_263], %add3A_262 {strides = array<i32>} : memref<128xi32, #tpu.memory_space<vmem>>, vector<16xi32>,
      %get3A_265 = arith.constant 48 : index
      %get3A_266 = tpu.vector_load %arg14[%get3A_265] {strides = array<i32>} : memref<128xi32, #tpu.memory_space<vmem>>, vector<16xi32>,
      %add3A_267 = vector.broadcast %scan3A_45 : i32 to vector<16xi32>
      %add3A_268 = arith.addi %get3A_266, %add3A_267 : vector<16xi32>
      %get3A_269 = arith.constant 48 : index
      %get3A_270 = tpu.vector_load %arg15[%get3A_269] {strides = array<i32>} : memref<128xi32, #tpu.memory_space<vmem>>, vector<16xi32>,
      %add3A_271 = vector.broadcast %scan3A_45 : i32 to vector<16xi32>
      %add3A_272 = arith.addi %get3A_270, %add3A_271 : vector<16xi32>
      %add3A_273 = vector.broadcast %mul3A_0 : i32 to vector<16xi32>
      %add3A_274 = arith.addi %add3A_268, %add3A_273 : vector<16xi32>
      %swap3A_275 = arith.constant 0 : i32
      %swap3A_276 = arith.index_cast %swap3A_275 : i32 to index
      %swap3A_277 = arith.constant 48 : index
      %swap3A_278 = tpu.vector_load %arg17[%swap3A_276, %swap3A_277] {strides = array<i32>} : memref<2x64xi32, #tpu.memory_space<vmem>>, vector<16xi32>,
      tpu.vector_store %arg17[%swap3A_276, %swap3A_277], %add3A_274 {strides = array<i32>} : memref<2x64xi32, #tpu.memory_space<vmem>>, vector<16xi32>,
      %add3A_279 = vector.broadcast %mul3A_0 : i32 to vector<16xi32>
      %add3A_280 = arith.addi %add3A_268, %add3A_279 : vector<16xi32>
      %swap3A_281 = arith.constant 48 : index
      %swap3A_282 = tpu.vector_load %arg19[%swap3A_281] {strides = array<i32>} : memref<128xi32, #tpu.memory_space<vmem>>, vector<16xi32>,
      tpu.vector_store %arg19[%swap3A_281], %add3A_280 {strides = array<i32>} : memref<128xi32, #tpu.memory_space<vmem>>, vector<16xi32>,
      %add3A_283 = vector.broadcast %mul3A_0 : i32 to vector<16xi32>
      %add3A_284 = arith.addi %add3A_272, %add3A_283 : vector<16xi32>
      %swap3A_285 = arith.constant 48 : index
      %swap3A_286 = tpu.vector_load %arg20[%swap3A_285] {strides = array<i32>} : memref<128xi32, #tpu.memory_space<vmem>>, vector<16xi32>,
      tpu.vector_store %arg20[%swap3A_285], %add3A_284 {strides = array<i32>} : memref<128xi32, #tpu.memory_space<vmem>>, vector<16xi32>,
      %get3A_287 = arith.constant 64 : index
      %get3A_288 = tpu.vector_load %arg14[%get3A_287] {strides = array<i32>} : memref<128xi32, #tpu.memory_space<vmem>>, vector<16xi32>,
      %add3A_289 = vector.broadcast %scan3A_45 : i32 to vector<16xi32>
      %add3A_290 = arith.addi %get3A_288, %add3A_289 : vector<16xi32>
      %get3A_291 = arith.constant 64 : index
      %get3A_292 = tpu.vector_load %arg15[%get3A_291] {strides = array<i32>} : memref<128xi32, #tpu.memory_space<vmem>>, vector<16xi32>,
      %add3A_293 = vector.broadcast %scan3A_45 : i32 to vector<16xi32>
      %add3A_294 = arith.addi %get3A_292, %add3A_293 : vector<16xi32>
      %add3A_295 = vector.broadcast %mul3A_0 : i32 to vector<16xi32>
      %add3A_296 = arith.addi %add3A_290, %add3A_295 : vector<16xi32>
      %swap3A_297 = arith.constant 1 : i32
      %swap3A_298 = arith.index_cast %swap3A_297 : i32 to index
      %swap3A_299 = arith.constant 0 : index
      %swap3A_300 = tpu.vector_load %arg17[%swap3A_298, %swap3A_299] {strides = array<i32>} : memref<2x64xi32, #tpu.memory_space<vmem>>, vector<16xi32>,
      tpu.vector_store %arg17[%swap3A_298, %swap3A_299], %add3A_296 {strides = array<i32>} : memref<2x64xi32, #tpu.memory_space<vmem>>, vector<16xi32>,
      %add3A_301 = vector.broadcast %mul3A_0 : i32 to vector<16xi32>
      %add3A_302 = arith.addi %add3A_290, %add3A_301 : vector<16xi32>
      %swap3A_303 = arith.constant 64 : index
      %swap3A_304 = tpu.vector_load %arg19[%swap3A_303] {strides = array<i32>} : memref<128xi32, #tpu.memory_space<vmem>>, vector<16xi32>,
      tpu.vector_store %arg19[%swap3A_303], %add3A_302 {strides = array<i32>} : memref<128xi32, #tpu.memory_space<vmem>>, vector<16xi32>,
      %add3A_305 = vector.broadcast %mul3A_0 : i32 to vector<16xi32>
      %add3A_306 = arith.addi %add3A_294, %add3A_305 : vector<16xi32>
      %swap3A_307 = arith.constant 64 : index
      %swap3A_308 = tpu.vector_load %arg20[%swap3A_307] {strides = array<i32>} : memref<128xi32, #tpu.memory_space<vmem>>, vector<16xi32>,
      tpu.vector_store %arg20[%swap3A_307], %add3A_306 {strides = array<i32>} : memref<128xi32, #tpu.memory_space<vmem>>, vector<16xi32>,
      %get3A_309 = arith.constant 80 : index
      %get3A_310 = tpu.vector_load %arg14[%get3A_309] {strides = array<i32>} : memref<128xi32, #tpu.memory_space<vmem>>, vector<16xi32>,
      %add3A_311 = vector.broadcast %scan3A_45 : i32 to vector<16xi32>
      %add3A_312 = arith.addi %get3A_310, %add3A_311 : vector<16xi32>
      %get3A_313 = arith.constant 80 : index
      %get3A_314 = tpu.vector_load %arg15[%get3A_313] {strides = array<i32>} : memref<128xi32, #tpu.memory_space<vmem>>, vector<16xi32>,
      %add3A_315 = vector.broadcast %scan3A_45 : i32 to vector<16xi32>
      %add3A_316 = arith.addi %get3A_314, %add3A_315 : vector<16xi32>
      %add3A_317 = vector.broadcast %mul3A_0 : i32 to vector<16xi32>
      %add3A_318 = arith.addi %add3A_312, %add3A_317 : vector<16xi32>
      %swap3A_319 = arith.constant 1 : i32
      %swap3A_320 = arith.index_cast %swap3A_319 : i32 to index
      %swap3A_321 = arith.constant 16 : index
      %swap3A_322 = tpu.vector_load %arg17[%swap3A_320, %swap3A_321] {strides = array<i32>} : memref<2x64xi32, #tpu.memory_space<vmem>>, vector<16xi32>,
      tpu.vector_store %arg17[%swap3A_320, %swap3A_321], %add3A_318 {strides = array<i32>} : memref<2x64xi32, #tpu.memory_space<vmem>>, vector<16xi32>,
      %add3A_323 = vector.broadcast %mul3A_0 : i32 to vector<16xi32>
      %add3A_324 = arith.addi %add3A_312, %add3A_323 : vector<16xi32>
      %swap3A_325 = arith.constant 80 : index
      %swap3A_326 = tpu.vector_load %arg19[%swap3A_325] {strides = array<i32>} : memref<128xi32, #tpu.memory_space<vmem>>, vector<16xi32>,
      tpu.vector_store %arg19[%swap3A_325], %add3A_324 {strides = array<i32>} : memref<128xi32, #tpu.memory_space<vmem>>, vector<16xi32>,
      %add3A_327 = vector.broadcast %mul3A_0 : i32 to vector<16xi32>
      %add3A_328 = arith.addi %add3A_316, %add3A_327 : vector<16xi32>
      %swap3A_329 = arith.constant 80 : index
      %swap3A_330 = tpu.vector_load %arg20[%swap3A_329] {strides = array<i32>} : memref<128xi32, #tpu.memory_space<vmem>>, vector<16xi32>,
      tpu.vector_store %arg20[%swap3A_329], %add3A_328 {strides = array<i32>} : memref<128xi32, #tpu.memory_space<vmem>>, vector<16xi32>,
      %get3A_331 = arith.constant 96 : index
      %get3A_332 = tpu.vector_load %arg14[%get3A_331] {strides = array<i32>} : memref<128xi32, #tpu.memory_space<vmem>>, vector<16xi32>,
      %add3A_333 = vector.broadcast %scan3A_45 : i32 to vector<16xi32>
      %add3A_334 = arith.addi %get3A_332, %add3A_333 : vector<16xi32>
      %get3A_335 = arith.constant 96 : index
      %get3A_336 = tpu.vector_load %arg15[%get3A_335] {strides = array<i32>} : memref<128xi32, #tpu.memory_space<vmem>>, vector<16xi32>,
      %add3A_337 = vector.broadcast %scan3A_45 : i32 to vector<16xi32>
      %add3A_338 = arith.addi %get3A_336, %add3A_337 : vector<16xi32>
      %add3A_339 = vector.broadcast %mul3A_0 : i32 to vector<16xi32>
      %add3A_340 = arith.addi %add3A_334, %add3A_339 : vector<16xi32>
      %swap3A_341 = arith.constant 1 : i32
      %swap3A_342 = arith.index_cast %swap3A_341 : i32 to index
      %swap3A_343 = arith.constant 32 : index
      %swap3A_344 = tpu.vector_load %arg17[%swap3A_342, %swap3A_343] {strides = array<i32>} : memref<2x64xi32, #tpu.memory_space<vmem>>, vector<16xi32>,
      tpu.vector_store %arg17[%swap3A_342, %swap3A_343], %add3A_340 {strides = array<i32>} : memref<2x64xi32, #tpu.memory_space<vmem>>, vector<16xi32>,
      %add3A_345 = vector.broadcast %mul3A_0 : i32 to vector<16xi32>
      %add3A_346 = arith.addi %add3A_334, %add3A_345 : vector<16xi32>
      %swap3A_347 = arith.constant 96 : index
      %swap3A_348 = tpu.vector_load %arg19[%swap3A_347] {strides = array<i32>} : memref<128xi32, #tpu.memory_space<vmem>>, vector<16xi32>,
      tpu.vector_store %arg19[%swap3A_347], %add3A_346 {strides = array<i32>} : memref<128xi32, #tpu.memory_space<vmem>>, vector<16xi32>,
      %add3A_349 = vector.broadcast %mul3A_0 : i32 to vector<16xi32>
      %add3A_350 = arith.addi %add3A_338, %add3A_349 : vector<16xi32>
      %swap3A_351 = arith.constant 96 : index
      %swap3A_352 = tpu.vector_load %arg20[%swap3A_351] {strides = array<i32>} : memref<128xi32, #tpu.memory_space<vmem>>, vector<16xi32>,
      tpu.vector_store %arg20[%swap3A_351], %add3A_350 {strides = array<i32>} : memref<128xi32, #tpu.memory_space<vmem>>, vector<16xi32>,
      %get3A_353 = arith.constant 112 : index
      %get3A_354 = tpu.vector_load %arg14[%get3A_353] {strides = array<i32>} : memref<128xi32, #tpu.memory_space<vmem>>, vector<16xi32>,
      %add3A_355 = vector.broadcast %scan3A_45 : i32 to vector<16xi32>
      %add3A_356 = arith.addi %get3A_354, %add3A_355 : vector<16xi32>
      %get3A_357 = arith.constant 112 : index
      %get3A_358 = tpu.vector_load %arg15[%get3A_357] {strides = array<i32>} : memref<128xi32, #tpu.memory_space<vmem>>, vector<16xi32>,
      %add3A_359 = vector.broadcast %scan3A_45 : i32 to vector<16xi32>
      %add3A_360 = arith.addi %get3A_358, %add3A_359 : vector<16xi32>
      %add3A_361 = vector.broadcast %mul3A_0 : i32 to vector<16xi32>
      %add3A_362 = arith.addi %add3A_356, %add3A_361 : vector<16xi32>
      %swap3A_363 = arith.constant 1 : i32
      %swap3A_364 = arith.index_cast %swap3A_363 : i32 to index
      %swap3A_365 = arith.constant 48 : index
      %swap3A_366 = tpu.vector_load %arg17[%swap3A_364, %swap3A_365] {strides = array<i32>} : memref<2x64xi32, #tpu.memory_space<vmem>>, vector<16xi32>,
      tpu.vector_store %arg17[%swap3A_364, %swap3A_365], %add3A_362 {strides = array<i32>} : memref<2x64xi32, #tpu.memory_space<vmem>>, vector<16xi32>,
      %add3A_367 = vector.broadcast %mul3A_0 : i32 to vector<16xi32>
      %add3A_368 = arith.addi %add3A_356, %add3A_367 : vector<16xi32>
      %swap3A_369 = arith.constant 112 : index
      %swap3A_370 = tpu.vector_load %arg19[%swap3A_369] {strides = array<i32>} : memref<128xi32, #tpu.memory_space<vmem>>, vector<16xi32>,
      tpu.vector_store %arg19[%swap3A_369], %add3A_368 {strides = array<i32>} : memref<128xi32, #tpu.memory_space<vmem>>, vector<16xi32>,
      %add3A_371 = vector.broadcast %mul3A_0 : i32 to vector<16xi32>
      %add3A_372 = arith.addi %add3A_360, %add3A_371 : vector<16xi32>
      %swap3A_373 = arith.constant 112 : index
      %swap3A_374 = tpu.vector_load %arg20[%swap3A_373] {strides = array<i32>} : memref<128xi32, #tpu.memory_space<vmem>>, vector<16xi32>,
      tpu.vector_store %arg20[%swap3A_373], %add3A_372 {strides = array<i32>} : memref<128xi32, #tpu.memory_space<vmem>>, vector<16xi32>,
      %dma_start3A_375 = arith.constant 0 : i32
      %dma_start3A_376 = arith.constant 0 : i32
      %dma_start3A_377 = tpu.memref_slice %arg4[%dma_start3A_375, %dma_start3A_376] : memref<20000x16xf32, #tpu.memory_space<hbm>> -> memref<20000x16xf32, #tpu.memory_space<hbm>>
      tpu.enqueue_indirect_dma source(%dma_start3A_377 : memref<20000x16xf32, #tpu.memory_space<hbm>>) target(%arg22 : memref<128x16xf32, #tpu.memory_space<vmem>>) offsets(%arg19 : memref<128xi32, #tpu.memory_space<vmem>>) semaphore(%arg30 : memref<!tpu.dma_semaphore, #tpu.memory_space<semaphore_mem>>)
      %dma_start3A_378 = arith.constant 0 : i32
      %dma_start3A_379 = arith.constant 0 : i32
      %dma_start3A_380 = tpu.memref_slice %arg4[%dma_start3A_378, %dma_start3A_379] : memref<20000x16xf32, #tpu.memory_space<hbm>> -> memref<20000x16xf32, #tpu.memory_space<hbm>>
      tpu.enqueue_indirect_dma source(%dma_start3A_380 : memref<20000x16xf32, #tpu.memory_space<hbm>>) target(%arg23 : memref<128x16xf32, #tpu.memory_space<vmem>>) offsets(%arg20 : memref<128xi32, #tpu.memory_space<vmem>>) semaphore(%arg30 : memref<!tpu.dma_semaphore, #tpu.memory_space<semaphore_mem>>)
      %gt3A = arith.constant 0 : i32
      %gt3A_381 = arith.cmpi sgt, %scan3A_181, %gt3A : i32
      %convert_element_type3A = arith.extui %gt3A_381 : i1 to i32
      %cond3A = arith.constant 0 : i32
      %cond3A_382 = arith.cmpi ne, %convert_element_type3A, %cond3A : i32
      scf.if %cond3A_382 {
        %dma_wait3A_742 = arith.constant 0 : i32
        %dma_wait3A_743 = arith.constant 0 : i32
        %dma_wait3A_744 = tpu.memref_slice %arg18[%dma_wait3A_742, %dma_wait3A_743] : memref<2x64xi32, #tpu.memory_space<vmem>> -> memref<1x64xi32, #tpu.memory_space<vmem>>
        %dma_wait3A_745 = tpu.memref_squeeze %dma_wait3A_744 : memref<1x64xi32, #tpu.memory_space<vmem>> -> memref<64xi32, #tpu.memory_space<vmem>>
        %dma_wait3A_746 = arith.constant 0 : i32
        %dma_wait3A_747 = arith.constant 0 : i32
        %dma_wait3A_748 = tpu.memref_slice %arg13[%dma_wait3A_746, %dma_wait3A_747] : memref<10240x144xf32, #tpu.memory_space<vmem_shared>> -> memref<10240x144xf32, #tpu.memory_space<vmem_shared>>
        tpu.wait_indirect_dma semaphore(%arg28 : memref<!tpu.dma_semaphore, #tpu.memory_space<semaphore_mem>>) src(%arg24 : memref<64x144xf32, #tpu.memory_space<vmem>>) dst(%dma_wait3A_748 : memref<10240x144xf32, #tpu.memory_space<vmem_shared>>)
        %dma_wait3A_749 = arith.constant 1 : i32
        %dma_wait3A_750 = arith.constant 0 : i32
        %dma_wait3A_751 = tpu.memref_slice %arg18[%dma_wait3A_749, %dma_wait3A_750] : memref<2x64xi32, #tpu.memory_space<vmem>> -> memref<1x64xi32, #tpu.memory_space<vmem>>
        %dma_wait3A_752 = tpu.memref_squeeze %dma_wait3A_751 : memref<1x64xi32, #tpu.memory_space<vmem>> -> memref<64xi32, #tpu.memory_space<vmem>>
        %dma_wait3A_753 = arith.constant 0 : i32
        %dma_wait3A_754 = arith.constant 0 : i32
        %dma_wait3A_755 = tpu.memref_slice %arg13[%dma_wait3A_753, %dma_wait3A_754] : memref<10240x144xf32, #tpu.memory_space<vmem_shared>> -> memref<10240x144xf32, #tpu.memory_space<vmem_shared>>
        tpu.wait_indirect_dma semaphore(%arg29 : memref<!tpu.dma_semaphore, #tpu.memory_space<semaphore_mem>>) src(%arg25 : memref<64x144xf32, #tpu.memory_space<vmem>>) dst(%dma_wait3A_755 : memref<10240x144xf32, #tpu.memory_space<vmem_shared>>)
      } else {
      }
      %get3A_383 = arith.constant 0 : index
      %get3A_384 = tpu.vector_load %arg15[%get3A_383] {strides = array<i32>} : memref<128xi32, #tpu.memory_space<vmem>>, vector<16xi32>,
      %add3A_385 = vector.broadcast %scan3A_45 : i32 to vector<16xi32>
      %add3A_386 = arith.addi %get3A_384, %add3A_385 : vector<16xi32>
      %swap3A_387 = arith.constant 0 : i32
      %swap3A_388 = arith.index_cast %swap3A_387 : i32 to index
      %swap3A_389 = arith.constant 0 : index
      %swap3A_390 = tpu.vector_load %arg18[%swap3A_388, %swap3A_389] {strides = array<i32>} : memref<2x64xi32, #tpu.memory_space<vmem>>, vector<16xi32>,
      tpu.vector_store %arg18[%swap3A_388, %swap3A_389], %add3A_386 {strides = array<i32>} : memref<2x64xi32, #tpu.memory_space<vmem>>, vector<16xi32>,
      %get3A_391 = arith.constant 16 : index
      %get3A_392 = tpu.vector_load %arg15[%get3A_391] {strides = array<i32>} : memref<128xi32, #tpu.memory_space<vmem>>, vector<16xi32>,
      %add3A_393 = vector.broadcast %scan3A_45 : i32 to vector<16xi32>
      %add3A_394 = arith.addi %get3A_392, %add3A_393 : vector<16xi32>
      %swap3A_395 = arith.constant 0 : i32
      %swap3A_396 = arith.index_cast %swap3A_395 : i32 to index
      %swap3A_397 = arith.constant 16 : index
      %swap3A_398 = tpu.vector_load %arg18[%swap3A_396, %swap3A_397] {strides = array<i32>} : memref<2x64xi32, #tpu.memory_space<vmem>>, vector<16xi32>,
      tpu.vector_store %arg18[%swap3A_396, %swap3A_397], %add3A_394 {strides = array<i32>} : memref<2x64xi32, #tpu.memory_space<vmem>>, vector<16xi32>,
      %get3A_399 = arith.constant 32 : index
      %get3A_400 = tpu.vector_load %arg15[%get3A_399] {strides = array<i32>} : memref<128xi32, #tpu.memory_space<vmem>>, vector<16xi32>,
      %add3A_401 = vector.broadcast %scan3A_45 : i32 to vector<16xi32>
      %add3A_402 = arith.addi %get3A_400, %add3A_401 : vector<16xi32>
      %swap3A_403 = arith.constant 0 : i32
      %swap3A_404 = arith.index_cast %swap3A_403 : i32 to index
      %swap3A_405 = arith.constant 32 : index
      %swap3A_406 = tpu.vector_load %arg18[%swap3A_404, %swap3A_405] {strides = array<i32>} : memref<2x64xi32, #tpu.memory_space<vmem>>, vector<16xi32>,
      tpu.vector_store %arg18[%swap3A_404, %swap3A_405], %add3A_402 {strides = array<i32>} : memref<2x64xi32, #tpu.memory_space<vmem>>, vector<16xi32>,
      %get3A_407 = arith.constant 48 : index
      %get3A_408 = tpu.vector_load %arg15[%get3A_407] {strides = array<i32>} : memref<128xi32, #tpu.memory_space<vmem>>, vector<16xi32>,
      %add3A_409 = vector.broadcast %scan3A_45 : i32 to vector<16xi32>
      %add3A_410 = arith.addi %get3A_408, %add3A_409 : vector<16xi32>
      %swap3A_411 = arith.constant 0 : i32
      %swap3A_412 = arith.index_cast %swap3A_411 : i32 to index
      %swap3A_413 = arith.constant 48 : index
      %swap3A_414 = tpu.vector_load %arg18[%swap3A_412, %swap3A_413] {strides = array<i32>} : memref<2x64xi32, #tpu.memory_space<vmem>>, vector<16xi32>,
      tpu.vector_store %arg18[%swap3A_412, %swap3A_413], %add3A_410 {strides = array<i32>} : memref<2x64xi32, #tpu.memory_space<vmem>>, vector<16xi32>,
      %get3A_415 = arith.constant 64 : index
      %get3A_416 = tpu.vector_load %arg15[%get3A_415] {strides = array<i32>} : memref<128xi32, #tpu.memory_space<vmem>>, vector<16xi32>,
      %add3A_417 = vector.broadcast %scan3A_45 : i32 to vector<16xi32>
      %add3A_418 = arith.addi %get3A_416, %add3A_417 : vector<16xi32>
      %swap3A_419 = arith.constant 1 : i32
      %swap3A_420 = arith.index_cast %swap3A_419 : i32 to index
      %swap3A_421 = arith.constant 0 : index
      %swap3A_422 = tpu.vector_load %arg18[%swap3A_420, %swap3A_421] {strides = array<i32>} : memref<2x64xi32, #tpu.memory_space<vmem>>, vector<16xi32>,
      tpu.vector_store %arg18[%swap3A_420, %swap3A_421], %add3A_418 {strides = array<i32>} : memref<2x64xi32, #tpu.memory_space<vmem>>, vector<16xi32>,
      %get3A_423 = arith.constant 80 : index
      %get3A_424 = tpu.vector_load %arg15[%get3A_423] {strides = array<i32>} : memref<128xi32, #tpu.memory_space<vmem>>, vector<16xi32>,
      %add3A_425 = vector.broadcast %scan3A_45 : i32 to vector<16xi32>
      %add3A_426 = arith.addi %get3A_424, %add3A_425 : vector<16xi32>
      %swap3A_427 = arith.constant 1 : i32
      %swap3A_428 = arith.index_cast %swap3A_427 : i32 to index
      %swap3A_429 = arith.constant 16 : index
      %swap3A_430 = tpu.vector_load %arg18[%swap3A_428, %swap3A_429] {strides = array<i32>} : memref<2x64xi32, #tpu.memory_space<vmem>>, vector<16xi32>,
      tpu.vector_store %arg18[%swap3A_428, %swap3A_429], %add3A_426 {strides = array<i32>} : memref<2x64xi32, #tpu.memory_space<vmem>>, vector<16xi32>,
      %get3A_431 = arith.constant 96 : index
      %get3A_432 = tpu.vector_load %arg15[%get3A_431] {strides = array<i32>} : memref<128xi32, #tpu.memory_space<vmem>>, vector<16xi32>,
      %add3A_433 = vector.broadcast %scan3A_45 : i32 to vector<16xi32>
      %add3A_434 = arith.addi %get3A_432, %add3A_433 : vector<16xi32>
      %swap3A_435 = arith.constant 1 : i32
      %swap3A_436 = arith.index_cast %swap3A_435 : i32 to index
      %swap3A_437 = arith.constant 32 : index
      %swap3A_438 = tpu.vector_load %arg18[%swap3A_436, %swap3A_437] {strides = array<i32>} : memref<2x64xi32, #tpu.memory_space<vmem>>, vector<16xi32>,
      tpu.vector_store %arg18[%swap3A_436, %swap3A_437], %add3A_434 {strides = array<i32>} : memref<2x64xi32, #tpu.memory_space<vmem>>, vector<16xi32>,
      %get3A_439 = arith.constant 112 : index
      %get3A_440 = tpu.vector_load %arg15[%get3A_439] {strides = array<i32>} : memref<128xi32, #tpu.memory_space<vmem>>, vector<16xi32>,
      %add3A_441 = vector.broadcast %scan3A_45 : i32 to vector<16xi32>
      %add3A_442 = arith.addi %get3A_440, %add3A_441 : vector<16xi32>
      %swap3A_443 = arith.constant 1 : i32
      %swap3A_444 = arith.index_cast %swap3A_443 : i32 to index
      %swap3A_445 = arith.constant 48 : index
      %swap3A_446 = tpu.vector_load %arg18[%swap3A_444, %swap3A_445] {strides = array<i32>} : memref<2x64xi32, #tpu.memory_space<vmem>>, vector<16xi32>,
      tpu.vector_store %arg18[%swap3A_444, %swap3A_445], %add3A_442 {strides = array<i32>} : memref<2x64xi32, #tpu.memory_space<vmem>>, vector<16xi32>,
      %add3A_447 = arith.constant 1 : i32
      %add3A_448 = arith.addi %scan3A_181, %add3A_447 : i32
      %lt3A_449 = arith.constant 80 : i32
      %lt3A_450 = arith.cmpi slt, %add3A_448, %lt3A_449 : i32
      %convert_element_type3A_451 = arith.extui %lt3A_450 : i1 to i32
      %cond3A_452 = arith.constant 0 : i32
      %cond3A_453 = arith.cmpi ne, %convert_element_type3A_451, %cond3A_452 : i32
      scf.if %cond3A_453 {
        %add3A_742 = arith.constant 1 : i32
        %add3A_743 = arith.addi %scan3A_181, %add3A_742 : i32
        %add3A_744 = arith.addi %mul3A_17, %add3A_743 : i32
        %dma_start3A_745 = arith.constant 0 : i32
        %dma_start3A_746 = tpu.memref_slice %arg7[%add3A_744, %dma_start3A_745] : memref<1280x128xi32, #tpu.memory_space<hbm>> -> memref<1x128xi32, #tpu.memory_space<hbm>>
        %dma_start3A_747 = tpu.memref_squeeze %dma_start3A_746 : memref<1x128xi32, #tpu.memory_space<hbm>> -> memref<128xi32, #tpu.memory_space<hbm>>
        %dma_start3A_748 = arith.constant 0 : i32
        %dma_start3A_749 = tpu.memref_slice %arg7[%add3A_744, %dma_start3A_748] : memref<1280x128xi32, #tpu.memory_space<hbm>> -> memref<1x128xi32, #tpu.memory_space<hbm>>
        %dma_start3A_750 = tpu.memref_squeeze %dma_start3A_749 : memref<1x128xi32, #tpu.memory_space<hbm>> -> memref<128xi32, #tpu.memory_space<hbm>>
        tpu.enqueue_dma source(%dma_start3A_750 : memref<128xi32, #tpu.memory_space<hbm>>) target(%arg14 : memref<128xi32, #tpu.memory_space<vmem>>) target_semaphore(%arg31 : memref<!tpu.dma_semaphore, #tpu.memory_space<semaphore_mem>>)
        %add3A_751 = arith.addi %mul3A_17, %add3A_743 : i32
        %dma_start3A_752 = arith.constant 0 : i32
        %dma_start3A_753 = tpu.memref_slice %arg8[%add3A_751, %dma_start3A_752] : memref<1280x128xi32, #tpu.memory_space<hbm>> -> memref<1x128xi32, #tpu.memory_space<hbm>>
        %dma_start3A_754 = tpu.memref_squeeze %dma_start3A_753 : memref<1x128xi32, #tpu.memory_space<hbm>> -> memref<128xi32, #tpu.memory_space<hbm>>
        %dma_start3A_755 = arith.constant 0 : i32
        %dma_start3A_756 = tpu.memref_slice %arg8[%add3A_751, %dma_start3A_755] : memref<1280x128xi32, #tpu.memory_space<hbm>> -> memref<1x128xi32, #tpu.memory_space<hbm>>
        %dma_start3A_757 = tpu.memref_squeeze %dma_start3A_756 : memref<1x128xi32, #tpu.memory_space<hbm>> -> memref<128xi32, #tpu.memory_space<hbm>>
        tpu.enqueue_dma source(%dma_start3A_757 : memref<128xi32, #tpu.memory_space<hbm>>) target(%arg15 : memref<128xi32, #tpu.memory_space<vmem>>) target_semaphore(%arg31 : memref<!tpu.dma_semaphore, #tpu.memory_space<semaphore_mem>>)
      } else {
      }
      %dma_start3A_454 = arith.constant 0 : i32
      %dma_start3A_455 = arith.constant 0 : i32
      %dma_start3A_456 = tpu.memref_slice %arg17[%dma_start3A_454, %dma_start3A_455] : memref<2x64xi32, #tpu.memory_space<vmem>> -> memref<1x64xi32, #tpu.memory_space<vmem>>
      %dma_start3A_457 = tpu.memref_squeeze %dma_start3A_456 : memref<1x64xi32, #tpu.memory_space<vmem>> -> memref<64xi32, #tpu.memory_space<vmem>>
      %dma_start3A_458 = arith.constant 0 : i32
      %dma_start3A_459 = arith.constant 0 : i32
      %dma_start3A_460 = tpu.memref_slice %arg2[%dma_start3A_458, %dma_start3A_459] : memref<20000x144xf32, #tpu.memory_space<hbm>> -> memref<20000x144xf32, #tpu.memory_space<hbm>>
      tpu.enqueue_indirect_dma source(%dma_start3A_460 : memref<20000x144xf32, #tpu.memory_space<hbm>>) target(%arg24 : memref<64x144xf32, #tpu.memory_space<vmem>>) offsets(%dma_start3A_457 : memref<64xi32, #tpu.memory_space<vmem>>) semaphore(%arg28 : memref<!tpu.dma_semaphore, #tpu.memory_space<semaphore_mem>>)
      %dma_start3A_461 = arith.constant 1 : i32
      %dma_start3A_462 = arith.constant 0 : i32
      %dma_start3A_463 = tpu.memref_slice %arg17[%dma_start3A_461, %dma_start3A_462] : memref<2x64xi32, #tpu.memory_space<vmem>> -> memref<1x64xi32, #tpu.memory_space<vmem>>
      %dma_start3A_464 = tpu.memref_squeeze %dma_start3A_463 : memref<1x64xi32, #tpu.memory_space<vmem>> -> memref<64xi32, #tpu.memory_space<vmem>>
      %dma_start3A_465 = arith.constant 0 : i32
      %dma_start3A_466 = arith.constant 0 : i32
      %dma_start3A_467 = tpu.memref_slice %arg2[%dma_start3A_465, %dma_start3A_466] : memref<20000x144xf32, #tpu.memory_space<hbm>> -> memref<20000x144xf32, #tpu.memory_space<hbm>>
      tpu.enqueue_indirect_dma source(%dma_start3A_467 : memref<20000x144xf32, #tpu.memory_space<hbm>>) target(%arg25 : memref<64x144xf32, #tpu.memory_space<vmem>>) offsets(%dma_start3A_464 : memref<64xi32, #tpu.memory_space<vmem>>) semaphore(%arg29 : memref<!tpu.dma_semaphore, #tpu.memory_space<semaphore_mem>>)
      %dma_wait3A_468 = arith.constant 0 : i32
      %dma_wait3A_469 = arith.constant 0 : i32
      %dma_wait3A_470 = tpu.memref_slice %arg4[%dma_wait3A_468, %dma_wait3A_469] : memref<20000x16xf32, #tpu.memory_space<hbm>> -> memref<20000x16xf32, #tpu.memory_space<hbm>>
      tpu.wait_indirect_dma semaphore(%arg30 : memref<!tpu.dma_semaphore, #tpu.memory_space<semaphore_mem>>) src(%dma_wait3A_470 : memref<20000x16xf32, #tpu.memory_space<hbm>>) dst(%arg22 : memref<128x16xf32, #tpu.memory_space<vmem>>)
      %dma_wait3A_471 = arith.constant 0 : i32
      %dma_wait3A_472 = arith.constant 0 : i32
      %dma_wait3A_473 = tpu.memref_slice %arg4[%dma_wait3A_471, %dma_wait3A_472] : memref<20000x16xf32, #tpu.memory_space<hbm>> -> memref<20000x16xf32, #tpu.memory_space<hbm>>
      tpu.wait_indirect_dma semaphore(%arg30 : memref<!tpu.dma_semaphore, #tpu.memory_space<semaphore_mem>>) src(%dma_wait3A_473 : memref<20000x16xf32, #tpu.memory_space<hbm>>) dst(%arg23 : memref<128x16xf32, #tpu.memory_space<vmem>>)
      %iota3A = tpu.iota {dimensions = array<i32: 0>} : vector<16xi32>
      %add3A_474 = arith.constant 0 : i32
      %add3A_475 = vector.broadcast %add3A_474 : i32 to vector<16xi32>
      %add3A_476 = arith.addi %iota3A, %add3A_475 : vector<16xi32>
      %broadcast_in_dim3A = arith.constant 0 : i32
      %broadcast_in_dim3A_477 = vector.broadcast %broadcast_in_dim3A : i32 to vector<16xi32>
      %gather3A = tpu.vector_load_idx %arg22[%add3A_476, %broadcast_in_dim3A_477] : memref<128x16xf32, #tpu.memory_space<vmem>>[vector<16xi32>, vector<16xi32>], vector<16xf32>,
      %broadcast_in_dim3A_478 = arith.constant 1 : i32
      %broadcast_in_dim3A_479 = vector.broadcast %broadcast_in_dim3A_478 : i32 to vector<16xi32>
      %gather3A_480 = tpu.vector_load_idx %arg23[%add3A_476, %broadcast_in_dim3A_479] : memref<128x16xf32, #tpu.memory_space<vmem>>[vector<16xi32>, vector<16xi32>], vector<16xf32>,
      %add3A_481 = arith.addf %gather3A, %gather3A_480 : vector<16xf32>
      %get3A_482 = arith.constant 0 : index
      %get3A_483 = tpu.vector_load %arg16[%get3A_482] {strides = array<i32>} : memref<128xf32, #tpu.memory_space<vmem>>, vector<16xf32>,
      %add3A_484 = arith.addf %add3A_481, %get3A_483 : vector<16xf32>
      %mul3A_485 = arith.constant 2.000000e-01 : f32
      %mul3A_486 = vector.broadcast %mul3A_485 : f32 to vector<16xf32>
      %mul3A_487 = arith.mulf %mul3A_486, %add3A_484 : vector<16xf32>
      %max3A = arith.maximumf %add3A_484, %mul3A_487 : vector<16xf32>
      %exp3A = math.exp %max3A : vector<16xf32>
      %swap3A_488 = arith.constant 0 : index
      %swap3A_489 = tpu.vector_load %arg21[%swap3A_488] {strides = array<i32>} : memref<128xf32, #tpu.memory_space<vmem>>, vector<16xf32>,
      tpu.vector_store %arg21[%swap3A_488], %exp3A {strides = array<i32>} : memref<128xf32, #tpu.memory_space<vmem>>, vector<16xf32>,
      %iota3A_490 = tpu.iota {dimensions = array<i32: 0>} : vector<16xi32>
      %add3A_491 = arith.constant 16 : i32
      %add3A_492 = vector.broadcast %add3A_491 : i32 to vector<16xi32>
      %add3A_493 = arith.addi %iota3A_490, %add3A_492 : vector<16xi32>
      %broadcast_in_dim3A_494 = arith.constant 0 : i32
      %broadcast_in_dim3A_495 = vector.broadcast %broadcast_in_dim3A_494 : i32 to vector<16xi32>
      %gather3A_496 = tpu.vector_load_idx %arg22[%add3A_493, %broadcast_in_dim3A_495] : memref<128x16xf32, #tpu.memory_space<vmem>>[vector<16xi32>, vector<16xi32>], vector<16xf32>,
      %broadcast_in_dim3A_497 = arith.constant 1 : i32
      %broadcast_in_dim3A_498 = vector.broadcast %broadcast_in_dim3A_497 : i32 to vector<16xi32>
      %gather3A_499 = tpu.vector_load_idx %arg23[%add3A_493, %broadcast_in_dim3A_498] : memref<128x16xf32, #tpu.memory_space<vmem>>[vector<16xi32>, vector<16xi32>], vector<16xf32>,
      %add3A_500 = arith.addf %gather3A_496, %gather3A_499 : vector<16xf32>
      %get3A_501 = arith.constant 16 : index
      %get3A_502 = tpu.vector_load %arg16[%get3A_501] {strides = array<i32>} : memref<128xf32, #tpu.memory_space<vmem>>, vector<16xf32>,
      %add3A_503 = arith.addf %add3A_500, %get3A_502 : vector<16xf32>
      %mul3A_504 = arith.constant 2.000000e-01 : f32
      %mul3A_505 = vector.broadcast %mul3A_504 : f32 to vector<16xf32>
      %mul3A_506 = arith.mulf %mul3A_505, %add3A_503 : vector<16xf32>
      %max3A_507 = arith.maximumf %add3A_503, %mul3A_506 : vector<16xf32>
      %exp3A_508 = math.exp %max3A_507 : vector<16xf32>
      %swap3A_509 = arith.constant 16 : index
      %swap3A_510 = tpu.vector_load %arg21[%swap3A_509] {strides = array<i32>} : memref<128xf32, #tpu.memory_space<vmem>>, vector<16xf32>,
      tpu.vector_store %arg21[%swap3A_509], %exp3A_508 {strides = array<i32>} : memref<128xf32, #tpu.memory_space<vmem>>, vector<16xf32>,
      %iota3A_511 = tpu.iota {dimensions = array<i32: 0>} : vector<16xi32>
      %add3A_512 = arith.constant 32 : i32
      %add3A_513 = vector.broadcast %add3A_512 : i32 to vector<16xi32>
      %add3A_514 = arith.addi %iota3A_511, %add3A_513 : vector<16xi32>
      %broadcast_in_dim3A_515 = arith.constant 0 : i32
      %broadcast_in_dim3A_516 = vector.broadcast %broadcast_in_dim3A_515 : i32 to vector<16xi32>
      %gather3A_517 = tpu.vector_load_idx %arg22[%add3A_514, %broadcast_in_dim3A_516] : memref<128x16xf32, #tpu.memory_space<vmem>>[vector<16xi32>, vector<16xi32>], vector<16xf32>,
      %broadcast_in_dim3A_518 = arith.constant 1 : i32
      %broadcast_in_dim3A_519 = vector.broadcast %broadcast_in_dim3A_518 : i32 to vector<16xi32>
      %gather3A_520 = tpu.vector_load_idx %arg23[%add3A_514, %broadcast_in_dim3A_519] : memref<128x16xf32, #tpu.memory_space<vmem>>[vector<16xi32>, vector<16xi32>], vector<16xf32>,
      %add3A_521 = arith.addf %gather3A_517, %gather3A_520 : vector<16xf32>
      %get3A_522 = arith.constant 32 : index
      %get3A_523 = tpu.vector_load %arg16[%get3A_522] {strides = array<i32>} : memref<128xf32, #tpu.memory_space<vmem>>, vector<16xf32>,
      %add3A_524 = arith.addf %add3A_521, %get3A_523 : vector<16xf32>
      %mul3A_525 = arith.constant 2.000000e-01 : f32
      %mul3A_526 = vector.broadcast %mul3A_525 : f32 to vector<16xf32>
      %mul3A_527 = arith.mulf %mul3A_526, %add3A_524 : vector<16xf32>
      %max3A_528 = arith.maximumf %add3A_524, %mul3A_527 : vector<16xf32>
      %exp3A_529 = math.exp %max3A_528 : vector<16xf32>
      %swap3A_530 = arith.constant 32 : index
      %swap3A_531 = tpu.vector_load %arg21[%swap3A_530] {strides = array<i32>} : memref<128xf32, #tpu.memory_space<vmem>>, vector<16xf32>,
      tpu.vector_store %arg21[%swap3A_530], %exp3A_529 {strides = array<i32>} : memref<128xf32, #tpu.memory_space<vmem>>, vector<16xf32>,
      %iota3A_532 = tpu.iota {dimensions = array<i32: 0>} : vector<16xi32>
      %add3A_533 = arith.constant 48 : i32
      %add3A_534 = vector.broadcast %add3A_533 : i32 to vector<16xi32>
      %add3A_535 = arith.addi %iota3A_532, %add3A_534 : vector<16xi32>
      %broadcast_in_dim3A_536 = arith.constant 0 : i32
      %broadcast_in_dim3A_537 = vector.broadcast %broadcast_in_dim3A_536 : i32 to vector<16xi32>
      %gather3A_538 = tpu.vector_load_idx %arg22[%add3A_535, %broadcast_in_dim3A_537] : memref<128x16xf32, #tpu.memory_space<vmem>>[vector<16xi32>, vector<16xi32>], vector<16xf32>,
      %broadcast_in_dim3A_539 = arith.constant 1 : i32
      %broadcast_in_dim3A_540 = vector.broadcast %broadcast_in_dim3A_539 : i32 to vector<16xi32>
      %gather3A_541 = tpu.vector_load_idx %arg23[%add3A_535, %broadcast_in_dim3A_540] : memref<128x16xf32, #tpu.memory_space<vmem>>[vector<16xi32>, vector<16xi32>], vector<16xf32>,
      %add3A_542 = arith.addf %gather3A_538, %gather3A_541 : vector<16xf32>
      %get3A_543 = arith.constant 48 : index
      %get3A_544 = tpu.vector_load %arg16[%get3A_543] {strides = array<i32>} : memref<128xf32, #tpu.memory_space<vmem>>, vector<16xf32>,
      %add3A_545 = arith.addf %add3A_542, %get3A_544 : vector<16xf32>
      %mul3A_546 = arith.constant 2.000000e-01 : f32
      %mul3A_547 = vector.broadcast %mul3A_546 : f32 to vector<16xf32>
      %mul3A_548 = arith.mulf %mul3A_547, %add3A_545 : vector<16xf32>
      %max3A_549 = arith.maximumf %add3A_545, %mul3A_548 : vector<16xf32>
      %exp3A_550 = math.exp %max3A_549 : vector<16xf32>
      %swap3A_551 = arith.constant 48 : index
      %swap3A_552 = tpu.vector_load %arg21[%swap3A_551] {strides = array<i32>} : memref<128xf32, #tpu.memory_space<vmem>>, vector<16xf32>,
      tpu.vector_store %arg21[%swap3A_551], %exp3A_550 {strides = array<i32>} : memref<128xf32, #tpu.memory_space<vmem>>, vector<16xf32>,
      %iota3A_553 = tpu.iota {dimensions = array<i32: 0>} : vector<16xi32>
      %add3A_554 = arith.constant 64 : i32
      %add3A_555 = vector.broadcast %add3A_554 : i32 to vector<16xi32>
      %add3A_556 = arith.addi %iota3A_553, %add3A_555 : vector<16xi32>
      %broadcast_in_dim3A_557 = arith.constant 0 : i32
      %broadcast_in_dim3A_558 = vector.broadcast %broadcast_in_dim3A_557 : i32 to vector<16xi32>
      %gather3A_559 = tpu.vector_load_idx %arg22[%add3A_556, %broadcast_in_dim3A_558] : memref<128x16xf32, #tpu.memory_space<vmem>>[vector<16xi32>, vector<16xi32>], vector<16xf32>,
      %broadcast_in_dim3A_560 = arith.constant 1 : i32
      %broadcast_in_dim3A_561 = vector.broadcast %broadcast_in_dim3A_560 : i32 to vector<16xi32>
      %gather3A_562 = tpu.vector_load_idx %arg23[%add3A_556, %broadcast_in_dim3A_561] : memref<128x16xf32, #tpu.memory_space<vmem>>[vector<16xi32>, vector<16xi32>], vector<16xf32>,
      %add3A_563 = arith.addf %gather3A_559, %gather3A_562 : vector<16xf32>
      %get3A_564 = arith.constant 64 : index
      %get3A_565 = tpu.vector_load %arg16[%get3A_564] {strides = array<i32>} : memref<128xf32, #tpu.memory_space<vmem>>, vector<16xf32>,
      %add3A_566 = arith.addf %add3A_563, %get3A_565 : vector<16xf32>
      %mul3A_567 = arith.constant 2.000000e-01 : f32
      %mul3A_568 = vector.broadcast %mul3A_567 : f32 to vector<16xf32>
      %mul3A_569 = arith.mulf %mul3A_568, %add3A_566 : vector<16xf32>
      %max3A_570 = arith.maximumf %add3A_566, %mul3A_569 : vector<16xf32>
      %exp3A_571 = math.exp %max3A_570 : vector<16xf32>
      %swap3A_572 = arith.constant 64 : index
      %swap3A_573 = tpu.vector_load %arg21[%swap3A_572] {strides = array<i32>} : memref<128xf32, #tpu.memory_space<vmem>>, vector<16xf32>,
      tpu.vector_store %arg21[%swap3A_572], %exp3A_571 {strides = array<i32>} : memref<128xf32, #tpu.memory_space<vmem>>, vector<16xf32>,
      %iota3A_574 = tpu.iota {dimensions = array<i32: 0>} : vector<16xi32>
      %add3A_575 = arith.constant 80 : i32
      %add3A_576 = vector.broadcast %add3A_575 : i32 to vector<16xi32>
      %add3A_577 = arith.addi %iota3A_574, %add3A_576 : vector<16xi32>
      %broadcast_in_dim3A_578 = arith.constant 0 : i32
      %broadcast_in_dim3A_579 = vector.broadcast %broadcast_in_dim3A_578 : i32 to vector<16xi32>
      %gather3A_580 = tpu.vector_load_idx %arg22[%add3A_577, %broadcast_in_dim3A_579] : memref<128x16xf32, #tpu.memory_space<vmem>>[vector<16xi32>, vector<16xi32>], vector<16xf32>,
      %broadcast_in_dim3A_581 = arith.constant 1 : i32
      %broadcast_in_dim3A_582 = vector.broadcast %broadcast_in_dim3A_581 : i32 to vector<16xi32>
      %gather3A_583 = tpu.vector_load_idx %arg23[%add3A_577, %broadcast_in_dim3A_582] : memref<128x16xf32, #tpu.memory_space<vmem>>[vector<16xi32>, vector<16xi32>], vector<16xf32>,
      %add3A_584 = arith.addf %gather3A_580, %gather3A_583 : vector<16xf32>
      %get3A_585 = arith.constant 80 : index
      %get3A_586 = tpu.vector_load %arg16[%get3A_585] {strides = array<i32>} : memref<128xf32, #tpu.memory_space<vmem>>, vector<16xf32>,
      %add3A_587 = arith.addf %add3A_584, %get3A_586 : vector<16xf32>
      %mul3A_588 = arith.constant 2.000000e-01 : f32
      %mul3A_589 = vector.broadcast %mul3A_588 : f32 to vector<16xf32>
      %mul3A_590 = arith.mulf %mul3A_589, %add3A_587 : vector<16xf32>
      %max3A_591 = arith.maximumf %add3A_587, %mul3A_590 : vector<16xf32>
      %exp3A_592 = math.exp %max3A_591 : vector<16xf32>
      %swap3A_593 = arith.constant 80 : index
      %swap3A_594 = tpu.vector_load %arg21[%swap3A_593] {strides = array<i32>} : memref<128xf32, #tpu.memory_space<vmem>>, vector<16xf32>,
      tpu.vector_store %arg21[%swap3A_593], %exp3A_592 {strides = array<i32>} : memref<128xf32, #tpu.memory_space<vmem>>, vector<16xf32>,
      %iota3A_595 = tpu.iota {dimensions = array<i32: 0>} : vector<16xi32>
      %add3A_596 = arith.constant 96 : i32
      %add3A_597 = vector.broadcast %add3A_596 : i32 to vector<16xi32>
      %add3A_598 = arith.addi %iota3A_595, %add3A_597 : vector<16xi32>
      %broadcast_in_dim3A_599 = arith.constant 0 : i32
      %broadcast_in_dim3A_600 = vector.broadcast %broadcast_in_dim3A_599 : i32 to vector<16xi32>
      %gather3A_601 = tpu.vector_load_idx %arg22[%add3A_598, %broadcast_in_dim3A_600] : memref<128x16xf32, #tpu.memory_space<vmem>>[vector<16xi32>, vector<16xi32>], vector<16xf32>,
      %broadcast_in_dim3A_602 = arith.constant 1 : i32
      %broadcast_in_dim3A_603 = vector.broadcast %broadcast_in_dim3A_602 : i32 to vector<16xi32>
      %gather3A_604 = tpu.vector_load_idx %arg23[%add3A_598, %broadcast_in_dim3A_603] : memref<128x16xf32, #tpu.memory_space<vmem>>[vector<16xi32>, vector<16xi32>], vector<16xf32>,
      %add3A_605 = arith.addf %gather3A_601, %gather3A_604 : vector<16xf32>
      %get3A_606 = arith.constant 96 : index
      %get3A_607 = tpu.vector_load %arg16[%get3A_606] {strides = array<i32>} : memref<128xf32, #tpu.memory_space<vmem>>, vector<16xf32>,
      %add3A_608 = arith.addf %add3A_605, %get3A_607 : vector<16xf32>
      %mul3A_609 = arith.constant 2.000000e-01 : f32
      %mul3A_610 = vector.broadcast %mul3A_609 : f32 to vector<16xf32>
      %mul3A_611 = arith.mulf %mul3A_610, %add3A_608 : vector<16xf32>
      %max3A_612 = arith.maximumf %add3A_608, %mul3A_611 : vector<16xf32>
      %exp3A_613 = math.exp %max3A_612 : vector<16xf32>
      %swap3A_614 = arith.constant 96 : index
      %swap3A_615 = tpu.vector_load %arg21[%swap3A_614] {strides = array<i32>} : memref<128xf32, #tpu.memory_space<vmem>>, vector<16xf32>,
      tpu.vector_store %arg21[%swap3A_614], %exp3A_613 {strides = array<i32>} : memref<128xf32, #tpu.memory_space<vmem>>, vector<16xf32>,
      %iota3A_616 = tpu.iota {dimensions = array<i32: 0>} : vector<16xi32>
      %add3A_617 = arith.constant 112 : i32
      %add3A_618 = vector.broadcast %add3A_617 : i32 to vector<16xi32>
      %add3A_619 = arith.addi %iota3A_616, %add3A_618 : vector<16xi32>
      %broadcast_in_dim3A_620 = arith.constant 0 : i32
      %broadcast_in_dim3A_621 = vector.broadcast %broadcast_in_dim3A_620 : i32 to vector<16xi32>
      %gather3A_622 = tpu.vector_load_idx %arg22[%add3A_619, %broadcast_in_dim3A_621] : memref<128x16xf32, #tpu.memory_space<vmem>>[vector<16xi32>, vector<16xi32>], vector<16xf32>,
      %broadcast_in_dim3A_623 = arith.constant 1 : i32
      %broadcast_in_dim3A_624 = vector.broadcast %broadcast_in_dim3A_623 : i32 to vector<16xi32>
      %gather3A_625 = tpu.vector_load_idx %arg23[%add3A_619, %broadcast_in_dim3A_624] : memref<128x16xf32, #tpu.memory_space<vmem>>[vector<16xi32>, vector<16xi32>], vector<16xf32>,
      %add3A_626 = arith.addf %gather3A_622, %gather3A_625 : vector<16xf32>
      %get3A_627 = arith.constant 112 : index
      %get3A_628 = tpu.vector_load %arg16[%get3A_627] {strides = array<i32>} : memref<128xf32, #tpu.memory_space<vmem>>, vector<16xf32>,
      %add3A_629 = arith.addf %add3A_626, %get3A_628 : vector<16xf32>
      %mul3A_630 = arith.constant 2.000000e-01 : f32
      %mul3A_631 = vector.broadcast %mul3A_630 : f32 to vector<16xf32>
      %mul3A_632 = arith.mulf %mul3A_631, %add3A_629 : vector<16xf32>
      %max3A_633 = arith.maximumf %add3A_629, %mul3A_632 : vector<16xf32>
      %exp3A_634 = math.exp %max3A_633 : vector<16xf32>
      %swap3A_635 = arith.constant 112 : index
      %swap3A_636 = tpu.vector_load %arg21[%swap3A_635] {strides = array<i32>} : memref<128xf32, #tpu.memory_space<vmem>>, vector<16xf32>,
      tpu.vector_store %arg21[%swap3A_635], %exp3A_634 {strides = array<i32>} : memref<128xf32, #tpu.memory_space<vmem>>, vector<16xf32>,
      %add3A_637 = arith.constant 1 : i32
      %add3A_638 = arith.addi %scan3A_181, %add3A_637 : i32
      %lt3A_639 = arith.constant 80 : i32
      %lt3A_640 = arith.cmpi slt, %add3A_638, %lt3A_639 : i32
      %convert_element_type3A_641 = arith.extui %lt3A_640 : i1 to i32
      %cond3A_642 = arith.constant 0 : i32
      %cond3A_643 = arith.cmpi ne, %convert_element_type3A_641, %cond3A_642 : i32
      scf.if %cond3A_643 {
        %add3A_742 = arith.constant 1 : i32
        %add3A_743 = arith.addi %scan3A_181, %add3A_742 : i32
        %add3A_744 = arith.addi %add3A, %add3A_743 : i32
        %dma_start3A_745 = arith.constant 0 : i32
        %dma_start3A_746 = tpu.memref_slice %arg5[%add3A_744, %dma_start3A_745] : memref<2560x128xf32, #tpu.memory_space<hbm>> -> memref<1x128xf32, #tpu.memory_space<hbm>>
        %dma_start3A_747 = tpu.memref_squeeze %dma_start3A_746 : memref<1x128xf32, #tpu.memory_space<hbm>> -> memref<128xf32, #tpu.memory_space<hbm>>
        %dma_start3A_748 = arith.constant 0 : i32
        %dma_start3A_749 = tpu.memref_slice %arg5[%add3A_744, %dma_start3A_748] : memref<2560x128xf32, #tpu.memory_space<hbm>> -> memref<1x128xf32, #tpu.memory_space<hbm>>
        %dma_start3A_750 = tpu.memref_squeeze %dma_start3A_749 : memref<1x128xf32, #tpu.memory_space<hbm>> -> memref<128xf32, #tpu.memory_space<hbm>>
        tpu.enqueue_dma source(%dma_start3A_750 : memref<128xf32, #tpu.memory_space<hbm>>) target(%arg16 : memref<128xf32, #tpu.memory_space<vmem>>) target_semaphore(%arg31 : memref<!tpu.dma_semaphore, #tpu.memory_space<semaphore_mem>>)
      } else {
      }
      %dma_wait3A_644 = arith.constant 0 : i32
      %dma_wait3A_645 = arith.constant 0 : i32
      %dma_wait3A_646 = tpu.memref_slice %arg17[%dma_wait3A_644, %dma_wait3A_645] : memref<2x64xi32, #tpu.memory_space<vmem>> -> memref<1x64xi32, #tpu.memory_space<vmem>>
      %dma_wait3A_647 = tpu.memref_squeeze %dma_wait3A_646 : memref<1x64xi32, #tpu.memory_space<vmem>> -> memref<64xi32, #tpu.memory_space<vmem>>
      %dma_wait3A_648 = arith.constant 0 : i32
      %dma_wait3A_649 = arith.constant 0 : i32
      %dma_wait3A_650 = tpu.memref_slice %arg2[%dma_wait3A_648, %dma_wait3A_649] : memref<20000x144xf32, #tpu.memory_space<hbm>> -> memref<20000x144xf32, #tpu.memory_space<hbm>>
      tpu.wait_indirect_dma semaphore(%arg28 : memref<!tpu.dma_semaphore, #tpu.memory_space<semaphore_mem>>) src(%dma_wait3A_650 : memref<20000x144xf32, #tpu.memory_space<hbm>>) dst(%arg24 : memref<64x144xf32, #tpu.memory_space<vmem>>)
      %iota3A_651 = tpu.iota {dimensions = array<i32: 0>} : vector<16xi32>
      %add3A_652 = arith.constant 0 : i32
      %add3A_653 = vector.broadcast %add3A_652 : i32 to vector<16xi32>
      %add3A_654 = arith.addi %iota3A_651, %add3A_653 : vector<16xi32>
      %get3A_655 = arith.constant 0 : index
      %get3A_656 = tpu.vector_load %arg21[%get3A_655] {strides = array<i32>} : memref<128xf32, #tpu.memory_space<vmem>>, vector<16xf32>,
      %broadcast_in_dim3A_657 = arith.constant 128 : i32
      %broadcast_in_dim3A_658 = vector.broadcast %broadcast_in_dim3A_657 : i32 to vector<16xi32>
      tpu.vector_store_idx %arg24[%add3A_654, %broadcast_in_dim3A_658], %get3A_656 : memref<64x144xf32, #tpu.memory_space<vmem>>[vector<16xi32>, vector<16xi32>], vector<16xf32>,
      %iota3A_659 = tpu.iota {dimensions = array<i32: 0>} : vector<16xi32>
      %add3A_660 = arith.constant 16 : i32
      %add3A_661 = vector.broadcast %add3A_660 : i32 to vector<16xi32>
      %add3A_662 = arith.addi %iota3A_659, %add3A_661 : vector<16xi32>
      %get3A_663 = arith.constant 16 : index
      %get3A_664 = tpu.vector_load %arg21[%get3A_663] {strides = array<i32>} : memref<128xf32, #tpu.memory_space<vmem>>, vector<16xf32>,
      %broadcast_in_dim3A_665 = arith.constant 128 : i32
      %broadcast_in_dim3A_666 = vector.broadcast %broadcast_in_dim3A_665 : i32 to vector<16xi32>
      tpu.vector_store_idx %arg24[%add3A_662, %broadcast_in_dim3A_666], %get3A_664 : memref<64x144xf32, #tpu.memory_space<vmem>>[vector<16xi32>, vector<16xi32>], vector<16xf32>,
      %iota3A_667 = tpu.iota {dimensions = array<i32: 0>} : vector<16xi32>
      %add3A_668 = arith.constant 32 : i32
      %add3A_669 = vector.broadcast %add3A_668 : i32 to vector<16xi32>
      %add3A_670 = arith.addi %iota3A_667, %add3A_669 : vector<16xi32>
      %get3A_671 = arith.constant 32 : index
      %get3A_672 = tpu.vector_load %arg21[%get3A_671] {strides = array<i32>} : memref<128xf32, #tpu.memory_space<vmem>>, vector<16xf32>,
      %broadcast_in_dim3A_673 = arith.constant 128 : i32
      %broadcast_in_dim3A_674 = vector.broadcast %broadcast_in_dim3A_673 : i32 to vector<16xi32>
      tpu.vector_store_idx %arg24[%add3A_670, %broadcast_in_dim3A_674], %get3A_672 : memref<64x144xf32, #tpu.memory_space<vmem>>[vector<16xi32>, vector<16xi32>], vector<16xf32>,
      %iota3A_675 = tpu.iota {dimensions = array<i32: 0>} : vector<16xi32>
      %add3A_676 = arith.constant 48 : i32
      %add3A_677 = vector.broadcast %add3A_676 : i32 to vector<16xi32>
      %add3A_678 = arith.addi %iota3A_675, %add3A_677 : vector<16xi32>
      %get3A_679 = arith.constant 48 : index
      %get3A_680 = tpu.vector_load %arg21[%get3A_679] {strides = array<i32>} : memref<128xf32, #tpu.memory_space<vmem>>, vector<16xf32>,
      %broadcast_in_dim3A_681 = arith.constant 128 : i32
      %broadcast_in_dim3A_682 = vector.broadcast %broadcast_in_dim3A_681 : i32 to vector<16xi32>
      tpu.vector_store_idx %arg24[%add3A_678, %broadcast_in_dim3A_682], %get3A_680 : memref<64x144xf32, #tpu.memory_space<vmem>>[vector<16xi32>, vector<16xi32>], vector<16xf32>,
      %parallel_loop3A = arith.constant 0 : i32
      %parallel_loop3A_683 = arith.constant 64 : i32
      %parallel_loop3A_684 = arith.constant 1 : i32
      scf.for %parallel_loop3A_742 = %parallel_loop3A to %parallel_loop3A_683 step %parallel_loop3A_684  : i32 {
        %parallel_loop3A_743 = arith.constant 0 : i32
        %parallel_loop3A_744 = arith.addi %parallel_loop3A_742, %parallel_loop3A_743 : i32
        %parallel_loop3A_745 = vector.broadcast %parallel_loop3A_744 : i32 to vector<16xi32>
        %parallel_loop3A_746 = tpu.vector_load_idx %arg21[%parallel_loop3A_745] : memref<128xf32, #tpu.memory_space<vmem>>[vector<16xi32>], vector<16xf32>,
        %parallel_loop3A_747 = arith.index_cast %parallel_loop3A_742 : i32 to index
        %parallel_loop3A_748 = arith.constant 0 : index
        %parallel_loop3A_749 = tpu.vector_load %arg24[%parallel_loop3A_747, %parallel_loop3A_748] {strides = array<i32>} : memref<64x144xf32, #tpu.memory_space<vmem>>, vector<16xf32>,
        %parallel_loop3A_750 = arith.mulf %parallel_loop3A_749, %parallel_loop3A_746 : vector<16xf32>
        %parallel_loop3A_751 = arith.index_cast %parallel_loop3A_742 : i32 to index
        %parallel_loop3A_752 = arith.constant 0 : index
        %parallel_loop3A_753 = tpu.vector_load %arg24[%parallel_loop3A_751, %parallel_loop3A_752] {strides = array<i32>} : memref<64x144xf32, #tpu.memory_space<vmem>>, vector<16xf32>,
        tpu.vector_store %arg24[%parallel_loop3A_751, %parallel_loop3A_752], %parallel_loop3A_750 {strides = array<i32>} : memref<64x144xf32, #tpu.memory_space<vmem>>, vector<16xf32>,
        %parallel_loop3A_754 = arith.index_cast %parallel_loop3A_742 : i32 to index
        %parallel_loop3A_755 = arith.constant 16 : index
        %parallel_loop3A_756 = tpu.vector_load %arg24[%parallel_loop3A_754, %parallel_loop3A_755] {strides = array<i32>} : memref<64x144xf32, #tpu.memory_space<vmem>>, vector<16xf32>,
        %parallel_loop3A_757 = arith.mulf %parallel_loop3A_756, %parallel_loop3A_746 : vector<16xf32>
        %parallel_loop3A_758 = arith.index_cast %parallel_loop3A_742 : i32 to index
        %parallel_loop3A_759 = arith.constant 16 : index
        %parallel_loop3A_760 = tpu.vector_load %arg24[%parallel_loop3A_758, %parallel_loop3A_759] {strides = array<i32>} : memref<64x144xf32, #tpu.memory_space<vmem>>, vector<16xf32>,
        tpu.vector_store %arg24[%parallel_loop3A_758, %parallel_loop3A_759], %parallel_loop3A_757 {strides = array<i32>} : memref<64x144xf32, #tpu.memory_space<vmem>>, vector<16xf32>,
        %parallel_loop3A_761 = arith.index_cast %parallel_loop3A_742 : i32 to index
        %parallel_loop3A_762 = arith.constant 32 : index
        %parallel_loop3A_763 = tpu.vector_load %arg24[%parallel_loop3A_761, %parallel_loop3A_762] {strides = array<i32>} : memref<64x144xf32, #tpu.memory_space<vmem>>, vector<16xf32>,
        %parallel_loop3A_764 = arith.mulf %parallel_loop3A_763, %parallel_loop3A_746 : vector<16xf32>
        %parallel_loop3A_765 = arith.index_cast %parallel_loop3A_742 : i32 to index
        %parallel_loop3A_766 = arith.constant 32 : index
        %parallel_loop3A_767 = tpu.vector_load %arg24[%parallel_loop3A_765, %parallel_loop3A_766] {strides = array<i32>} : memref<64x144xf32, #tpu.memory_space<vmem>>, vector<16xf32>,
        tpu.vector_store %arg24[%parallel_loop3A_765, %parallel_loop3A_766], %parallel_loop3A_764 {strides = array<i32>} : memref<64x144xf32, #tpu.memory_space<vmem>>, vector<16xf32>,
        %parallel_loop3A_768 = arith.index_cast %parallel_loop3A_742 : i32 to index
        %parallel_loop3A_769 = arith.constant 48 : index
        %parallel_loop3A_770 = tpu.vector_load %arg24[%parallel_loop3A_768, %parallel_loop3A_769] {strides = array<i32>} : memref<64x144xf32, #tpu.memory_space<vmem>>, vector<16xf32>,
        %parallel_loop3A_771 = arith.mulf %parallel_loop3A_770, %parallel_loop3A_746 : vector<16xf32>
        %parallel_loop3A_772 = arith.index_cast %parallel_loop3A_742 : i32 to index
        %parallel_loop3A_773 = arith.constant 48 : index
        %parallel_loop3A_774 = tpu.vector_load %arg24[%parallel_loop3A_772, %parallel_loop3A_773] {strides = array<i32>} : memref<64x144xf32, #tpu.memory_space<vmem>>, vector<16xf32>,
        tpu.vector_store %arg24[%parallel_loop3A_772, %parallel_loop3A_773], %parallel_loop3A_771 {strides = array<i32>} : memref<64x144xf32, #tpu.memory_space<vmem>>, vector<16xf32>,
        %parallel_loop3A_775 = arith.index_cast %parallel_loop3A_742 : i32 to index
        %parallel_loop3A_776 = arith.constant 64 : index
        %parallel_loop3A_777 = tpu.vector_load %arg24[%parallel_loop3A_775, %parallel_loop3A_776] {strides = array<i32>} : memref<64x144xf32, #tpu.memory_space<vmem>>, vector<16xf32>,
        %parallel_loop3A_778 = arith.mulf %parallel_loop3A_777, %parallel_loop3A_746 : vector<16xf32>
        %parallel_loop3A_779 = arith.index_cast %parallel_loop3A_742 : i32 to index
        %parallel_loop3A_780 = arith.constant 64 : index
        %parallel_loop3A_781 = tpu.vector_load %arg24[%parallel_loop3A_779, %parallel_loop3A_780] {strides = array<i32>} : memref<64x144xf32, #tpu.memory_space<vmem>>, vector<16xf32>,
        tpu.vector_store %arg24[%parallel_loop3A_779, %parallel_loop3A_780], %parallel_loop3A_778 {strides = array<i32>} : memref<64x144xf32, #tpu.memory_space<vmem>>, vector<16xf32>,
        %parallel_loop3A_782 = arith.index_cast %parallel_loop3A_742 : i32 to index
        %parallel_loop3A_783 = arith.constant 80 : index
        %parallel_loop3A_784 = tpu.vector_load %arg24[%parallel_loop3A_782, %parallel_loop3A_783] {strides = array<i32>} : memref<64x144xf32, #tpu.memory_space<vmem>>, vector<16xf32>,
        %parallel_loop3A_785 = arith.mulf %parallel_loop3A_784, %parallel_loop3A_746 : vector<16xf32>
        %parallel_loop3A_786 = arith.index_cast %parallel_loop3A_742 : i32 to index
        %parallel_loop3A_787 = arith.constant 80 : index
        %parallel_loop3A_788 = tpu.vector_load %arg24[%parallel_loop3A_786, %parallel_loop3A_787] {strides = array<i32>} : memref<64x144xf32, #tpu.memory_space<vmem>>, vector<16xf32>,
        tpu.vector_store %arg24[%parallel_loop3A_786, %parallel_loop3A_787], %parallel_loop3A_785 {strides = array<i32>} : memref<64x144xf32, #tpu.memory_space<vmem>>, vector<16xf32>,
        %parallel_loop3A_789 = arith.index_cast %parallel_loop3A_742 : i32 to index
        %parallel_loop3A_790 = arith.constant 96 : index
        %parallel_loop3A_791 = tpu.vector_load %arg24[%parallel_loop3A_789, %parallel_loop3A_790] {strides = array<i32>} : memref<64x144xf32, #tpu.memory_space<vmem>>, vector<16xf32>,
        %parallel_loop3A_792 = arith.mulf %parallel_loop3A_791, %parallel_loop3A_746 : vector<16xf32>
        %parallel_loop3A_793 = arith.index_cast %parallel_loop3A_742 : i32 to index
        %parallel_loop3A_794 = arith.constant 96 : index
        %parallel_loop3A_795 = tpu.vector_load %arg24[%parallel_loop3A_793, %parallel_loop3A_794] {strides = array<i32>} : memref<64x144xf32, #tpu.memory_space<vmem>>, vector<16xf32>,
        tpu.vector_store %arg24[%parallel_loop3A_793, %parallel_loop3A_794], %parallel_loop3A_792 {strides = array<i32>} : memref<64x144xf32, #tpu.memory_space<vmem>>, vector<16xf32>,
        %parallel_loop3A_796 = arith.index_cast %parallel_loop3A_742 : i32 to index
        %parallel_loop3A_797 = arith.constant 112 : index
        %parallel_loop3A_798 = tpu.vector_load %arg24[%parallel_loop3A_796, %parallel_loop3A_797] {strides = array<i32>} : memref<64x144xf32, #tpu.memory_space<vmem>>, vector<16xf32>,
        %parallel_loop3A_799 = arith.mulf %parallel_loop3A_798, %parallel_loop3A_746 : vector<16xf32>
        %parallel_loop3A_800 = arith.index_cast %parallel_loop3A_742 : i32 to index
        %parallel_loop3A_801 = arith.constant 112 : index
        %parallel_loop3A_802 = tpu.vector_load %arg24[%parallel_loop3A_800, %parallel_loop3A_801] {strides = array<i32>} : memref<64x144xf32, #tpu.memory_space<vmem>>, vector<16xf32>,
        tpu.vector_store %arg24[%parallel_loop3A_800, %parallel_loop3A_801], %parallel_loop3A_799 {strides = array<i32>} : memref<64x144xf32, #tpu.memory_space<vmem>>, vector<16xf32>,
      } {sc.loop_unroll_factor = 8 : i64, sc.parallel_access}
      %dma_start3A_685 = arith.constant 0 : i32
      %dma_start3A_686 = arith.constant 0 : i32
      %dma_start3A_687 = tpu.memref_slice %arg18[%dma_start3A_685, %dma_start3A_686] : memref<2x64xi32, #tpu.memory_space<vmem>> -> memref<1x64xi32, #tpu.memory_space<vmem>>
      %dma_start3A_688 = tpu.memref_squeeze %dma_start3A_687 : memref<1x64xi32, #tpu.memory_space<vmem>> -> memref<64xi32, #tpu.memory_space<vmem>>
      %dma_start3A_689 = arith.constant 0 : i32
      %dma_start3A_690 = arith.constant 0 : i32
      %dma_start3A_691 = tpu.memref_slice %arg13[%dma_start3A_689, %dma_start3A_690] : memref<10240x144xf32, #tpu.memory_space<vmem_shared>> -> memref<10240x144xf32, #tpu.memory_space<vmem_shared>>
      tpu.enqueue_indirect_dma source(%arg24 : memref<64x144xf32, #tpu.memory_space<vmem>>) target(%dma_start3A_691 : memref<10240x144xf32, #tpu.memory_space<vmem_shared>>) offsets(%dma_start3A_688 : memref<64xi32, #tpu.memory_space<vmem>>) semaphore(%arg28 : memref<!tpu.dma_semaphore, #tpu.memory_space<semaphore_mem>>) {add = true}
      %dma_wait3A_692 = arith.constant 1 : i32
      %dma_wait3A_693 = arith.constant 0 : i32
      %dma_wait3A_694 = tpu.memref_slice %arg17[%dma_wait3A_692, %dma_wait3A_693] : memref<2x64xi32, #tpu.memory_space<vmem>> -> memref<1x64xi32, #tpu.memory_space<vmem>>
      %dma_wait3A_695 = tpu.memref_squeeze %dma_wait3A_694 : memref<1x64xi32, #tpu.memory_space<vmem>> -> memref<64xi32, #tpu.memory_space<vmem>>
      %dma_wait3A_696 = arith.constant 0 : i32
      %dma_wait3A_697 = arith.constant 0 : i32
      %dma_wait3A_698 = tpu.memref_slice %arg2[%dma_wait3A_696, %dma_wait3A_697] : memref<20000x144xf32, #tpu.memory_space<hbm>> -> memref<20000x144xf32, #tpu.memory_space<hbm>>
      tpu.wait_indirect_dma semaphore(%arg29 : memref<!tpu.dma_semaphore, #tpu.memory_space<semaphore_mem>>) src(%dma_wait3A_698 : memref<20000x144xf32, #tpu.memory_space<hbm>>) dst(%arg25 : memref<64x144xf32, #tpu.memory_space<vmem>>)
      %iota3A_699 = tpu.iota {dimensions = array<i32: 0>} : vector<16xi32>
      %add3A_700 = arith.constant 0 : i32
      %add3A_701 = vector.broadcast %add3A_700 : i32 to vector<16xi32>
      %add3A_702 = arith.addi %iota3A_699, %add3A_701 : vector<16xi32>
      %get3A_703 = arith.constant 64 : index
      %get3A_704 = tpu.vector_load %arg21[%get3A_703] {strides = array<i32>} : memref<128xf32, #tpu.memory_space<vmem>>, vector<16xf32>,
      %broadcast_in_dim3A_705 = arith.constant 128 : i32
      %broadcast_in_dim3A_706 = vector.broadcast %broadcast_in_dim3A_705 : i32 to vector<16xi32>
      tpu.vector_store_idx %arg25[%add3A_702, %broadcast_in_dim3A_706], %get3A_704 : memref<64x144xf32, #tpu.memory_space<vmem>>[vector<16xi32>, vector<16xi32>], vector<16xf32>,
      %iota3A_707 = tpu.iota {dimensions = array<i32: 0>} : vector<16xi32>
      %add3A_708 = arith.constant 16 : i32
      %add3A_709 = vector.broadcast %add3A_708 : i32 to vector<16xi32>
      %add3A_710 = arith.addi %iota3A_707, %add3A_709 : vector<16xi32>
      %get3A_711 = arith.constant 80 : index
      %get3A_712 = tpu.vector_load %arg21[%get3A_711] {strides = array<i32>} : memref<128xf32, #tpu.memory_space<vmem>>, vector<16xf32>,
      %broadcast_in_dim3A_713 = arith.constant 128 : i32
      %broadcast_in_dim3A_714 = vector.broadcast %broadcast_in_dim3A_713 : i32 to vector<16xi32>
      tpu.vector_store_idx %arg25[%add3A_710, %broadcast_in_dim3A_714], %get3A_712 : memref<64x144xf32, #tpu.memory_space<vmem>>[vector<16xi32>, vector<16xi32>], vector<16xf32>,
      %iota3A_715 = tpu.iota {dimensions = array<i32: 0>} : vector<16xi32>
      %add3A_716 = arith.constant 32 : i32
      %add3A_717 = vector.broadcast %add3A_716 : i32 to vector<16xi32>
      %add3A_718 = arith.addi %iota3A_715, %add3A_717 : vector<16xi32>
      %get3A_719 = arith.constant 96 : index
      %get3A_720 = tpu.vector_load %arg21[%get3A_719] {strides = array<i32>} : memref<128xf32, #tpu.memory_space<vmem>>, vector<16xf32>,
      %broadcast_in_dim3A_721 = arith.constant 128 : i32
      %broadcast_in_dim3A_722 = vector.broadcast %broadcast_in_dim3A_721 : i32 to vector<16xi32>
      tpu.vector_store_idx %arg25[%add3A_718, %broadcast_in_dim3A_722], %get3A_720 : memref<64x144xf32, #tpu.memory_space<vmem>>[vector<16xi32>, vector<16xi32>], vector<16xf32>,
      %iota3A_723 = tpu.iota {dimensions = array<i32: 0>} : vector<16xi32>
      %add3A_724 = arith.constant 48 : i32
      %add3A_725 = vector.broadcast %add3A_724 : i32 to vector<16xi32>
      %add3A_726 = arith.addi %iota3A_723, %add3A_725 : vector<16xi32>
      %get3A_727 = arith.constant 112 : index
      %get3A_728 = tpu.vector_load %arg21[%get3A_727] {strides = array<i32>} : memref<128xf32, #tpu.memory_space<vmem>>, vector<16xf32>,
      %broadcast_in_dim3A_729 = arith.constant 128 : i32
      %broadcast_in_dim3A_730 = vector.broadcast %broadcast_in_dim3A_729 : i32 to vector<16xi32>
      tpu.vector_store_idx %arg25[%add3A_726, %broadcast_in_dim3A_730], %get3A_728 : memref<64x144xf32, #tpu.memory_space<vmem>>[vector<16xi32>, vector<16xi32>], vector<16xf32>,
      %parallel_loop3A_731 = arith.constant 0 : i32
      %parallel_loop3A_732 = arith.constant 64 : i32
      %parallel_loop3A_733 = arith.constant 1 : i32
      scf.for %parallel_loop3A_742 = %parallel_loop3A_731 to %parallel_loop3A_732 step %parallel_loop3A_733  : i32 {
        %parallel_loop3A_743 = arith.constant 64 : i32
        %parallel_loop3A_744 = arith.addi %parallel_loop3A_742, %parallel_loop3A_743 : i32
        %parallel_loop3A_745 = vector.broadcast %parallel_loop3A_744 : i32 to vector<16xi32>
        %parallel_loop3A_746 = tpu.vector_load_idx %arg21[%parallel_loop3A_745] : memref<128xf32, #tpu.memory_space<vmem>>[vector<16xi32>], vector<16xf32>,
        %parallel_loop3A_747 = arith.index_cast %parallel_loop3A_742 : i32 to index
        %parallel_loop3A_748 = arith.constant 0 : index
        %parallel_loop3A_749 = tpu.vector_load %arg25[%parallel_loop3A_747, %parallel_loop3A_748] {strides = array<i32>} : memref<64x144xf32, #tpu.memory_space<vmem>>, vector<16xf32>,
        %parallel_loop3A_750 = arith.mulf %parallel_loop3A_749, %parallel_loop3A_746 : vector<16xf32>
        %parallel_loop3A_751 = arith.index_cast %parallel_loop3A_742 : i32 to index
        %parallel_loop3A_752 = arith.constant 0 : index
        %parallel_loop3A_753 = tpu.vector_load %arg25[%parallel_loop3A_751, %parallel_loop3A_752] {strides = array<i32>} : memref<64x144xf32, #tpu.memory_space<vmem>>, vector<16xf32>,
        tpu.vector_store %arg25[%parallel_loop3A_751, %parallel_loop3A_752], %parallel_loop3A_750 {strides = array<i32>} : memref<64x144xf32, #tpu.memory_space<vmem>>, vector<16xf32>,
        %parallel_loop3A_754 = arith.index_cast %parallel_loop3A_742 : i32 to index
        %parallel_loop3A_755 = arith.constant 16 : index
        %parallel_loop3A_756 = tpu.vector_load %arg25[%parallel_loop3A_754, %parallel_loop3A_755] {strides = array<i32>} : memref<64x144xf32, #tpu.memory_space<vmem>>, vector<16xf32>,
        %parallel_loop3A_757 = arith.mulf %parallel_loop3A_756, %parallel_loop3A_746 : vector<16xf32>
        %parallel_loop3A_758 = arith.index_cast %parallel_loop3A_742 : i32 to index
        %parallel_loop3A_759 = arith.constant 16 : index
        %parallel_loop3A_760 = tpu.vector_load %arg25[%parallel_loop3A_758, %parallel_loop3A_759] {strides = array<i32>} : memref<64x144xf32, #tpu.memory_space<vmem>>, vector<16xf32>,
        tpu.vector_store %arg25[%parallel_loop3A_758, %parallel_loop3A_759], %parallel_loop3A_757 {strides = array<i32>} : memref<64x144xf32, #tpu.memory_space<vmem>>, vector<16xf32>,
        %parallel_loop3A_761 = arith.index_cast %parallel_loop3A_742 : i32 to index
        %parallel_loop3A_762 = arith.constant 32 : index
        %parallel_loop3A_763 = tpu.vector_load %arg25[%parallel_loop3A_761, %parallel_loop3A_762] {strides = array<i32>} : memref<64x144xf32, #tpu.memory_space<vmem>>, vector<16xf32>,
        %parallel_loop3A_764 = arith.mulf %parallel_loop3A_763, %parallel_loop3A_746 : vector<16xf32>
        %parallel_loop3A_765 = arith.index_cast %parallel_loop3A_742 : i32 to index
        %parallel_loop3A_766 = arith.constant 32 : index
        %parallel_loop3A_767 = tpu.vector_load %arg25[%parallel_loop3A_765, %parallel_loop3A_766] {strides = array<i32>} : memref<64x144xf32, #tpu.memory_space<vmem>>, vector<16xf32>,
        tpu.vector_store %arg25[%parallel_loop3A_765, %parallel_loop3A_766], %parallel_loop3A_764 {strides = array<i32>} : memref<64x144xf32, #tpu.memory_space<vmem>>, vector<16xf32>,
        %parallel_loop3A_768 = arith.index_cast %parallel_loop3A_742 : i32 to index
        %parallel_loop3A_769 = arith.constant 48 : index
        %parallel_loop3A_770 = tpu.vector_load %arg25[%parallel_loop3A_768, %parallel_loop3A_769] {strides = array<i32>} : memref<64x144xf32, #tpu.memory_space<vmem>>, vector<16xf32>,
        %parallel_loop3A_771 = arith.mulf %parallel_loop3A_770, %parallel_loop3A_746 : vector<16xf32>
        %parallel_loop3A_772 = arith.index_cast %parallel_loop3A_742 : i32 to index
        %parallel_loop3A_773 = arith.constant 48 : index
        %parallel_loop3A_774 = tpu.vector_load %arg25[%parallel_loop3A_772, %parallel_loop3A_773] {strides = array<i32>} : memref<64x144xf32, #tpu.memory_space<vmem>>, vector<16xf32>,
        tpu.vector_store %arg25[%parallel_loop3A_772, %parallel_loop3A_773], %parallel_loop3A_771 {strides = array<i32>} : memref<64x144xf32, #tpu.memory_space<vmem>>, vector<16xf32>,
        %parallel_loop3A_775 = arith.index_cast %parallel_loop3A_742 : i32 to index
        %parallel_loop3A_776 = arith.constant 64 : index
        %parallel_loop3A_777 = tpu.vector_load %arg25[%parallel_loop3A_775, %parallel_loop3A_776] {strides = array<i32>} : memref<64x144xf32, #tpu.memory_space<vmem>>, vector<16xf32>,
        %parallel_loop3A_778 = arith.mulf %parallel_loop3A_777, %parallel_loop3A_746 : vector<16xf32>
        %parallel_loop3A_779 = arith.index_cast %parallel_loop3A_742 : i32 to index
        %parallel_loop3A_780 = arith.constant 64 : index
        %parallel_loop3A_781 = tpu.vector_load %arg25[%parallel_loop3A_779, %parallel_loop3A_780] {strides = array<i32>} : memref<64x144xf32, #tpu.memory_space<vmem>>, vector<16xf32>,
        tpu.vector_store %arg25[%parallel_loop3A_779, %parallel_loop3A_780], %parallel_loop3A_778 {strides = array<i32>} : memref<64x144xf32, #tpu.memory_space<vmem>>, vector<16xf32>,
        %parallel_loop3A_782 = arith.index_cast %parallel_loop3A_742 : i32 to index
        %parallel_loop3A_783 = arith.constant 80 : index
        %parallel_loop3A_784 = tpu.vector_load %arg25[%parallel_loop3A_782, %parallel_loop3A_783] {strides = array<i32>} : memref<64x144xf32, #tpu.memory_space<vmem>>, vector<16xf32>,
        %parallel_loop3A_785 = arith.mulf %parallel_loop3A_784, %parallel_loop3A_746 : vector<16xf32>
        %parallel_loop3A_786 = arith.index_cast %parallel_loop3A_742 : i32 to index
        %parallel_loop3A_787 = arith.constant 80 : index
        %parallel_loop3A_788 = tpu.vector_load %arg25[%parallel_loop3A_786, %parallel_loop3A_787] {strides = array<i32>} : memref<64x144xf32, #tpu.memory_space<vmem>>, vector<16xf32>,
        tpu.vector_store %arg25[%parallel_loop3A_786, %parallel_loop3A_787], %parallel_loop3A_785 {strides = array<i32>} : memref<64x144xf32, #tpu.memory_space<vmem>>, vector<16xf32>,
        %parallel_loop3A_789 = arith.index_cast %parallel_loop3A_742 : i32 to index
        %parallel_loop3A_790 = arith.constant 96 : index
        %parallel_loop3A_791 = tpu.vector_load %arg25[%parallel_loop3A_789, %parallel_loop3A_790] {strides = array<i32>} : memref<64x144xf32, #tpu.memory_space<vmem>>, vector<16xf32>,
        %parallel_loop3A_792 = arith.mulf %parallel_loop3A_791, %parallel_loop3A_746 : vector<16xf32>
        %parallel_loop3A_793 = arith.index_cast %parallel_loop3A_742 : i32 to index
        %parallel_loop3A_794 = arith.constant 96 : index
        %parallel_loop3A_795 = tpu.vector_load %arg25[%parallel_loop3A_793, %parallel_loop3A_794] {strides = array<i32>} : memref<64x144xf32, #tpu.memory_space<vmem>>, vector<16xf32>,
        tpu.vector_store %arg25[%parallel_loop3A_793, %parallel_loop3A_794], %parallel_loop3A_792 {strides = array<i32>} : memref<64x144xf32, #tpu.memory_space<vmem>>, vector<16xf32>,
        %parallel_loop3A_796 = arith.index_cast %parallel_loop3A_742 : i32 to index
        %parallel_loop3A_797 = arith.constant 112 : index
        %parallel_loop3A_798 = tpu.vector_load %arg25[%parallel_loop3A_796, %parallel_loop3A_797] {strides = array<i32>} : memref<64x144xf32, #tpu.memory_space<vmem>>, vector<16xf32>,
        %parallel_loop3A_799 = arith.mulf %parallel_loop3A_798, %parallel_loop3A_746 : vector<16xf32>
        %parallel_loop3A_800 = arith.index_cast %parallel_loop3A_742 : i32 to index
        %parallel_loop3A_801 = arith.constant 112 : index
        %parallel_loop3A_802 = tpu.vector_load %arg25[%parallel_loop3A_800, %parallel_loop3A_801] {strides = array<i32>} : memref<64x144xf32, #tpu.memory_space<vmem>>, vector<16xf32>,
        tpu.vector_store %arg25[%parallel_loop3A_800, %parallel_loop3A_801], %parallel_loop3A_799 {strides = array<i32>} : memref<64x144xf32, #tpu.memory_space<vmem>>, vector<16xf32>,
      } {sc.loop_unroll_factor = 8 : i64, sc.parallel_access}
      %dma_start3A_734 = arith.constant 1 : i32
      %dma_start3A_735 = arith.constant 0 : i32
      %dma_start3A_736 = tpu.memref_slice %arg18[%dma_start3A_734, %dma_start3A_735] : memref<2x64xi32, #tpu.memory_space<vmem>> -> memref<1x64xi32, #tpu.memory_space<vmem>>
      %dma_start3A_737 = tpu.memref_squeeze %dma_start3A_736 : memref<1x64xi32, #tpu.memory_space<vmem>> -> memref<64xi32, #tpu.memory_space<vmem>>
      %dma_start3A_738 = arith.constant 0 : i32
      %dma_start3A_739 = arith.constant 0 : i32
      %dma_start3A_740 = tpu.memref_slice %arg13[%dma_start3A_738, %dma_start3A_739] : memref<10240x144xf32, #tpu.memory_space<vmem_shared>> -> memref<10240x144xf32, #tpu.memory_space<vmem_shared>>
      tpu.enqueue_indirect_dma source(%arg25 : memref<64x144xf32, #tpu.memory_space<vmem>>) target(%dma_start3A_740 : memref<10240x144xf32, #tpu.memory_space<vmem_shared>>) offsets(%dma_start3A_737 : memref<64xi32, #tpu.memory_space<vmem>>) semaphore(%arg29 : memref<!tpu.dma_semaphore, #tpu.memory_space<semaphore_mem>>) {add = true}
      %scan3A_741 = arith.constant 0 : i32
      scf.yield %scan3A_741 : i32
    }
    %scan3A_52 = arith.constant 80 : i32
    %dma_wait3A = arith.constant 0 : i32
    %dma_wait3A_53 = arith.constant 0 : i32
    %dma_wait3A_54 = tpu.memref_slice %arg18[%dma_wait3A, %dma_wait3A_53] : memref<2x64xi32, #tpu.memory_space<vmem>> -> memref<1x64xi32, #tpu.memory_space<vmem>>
    %dma_wait3A_55 = tpu.memref_squeeze %dma_wait3A_54 : memref<1x64xi32, #tpu.memory_space<vmem>> -> memref<64xi32, #tpu.memory_space<vmem>>
    %dma_wait3A_56 = arith.constant 0 : i32
    %dma_wait3A_57 = arith.constant 0 : i32
    %dma_wait3A_58 = tpu.memref_slice %arg13[%dma_wait3A_56, %dma_wait3A_57] : memref<10240x144xf32, #tpu.memory_space<vmem_shared>> -> memref<10240x144xf32, #tpu.memory_space<vmem_shared>>
    tpu.wait_indirect_dma semaphore(%arg28 : memref<!tpu.dma_semaphore, #tpu.memory_space<semaphore_mem>>) src(%arg24 : memref<64x144xf32, #tpu.memory_space<vmem>>) dst(%dma_wait3A_58 : memref<10240x144xf32, #tpu.memory_space<vmem_shared>>)
    %dma_wait3A_59 = arith.constant 1 : i32
    %dma_wait3A_60 = arith.constant 0 : i32
    %dma_wait3A_61 = tpu.memref_slice %arg18[%dma_wait3A_59, %dma_wait3A_60] : memref<2x64xi32, #tpu.memory_space<vmem>> -> memref<1x64xi32, #tpu.memory_space<vmem>>
    %dma_wait3A_62 = tpu.memref_squeeze %dma_wait3A_61 : memref<1x64xi32, #tpu.memory_space<vmem>> -> memref<64xi32, #tpu.memory_space<vmem>>
    %dma_wait3A_63 = arith.constant 0 : i32
    %dma_wait3A_64 = arith.constant 0 : i32
    %dma_wait3A_65 = tpu.memref_slice %arg13[%dma_wait3A_63, %dma_wait3A_64] : memref<10240x144xf32, #tpu.memory_space<vmem_shared>> -> memref<10240x144xf32, #tpu.memory_space<vmem_shared>>
    tpu.wait_indirect_dma semaphore(%arg29 : memref<!tpu.dma_semaphore, #tpu.memory_space<semaphore_mem>>) src(%arg25 : memref<64x144xf32, #tpu.memory_space<vmem>>) dst(%dma_wait3A_65 : memref<10240x144xf32, #tpu.memory_space<vmem_shared>>)
    %barrier3A_66 = arith.constant 0 : index
    tpu.barrier barrier_id(%barrier3A_66)
    %scan3A_67 = arith.constant 0 : i32
    %scan3A_68 = arith.constant 0 : i32
    %scan3A_69 = arith.constant 10 : i32
    %scan3A_70 = arith.addi %scan3A_68, %scan3A_69 : i32
    %scan3A_71 = arith.constant 1 : i32
    %scan3A_72 = scf.for %scan3A_181 = %scan3A_68 to %scan3A_70 step %scan3A_71 iter_args(%scan3A_182 = %scan3A_67) -> (i32)  : i32 {
      %mul3A_183 = arith.constant 640 : i32
      %mul3A_184 = arith.muli %arg1, %mul3A_183 : i32
      %mul3A_185 = arith.constant 64 : i32
      %mul3A_186 = arith.muli %scan3A_181, %mul3A_185 : i32
      %add3A_187 = arith.addi %mul3A_184, %mul3A_186 : i32
      "tpu.region"() ({
        %run_scoped3A = tpu.sem_alloc : memref<!tpu.dma_semaphore, #tpu.memory_space<semaphore_mem>>
        %dma_start3A_192 = arith.constant 0 : i32
        %dma_start3A_193 = tpu.memref_slice %arg13[%add3A_187, %dma_start3A_192] : memref<10240x144xf32, #tpu.memory_space<vmem_shared>> -> memref<64x144xf32, #tpu.memory_space<vmem_shared>>
        %dma_start3A_194 = arith.constant 0 : i32
        %dma_start3A_195 = tpu.memref_slice %arg13[%add3A_187, %dma_start3A_194] : memref<10240x144xf32, #tpu.memory_space<vmem_shared>> -> memref<64x144xf32, #tpu.memory_space<vmem_shared>>
        tpu.enqueue_dma source(%dma_start3A_195 : memref<64x144xf32, #tpu.memory_space<vmem_shared>>) target(%arg24 : memref<64x144xf32, #tpu.memory_space<vmem>>) target_semaphore(%run_scoped3A : memref<!tpu.dma_semaphore, #tpu.memory_space<semaphore_mem>>)
        %dma_wait3A_196 = arith.constant 0 : i32
        %dma_wait3A_197 = tpu.memref_slice %arg13[%add3A_187, %dma_wait3A_196] : memref<10240x144xf32, #tpu.memory_space<vmem_shared>> -> memref<64x144xf32, #tpu.memory_space<vmem_shared>>
        %dma_wait3A_198 = arith.constant 0 : i32
        %dma_wait3A_199 = tpu.memref_slice %arg13[%add3A_187, %dma_wait3A_198] : memref<10240x144xf32, #tpu.memory_space<vmem_shared>> -> memref<64x144xf32, #tpu.memory_space<vmem_shared>>
        tpu.wait_dma2 semaphore(%run_scoped3A : memref<!tpu.dma_semaphore, #tpu.memory_space<semaphore_mem>>) src(%dma_wait3A_199 : memref<64x144xf32, #tpu.memory_space<vmem_shared>>) dst(%arg24 : memref<64x144xf32, #tpu.memory_space<vmem>>)
        tpu.yield
      }) : () -> ()
      %parallel_loop3A = arith.constant 0 : i32
      %parallel_loop3A_188 = arith.constant 64 : i32
      %parallel_loop3A_189 = arith.constant 1 : i32
      scf.for %parallel_loop3A_192 = %parallel_loop3A to %parallel_loop3A_188 step %parallel_loop3A_189  : i32 {
        %parallel_loop3A_193 = vector.broadcast %parallel_loop3A_192 : i32 to vector<16xi32>
        %parallel_loop3A_194 = arith.constant 128 : i32
        %parallel_loop3A_195 = vector.broadcast %parallel_loop3A_194 : i32 to vector<16xi32>
        %parallel_loop3A_196 = tpu.vector_load_idx %arg24[%parallel_loop3A_193, %parallel_loop3A_195] : memref<64x144xf32, #tpu.memory_space<vmem>>[vector<16xi32>, vector<16xi32>], vector<16xf32>,
        %parallel_loop3A_197 = arith.constant 1.000000e-16 : f32
        %parallel_loop3A_198 = vector.broadcast %parallel_loop3A_197 : f32 to vector<16xf32>
        %parallel_loop3A_199 = arith.addf %parallel_loop3A_196, %parallel_loop3A_198 : vector<16xf32>
        %parallel_loop3A_200 = arith.constant 1.000000e+00 : f32
        %parallel_loop3A_201 = vector.broadcast %parallel_loop3A_200 : f32 to vector<16xf32>
        %parallel_loop3A_202 = arith.divf %parallel_loop3A_201, %parallel_loop3A_199 : vector<16xf32>
        %parallel_loop3A_203 = arith.constant 0 : index
        %parallel_loop3A_204 = tpu.vector_load %arg27[%parallel_loop3A_203] {strides = array<i32>} : memref<288xf32, #tpu.memory_space<vmem>>, vector<16xf32>,
        %parallel_loop3A_205 = arith.index_cast %parallel_loop3A_192 : i32 to index
        %parallel_loop3A_206 = arith.constant 0 : index
        %parallel_loop3A_207 = tpu.vector_load %arg24[%parallel_loop3A_205, %parallel_loop3A_206] {strides = array<i32>} : memref<64x144xf32, #tpu.memory_space<vmem>>, vector<16xf32>,
        %parallel_loop3A_208 = arith.mulf %parallel_loop3A_207, %parallel_loop3A_202 : vector<16xf32>
        %parallel_loop3A_209 = arith.addf %parallel_loop3A_208, %parallel_loop3A_204 : vector<16xf32>
        %parallel_loop3A_210 = arith.constant 0.00999999977 : f32
        %parallel_loop3A_211 = vector.broadcast %parallel_loop3A_210 : f32 to vector<16xf32>
        %parallel_loop3A_212 = arith.mulf %parallel_loop3A_211, %parallel_loop3A_209 : vector<16xf32>
        %parallel_loop3A_213 = arith.maximumf %parallel_loop3A_209, %parallel_loop3A_212 : vector<16xf32>
        %parallel_loop3A_214 = arith.constant 256 : index
        %parallel_loop3A_215 = tpu.vector_load %arg27[%parallel_loop3A_214] {strides = array<i32>} : memref<288xf32, #tpu.memory_space<vmem>>, vector<16xf32>,
        %parallel_loop3A_216 = arith.mulf %parallel_loop3A_213, %parallel_loop3A_215 : vector<16xf32>
        %parallel_loop3A_217 = arith.index_cast %parallel_loop3A_192 : i32 to index
        %parallel_loop3A_218 = arith.constant 0 : index
        %parallel_loop3A_219 = tpu.vector_load %arg26[%parallel_loop3A_217, %parallel_loop3A_218] {strides = array<i32>} : memref<64x128xf32, #tpu.memory_space<vmem>>, vector<16xf32>,
        tpu.vector_store %arg26[%parallel_loop3A_217, %parallel_loop3A_218], %parallel_loop3A_216 {strides = array<i32>} : memref<64x128xf32, #tpu.memory_space<vmem>>, vector<16xf32>,
        %parallel_loop3A_220 = arith.constant 16 : index
        %parallel_loop3A_221 = tpu.vector_load %arg27[%parallel_loop3A_220] {strides = array<i32>} : memref<288xf32, #tpu.memory_space<vmem>>, vector<16xf32>,
        %parallel_loop3A_222 = arith.index_cast %parallel_loop3A_192 : i32 to index
        %parallel_loop3A_223 = arith.constant 16 : index
        %parallel_loop3A_224 = tpu.vector_load %arg24[%parallel_loop3A_222, %parallel_loop3A_223] {strides = array<i32>} : memref<64x144xf32, #tpu.memory_space<vmem>>, vector<16xf32>,
        %parallel_loop3A_225 = arith.mulf %parallel_loop3A_224, %parallel_loop3A_202 : vector<16xf32>
        %parallel_loop3A_226 = arith.addf %parallel_loop3A_225, %parallel_loop3A_221 : vector<16xf32>
        %parallel_loop3A_227 = arith.constant 0.00999999977 : f32
        %parallel_loop3A_228 = vector.broadcast %parallel_loop3A_227 : f32 to vector<16xf32>
        %parallel_loop3A_229 = arith.mulf %parallel_loop3A_228, %parallel_loop3A_226 : vector<16xf32>
        %parallel_loop3A_230 = arith.maximumf %parallel_loop3A_226, %parallel_loop3A_229 : vector<16xf32>
        %parallel_loop3A_231 = arith.constant 256 : index
        %parallel_loop3A_232 = tpu.vector_load %arg27[%parallel_loop3A_231] {strides = array<i32>} : memref<288xf32, #tpu.memory_space<vmem>>, vector<16xf32>,
        %parallel_loop3A_233 = arith.mulf %parallel_loop3A_230, %parallel_loop3A_232 : vector<16xf32>
        %parallel_loop3A_234 = arith.index_cast %parallel_loop3A_192 : i32 to index
        %parallel_loop3A_235 = arith.constant 16 : index
        %parallel_loop3A_236 = tpu.vector_load %arg26[%parallel_loop3A_234, %parallel_loop3A_235] {strides = array<i32>} : memref<64x128xf32, #tpu.memory_space<vmem>>, vector<16xf32>,
        tpu.vector_store %arg26[%parallel_loop3A_234, %parallel_loop3A_235], %parallel_loop3A_233 {strides = array<i32>} : memref<64x128xf32, #tpu.memory_space<vmem>>, vector<16xf32>,
        %parallel_loop3A_237 = arith.constant 32 : index
        %parallel_loop3A_238 = tpu.vector_load %arg27[%parallel_loop3A_237] {strides = array<i32>} : memref<288xf32, #tpu.memory_space<vmem>>, vector<16xf32>,
        %parallel_loop3A_239 = arith.index_cast %parallel_loop3A_192 : i32 to index
        %parallel_loop3A_240 = arith.constant 32 : index
        %parallel_loop3A_241 = tpu.vector_load %arg24[%parallel_loop3A_239, %parallel_loop3A_240] {strides = array<i32>} : memref<64x144xf32, #tpu.memory_space<vmem>>, vector<16xf32>,
        %parallel_loop3A_242 = arith.mulf %parallel_loop3A_241, %parallel_loop3A_202 : vector<16xf32>
        %parallel_loop3A_243 = arith.addf %parallel_loop3A_242, %parallel_loop3A_238 : vector<16xf32>
        %parallel_loop3A_244 = arith.constant 0.00999999977 : f32
        %parallel_loop3A_245 = vector.broadcast %parallel_loop3A_244 : f32 to vector<16xf32>
        %parallel_loop3A_246 = arith.mulf %parallel_loop3A_245, %parallel_loop3A_243 : vector<16xf32>
        %parallel_loop3A_247 = arith.maximumf %parallel_loop3A_243, %parallel_loop3A_246 : vector<16xf32>
        %parallel_loop3A_248 = arith.constant 256 : index
        %parallel_loop3A_249 = tpu.vector_load %arg27[%parallel_loop3A_248] {strides = array<i32>} : memref<288xf32, #tpu.memory_space<vmem>>, vector<16xf32>,
        %parallel_loop3A_250 = arith.mulf %parallel_loop3A_247, %parallel_loop3A_249 : vector<16xf32>
        %parallel_loop3A_251 = arith.index_cast %parallel_loop3A_192 : i32 to index
        %parallel_loop3A_252 = arith.constant 32 : index
        %parallel_loop3A_253 = tpu.vector_load %arg26[%parallel_loop3A_251, %parallel_loop3A_252] {strides = array<i32>} : memref<64x128xf32, #tpu.memory_space<vmem>>, vector<16xf32>,
        tpu.vector_store %arg26[%parallel_loop3A_251, %parallel_loop3A_252], %parallel_loop3A_250 {strides = array<i32>} : memref<64x128xf32, #tpu.memory_space<vmem>>, vector<16xf32>,
        %parallel_loop3A_254 = arith.constant 48 : index
        %parallel_loop3A_255 = tpu.vector_load %arg27[%parallel_loop3A_254] {strides = array<i32>} : memref<288xf32, #tpu.memory_space<vmem>>, vector<16xf32>,
        %parallel_loop3A_256 = arith.index_cast %parallel_loop3A_192 : i32 to index
        %parallel_loop3A_257 = arith.constant 48 : index
        %parallel_loop3A_258 = tpu.vector_load %arg24[%parallel_loop3A_256, %parallel_loop3A_257] {strides = array<i32>} : memref<64x144xf32, #tpu.memory_space<vmem>>, vector<16xf32>,
        %parallel_loop3A_259 = arith.mulf %parallel_loop3A_258, %parallel_loop3A_202 : vector<16xf32>
        %parallel_loop3A_260 = arith.addf %parallel_loop3A_259, %parallel_loop3A_255 : vector<16xf32>
        %parallel_loop3A_261 = arith.constant 0.00999999977 : f32
        %parallel_loop3A_262 = vector.broadcast %parallel_loop3A_261 : f32 to vector<16xf32>
        %parallel_loop3A_263 = arith.mulf %parallel_loop3A_262, %parallel_loop3A_260 : vector<16xf32>
        %parallel_loop3A_264 = arith.maximumf %parallel_loop3A_260, %parallel_loop3A_263 : vector<16xf32>
        %parallel_loop3A_265 = arith.constant 256 : index
        %parallel_loop3A_266 = tpu.vector_load %arg27[%parallel_loop3A_265] {strides = array<i32>} : memref<288xf32, #tpu.memory_space<vmem>>, vector<16xf32>,
        %parallel_loop3A_267 = arith.mulf %parallel_loop3A_264, %parallel_loop3A_266 : vector<16xf32>
        %parallel_loop3A_268 = arith.index_cast %parallel_loop3A_192 : i32 to index
        %parallel_loop3A_269 = arith.constant 48 : index
        %parallel_loop3A_270 = tpu.vector_load %arg26[%parallel_loop3A_268, %parallel_loop3A_269] {strides = array<i32>} : memref<64x128xf32, #tpu.memory_space<vmem>>, vector<16xf32>,
        tpu.vector_store %arg26[%parallel_loop3A_268, %parallel_loop3A_269], %parallel_loop3A_267 {strides = array<i32>} : memref<64x128xf32, #tpu.memory_space<vmem>>, vector<16xf32>,
        %parallel_loop3A_271 = arith.constant 64 : index
        %parallel_loop3A_272 = tpu.vector_load %arg27[%parallel_loop3A_271] {strides = array<i32>} : memref<288xf32, #tpu.memory_space<vmem>>, vector<16xf32>,
        %parallel_loop3A_273 = arith.index_cast %parallel_loop3A_192 : i32 to index
        %parallel_loop3A_274 = arith.constant 64 : index
        %parallel_loop3A_275 = tpu.vector_load %arg24[%parallel_loop3A_273, %parallel_loop3A_274] {strides = array<i32>} : memref<64x144xf32, #tpu.memory_space<vmem>>, vector<16xf32>,
        %parallel_loop3A_276 = arith.mulf %parallel_loop3A_275, %parallel_loop3A_202 : vector<16xf32>
        %parallel_loop3A_277 = arith.addf %parallel_loop3A_276, %parallel_loop3A_272 : vector<16xf32>
        %parallel_loop3A_278 = arith.constant 0.00999999977 : f32
        %parallel_loop3A_279 = vector.broadcast %parallel_loop3A_278 : f32 to vector<16xf32>
        %parallel_loop3A_280 = arith.mulf %parallel_loop3A_279, %parallel_loop3A_277 : vector<16xf32>
        %parallel_loop3A_281 = arith.maximumf %parallel_loop3A_277, %parallel_loop3A_280 : vector<16xf32>
        %parallel_loop3A_282 = arith.constant 256 : index
        %parallel_loop3A_283 = tpu.vector_load %arg27[%parallel_loop3A_282] {strides = array<i32>} : memref<288xf32, #tpu.memory_space<vmem>>, vector<16xf32>,
        %parallel_loop3A_284 = arith.mulf %parallel_loop3A_281, %parallel_loop3A_283 : vector<16xf32>
        %parallel_loop3A_285 = arith.index_cast %parallel_loop3A_192 : i32 to index
        %parallel_loop3A_286 = arith.constant 64 : index
        %parallel_loop3A_287 = tpu.vector_load %arg26[%parallel_loop3A_285, %parallel_loop3A_286] {strides = array<i32>} : memref<64x128xf32, #tpu.memory_space<vmem>>, vector<16xf32>,
        tpu.vector_store %arg26[%parallel_loop3A_285, %parallel_loop3A_286], %parallel_loop3A_284 {strides = array<i32>} : memref<64x128xf32, #tpu.memory_space<vmem>>, vector<16xf32>,
        %parallel_loop3A_288 = arith.constant 80 : index
        %parallel_loop3A_289 = tpu.vector_load %arg27[%parallel_loop3A_288] {strides = array<i32>} : memref<288xf32, #tpu.memory_space<vmem>>, vector<16xf32>,
        %parallel_loop3A_290 = arith.index_cast %parallel_loop3A_192 : i32 to index
        %parallel_loop3A_291 = arith.constant 80 : index
        %parallel_loop3A_292 = tpu.vector_load %arg24[%parallel_loop3A_290, %parallel_loop3A_291] {strides = array<i32>} : memref<64x144xf32, #tpu.memory_space<vmem>>, vector<16xf32>,
        %parallel_loop3A_293 = arith.mulf %parallel_loop3A_292, %parallel_loop3A_202 : vector<16xf32>
        %parallel_loop3A_294 = arith.addf %parallel_loop3A_293, %parallel_loop3A_289 : vector<16xf32>
        %parallel_loop3A_295 = arith.constant 0.00999999977 : f32
        %parallel_loop3A_296 = vector.broadcast %parallel_loop3A_295 : f32 to vector<16xf32>
        %parallel_loop3A_297 = arith.mulf %parallel_loop3A_296, %parallel_loop3A_294 : vector<16xf32>
        %parallel_loop3A_298 = arith.maximumf %parallel_loop3A_294, %parallel_loop3A_297 : vector<16xf32>
        %parallel_loop3A_299 = arith.constant 256 : index
        %parallel_loop3A_300 = tpu.vector_load %arg27[%parallel_loop3A_299] {strides = array<i32>} : memref<288xf32, #tpu.memory_space<vmem>>, vector<16xf32>,
        %parallel_loop3A_301 = arith.mulf %parallel_loop3A_298, %parallel_loop3A_300 : vector<16xf32>
        %parallel_loop3A_302 = arith.index_cast %parallel_loop3A_192 : i32 to index
        %parallel_loop3A_303 = arith.constant 80 : index
        %parallel_loop3A_304 = tpu.vector_load %arg26[%parallel_loop3A_302, %parallel_loop3A_303] {strides = array<i32>} : memref<64x128xf32, #tpu.memory_space<vmem>>, vector<16xf32>,
        tpu.vector_store %arg26[%parallel_loop3A_302, %parallel_loop3A_303], %parallel_loop3A_301 {strides = array<i32>} : memref<64x128xf32, #tpu.memory_space<vmem>>, vector<16xf32>,
        %parallel_loop3A_305 = arith.constant 96 : index
        %parallel_loop3A_306 = tpu.vector_load %arg27[%parallel_loop3A_305] {strides = array<i32>} : memref<288xf32, #tpu.memory_space<vmem>>, vector<16xf32>,
        %parallel_loop3A_307 = arith.index_cast %parallel_loop3A_192 : i32 to index
        %parallel_loop3A_308 = arith.constant 96 : index
        %parallel_loop3A_309 = tpu.vector_load %arg24[%parallel_loop3A_307, %parallel_loop3A_308] {strides = array<i32>} : memref<64x144xf32, #tpu.memory_space<vmem>>, vector<16xf32>,
        %parallel_loop3A_310 = arith.mulf %parallel_loop3A_309, %parallel_loop3A_202 : vector<16xf32>
        %parallel_loop3A_311 = arith.addf %parallel_loop3A_310, %parallel_loop3A_306 : vector<16xf32>
        %parallel_loop3A_312 = arith.constant 0.00999999977 : f32
        %parallel_loop3A_313 = vector.broadcast %parallel_loop3A_312 : f32 to vector<16xf32>
        %parallel_loop3A_314 = arith.mulf %parallel_loop3A_313, %parallel_loop3A_311 : vector<16xf32>
        %parallel_loop3A_315 = arith.maximumf %parallel_loop3A_311, %parallel_loop3A_314 : vector<16xf32>
        %parallel_loop3A_316 = arith.constant 256 : index
        %parallel_loop3A_317 = tpu.vector_load %arg27[%parallel_loop3A_316] {strides = array<i32>} : memref<288xf32, #tpu.memory_space<vmem>>, vector<16xf32>,
        %parallel_loop3A_318 = arith.mulf %parallel_loop3A_315, %parallel_loop3A_317 : vector<16xf32>
        %parallel_loop3A_319 = arith.index_cast %parallel_loop3A_192 : i32 to index
        %parallel_loop3A_320 = arith.constant 96 : index
        %parallel_loop3A_321 = tpu.vector_load %arg26[%parallel_loop3A_319, %parallel_loop3A_320] {strides = array<i32>} : memref<64x128xf32, #tpu.memory_space<vmem>>, vector<16xf32>,
        tpu.vector_store %arg26[%parallel_loop3A_319, %parallel_loop3A_320], %parallel_loop3A_318 {strides = array<i32>} : memref<64x128xf32, #tpu.memory_space<vmem>>, vector<16xf32>,
        %parallel_loop3A_322 = arith.constant 112 : index
        %parallel_loop3A_323 = tpu.vector_load %arg27[%parallel_loop3A_322] {strides = array<i32>} : memref<288xf32, #tpu.memory_space<vmem>>, vector<16xf32>,
        %parallel_loop3A_324 = arith.index_cast %parallel_loop3A_192 : i32 to index
        %parallel_loop3A_325 = arith.constant 112 : index
        %parallel_loop3A_326 = tpu.vector_load %arg24[%parallel_loop3A_324, %parallel_loop3A_325] {strides = array<i32>} : memref<64x144xf32, #tpu.memory_space<vmem>>, vector<16xf32>,
        %parallel_loop3A_327 = arith.mulf %parallel_loop3A_326, %parallel_loop3A_202 : vector<16xf32>
        %parallel_loop3A_328 = arith.addf %parallel_loop3A_327, %parallel_loop3A_323 : vector<16xf32>
        %parallel_loop3A_329 = arith.constant 0.00999999977 : f32
        %parallel_loop3A_330 = vector.broadcast %parallel_loop3A_329 : f32 to vector<16xf32>
        %parallel_loop3A_331 = arith.mulf %parallel_loop3A_330, %parallel_loop3A_328 : vector<16xf32>
        %parallel_loop3A_332 = arith.maximumf %parallel_loop3A_328, %parallel_loop3A_331 : vector<16xf32>
        %parallel_loop3A_333 = arith.constant 256 : index
        %parallel_loop3A_334 = tpu.vector_load %arg27[%parallel_loop3A_333] {strides = array<i32>} : memref<288xf32, #tpu.memory_space<vmem>>, vector<16xf32>,
        %parallel_loop3A_335 = arith.mulf %parallel_loop3A_332, %parallel_loop3A_334 : vector<16xf32>
        %parallel_loop3A_336 = arith.index_cast %parallel_loop3A_192 : i32 to index
        %parallel_loop3A_337 = arith.constant 112 : index
        %parallel_loop3A_338 = tpu.vector_load %arg26[%parallel_loop3A_336, %parallel_loop3A_337] {strides = array<i32>} : memref<64x128xf32, #tpu.memory_space<vmem>>, vector<16xf32>,
        tpu.vector_store %arg26[%parallel_loop3A_336, %parallel_loop3A_337], %parallel_loop3A_335 {strides = array<i32>} : memref<64x128xf32, #tpu.memory_space<vmem>>, vector<16xf32>,
      } {sc.loop_unroll_factor = 2 : i64, sc.parallel_access}
      %add3A_190 = arith.addi %mul3A_2, %add3A_187 : i32
      "tpu.region"() ({
        %run_scoped3A = tpu.sem_alloc : memref<!tpu.dma_semaphore, #tpu.memory_space<semaphore_mem>>
        %dma_start3A_192 = arith.constant 0 : i32
        %dma_start3A_193 = tpu.memref_slice %arg12[%add3A_190, %dma_start3A_192] : memref<20480x128xf32, #tpu.memory_space<hbm>> -> memref<64x128xf32, #tpu.memory_space<hbm>>
        %dma_start3A_194 = arith.constant 0 : i32
        %dma_start3A_195 = tpu.memref_slice %arg12[%add3A_190, %dma_start3A_194] : memref<20480x128xf32, #tpu.memory_space<hbm>> -> memref<64x128xf32, #tpu.memory_space<hbm>>
        tpu.enqueue_dma source(%arg26 : memref<64x128xf32, #tpu.memory_space<vmem>>) target(%dma_start3A_195 : memref<64x128xf32, #tpu.memory_space<hbm>>) target_semaphore(%run_scoped3A : memref<!tpu.dma_semaphore, #tpu.memory_space<semaphore_mem>>)
        %dma_wait3A_196 = arith.constant 0 : i32
        %dma_wait3A_197 = tpu.memref_slice %arg12[%add3A_190, %dma_wait3A_196] : memref<20480x128xf32, #tpu.memory_space<hbm>> -> memref<64x128xf32, #tpu.memory_space<hbm>>
        %dma_wait3A_198 = arith.constant 0 : i32
        %dma_wait3A_199 = tpu.memref_slice %arg12[%add3A_190, %dma_wait3A_198] : memref<20480x128xf32, #tpu.memory_space<hbm>> -> memref<64x128xf32, #tpu.memory_space<hbm>>
        tpu.wait_dma2 semaphore(%run_scoped3A : memref<!tpu.dma_semaphore, #tpu.memory_space<semaphore_mem>>) src(%arg26 : memref<64x128xf32, #tpu.memory_space<vmem>>) dst(%dma_wait3A_199 : memref<64x128xf32, #tpu.memory_space<hbm>>)
        tpu.yield
      }) : () -> ()
      %scan3A_191 = arith.constant 0 : i32
      scf.yield %scan3A_191 : i32
    }
    %scan3A_73 = arith.constant 10 : i32
    %scan3A_74 = arith.constant 0 : i32
    %scan3A_75 = arith.constant 0 : i32
    %scan3A_76 = arith.constant 64 : i32
    %scan3A_77 = arith.addi %scan3A_75, %scan3A_76 : i32
    %scan3A_78 = arith.constant 1 : i32
    %scan3A_79 = scf.for %scan3A_181 = %scan3A_75 to %scan3A_77 step %scan3A_78 iter_args(%scan3A_182 = %scan3A_74) -> (i32)  : i32 {
      %broadcast_in_dim3A = arith.constant 0.000000e+00 : f32
      %broadcast_in_dim3A_183 = vector.broadcast %broadcast_in_dim3A : f32 to vector<16xf32>
      %swap3A = arith.index_cast %scan3A_181 : i32 to index
      %swap3A_184 = arith.constant 0 : index
      %swap3A_185 = tpu.vector_load %arg24[%swap3A, %swap3A_184] {strides = array<i32>} : memref<64x144xf32, #tpu.memory_space<vmem>>, vector<16xf32>,
      tpu.vector_store %arg24[%swap3A, %swap3A_184], %broadcast_in_dim3A_183 {strides = array<i32>} : memref<64x144xf32, #tpu.memory_space<vmem>>, vector<16xf32>,
      %broadcast_in_dim3A_186 = arith.constant 0.000000e+00 : f32
      %broadcast_in_dim3A_187 = vector.broadcast %broadcast_in_dim3A_186 : f32 to vector<16xf32>
      %swap3A_188 = arith.index_cast %scan3A_181 : i32 to index
      %swap3A_189 = arith.constant 16 : index
      %swap3A_190 = tpu.vector_load %arg24[%swap3A_188, %swap3A_189] {strides = array<i32>} : memref<64x144xf32, #tpu.memory_space<vmem>>, vector<16xf32>,
      tpu.vector_store %arg24[%swap3A_188, %swap3A_189], %broadcast_in_dim3A_187 {strides = array<i32>} : memref<64x144xf32, #tpu.memory_space<vmem>>, vector<16xf32>,
      %broadcast_in_dim3A_191 = arith.constant 0.000000e+00 : f32
      %broadcast_in_dim3A_192 = vector.broadcast %broadcast_in_dim3A_191 : f32 to vector<16xf32>
      %swap3A_193 = arith.index_cast %scan3A_181 : i32 to index
      %swap3A_194 = arith.constant 32 : index
      %swap3A_195 = tpu.vector_load %arg24[%swap3A_193, %swap3A_194] {strides = array<i32>} : memref<64x144xf32, #tpu.memory_space<vmem>>, vector<16xf32>,
      tpu.vector_store %arg24[%swap3A_193, %swap3A_194], %broadcast_in_dim3A_192 {strides = array<i32>} : memref<64x144xf32, #tpu.memory_space<vmem>>, vector<16xf32>,
      %broadcast_in_dim3A_196 = arith.constant 0.000000e+00 : f32
      %broadcast_in_dim3A_197 = vector.broadcast %broadcast_in_dim3A_196 : f32 to vector<16xf32>
      %swap3A_198 = arith.index_cast %scan3A_181 : i32 to index
      %swap3A_199 = arith.constant 48 : index
      %swap3A_200 = tpu.vector_load %arg24[%swap3A_198, %swap3A_199] {strides = array<i32>} : memref<64x144xf32, #tpu.memory_space<vmem>>, vector<16xf32>,
      tpu.vector_store %arg24[%swap3A_198, %swap3A_199], %broadcast_in_dim3A_197 {strides = array<i32>} : memref<64x144xf32, #tpu.memory_space<vmem>>, vector<16xf32>,
      %broadcast_in_dim3A_201 = arith.constant 0.000000e+00 : f32
      %broadcast_in_dim3A_202 = vector.broadcast %broadcast_in_dim3A_201 : f32 to vector<16xf32>
      %swap3A_203 = arith.index_cast %scan3A_181 : i32 to index
      %swap3A_204 = arith.constant 64 : index
      %swap3A_205 = tpu.vector_load %arg24[%swap3A_203, %swap3A_204] {strides = array<i32>} : memref<64x144xf32, #tpu.memory_space<vmem>>, vector<16xf32>,
      tpu.vector_store %arg24[%swap3A_203, %swap3A_204], %broadcast_in_dim3A_202 {strides = array<i32>} : memref<64x144xf32, #tpu.memory_space<vmem>>, vector<16xf32>,
      %broadcast_in_dim3A_206 = arith.constant 0.000000e+00 : f32
      %broadcast_in_dim3A_207 = vector.broadcast %broadcast_in_dim3A_206 : f32 to vector<16xf32>
      %swap3A_208 = arith.index_cast %scan3A_181 : i32 to index
      %swap3A_209 = arith.constant 80 : index
      %swap3A_210 = tpu.vector_load %arg24[%swap3A_208, %swap3A_209] {strides = array<i32>} : memref<64x144xf32, #tpu.memory_space<vmem>>, vector<16xf32>,
      tpu.vector_store %arg24[%swap3A_208, %swap3A_209], %broadcast_in_dim3A_207 {strides = array<i32>} : memref<64x144xf32, #tpu.memory_space<vmem>>, vector<16xf32>,
      %broadcast_in_dim3A_211 = arith.constant 0.000000e+00 : f32
      %broadcast_in_dim3A_212 = vector.broadcast %broadcast_in_dim3A_211 : f32 to vector<16xf32>
      %swap3A_213 = arith.index_cast %scan3A_181 : i32 to index
      %swap3A_214 = arith.constant 96 : index
      %swap3A_215 = tpu.vector_load %arg24[%swap3A_213, %swap3A_214] {strides = array<i32>} : memref<64x144xf32, #tpu.memory_space<vmem>>, vector<16xf32>,
      tpu.vector_store %arg24[%swap3A_213, %swap3A_214], %broadcast_in_dim3A_212 {strides = array<i32>} : memref<64x144xf32, #tpu.memory_space<vmem>>, vector<16xf32>,
      %broadcast_in_dim3A_216 = arith.constant 0.000000e+00 : f32
      %broadcast_in_dim3A_217 = vector.broadcast %broadcast_in_dim3A_216 : f32 to vector<16xf32>
      %swap3A_218 = arith.index_cast %scan3A_181 : i32 to index
      %swap3A_219 = arith.constant 112 : index
      %swap3A_220 = tpu.vector_load %arg24[%swap3A_218, %swap3A_219] {strides = array<i32>} : memref<64x144xf32, #tpu.memory_space<vmem>>, vector<16xf32>,
      tpu.vector_store %arg24[%swap3A_218, %swap3A_219], %broadcast_in_dim3A_217 {strides = array<i32>} : memref<64x144xf32, #tpu.memory_space<vmem>>, vector<16xf32>,
      %broadcast_in_dim3A_221 = arith.constant 0.000000e+00 : f32
      %broadcast_in_dim3A_222 = vector.broadcast %broadcast_in_dim3A_221 : f32 to vector<16xf32>
      %swap3A_223 = arith.index_cast %scan3A_181 : i32 to index
      %swap3A_224 = arith.constant 128 : index
      %swap3A_225 = tpu.vector_load %arg24[%swap3A_223, %swap3A_224] {strides = array<i32>} : memref<64x144xf32, #tpu.memory_space<vmem>>, vector<16xf32>,
      tpu.vector_store %arg24[%swap3A_223, %swap3A_224], %broadcast_in_dim3A_222 {strides = array<i32>} : memref<64x144xf32, #tpu.memory_space<vmem>>, vector<16xf32>,
      %scan3A_226 = arith.constant 0 : i32
      scf.yield %scan3A_226 : i32
    }
    %scan3A_80 = arith.constant 64 : i32
    %scan3A_81 = arith.constant 0 : i32
    %scan3A_82 = arith.constant 0 : i32
    %scan3A_83 = arith.constant 10 : i32
    %scan3A_84 = arith.addi %scan3A_82, %scan3A_83 : i32
    %scan3A_85 = arith.constant 1 : i32
    %scan3A_86 = scf.for %scan3A_181 = %scan3A_82 to %scan3A_84 step %scan3A_85 iter_args(%scan3A_182 = %scan3A_81) -> (i32)  : i32 {
      %mul3A_183 = arith.constant 640 : i32
      %mul3A_184 = arith.muli %arg1, %mul3A_183 : i32
      %mul3A_185 = arith.constant 64 : i32
      %mul3A_186 = arith.muli %scan3A_181, %mul3A_185 : i32
      %add3A_187 = arith.addi %mul3A_184, %mul3A_186 : i32
      "tpu.region"() ({
        %run_scoped3A = tpu.sem_alloc : memref<!tpu.dma_semaphore, #tpu.memory_space<semaphore_mem>>
        %dma_start3A_189 = arith.constant 0 : i32
        %dma_start3A_190 = tpu.memref_slice %arg13[%add3A_187, %dma_start3A_189] : memref<10240x144xf32, #tpu.memory_space<vmem_shared>> -> memref<64x144xf32, #tpu.memory_space<vmem_shared>>
        %dma_start3A_191 = arith.constant 0 : i32
        %dma_start3A_192 = tpu.memref_slice %arg13[%add3A_187, %dma_start3A_191] : memref<10240x144xf32, #tpu.memory_space<vmem_shared>> -> memref<64x144xf32, #tpu.memory_space<vmem_shared>>
        tpu.enqueue_dma source(%arg24 : memref<64x144xf32, #tpu.memory_space<vmem>>) target(%dma_start3A_192 : memref<64x144xf32, #tpu.memory_space<vmem_shared>>) target_semaphore(%run_scoped3A : memref<!tpu.dma_semaphore, #tpu.memory_space<semaphore_mem>>)
        %dma_wait3A_193 = arith.constant 0 : i32
        %dma_wait3A_194 = tpu.memref_slice %arg13[%add3A_187, %dma_wait3A_193] : memref<10240x144xf32, #tpu.memory_space<vmem_shared>> -> memref<64x144xf32, #tpu.memory_space<vmem_shared>>
        %dma_wait3A_195 = arith.constant 0 : i32
        %dma_wait3A_196 = tpu.memref_slice %arg13[%add3A_187, %dma_wait3A_195] : memref<10240x144xf32, #tpu.memory_space<vmem_shared>> -> memref<64x144xf32, #tpu.memory_space<vmem_shared>>
        tpu.wait_dma2 semaphore(%run_scoped3A : memref<!tpu.dma_semaphore, #tpu.memory_space<semaphore_mem>>) src(%arg24 : memref<64x144xf32, #tpu.memory_space<vmem>>) dst(%dma_wait3A_196 : memref<64x144xf32, #tpu.memory_space<vmem_shared>>)
        tpu.yield
      }) : () -> ()
      %scan3A_188 = arith.constant 0 : i32
      scf.yield %scan3A_188 : i32
    }
    %scan3A_87 = arith.constant 10 : i32
    %barrier3A_88 = arith.constant 0 : index
    tpu.barrier barrier_id(%barrier3A_88)
    %jit3A = arith.constant 2 : i32
    %eq3A = arith.constant 0 : i32
    %eq3A_89 = arith.cmpi eq, %jit3A, %eq3A : i32
    %jit3A_90 = arith.constant 1 : i32
    %select_n3A = arith.select %eq3A_89, %jit3A_90, %jit3A : i32
    %rem3A = arith.remsi %arg1, %select_n3A : i32
    %ne3A = arith.constant 0 : i32
    %ne3A_91 = arith.cmpi ne, %rem3A, %ne3A : i32
    %lt3A = arith.constant 0 : i32
    %lt3A_92 = arith.cmpi slt, %rem3A, %lt3A : i32
    %lt3A_93 = arith.constant 0 : i32
    %lt3A_94 = arith.cmpi slt, %select_n3A, %lt3A_93 : i32
    %ne3A_95 = arith.xori %lt3A_92, %lt3A_94 : i1
    %and3A = arith.andi %ne3A_95, %ne3A_91 : i1
    %add3A_96 = arith.addi %rem3A, %select_n3A : i32
    %select_n3A_97 = arith.select %and3A, %add3A_96, %rem3A : i32
    %jit3A_98 = arith.constant 2 : i32
    %div3A = arith.divsi %arg1, %jit3A_98 : i32
    %sign3A = arith.constant 0 : i32
    %sign3A_99 = arith.cmpi sgt, %arg1, %sign3A : i32
    %sign3A_100 = arith.extui %sign3A_99 : i1 to i32
    %sign3A_101 = arith.constant 0 : i32
    %sign3A_102 = arith.cmpi slt, %arg1, %sign3A_101 : i32
    %sign3A_103 = arith.extui %sign3A_102 : i1 to i32
    %sign3A_104 = arith.subi %sign3A_100, %sign3A_103 : i32
    %sign3A_105 = arith.constant 0 : i32
    %sign3A_106 = arith.cmpi sgt, %jit3A_98, %sign3A_105 : i32
    %sign3A_107 = arith.extui %sign3A_106 : i1 to i32
    %sign3A_108 = arith.constant 0 : i32
    %sign3A_109 = arith.cmpi slt, %jit3A_98, %sign3A_108 : i32
    %sign3A_110 = arith.extui %sign3A_109 : i1 to i32
    %sign3A_111 = arith.subi %sign3A_107, %sign3A_110 : i32
    %ne3A_112 = arith.cmpi ne, %sign3A_104, %sign3A_111 : i32
    %rem3A_113 = arith.remsi %arg1, %jit3A_98 : i32
    %ne3A_114 = arith.constant 0 : i32
    %ne3A_115 = arith.cmpi ne, %rem3A_113, %ne3A_114 : i32
    %and3A_116 = arith.andi %ne3A_112, %ne3A_115 : i1
    %sub3A = arith.constant 1 : i32
    %sub3A_117 = arith.subi %div3A, %sub3A : i32
    %select_n3A_118 = arith.select %and3A_116, %sub3A_117, %div3A : i32
    %mul3A_119 = arith.constant 1250 : i32
    %mul3A_120 = arith.muli %select_n3A_118, %mul3A_119 : i32
    %mul3A_121 = arith.constant 80 : i32
    %mul3A_122 = arith.muli %select_n3A_97, %mul3A_121 : i32
    %mul3A_123 = arith.constant 160 : i32
    %mul3A_124 = arith.muli %arg0, %mul3A_123 : i32
    %mul3A_125 = arith.constant 80 : i32
    %mul3A_126 = arith.muli %select_n3A_97, %mul3A_125 : i32
    %add3A_127 = arith.addi %mul3A_124, %mul3A_126 : i32
    %add3A_128 = arith.constant 0 : i32
    %add3A_129 = arith.addi %mul3A_122, %add3A_128 : i32
    %dma_start3A_130 = arith.constant 0 : i32
    %dma_start3A_131 = tpu.memref_slice %arg9[%add3A_129, %dma_start3A_130] : memref<160x128xi32, #tpu.memory_space<hbm>> -> memref<1x128xi32, #tpu.memory_space<hbm>>
    %dma_start3A_132 = tpu.memref_squeeze %dma_start3A_131 : memref<1x128xi32, #tpu.memory_space<hbm>> -> memref<128xi32, #tpu.memory_space<hbm>>
    %dma_start3A_133 = arith.constant 0 : i32
    %dma_start3A_134 = tpu.memref_slice %arg9[%add3A_129, %dma_start3A_133] : memref<160x128xi32, #tpu.memory_space<hbm>> -> memref<1x128xi32, #tpu.memory_space<hbm>>
    %dma_start3A_135 = tpu.memref_squeeze %dma_start3A_134 : memref<1x128xi32, #tpu.memory_space<hbm>> -> memref<128xi32, #tpu.memory_space<hbm>>
    tpu.enqueue_dma source(%dma_start3A_135 : memref<128xi32, #tpu.memory_space<hbm>>) target(%arg14 : memref<128xi32, #tpu.memory_space<vmem>>) target_semaphore(%arg31 : memref<!tpu.dma_semaphore, #tpu.memory_space<semaphore_mem>>)
    %add3A_136 = arith.constant 0 : i32
    %add3A_137 = arith.addi %mul3A_122, %add3A_136 : i32
    %dma_start3A_138 = arith.constant 0 : i32
    %dma_start3A_139 = tpu.memref_slice %arg10[%add3A_137, %dma_start3A_138] : memref<160x128xi32, #tpu.memory_space<hbm>> -> memref<1x128xi32, #tpu.memory_space<hbm>>
    %dma_start3A_140 = tpu.memref_squeeze %dma_start3A_139 : memref<1x128xi32, #tpu.memory_space<hbm>> -> memref<128xi32, #tpu.memory_space<hbm>>
    %dma_start3A_141 = arith.constant 0 : i32
    %dma_start3A_142 = tpu.memref_slice %arg10[%add3A_137, %dma_start3A_141] : memref<160x128xi32, #tpu.memory_space<hbm>> -> memref<1x128xi32, #tpu.memory_space<hbm>>
    %dma_start3A_143 = tpu.memref_squeeze %dma_start3A_142 : memref<1x128xi32, #tpu.memory_space<hbm>> -> memref<128xi32, #tpu.memory_space<hbm>>
    tpu.enqueue_dma source(%dma_start3A_143 : memref<128xi32, #tpu.memory_space<hbm>>) target(%arg15 : memref<128xi32, #tpu.memory_space<vmem>>) target_semaphore(%arg31 : memref<!tpu.dma_semaphore, #tpu.memory_space<semaphore_mem>>)
    %add3A_144 = arith.constant 0 : i32
    %add3A_145 = arith.addi %add3A_127, %add3A_144 : i32
    %dma_start3A_146 = arith.constant 0 : i32
    %dma_start3A_147 = tpu.memref_slice %arg6[%add3A_145, %dma_start3A_146] : memref<320x128xf32, #tpu.memory_space<hbm>> -> memref<1x128xf32, #tpu.memory_space<hbm>>
    %dma_start3A_148 = tpu.memref_squeeze %dma_start3A_147 : memref<1x128xf32, #tpu.memory_space<hbm>> -> memref<128xf32, #tpu.memory_space<hbm>>
    %dma_start3A_149 = arith.constant 0 : i32
    %dma_start3A_150 = tpu.memref_slice %arg6[%add3A_145, %dma_start3A_149] : memref<320x128xf32, #tpu.memory_space<hbm>> -> memref<1x128xf32, #tpu.memory_space<hbm>>
    %dma_start3A_151 = tpu.memref_squeeze %dma_start3A_150 : memref<1x128xf32, #tpu.memory_space<hbm>> -> memref<128xf32, #tpu.memory_space<hbm>>
    tpu.enqueue_dma source(%dma_start3A_151 : memref<128xf32, #tpu.memory_space<hbm>>) target(%arg16 : memref<128xf32, #tpu.memory_space<vmem>>) target_semaphore(%arg31 : memref<!tpu.dma_semaphore, #tpu.memory_space<semaphore_mem>>)
    %scan3A_152 = arith.constant 0 : i32
    %scan3A_153 = arith.constant 0 : i32
    %scan3A_154 = arith.constant 80 : i32
    %scan3A_155 = arith.addi %scan3A_153, %scan3A_154 : i32
    %scan3A_156 = arith.constant 1 : i32
    %scan3A_157 = scf.for %scan3A_181 = %scan3A_153 to %scan3A_155 step %scan3A_156 iter_args(%scan3A_182 = %scan3A_152) -> (i32)  : i32 {
      %dma_wait3A_183 = arith.constant 0 : i32
      %dma_wait3A_184 = tpu.memref_slice %arg9[%mul3A_122, %dma_wait3A_183] : memref<160x128xi32, #tpu.memory_space<hbm>> -> memref<1x128xi32, #tpu.memory_space<hbm>>
      %dma_wait3A_185 = tpu.memref_squeeze %dma_wait3A_184 : memref<1x128xi32, #tpu.memory_space<hbm>> -> memref<128xi32, #tpu.memory_space<hbm>>
      %dma_wait3A_186 = arith.constant 0 : i32
      %dma_wait3A_187 = tpu.memref_slice %arg9[%mul3A_122, %dma_wait3A_186] : memref<160x128xi32, #tpu.memory_space<hbm>> -> memref<1x128xi32, #tpu.memory_space<hbm>>
      %dma_wait3A_188 = tpu.memref_squeeze %dma_wait3A_187 : memref<1x128xi32, #tpu.memory_space<hbm>> -> memref<128xi32, #tpu.memory_space<hbm>>
      tpu.wait_dma2 semaphore(%arg31 : memref<!tpu.dma_semaphore, #tpu.memory_space<semaphore_mem>>) src(%dma_wait3A_188 : memref<128xi32, #tpu.memory_space<hbm>>) dst(%arg14 : memref<128xi32, #tpu.memory_space<vmem>>)
      %dma_wait3A_189 = arith.constant 0 : i32
      %dma_wait3A_190 = tpu.memref_slice %arg10[%mul3A_122, %dma_wait3A_189] : memref<160x128xi32, #tpu.memory_space<hbm>> -> memref<1x128xi32, #tpu.memory_space<hbm>>
      %dma_wait3A_191 = tpu.memref_squeeze %dma_wait3A_190 : memref<1x128xi32, #tpu.memory_space<hbm>> -> memref<128xi32, #tpu.memory_space<hbm>>
      %dma_wait3A_192 = arith.constant 0 : i32
      %dma_wait3A_193 = tpu.memref_slice %arg10[%mul3A_122, %dma_wait3A_192] : memref<160x128xi32, #tpu.memory_space<hbm>> -> memref<1x128xi32, #tpu.memory_space<hbm>>
      %dma_wait3A_194 = tpu.memref_squeeze %dma_wait3A_193 : memref<1x128xi32, #tpu.memory_space<hbm>> -> memref<128xi32, #tpu.memory_space<hbm>>
      tpu.wait_dma2 semaphore(%arg31 : memref<!tpu.dma_semaphore, #tpu.memory_space<semaphore_mem>>) src(%dma_wait3A_194 : memref<128xi32, #tpu.memory_space<hbm>>) dst(%arg15 : memref<128xi32, #tpu.memory_space<vmem>>)
      %dma_wait3A_195 = arith.constant 0 : i32
      %dma_wait3A_196 = tpu.memref_slice %arg6[%add3A_127, %dma_wait3A_195] : memref<320x128xf32, #tpu.memory_space<hbm>> -> memref<1x128xf32, #tpu.memory_space<hbm>>
      %dma_wait3A_197 = tpu.memref_squeeze %dma_wait3A_196 : memref<1x128xf32, #tpu.memory_space<hbm>> -> memref<128xf32, #tpu.memory_space<hbm>>
      %dma_wait3A_198 = arith.constant 0 : i32
      %dma_wait3A_199 = tpu.memref_slice %arg6[%add3A_127, %dma_wait3A_198] : memref<320x128xf32, #tpu.memory_space<hbm>> -> memref<1x128xf32, #tpu.memory_space<hbm>>
      %dma_wait3A_200 = tpu.memref_squeeze %dma_wait3A_199 : memref<1x128xf32, #tpu.memory_space<hbm>> -> memref<128xf32, #tpu.memory_space<hbm>>
      tpu.wait_dma2 semaphore(%arg31 : memref<!tpu.dma_semaphore, #tpu.memory_space<semaphore_mem>>) src(%dma_wait3A_200 : memref<128xf32, #tpu.memory_space<hbm>>) dst(%arg16 : memref<128xf32, #tpu.memory_space<vmem>>)
      %get3A = arith.constant 0 : index
      %get3A_201 = tpu.vector_load %arg14[%get3A] {strides = array<i32>} : memref<128xi32, #tpu.memory_space<vmem>>, vector<16xi32>,
      %add3A_202 = vector.broadcast %mul3A_120 : i32 to vector<16xi32>
      %add3A_203 = arith.addi %get3A_201, %add3A_202 : vector<16xi32>
      %get3A_204 = arith.constant 0 : index
      %get3A_205 = tpu.vector_load %arg15[%get3A_204] {strides = array<i32>} : memref<128xi32, #tpu.memory_space<vmem>>, vector<16xi32>,
      %add3A_206 = vector.broadcast %mul3A_120 : i32 to vector<16xi32>
      %add3A_207 = arith.addi %get3A_205, %add3A_206 : vector<16xi32>
      %add3A_208 = vector.broadcast %mul3A_0 : i32 to vector<16xi32>
      %add3A_209 = arith.addi %add3A_203, %add3A_208 : vector<16xi32>
      %swap3A = arith.constant 0 : i32
      %swap3A_210 = arith.index_cast %swap3A : i32 to index
      %swap3A_211 = arith.constant 0 : index
      %swap3A_212 = tpu.vector_load %arg17[%swap3A_210, %swap3A_211] {strides = array<i32>} : memref<2x64xi32, #tpu.memory_space<vmem>>, vector<16xi32>,
      tpu.vector_store %arg17[%swap3A_210, %swap3A_211], %add3A_209 {strides = array<i32>} : memref<2x64xi32, #tpu.memory_space<vmem>>, vector<16xi32>,
      %add3A_213 = vector.broadcast %mul3A_0 : i32 to vector<16xi32>
      %add3A_214 = arith.addi %add3A_203, %add3A_213 : vector<16xi32>
      %swap3A_215 = arith.constant 0 : index
      %swap3A_216 = tpu.vector_load %arg19[%swap3A_215] {strides = array<i32>} : memref<128xi32, #tpu.memory_space<vmem>>, vector<16xi32>,
      tpu.vector_store %arg19[%swap3A_215], %add3A_214 {strides = array<i32>} : memref<128xi32, #tpu.memory_space<vmem>>, vector<16xi32>,
      %add3A_217 = vector.broadcast %mul3A_0 : i32 to vector<16xi32>
      %add3A_218 = arith.addi %add3A_207, %add3A_217 : vector<16xi32>
      %swap3A_219 = arith.constant 0 : index
      %swap3A_220 = tpu.vector_load %arg20[%swap3A_219] {strides = array<i32>} : memref<128xi32, #tpu.memory_space<vmem>>, vector<16xi32>,
      tpu.vector_store %arg20[%swap3A_219], %add3A_218 {strides = array<i32>} : memref<128xi32, #tpu.memory_space<vmem>>, vector<16xi32>,
      %get3A_221 = arith.constant 16 : index
      %get3A_222 = tpu.vector_load %arg14[%get3A_221] {strides = array<i32>} : memref<128xi32, #tpu.memory_space<vmem>>, vector<16xi32>,
      %add3A_223 = vector.broadcast %mul3A_120 : i32 to vector<16xi32>
      %add3A_224 = arith.addi %get3A_222, %add3A_223 : vector<16xi32>
      %get3A_225 = arith.constant 16 : index
      %get3A_226 = tpu.vector_load %arg15[%get3A_225] {strides = array<i32>} : memref<128xi32, #tpu.memory_space<vmem>>, vector<16xi32>,
      %add3A_227 = vector.broadcast %mul3A_120 : i32 to vector<16xi32>
      %add3A_228 = arith.addi %get3A_226, %add3A_227 : vector<16xi32>
      %add3A_229 = vector.broadcast %mul3A_0 : i32 to vector<16xi32>
      %add3A_230 = arith.addi %add3A_224, %add3A_229 : vector<16xi32>
      %swap3A_231 = arith.constant 0 : i32
      %swap3A_232 = arith.index_cast %swap3A_231 : i32 to index
      %swap3A_233 = arith.constant 16 : index
      %swap3A_234 = tpu.vector_load %arg17[%swap3A_232, %swap3A_233] {strides = array<i32>} : memref<2x64xi32, #tpu.memory_space<vmem>>, vector<16xi32>,
      tpu.vector_store %arg17[%swap3A_232, %swap3A_233], %add3A_230 {strides = array<i32>} : memref<2x64xi32, #tpu.memory_space<vmem>>, vector<16xi32>,
      %add3A_235 = vector.broadcast %mul3A_0 : i32 to vector<16xi32>
      %add3A_236 = arith.addi %add3A_224, %add3A_235 : vector<16xi32>
      %swap3A_237 = arith.constant 16 : index
      %swap3A_238 = tpu.vector_load %arg19[%swap3A_237] {strides = array<i32>} : memref<128xi32, #tpu.memory_space<vmem>>, vector<16xi32>,
      tpu.vector_store %arg19[%swap3A_237], %add3A_236 {strides = array<i32>} : memref<128xi32, #tpu.memory_space<vmem>>, vector<16xi32>,
      %add3A_239 = vector.broadcast %mul3A_0 : i32 to vector<16xi32>
      %add3A_240 = arith.addi %add3A_228, %add3A_239 : vector<16xi32>
      %swap3A_241 = arith.constant 16 : index
      %swap3A_242 = tpu.vector_load %arg20[%swap3A_241] {strides = array<i32>} : memref<128xi32, #tpu.memory_space<vmem>>, vector<16xi32>,
      tpu.vector_store %arg20[%swap3A_241], %add3A_240 {strides = array<i32>} : memref<128xi32, #tpu.memory_space<vmem>>, vector<16xi32>,
      %get3A_243 = arith.constant 32 : index
      %get3A_244 = tpu.vector_load %arg14[%get3A_243] {strides = array<i32>} : memref<128xi32, #tpu.memory_space<vmem>>, vector<16xi32>,
      %add3A_245 = vector.broadcast %mul3A_120 : i32 to vector<16xi32>
      %add3A_246 = arith.addi %get3A_244, %add3A_245 : vector<16xi32>
      %get3A_247 = arith.constant 32 : index
      %get3A_248 = tpu.vector_load %arg15[%get3A_247] {strides = array<i32>} : memref<128xi32, #tpu.memory_space<vmem>>, vector<16xi32>,
      %add3A_249 = vector.broadcast %mul3A_120 : i32 to vector<16xi32>
      %add3A_250 = arith.addi %get3A_248, %add3A_249 : vector<16xi32>
      %add3A_251 = vector.broadcast %mul3A_0 : i32 to vector<16xi32>
      %add3A_252 = arith.addi %add3A_246, %add3A_251 : vector<16xi32>
      %swap3A_253 = arith.constant 0 : i32
      %swap3A_254 = arith.index_cast %swap3A_253 : i32 to index
      %swap3A_255 = arith.constant 32 : index
      %swap3A_256 = tpu.vector_load %arg17[%swap3A_254, %swap3A_255] {strides = array<i32>} : memref<2x64xi32, #tpu.memory_space<vmem>>, vector<16xi32>,
      tpu.vector_store %arg17[%swap3A_254, %swap3A_255], %add3A_252 {strides = array<i32>} : memref<2x64xi32, #tpu.memory_space<vmem>>, vector<16xi32>,
      %add3A_257 = vector.broadcast %mul3A_0 : i32 to vector<16xi32>
      %add3A_258 = arith.addi %add3A_246, %add3A_257 : vector<16xi32>
      %swap3A_259 = arith.constant 32 : index
      %swap3A_260 = tpu.vector_load %arg19[%swap3A_259] {strides = array<i32>} : memref<128xi32, #tpu.memory_space<vmem>>, vector<16xi32>,
      tpu.vector_store %arg19[%swap3A_259], %add3A_258 {strides = array<i32>} : memref<128xi32, #tpu.memory_space<vmem>>, vector<16xi32>,
      %add3A_261 = vector.broadcast %mul3A_0 : i32 to vector<16xi32>
      %add3A_262 = arith.addi %add3A_250, %add3A_261 : vector<16xi32>
      %swap3A_263 = arith.constant 32 : index
      %swap3A_264 = tpu.vector_load %arg20[%swap3A_263] {strides = array<i32>} : memref<128xi32, #tpu.memory_space<vmem>>, vector<16xi32>,
      tpu.vector_store %arg20[%swap3A_263], %add3A_262 {strides = array<i32>} : memref<128xi32, #tpu.memory_space<vmem>>, vector<16xi32>,
      %get3A_265 = arith.constant 48 : index
      %get3A_266 = tpu.vector_load %arg14[%get3A_265] {strides = array<i32>} : memref<128xi32, #tpu.memory_space<vmem>>, vector<16xi32>,
      %add3A_267 = vector.broadcast %mul3A_120 : i32 to vector<16xi32>
      %add3A_268 = arith.addi %get3A_266, %add3A_267 : vector<16xi32>
      %get3A_269 = arith.constant 48 : index
      %get3A_270 = tpu.vector_load %arg15[%get3A_269] {strides = array<i32>} : memref<128xi32, #tpu.memory_space<vmem>>, vector<16xi32>,
      %add3A_271 = vector.broadcast %mul3A_120 : i32 to vector<16xi32>
      %add3A_272 = arith.addi %get3A_270, %add3A_271 : vector<16xi32>
      %add3A_273 = vector.broadcast %mul3A_0 : i32 to vector<16xi32>
      %add3A_274 = arith.addi %add3A_268, %add3A_273 : vector<16xi32>
      %swap3A_275 = arith.constant 0 : i32
      %swap3A_276 = arith.index_cast %swap3A_275 : i32 to index
      %swap3A_277 = arith.constant 48 : index
      %swap3A_278 = tpu.vector_load %arg17[%swap3A_276, %swap3A_277] {strides = array<i32>} : memref<2x64xi32, #tpu.memory_space<vmem>>, vector<16xi32>,
      tpu.vector_store %arg17[%swap3A_276, %swap3A_277], %add3A_274 {strides = array<i32>} : memref<2x64xi32, #tpu.memory_space<vmem>>, vector<16xi32>,
      %add3A_279 = vector.broadcast %mul3A_0 : i32 to vector<16xi32>
      %add3A_280 = arith.addi %add3A_268, %add3A_279 : vector<16xi32>
      %swap3A_281 = arith.constant 48 : index
      %swap3A_282 = tpu.vector_load %arg19[%swap3A_281] {strides = array<i32>} : memref<128xi32, #tpu.memory_space<vmem>>, vector<16xi32>,
      tpu.vector_store %arg19[%swap3A_281], %add3A_280 {strides = array<i32>} : memref<128xi32, #tpu.memory_space<vmem>>, vector<16xi32>,
      %add3A_283 = vector.broadcast %mul3A_0 : i32 to vector<16xi32>
      %add3A_284 = arith.addi %add3A_272, %add3A_283 : vector<16xi32>
      %swap3A_285 = arith.constant 48 : index
      %swap3A_286 = tpu.vector_load %arg20[%swap3A_285] {strides = array<i32>} : memref<128xi32, #tpu.memory_space<vmem>>, vector<16xi32>,
      tpu.vector_store %arg20[%swap3A_285], %add3A_284 {strides = array<i32>} : memref<128xi32, #tpu.memory_space<vmem>>, vector<16xi32>,
      %get3A_287 = arith.constant 64 : index
      %get3A_288 = tpu.vector_load %arg14[%get3A_287] {strides = array<i32>} : memref<128xi32, #tpu.memory_space<vmem>>, vector<16xi32>,
      %add3A_289 = vector.broadcast %mul3A_120 : i32 to vector<16xi32>
      %add3A_290 = arith.addi %get3A_288, %add3A_289 : vector<16xi32>
      %get3A_291 = arith.constant 64 : index
      %get3A_292 = tpu.vector_load %arg15[%get3A_291] {strides = array<i32>} : memref<128xi32, #tpu.memory_space<vmem>>, vector<16xi32>,
      %add3A_293 = vector.broadcast %mul3A_120 : i32 to vector<16xi32>
      %add3A_294 = arith.addi %get3A_292, %add3A_293 : vector<16xi32>
      %add3A_295 = vector.broadcast %mul3A_0 : i32 to vector<16xi32>
      %add3A_296 = arith.addi %add3A_290, %add3A_295 : vector<16xi32>
      %swap3A_297 = arith.constant 1 : i32
      %swap3A_298 = arith.index_cast %swap3A_297 : i32 to index
      %swap3A_299 = arith.constant 0 : index
      %swap3A_300 = tpu.vector_load %arg17[%swap3A_298, %swap3A_299] {strides = array<i32>} : memref<2x64xi32, #tpu.memory_space<vmem>>, vector<16xi32>,
      tpu.vector_store %arg17[%swap3A_298, %swap3A_299], %add3A_296 {strides = array<i32>} : memref<2x64xi32, #tpu.memory_space<vmem>>, vector<16xi32>,
      %add3A_301 = vector.broadcast %mul3A_0 : i32 to vector<16xi32>
      %add3A_302 = arith.addi %add3A_290, %add3A_301 : vector<16xi32>
      %swap3A_303 = arith.constant 64 : index
      %swap3A_304 = tpu.vector_load %arg19[%swap3A_303] {strides = array<i32>} : memref<128xi32, #tpu.memory_space<vmem>>, vector<16xi32>,
      tpu.vector_store %arg19[%swap3A_303], %add3A_302 {strides = array<i32>} : memref<128xi32, #tpu.memory_space<vmem>>, vector<16xi32>,
      %add3A_305 = vector.broadcast %mul3A_0 : i32 to vector<16xi32>
      %add3A_306 = arith.addi %add3A_294, %add3A_305 : vector<16xi32>
      %swap3A_307 = arith.constant 64 : index
      %swap3A_308 = tpu.vector_load %arg20[%swap3A_307] {strides = array<i32>} : memref<128xi32, #tpu.memory_space<vmem>>, vector<16xi32>,
      tpu.vector_store %arg20[%swap3A_307], %add3A_306 {strides = array<i32>} : memref<128xi32, #tpu.memory_space<vmem>>, vector<16xi32>,
      %get3A_309 = arith.constant 80 : index
      %get3A_310 = tpu.vector_load %arg14[%get3A_309] {strides = array<i32>} : memref<128xi32, #tpu.memory_space<vmem>>, vector<16xi32>,
      %add3A_311 = vector.broadcast %mul3A_120 : i32 to vector<16xi32>
      %add3A_312 = arith.addi %get3A_310, %add3A_311 : vector<16xi32>
      %get3A_313 = arith.constant 80 : index
      %get3A_314 = tpu.vector_load %arg15[%get3A_313] {strides = array<i32>} : memref<128xi32, #tpu.memory_space<vmem>>, vector<16xi32>,
      %add3A_315 = vector.broadcast %mul3A_120 : i32 to vector<16xi32>
      %add3A_316 = arith.addi %get3A_314, %add3A_315 : vector<16xi32>
      %add3A_317 = vector.broadcast %mul3A_0 : i32 to vector<16xi32>
      %add3A_318 = arith.addi %add3A_312, %add3A_317 : vector<16xi32>
      %swap3A_319 = arith.constant 1 : i32
      %swap3A_320 = arith.index_cast %swap3A_319 : i32 to index
      %swap3A_321 = arith.constant 16 : index
      %swap3A_322 = tpu.vector_load %arg17[%swap3A_320, %swap3A_321] {strides = array<i32>} : memref<2x64xi32, #tpu.memory_space<vmem>>, vector<16xi32>,
      tpu.vector_store %arg17[%swap3A_320, %swap3A_321], %add3A_318 {strides = array<i32>} : memref<2x64xi32, #tpu.memory_space<vmem>>, vector<16xi32>,
      %add3A_323 = vector.broadcast %mul3A_0 : i32 to vector<16xi32>
      %add3A_324 = arith.addi %add3A_312, %add3A_323 : vector<16xi32>
      %swap3A_325 = arith.constant 80 : index
      %swap3A_326 = tpu.vector_load %arg19[%swap3A_325] {strides = array<i32>} : memref<128xi32, #tpu.memory_space<vmem>>, vector<16xi32>,
      tpu.vector_store %arg19[%swap3A_325], %add3A_324 {strides = array<i32>} : memref<128xi32, #tpu.memory_space<vmem>>, vector<16xi32>,
      %add3A_327 = vector.broadcast %mul3A_0 : i32 to vector<16xi32>
      %add3A_328 = arith.addi %add3A_316, %add3A_327 : vector<16xi32>
      %swap3A_329 = arith.constant 80 : index
      %swap3A_330 = tpu.vector_load %arg20[%swap3A_329] {strides = array<i32>} : memref<128xi32, #tpu.memory_space<vmem>>, vector<16xi32>,
      tpu.vector_store %arg20[%swap3A_329], %add3A_328 {strides = array<i32>} : memref<128xi32, #tpu.memory_space<vmem>>, vector<16xi32>,
      %get3A_331 = arith.constant 96 : index
      %get3A_332 = tpu.vector_load %arg14[%get3A_331] {strides = array<i32>} : memref<128xi32, #tpu.memory_space<vmem>>, vector<16xi32>,
      %add3A_333 = vector.broadcast %mul3A_120 : i32 to vector<16xi32>
      %add3A_334 = arith.addi %get3A_332, %add3A_333 : vector<16xi32>
      %get3A_335 = arith.constant 96 : index
      %get3A_336 = tpu.vector_load %arg15[%get3A_335] {strides = array<i32>} : memref<128xi32, #tpu.memory_space<vmem>>, vector<16xi32>,
      %add3A_337 = vector.broadcast %mul3A_120 : i32 to vector<16xi32>
      %add3A_338 = arith.addi %get3A_336, %add3A_337 : vector<16xi32>
      %add3A_339 = vector.broadcast %mul3A_0 : i32 to vector<16xi32>
      %add3A_340 = arith.addi %add3A_334, %add3A_339 : vector<16xi32>
      %swap3A_341 = arith.constant 1 : i32
      %swap3A_342 = arith.index_cast %swap3A_341 : i32 to index
      %swap3A_343 = arith.constant 32 : index
      %swap3A_344 = tpu.vector_load %arg17[%swap3A_342, %swap3A_343] {strides = array<i32>} : memref<2x64xi32, #tpu.memory_space<vmem>>, vector<16xi32>,
      tpu.vector_store %arg17[%swap3A_342, %swap3A_343], %add3A_340 {strides = array<i32>} : memref<2x64xi32, #tpu.memory_space<vmem>>, vector<16xi32>,
      %add3A_345 = vector.broadcast %mul3A_0 : i32 to vector<16xi32>
      %add3A_346 = arith.addi %add3A_334, %add3A_345 : vector<16xi32>
      %swap3A_347 = arith.constant 96 : index
      %swap3A_348 = tpu.vector_load %arg19[%swap3A_347] {strides = array<i32>} : memref<128xi32, #tpu.memory_space<vmem>>, vector<16xi32>,
      tpu.vector_store %arg19[%swap3A_347], %add3A_346 {strides = array<i32>} : memref<128xi32, #tpu.memory_space<vmem>>, vector<16xi32>,
      %add3A_349 = vector.broadcast %mul3A_0 : i32 to vector<16xi32>
      %add3A_350 = arith.addi %add3A_338, %add3A_349 : vector<16xi32>
      %swap3A_351 = arith.constant 96 : index
      %swap3A_352 = tpu.vector_load %arg20[%swap3A_351] {strides = array<i32>} : memref<128xi32, #tpu.memory_space<vmem>>, vector<16xi32>,
      tpu.vector_store %arg20[%swap3A_351], %add3A_350 {strides = array<i32>} : memref<128xi32, #tpu.memory_space<vmem>>, vector<16xi32>,
      %get3A_353 = arith.constant 112 : index
      %get3A_354 = tpu.vector_load %arg14[%get3A_353] {strides = array<i32>} : memref<128xi32, #tpu.memory_space<vmem>>, vector<16xi32>,
      %add3A_355 = vector.broadcast %mul3A_120 : i32 to vector<16xi32>
      %add3A_356 = arith.addi %get3A_354, %add3A_355 : vector<16xi32>
      %get3A_357 = arith.constant 112 : index
      %get3A_358 = tpu.vector_load %arg15[%get3A_357] {strides = array<i32>} : memref<128xi32, #tpu.memory_space<vmem>>, vector<16xi32>,
      %add3A_359 = vector.broadcast %mul3A_120 : i32 to vector<16xi32>
      %add3A_360 = arith.addi %get3A_358, %add3A_359 : vector<16xi32>
      %add3A_361 = vector.broadcast %mul3A_0 : i32 to vector<16xi32>
      %add3A_362 = arith.addi %add3A_356, %add3A_361 : vector<16xi32>
      %swap3A_363 = arith.constant 1 : i32
      %swap3A_364 = arith.index_cast %swap3A_363 : i32 to index
      %swap3A_365 = arith.constant 48 : index
      %swap3A_366 = tpu.vector_load %arg17[%swap3A_364, %swap3A_365] {strides = array<i32>} : memref<2x64xi32, #tpu.memory_space<vmem>>, vector<16xi32>,
      tpu.vector_store %arg17[%swap3A_364, %swap3A_365], %add3A_362 {strides = array<i32>} : memref<2x64xi32, #tpu.memory_space<vmem>>, vector<16xi32>,
      %add3A_367 = vector.broadcast %mul3A_0 : i32 to vector<16xi32>
      %add3A_368 = arith.addi %add3A_356, %add3A_367 : vector<16xi32>
      %swap3A_369 = arith.constant 112 : index
      %swap3A_370 = tpu.vector_load %arg19[%swap3A_369] {strides = array<i32>} : memref<128xi32, #tpu.memory_space<vmem>>, vector<16xi32>,
      tpu.vector_store %arg19[%swap3A_369], %add3A_368 {strides = array<i32>} : memref<128xi32, #tpu.memory_space<vmem>>, vector<16xi32>,
      %add3A_371 = vector.broadcast %mul3A_0 : i32 to vector<16xi32>
      %add3A_372 = arith.addi %add3A_360, %add3A_371 : vector<16xi32>
      %swap3A_373 = arith.constant 112 : index
      %swap3A_374 = tpu.vector_load %arg20[%swap3A_373] {strides = array<i32>} : memref<128xi32, #tpu.memory_space<vmem>>, vector<16xi32>,
      tpu.vector_store %arg20[%swap3A_373], %add3A_372 {strides = array<i32>} : memref<128xi32, #tpu.memory_space<vmem>>, vector<16xi32>,
      %dma_start3A_375 = arith.constant 0 : i32
      %dma_start3A_376 = arith.constant 0 : i32
      %dma_start3A_377 = tpu.memref_slice %arg4[%dma_start3A_375, %dma_start3A_376] : memref<20000x16xf32, #tpu.memory_space<hbm>> -> memref<20000x16xf32, #tpu.memory_space<hbm>>
      tpu.enqueue_indirect_dma source(%dma_start3A_377 : memref<20000x16xf32, #tpu.memory_space<hbm>>) target(%arg22 : memref<128x16xf32, #tpu.memory_space<vmem>>) offsets(%arg19 : memref<128xi32, #tpu.memory_space<vmem>>) semaphore(%arg30 : memref<!tpu.dma_semaphore, #tpu.memory_space<semaphore_mem>>)
      %dma_start3A_378 = arith.constant 0 : i32
      %dma_start3A_379 = arith.constant 0 : i32
      %dma_start3A_380 = tpu.memref_slice %arg4[%dma_start3A_378, %dma_start3A_379] : memref<20000x16xf32, #tpu.memory_space<hbm>> -> memref<20000x16xf32, #tpu.memory_space<hbm>>
      tpu.enqueue_indirect_dma source(%dma_start3A_380 : memref<20000x16xf32, #tpu.memory_space<hbm>>) target(%arg23 : memref<128x16xf32, #tpu.memory_space<vmem>>) offsets(%arg20 : memref<128xi32, #tpu.memory_space<vmem>>) semaphore(%arg30 : memref<!tpu.dma_semaphore, #tpu.memory_space<semaphore_mem>>)
      %gt3A = arith.constant 0 : i32
      %gt3A_381 = arith.cmpi sgt, %scan3A_181, %gt3A : i32
      %convert_element_type3A = arith.extui %gt3A_381 : i1 to i32
      %cond3A = arith.constant 0 : i32
      %cond3A_382 = arith.cmpi ne, %convert_element_type3A, %cond3A : i32
      scf.if %cond3A_382 {
        %dma_wait3A_742 = arith.constant 0 : i32
        %dma_wait3A_743 = arith.constant 0 : i32
        %dma_wait3A_744 = tpu.memref_slice %arg18[%dma_wait3A_742, %dma_wait3A_743] : memref<2x64xi32, #tpu.memory_space<vmem>> -> memref<1x64xi32, #tpu.memory_space<vmem>>
        %dma_wait3A_745 = tpu.memref_squeeze %dma_wait3A_744 : memref<1x64xi32, #tpu.memory_space<vmem>> -> memref<64xi32, #tpu.memory_space<vmem>>
        %dma_wait3A_746 = arith.constant 0 : i32
        %dma_wait3A_747 = arith.constant 0 : i32
        %dma_wait3A_748 = tpu.memref_slice %arg13[%dma_wait3A_746, %dma_wait3A_747] : memref<10240x144xf32, #tpu.memory_space<vmem_shared>> -> memref<10240x144xf32, #tpu.memory_space<vmem_shared>>
        tpu.wait_indirect_dma semaphore(%arg28 : memref<!tpu.dma_semaphore, #tpu.memory_space<semaphore_mem>>) src(%arg24 : memref<64x144xf32, #tpu.memory_space<vmem>>) dst(%dma_wait3A_748 : memref<10240x144xf32, #tpu.memory_space<vmem_shared>>)
        %dma_wait3A_749 = arith.constant 1 : i32
        %dma_wait3A_750 = arith.constant 0 : i32
        %dma_wait3A_751 = tpu.memref_slice %arg18[%dma_wait3A_749, %dma_wait3A_750] : memref<2x64xi32, #tpu.memory_space<vmem>> -> memref<1x64xi32, #tpu.memory_space<vmem>>
        %dma_wait3A_752 = tpu.memref_squeeze %dma_wait3A_751 : memref<1x64xi32, #tpu.memory_space<vmem>> -> memref<64xi32, #tpu.memory_space<vmem>>
        %dma_wait3A_753 = arith.constant 0 : i32
        %dma_wait3A_754 = arith.constant 0 : i32
        %dma_wait3A_755 = tpu.memref_slice %arg13[%dma_wait3A_753, %dma_wait3A_754] : memref<10240x144xf32, #tpu.memory_space<vmem_shared>> -> memref<10240x144xf32, #tpu.memory_space<vmem_shared>>
        tpu.wait_indirect_dma semaphore(%arg29 : memref<!tpu.dma_semaphore, #tpu.memory_space<semaphore_mem>>) src(%arg25 : memref<64x144xf32, #tpu.memory_space<vmem>>) dst(%dma_wait3A_755 : memref<10240x144xf32, #tpu.memory_space<vmem_shared>>)
      } else {
      }
      %get3A_383 = arith.constant 0 : index
      %get3A_384 = tpu.vector_load %arg15[%get3A_383] {strides = array<i32>} : memref<128xi32, #tpu.memory_space<vmem>>, vector<16xi32>,
      %add3A_385 = vector.broadcast %mul3A_120 : i32 to vector<16xi32>
      %add3A_386 = arith.addi %get3A_384, %add3A_385 : vector<16xi32>
      %swap3A_387 = arith.constant 0 : i32
      %swap3A_388 = arith.index_cast %swap3A_387 : i32 to index
      %swap3A_389 = arith.constant 0 : index
      %swap3A_390 = tpu.vector_load %arg18[%swap3A_388, %swap3A_389] {strides = array<i32>} : memref<2x64xi32, #tpu.memory_space<vmem>>, vector<16xi32>,
      tpu.vector_store %arg18[%swap3A_388, %swap3A_389], %add3A_386 {strides = array<i32>} : memref<2x64xi32, #tpu.memory_space<vmem>>, vector<16xi32>,
      %get3A_391 = arith.constant 16 : index
      %get3A_392 = tpu.vector_load %arg15[%get3A_391] {strides = array<i32>} : memref<128xi32, #tpu.memory_space<vmem>>, vector<16xi32>,
      %add3A_393 = vector.broadcast %mul3A_120 : i32 to vector<16xi32>
      %add3A_394 = arith.addi %get3A_392, %add3A_393 : vector<16xi32>
      %swap3A_395 = arith.constant 0 : i32
      %swap3A_396 = arith.index_cast %swap3A_395 : i32 to index
      %swap3A_397 = arith.constant 16 : index
      %swap3A_398 = tpu.vector_load %arg18[%swap3A_396, %swap3A_397] {strides = array<i32>} : memref<2x64xi32, #tpu.memory_space<vmem>>, vector<16xi32>,
      tpu.vector_store %arg18[%swap3A_396, %swap3A_397], %add3A_394 {strides = array<i32>} : memref<2x64xi32, #tpu.memory_space<vmem>>, vector<16xi32>,
      %get3A_399 = arith.constant 32 : index
      %get3A_400 = tpu.vector_load %arg15[%get3A_399] {strides = array<i32>} : memref<128xi32, #tpu.memory_space<vmem>>, vector<16xi32>,
      %add3A_401 = vector.broadcast %mul3A_120 : i32 to vector<16xi32>
      %add3A_402 = arith.addi %get3A_400, %add3A_401 : vector<16xi32>
      %swap3A_403 = arith.constant 0 : i32
      %swap3A_404 = arith.index_cast %swap3A_403 : i32 to index
      %swap3A_405 = arith.constant 32 : index
      %swap3A_406 = tpu.vector_load %arg18[%swap3A_404, %swap3A_405] {strides = array<i32>} : memref<2x64xi32, #tpu.memory_space<vmem>>, vector<16xi32>,
      tpu.vector_store %arg18[%swap3A_404, %swap3A_405], %add3A_402 {strides = array<i32>} : memref<2x64xi32, #tpu.memory_space<vmem>>, vector<16xi32>,
      %get3A_407 = arith.constant 48 : index
      %get3A_408 = tpu.vector_load %arg15[%get3A_407] {strides = array<i32>} : memref<128xi32, #tpu.memory_space<vmem>>, vector<16xi32>,
      %add3A_409 = vector.broadcast %mul3A_120 : i32 to vector<16xi32>
      %add3A_410 = arith.addi %get3A_408, %add3A_409 : vector<16xi32>
      %swap3A_411 = arith.constant 0 : i32
      %swap3A_412 = arith.index_cast %swap3A_411 : i32 to index
      %swap3A_413 = arith.constant 48 : index
      %swap3A_414 = tpu.vector_load %arg18[%swap3A_412, %swap3A_413] {strides = array<i32>} : memref<2x64xi32, #tpu.memory_space<vmem>>, vector<16xi32>,
      tpu.vector_store %arg18[%swap3A_412, %swap3A_413], %add3A_410 {strides = array<i32>} : memref<2x64xi32, #tpu.memory_space<vmem>>, vector<16xi32>,
      %get3A_415 = arith.constant 64 : index
      %get3A_416 = tpu.vector_load %arg15[%get3A_415] {strides = array<i32>} : memref<128xi32, #tpu.memory_space<vmem>>, vector<16xi32>,
      %add3A_417 = vector.broadcast %mul3A_120 : i32 to vector<16xi32>
      %add3A_418 = arith.addi %get3A_416, %add3A_417 : vector<16xi32>
      %swap3A_419 = arith.constant 1 : i32
      %swap3A_420 = arith.index_cast %swap3A_419 : i32 to index
      %swap3A_421 = arith.constant 0 : index
      %swap3A_422 = tpu.vector_load %arg18[%swap3A_420, %swap3A_421] {strides = array<i32>} : memref<2x64xi32, #tpu.memory_space<vmem>>, vector<16xi32>,
      tpu.vector_store %arg18[%swap3A_420, %swap3A_421], %add3A_418 {strides = array<i32>} : memref<2x64xi32, #tpu.memory_space<vmem>>, vector<16xi32>,
      %get3A_423 = arith.constant 80 : index
      %get3A_424 = tpu.vector_load %arg15[%get3A_423] {strides = array<i32>} : memref<128xi32, #tpu.memory_space<vmem>>, vector<16xi32>,
      %add3A_425 = vector.broadcast %mul3A_120 : i32 to vector<16xi32>
      %add3A_426 = arith.addi %get3A_424, %add3A_425 : vector<16xi32>
      %swap3A_427 = arith.constant 1 : i32
      %swap3A_428 = arith.index_cast %swap3A_427 : i32 to index
      %swap3A_429 = arith.constant 16 : index
      %swap3A_430 = tpu.vector_load %arg18[%swap3A_428, %swap3A_429] {strides = array<i32>} : memref<2x64xi32, #tpu.memory_space<vmem>>, vector<16xi32>,
      tpu.vector_store %arg18[%swap3A_428, %swap3A_429], %add3A_426 {strides = array<i32>} : memref<2x64xi32, #tpu.memory_space<vmem>>, vector<16xi32>,
      %get3A_431 = arith.constant 96 : index
      %get3A_432 = tpu.vector_load %arg15[%get3A_431] {strides = array<i32>} : memref<128xi32, #tpu.memory_space<vmem>>, vector<16xi32>,
      %add3A_433 = vector.broadcast %mul3A_120 : i32 to vector<16xi32>
      %add3A_434 = arith.addi %get3A_432, %add3A_433 : vector<16xi32>
      %swap3A_435 = arith.constant 1 : i32
      %swap3A_436 = arith.index_cast %swap3A_435 : i32 to index
      %swap3A_437 = arith.constant 32 : index
      %swap3A_438 = tpu.vector_load %arg18[%swap3A_436, %swap3A_437] {strides = array<i32>} : memref<2x64xi32, #tpu.memory_space<vmem>>, vector<16xi32>,
      tpu.vector_store %arg18[%swap3A_436, %swap3A_437], %add3A_434 {strides = array<i32>} : memref<2x64xi32, #tpu.memory_space<vmem>>, vector<16xi32>,
      %get3A_439 = arith.constant 112 : index
      %get3A_440 = tpu.vector_load %arg15[%get3A_439] {strides = array<i32>} : memref<128xi32, #tpu.memory_space<vmem>>, vector<16xi32>,
      %add3A_441 = vector.broadcast %mul3A_120 : i32 to vector<16xi32>
      %add3A_442 = arith.addi %get3A_440, %add3A_441 : vector<16xi32>
      %swap3A_443 = arith.constant 1 : i32
      %swap3A_444 = arith.index_cast %swap3A_443 : i32 to index
      %swap3A_445 = arith.constant 48 : index
      %swap3A_446 = tpu.vector_load %arg18[%swap3A_444, %swap3A_445] {strides = array<i32>} : memref<2x64xi32, #tpu.memory_space<vmem>>, vector<16xi32>,
      tpu.vector_store %arg18[%swap3A_444, %swap3A_445], %add3A_442 {strides = array<i32>} : memref<2x64xi32, #tpu.memory_space<vmem>>, vector<16xi32>,
      %add3A_447 = arith.constant 1 : i32
      %add3A_448 = arith.addi %scan3A_181, %add3A_447 : i32
      %lt3A_449 = arith.constant 80 : i32
      %lt3A_450 = arith.cmpi slt, %add3A_448, %lt3A_449 : i32
      %convert_element_type3A_451 = arith.extui %lt3A_450 : i1 to i32
      %cond3A_452 = arith.constant 0 : i32
      %cond3A_453 = arith.cmpi ne, %convert_element_type3A_451, %cond3A_452 : i32
      scf.if %cond3A_453 {
        %add3A_742 = arith.constant 1 : i32
        %add3A_743 = arith.addi %scan3A_181, %add3A_742 : i32
        %add3A_744 = arith.addi %mul3A_122, %add3A_743 : i32
        %dma_start3A_745 = arith.constant 0 : i32
        %dma_start3A_746 = tpu.memref_slice %arg9[%add3A_744, %dma_start3A_745] : memref<160x128xi32, #tpu.memory_space<hbm>> -> memref<1x128xi32, #tpu.memory_space<hbm>>
        %dma_start3A_747 = tpu.memref_squeeze %dma_start3A_746 : memref<1x128xi32, #tpu.memory_space<hbm>> -> memref<128xi32, #tpu.memory_space<hbm>>
        %dma_start3A_748 = arith.constant 0 : i32
        %dma_start3A_749 = tpu.memref_slice %arg9[%add3A_744, %dma_start3A_748] : memref<160x128xi32, #tpu.memory_space<hbm>> -> memref<1x128xi32, #tpu.memory_space<hbm>>
        %dma_start3A_750 = tpu.memref_squeeze %dma_start3A_749 : memref<1x128xi32, #tpu.memory_space<hbm>> -> memref<128xi32, #tpu.memory_space<hbm>>
        tpu.enqueue_dma source(%dma_start3A_750 : memref<128xi32, #tpu.memory_space<hbm>>) target(%arg14 : memref<128xi32, #tpu.memory_space<vmem>>) target_semaphore(%arg31 : memref<!tpu.dma_semaphore, #tpu.memory_space<semaphore_mem>>)
        %add3A_751 = arith.addi %mul3A_122, %add3A_743 : i32
        %dma_start3A_752 = arith.constant 0 : i32
        %dma_start3A_753 = tpu.memref_slice %arg10[%add3A_751, %dma_start3A_752] : memref<160x128xi32, #tpu.memory_space<hbm>> -> memref<1x128xi32, #tpu.memory_space<hbm>>
        %dma_start3A_754 = tpu.memref_squeeze %dma_start3A_753 : memref<1x128xi32, #tpu.memory_space<hbm>> -> memref<128xi32, #tpu.memory_space<hbm>>
        %dma_start3A_755 = arith.constant 0 : i32
        %dma_start3A_756 = tpu.memref_slice %arg10[%add3A_751, %dma_start3A_755] : memref<160x128xi32, #tpu.memory_space<hbm>> -> memref<1x128xi32, #tpu.memory_space<hbm>>
        %dma_start3A_757 = tpu.memref_squeeze %dma_start3A_756 : memref<1x128xi32, #tpu.memory_space<hbm>> -> memref<128xi32, #tpu.memory_space<hbm>>
        tpu.enqueue_dma source(%dma_start3A_757 : memref<128xi32, #tpu.memory_space<hbm>>) target(%arg15 : memref<128xi32, #tpu.memory_space<vmem>>) target_semaphore(%arg31 : memref<!tpu.dma_semaphore, #tpu.memory_space<semaphore_mem>>)
      } else {
      }
      %dma_start3A_454 = arith.constant 0 : i32
      %dma_start3A_455 = arith.constant 0 : i32
      %dma_start3A_456 = tpu.memref_slice %arg17[%dma_start3A_454, %dma_start3A_455] : memref<2x64xi32, #tpu.memory_space<vmem>> -> memref<1x64xi32, #tpu.memory_space<vmem>>
      %dma_start3A_457 = tpu.memref_squeeze %dma_start3A_456 : memref<1x64xi32, #tpu.memory_space<vmem>> -> memref<64xi32, #tpu.memory_space<vmem>>
      %dma_start3A_458 = arith.constant 0 : i32
      %dma_start3A_459 = arith.constant 0 : i32
      %dma_start3A_460 = tpu.memref_slice %arg3[%dma_start3A_458, %dma_start3A_459] : memref<20000x144xf32, #tpu.memory_space<hbm>> -> memref<20000x144xf32, #tpu.memory_space<hbm>>
      tpu.enqueue_indirect_dma source(%dma_start3A_460 : memref<20000x144xf32, #tpu.memory_space<hbm>>) target(%arg24 : memref<64x144xf32, #tpu.memory_space<vmem>>) offsets(%dma_start3A_457 : memref<64xi32, #tpu.memory_space<vmem>>) semaphore(%arg28 : memref<!tpu.dma_semaphore, #tpu.memory_space<semaphore_mem>>)
      %dma_start3A_461 = arith.constant 1 : i32
      %dma_start3A_462 = arith.constant 0 : i32
      %dma_start3A_463 = tpu.memref_slice %arg17[%dma_start3A_461, %dma_start3A_462] : memref<2x64xi32, #tpu.memory_space<vmem>> -> memref<1x64xi32, #tpu.memory_space<vmem>>
      %dma_start3A_464 = tpu.memref_squeeze %dma_start3A_463 : memref<1x64xi32, #tpu.memory_space<vmem>> -> memref<64xi32, #tpu.memory_space<vmem>>
      %dma_start3A_465 = arith.constant 0 : i32
      %dma_start3A_466 = arith.constant 0 : i32
      %dma_start3A_467 = tpu.memref_slice %arg3[%dma_start3A_465, %dma_start3A_466] : memref<20000x144xf32, #tpu.memory_space<hbm>> -> memref<20000x144xf32, #tpu.memory_space<hbm>>
      tpu.enqueue_indirect_dma source(%dma_start3A_467 : memref<20000x144xf32, #tpu.memory_space<hbm>>) target(%arg25 : memref<64x144xf32, #tpu.memory_space<vmem>>) offsets(%dma_start3A_464 : memref<64xi32, #tpu.memory_space<vmem>>) semaphore(%arg29 : memref<!tpu.dma_semaphore, #tpu.memory_space<semaphore_mem>>)
      %dma_wait3A_468 = arith.constant 0 : i32
      %dma_wait3A_469 = arith.constant 0 : i32
      %dma_wait3A_470 = tpu.memref_slice %arg4[%dma_wait3A_468, %dma_wait3A_469] : memref<20000x16xf32, #tpu.memory_space<hbm>> -> memref<20000x16xf32, #tpu.memory_space<hbm>>
      tpu.wait_indirect_dma semaphore(%arg30 : memref<!tpu.dma_semaphore, #tpu.memory_space<semaphore_mem>>) src(%dma_wait3A_470 : memref<20000x16xf32, #tpu.memory_space<hbm>>) dst(%arg22 : memref<128x16xf32, #tpu.memory_space<vmem>>)
      %dma_wait3A_471 = arith.constant 0 : i32
      %dma_wait3A_472 = arith.constant 0 : i32
      %dma_wait3A_473 = tpu.memref_slice %arg4[%dma_wait3A_471, %dma_wait3A_472] : memref<20000x16xf32, #tpu.memory_space<hbm>> -> memref<20000x16xf32, #tpu.memory_space<hbm>>
      tpu.wait_indirect_dma semaphore(%arg30 : memref<!tpu.dma_semaphore, #tpu.memory_space<semaphore_mem>>) src(%dma_wait3A_473 : memref<20000x16xf32, #tpu.memory_space<hbm>>) dst(%arg23 : memref<128x16xf32, #tpu.memory_space<vmem>>)
      %iota3A = tpu.iota {dimensions = array<i32: 0>} : vector<16xi32>
      %add3A_474 = arith.constant 0 : i32
      %add3A_475 = vector.broadcast %add3A_474 : i32 to vector<16xi32>
      %add3A_476 = arith.addi %iota3A, %add3A_475 : vector<16xi32>
      %broadcast_in_dim3A = arith.constant 2 : i32
      %broadcast_in_dim3A_477 = vector.broadcast %broadcast_in_dim3A : i32 to vector<16xi32>
      %gather3A = tpu.vector_load_idx %arg22[%add3A_476, %broadcast_in_dim3A_477] : memref<128x16xf32, #tpu.memory_space<vmem>>[vector<16xi32>, vector<16xi32>], vector<16xf32>,
      %broadcast_in_dim3A_478 = arith.constant 3 : i32
      %broadcast_in_dim3A_479 = vector.broadcast %broadcast_in_dim3A_478 : i32 to vector<16xi32>
      %gather3A_480 = tpu.vector_load_idx %arg23[%add3A_476, %broadcast_in_dim3A_479] : memref<128x16xf32, #tpu.memory_space<vmem>>[vector<16xi32>, vector<16xi32>], vector<16xf32>,
      %add3A_481 = arith.addf %gather3A, %gather3A_480 : vector<16xf32>
      %get3A_482 = arith.constant 0 : index
      %get3A_483 = tpu.vector_load %arg16[%get3A_482] {strides = array<i32>} : memref<128xf32, #tpu.memory_space<vmem>>, vector<16xf32>,
      %add3A_484 = arith.addf %add3A_481, %get3A_483 : vector<16xf32>
      %mul3A_485 = arith.constant 2.000000e-01 : f32
      %mul3A_486 = vector.broadcast %mul3A_485 : f32 to vector<16xf32>
      %mul3A_487 = arith.mulf %mul3A_486, %add3A_484 : vector<16xf32>
      %max3A = arith.maximumf %add3A_484, %mul3A_487 : vector<16xf32>
      %exp3A = math.exp %max3A : vector<16xf32>
      %swap3A_488 = arith.constant 0 : index
      %swap3A_489 = tpu.vector_load %arg21[%swap3A_488] {strides = array<i32>} : memref<128xf32, #tpu.memory_space<vmem>>, vector<16xf32>,
      tpu.vector_store %arg21[%swap3A_488], %exp3A {strides = array<i32>} : memref<128xf32, #tpu.memory_space<vmem>>, vector<16xf32>,
      %iota3A_490 = tpu.iota {dimensions = array<i32: 0>} : vector<16xi32>
      %add3A_491 = arith.constant 16 : i32
      %add3A_492 = vector.broadcast %add3A_491 : i32 to vector<16xi32>
      %add3A_493 = arith.addi %iota3A_490, %add3A_492 : vector<16xi32>
      %broadcast_in_dim3A_494 = arith.constant 2 : i32
      %broadcast_in_dim3A_495 = vector.broadcast %broadcast_in_dim3A_494 : i32 to vector<16xi32>
      %gather3A_496 = tpu.vector_load_idx %arg22[%add3A_493, %broadcast_in_dim3A_495] : memref<128x16xf32, #tpu.memory_space<vmem>>[vector<16xi32>, vector<16xi32>], vector<16xf32>,
      %broadcast_in_dim3A_497 = arith.constant 3 : i32
      %broadcast_in_dim3A_498 = vector.broadcast %broadcast_in_dim3A_497 : i32 to vector<16xi32>
      %gather3A_499 = tpu.vector_load_idx %arg23[%add3A_493, %broadcast_in_dim3A_498] : memref<128x16xf32, #tpu.memory_space<vmem>>[vector<16xi32>, vector<16xi32>], vector<16xf32>,
      %add3A_500 = arith.addf %gather3A_496, %gather3A_499 : vector<16xf32>
      %get3A_501 = arith.constant 16 : index
      %get3A_502 = tpu.vector_load %arg16[%get3A_501] {strides = array<i32>} : memref<128xf32, #tpu.memory_space<vmem>>, vector<16xf32>,
      %add3A_503 = arith.addf %add3A_500, %get3A_502 : vector<16xf32>
      %mul3A_504 = arith.constant 2.000000e-01 : f32
      %mul3A_505 = vector.broadcast %mul3A_504 : f32 to vector<16xf32>
      %mul3A_506 = arith.mulf %mul3A_505, %add3A_503 : vector<16xf32>
      %max3A_507 = arith.maximumf %add3A_503, %mul3A_506 : vector<16xf32>
      %exp3A_508 = math.exp %max3A_507 : vector<16xf32>
      %swap3A_509 = arith.constant 16 : index
      %swap3A_510 = tpu.vector_load %arg21[%swap3A_509] {strides = array<i32>} : memref<128xf32, #tpu.memory_space<vmem>>, vector<16xf32>,
      tpu.vector_store %arg21[%swap3A_509], %exp3A_508 {strides = array<i32>} : memref<128xf32, #tpu.memory_space<vmem>>, vector<16xf32>,
      %iota3A_511 = tpu.iota {dimensions = array<i32: 0>} : vector<16xi32>
      %add3A_512 = arith.constant 32 : i32
      %add3A_513 = vector.broadcast %add3A_512 : i32 to vector<16xi32>
      %add3A_514 = arith.addi %iota3A_511, %add3A_513 : vector<16xi32>
      %broadcast_in_dim3A_515 = arith.constant 2 : i32
      %broadcast_in_dim3A_516 = vector.broadcast %broadcast_in_dim3A_515 : i32 to vector<16xi32>
      %gather3A_517 = tpu.vector_load_idx %arg22[%add3A_514, %broadcast_in_dim3A_516] : memref<128x16xf32, #tpu.memory_space<vmem>>[vector<16xi32>, vector<16xi32>], vector<16xf32>,
      %broadcast_in_dim3A_518 = arith.constant 3 : i32
      %broadcast_in_dim3A_519 = vector.broadcast %broadcast_in_dim3A_518 : i32 to vector<16xi32>
      %gather3A_520 = tpu.vector_load_idx %arg23[%add3A_514, %broadcast_in_dim3A_519] : memref<128x16xf32, #tpu.memory_space<vmem>>[vector<16xi32>, vector<16xi32>], vector<16xf32>,
      %add3A_521 = arith.addf %gather3A_517, %gather3A_520 : vector<16xf32>
      %get3A_522 = arith.constant 32 : index
      %get3A_523 = tpu.vector_load %arg16[%get3A_522] {strides = array<i32>} : memref<128xf32, #tpu.memory_space<vmem>>, vector<16xf32>,
      %add3A_524 = arith.addf %add3A_521, %get3A_523 : vector<16xf32>
      %mul3A_525 = arith.constant 2.000000e-01 : f32
      %mul3A_526 = vector.broadcast %mul3A_525 : f32 to vector<16xf32>
      %mul3A_527 = arith.mulf %mul3A_526, %add3A_524 : vector<16xf32>
      %max3A_528 = arith.maximumf %add3A_524, %mul3A_527 : vector<16xf32>
      %exp3A_529 = math.exp %max3A_528 : vector<16xf32>
      %swap3A_530 = arith.constant 32 : index
      %swap3A_531 = tpu.vector_load %arg21[%swap3A_530] {strides = array<i32>} : memref<128xf32, #tpu.memory_space<vmem>>, vector<16xf32>,
      tpu.vector_store %arg21[%swap3A_530], %exp3A_529 {strides = array<i32>} : memref<128xf32, #tpu.memory_space<vmem>>, vector<16xf32>,
      %iota3A_532 = tpu.iota {dimensions = array<i32: 0>} : vector<16xi32>
      %add3A_533 = arith.constant 48 : i32
      %add3A_534 = vector.broadcast %add3A_533 : i32 to vector<16xi32>
      %add3A_535 = arith.addi %iota3A_532, %add3A_534 : vector<16xi32>
      %broadcast_in_dim3A_536 = arith.constant 2 : i32
      %broadcast_in_dim3A_537 = vector.broadcast %broadcast_in_dim3A_536 : i32 to vector<16xi32>
      %gather3A_538 = tpu.vector_load_idx %arg22[%add3A_535, %broadcast_in_dim3A_537] : memref<128x16xf32, #tpu.memory_space<vmem>>[vector<16xi32>, vector<16xi32>], vector<16xf32>,
      %broadcast_in_dim3A_539 = arith.constant 3 : i32
      %broadcast_in_dim3A_540 = vector.broadcast %broadcast_in_dim3A_539 : i32 to vector<16xi32>
      %gather3A_541 = tpu.vector_load_idx %arg23[%add3A_535, %broadcast_in_dim3A_540] : memref<128x16xf32, #tpu.memory_space<vmem>>[vector<16xi32>, vector<16xi32>], vector<16xf32>,
      %add3A_542 = arith.addf %gather3A_538, %gather3A_541 : vector<16xf32>
      %get3A_543 = arith.constant 48 : index
      %get3A_544 = tpu.vector_load %arg16[%get3A_543] {strides = array<i32>} : memref<128xf32, #tpu.memory_space<vmem>>, vector<16xf32>,
      %add3A_545 = arith.addf %add3A_542, %get3A_544 : vector<16xf32>
      %mul3A_546 = arith.constant 2.000000e-01 : f32
      %mul3A_547 = vector.broadcast %mul3A_546 : f32 to vector<16xf32>
      %mul3A_548 = arith.mulf %mul3A_547, %add3A_545 : vector<16xf32>
      %max3A_549 = arith.maximumf %add3A_545, %mul3A_548 : vector<16xf32>
      %exp3A_550 = math.exp %max3A_549 : vector<16xf32>
      %swap3A_551 = arith.constant 48 : index
      %swap3A_552 = tpu.vector_load %arg21[%swap3A_551] {strides = array<i32>} : memref<128xf32, #tpu.memory_space<vmem>>, vector<16xf32>,
      tpu.vector_store %arg21[%swap3A_551], %exp3A_550 {strides = array<i32>} : memref<128xf32, #tpu.memory_space<vmem>>, vector<16xf32>,
      %iota3A_553 = tpu.iota {dimensions = array<i32: 0>} : vector<16xi32>
      %add3A_554 = arith.constant 64 : i32
      %add3A_555 = vector.broadcast %add3A_554 : i32 to vector<16xi32>
      %add3A_556 = arith.addi %iota3A_553, %add3A_555 : vector<16xi32>
      %broadcast_in_dim3A_557 = arith.constant 2 : i32
      %broadcast_in_dim3A_558 = vector.broadcast %broadcast_in_dim3A_557 : i32 to vector<16xi32>
      %gather3A_559 = tpu.vector_load_idx %arg22[%add3A_556, %broadcast_in_dim3A_558] : memref<128x16xf32, #tpu.memory_space<vmem>>[vector<16xi32>, vector<16xi32>], vector<16xf32>,
      %broadcast_in_dim3A_560 = arith.constant 3 : i32
      %broadcast_in_dim3A_561 = vector.broadcast %broadcast_in_dim3A_560 : i32 to vector<16xi32>
      %gather3A_562 = tpu.vector_load_idx %arg23[%add3A_556, %broadcast_in_dim3A_561] : memref<128x16xf32, #tpu.memory_space<vmem>>[vector<16xi32>, vector<16xi32>], vector<16xf32>,
      %add3A_563 = arith.addf %gather3A_559, %gather3A_562 : vector<16xf32>
      %get3A_564 = arith.constant 64 : index
      %get3A_565 = tpu.vector_load %arg16[%get3A_564] {strides = array<i32>} : memref<128xf32, #tpu.memory_space<vmem>>, vector<16xf32>,
      %add3A_566 = arith.addf %add3A_563, %get3A_565 : vector<16xf32>
      %mul3A_567 = arith.constant 2.000000e-01 : f32
      %mul3A_568 = vector.broadcast %mul3A_567 : f32 to vector<16xf32>
      %mul3A_569 = arith.mulf %mul3A_568, %add3A_566 : vector<16xf32>
      %max3A_570 = arith.maximumf %add3A_566, %mul3A_569 : vector<16xf32>
      %exp3A_571 = math.exp %max3A_570 : vector<16xf32>
      %swap3A_572 = arith.constant 64 : index
      %swap3A_573 = tpu.vector_load %arg21[%swap3A_572] {strides = array<i32>} : memref<128xf32, #tpu.memory_space<vmem>>, vector<16xf32>,
      tpu.vector_store %arg21[%swap3A_572], %exp3A_571 {strides = array<i32>} : memref<128xf32, #tpu.memory_space<vmem>>, vector<16xf32>,
      %iota3A_574 = tpu.iota {dimensions = array<i32: 0>} : vector<16xi32>
      %add3A_575 = arith.constant 80 : i32
      %add3A_576 = vector.broadcast %add3A_575 : i32 to vector<16xi32>
      %add3A_577 = arith.addi %iota3A_574, %add3A_576 : vector<16xi32>
      %broadcast_in_dim3A_578 = arith.constant 2 : i32
      %broadcast_in_dim3A_579 = vector.broadcast %broadcast_in_dim3A_578 : i32 to vector<16xi32>
      %gather3A_580 = tpu.vector_load_idx %arg22[%add3A_577, %broadcast_in_dim3A_579] : memref<128x16xf32, #tpu.memory_space<vmem>>[vector<16xi32>, vector<16xi32>], vector<16xf32>,
      %broadcast_in_dim3A_581 = arith.constant 3 : i32
      %broadcast_in_dim3A_582 = vector.broadcast %broadcast_in_dim3A_581 : i32 to vector<16xi32>
      %gather3A_583 = tpu.vector_load_idx %arg23[%add3A_577, %broadcast_in_dim3A_582] : memref<128x16xf32, #tpu.memory_space<vmem>>[vector<16xi32>, vector<16xi32>], vector<16xf32>,
      %add3A_584 = arith.addf %gather3A_580, %gather3A_583 : vector<16xf32>
      %get3A_585 = arith.constant 80 : index
      %get3A_586 = tpu.vector_load %arg16[%get3A_585] {strides = array<i32>} : memref<128xf32, #tpu.memory_space<vmem>>, vector<16xf32>,
      %add3A_587 = arith.addf %add3A_584, %get3A_586 : vector<16xf32>
      %mul3A_588 = arith.constant 2.000000e-01 : f32
      %mul3A_589 = vector.broadcast %mul3A_588 : f32 to vector<16xf32>
      %mul3A_590 = arith.mulf %mul3A_589, %add3A_587 : vector<16xf32>
      %max3A_591 = arith.maximumf %add3A_587, %mul3A_590 : vector<16xf32>
      %exp3A_592 = math.exp %max3A_591 : vector<16xf32>
      %swap3A_593 = arith.constant 80 : index
      %swap3A_594 = tpu.vector_load %arg21[%swap3A_593] {strides = array<i32>} : memref<128xf32, #tpu.memory_space<vmem>>, vector<16xf32>,
      tpu.vector_store %arg21[%swap3A_593], %exp3A_592 {strides = array<i32>} : memref<128xf32, #tpu.memory_space<vmem>>, vector<16xf32>,
      %iota3A_595 = tpu.iota {dimensions = array<i32: 0>} : vector<16xi32>
      %add3A_596 = arith.constant 96 : i32
      %add3A_597 = vector.broadcast %add3A_596 : i32 to vector<16xi32>
      %add3A_598 = arith.addi %iota3A_595, %add3A_597 : vector<16xi32>
      %broadcast_in_dim3A_599 = arith.constant 2 : i32
      %broadcast_in_dim3A_600 = vector.broadcast %broadcast_in_dim3A_599 : i32 to vector<16xi32>
      %gather3A_601 = tpu.vector_load_idx %arg22[%add3A_598, %broadcast_in_dim3A_600] : memref<128x16xf32, #tpu.memory_space<vmem>>[vector<16xi32>, vector<16xi32>], vector<16xf32>,
      %broadcast_in_dim3A_602 = arith.constant 3 : i32
      %broadcast_in_dim3A_603 = vector.broadcast %broadcast_in_dim3A_602 : i32 to vector<16xi32>
      %gather3A_604 = tpu.vector_load_idx %arg23[%add3A_598, %broadcast_in_dim3A_603] : memref<128x16xf32, #tpu.memory_space<vmem>>[vector<16xi32>, vector<16xi32>], vector<16xf32>,
      %add3A_605 = arith.addf %gather3A_601, %gather3A_604 : vector<16xf32>
      %get3A_606 = arith.constant 96 : index
      %get3A_607 = tpu.vector_load %arg16[%get3A_606] {strides = array<i32>} : memref<128xf32, #tpu.memory_space<vmem>>, vector<16xf32>,
      %add3A_608 = arith.addf %add3A_605, %get3A_607 : vector<16xf32>
      %mul3A_609 = arith.constant 2.000000e-01 : f32
      %mul3A_610 = vector.broadcast %mul3A_609 : f32 to vector<16xf32>
      %mul3A_611 = arith.mulf %mul3A_610, %add3A_608 : vector<16xf32>
      %max3A_612 = arith.maximumf %add3A_608, %mul3A_611 : vector<16xf32>
      %exp3A_613 = math.exp %max3A_612 : vector<16xf32>
      %swap3A_614 = arith.constant 96 : index
      %swap3A_615 = tpu.vector_load %arg21[%swap3A_614] {strides = array<i32>} : memref<128xf32, #tpu.memory_space<vmem>>, vector<16xf32>,
      tpu.vector_store %arg21[%swap3A_614], %exp3A_613 {strides = array<i32>} : memref<128xf32, #tpu.memory_space<vmem>>, vector<16xf32>,
      %iota3A_616 = tpu.iota {dimensions = array<i32: 0>} : vector<16xi32>
      %add3A_617 = arith.constant 112 : i32
      %add3A_618 = vector.broadcast %add3A_617 : i32 to vector<16xi32>
      %add3A_619 = arith.addi %iota3A_616, %add3A_618 : vector<16xi32>
      %broadcast_in_dim3A_620 = arith.constant 2 : i32
      %broadcast_in_dim3A_621 = vector.broadcast %broadcast_in_dim3A_620 : i32 to vector<16xi32>
      %gather3A_622 = tpu.vector_load_idx %arg22[%add3A_619, %broadcast_in_dim3A_621] : memref<128x16xf32, #tpu.memory_space<vmem>>[vector<16xi32>, vector<16xi32>], vector<16xf32>,
      %broadcast_in_dim3A_623 = arith.constant 3 : i32
      %broadcast_in_dim3A_624 = vector.broadcast %broadcast_in_dim3A_623 : i32 to vector<16xi32>
      %gather3A_625 = tpu.vector_load_idx %arg23[%add3A_619, %broadcast_in_dim3A_624] : memref<128x16xf32, #tpu.memory_space<vmem>>[vector<16xi32>, vector<16xi32>], vector<16xf32>,
      %add3A_626 = arith.addf %gather3A_622, %gather3A_625 : vector<16xf32>
      %get3A_627 = arith.constant 112 : index
      %get3A_628 = tpu.vector_load %arg16[%get3A_627] {strides = array<i32>} : memref<128xf32, #tpu.memory_space<vmem>>, vector<16xf32>,
      %add3A_629 = arith.addf %add3A_626, %get3A_628 : vector<16xf32>
      %mul3A_630 = arith.constant 2.000000e-01 : f32
      %mul3A_631 = vector.broadcast %mul3A_630 : f32 to vector<16xf32>
      %mul3A_632 = arith.mulf %mul3A_631, %add3A_629 : vector<16xf32>
      %max3A_633 = arith.maximumf %add3A_629, %mul3A_632 : vector<16xf32>
      %exp3A_634 = math.exp %max3A_633 : vector<16xf32>
      %swap3A_635 = arith.constant 112 : index
      %swap3A_636 = tpu.vector_load %arg21[%swap3A_635] {strides = array<i32>} : memref<128xf32, #tpu.memory_space<vmem>>, vector<16xf32>,
      tpu.vector_store %arg21[%swap3A_635], %exp3A_634 {strides = array<i32>} : memref<128xf32, #tpu.memory_space<vmem>>, vector<16xf32>,
      %add3A_637 = arith.constant 1 : i32
      %add3A_638 = arith.addi %scan3A_181, %add3A_637 : i32
      %lt3A_639 = arith.constant 80 : i32
      %lt3A_640 = arith.cmpi slt, %add3A_638, %lt3A_639 : i32
      %convert_element_type3A_641 = arith.extui %lt3A_640 : i1 to i32
      %cond3A_642 = arith.constant 0 : i32
      %cond3A_643 = arith.cmpi ne, %convert_element_type3A_641, %cond3A_642 : i32
      scf.if %cond3A_643 {
        %add3A_742 = arith.constant 1 : i32
        %add3A_743 = arith.addi %scan3A_181, %add3A_742 : i32
        %add3A_744 = arith.addi %add3A_127, %add3A_743 : i32
        %dma_start3A_745 = arith.constant 0 : i32
        %dma_start3A_746 = tpu.memref_slice %arg6[%add3A_744, %dma_start3A_745] : memref<320x128xf32, #tpu.memory_space<hbm>> -> memref<1x128xf32, #tpu.memory_space<hbm>>
        %dma_start3A_747 = tpu.memref_squeeze %dma_start3A_746 : memref<1x128xf32, #tpu.memory_space<hbm>> -> memref<128xf32, #tpu.memory_space<hbm>>
        %dma_start3A_748 = arith.constant 0 : i32
        %dma_start3A_749 = tpu.memref_slice %arg6[%add3A_744, %dma_start3A_748] : memref<320x128xf32, #tpu.memory_space<hbm>> -> memref<1x128xf32, #tpu.memory_space<hbm>>
        %dma_start3A_750 = tpu.memref_squeeze %dma_start3A_749 : memref<1x128xf32, #tpu.memory_space<hbm>> -> memref<128xf32, #tpu.memory_space<hbm>>
        tpu.enqueue_dma source(%dma_start3A_750 : memref<128xf32, #tpu.memory_space<hbm>>) target(%arg16 : memref<128xf32, #tpu.memory_space<vmem>>) target_semaphore(%arg31 : memref<!tpu.dma_semaphore, #tpu.memory_space<semaphore_mem>>)
      } else {
      }
      %dma_wait3A_644 = arith.constant 0 : i32
      %dma_wait3A_645 = arith.constant 0 : i32
      %dma_wait3A_646 = tpu.memref_slice %arg17[%dma_wait3A_644, %dma_wait3A_645] : memref<2x64xi32, #tpu.memory_space<vmem>> -> memref<1x64xi32, #tpu.memory_space<vmem>>
      %dma_wait3A_647 = tpu.memref_squeeze %dma_wait3A_646 : memref<1x64xi32, #tpu.memory_space<vmem>> -> memref<64xi32, #tpu.memory_space<vmem>>
      %dma_wait3A_648 = arith.constant 0 : i32
      %dma_wait3A_649 = arith.constant 0 : i32
      %dma_wait3A_650 = tpu.memref_slice %arg3[%dma_wait3A_648, %dma_wait3A_649] : memref<20000x144xf32, #tpu.memory_space<hbm>> -> memref<20000x144xf32, #tpu.memory_space<hbm>>
      tpu.wait_indirect_dma semaphore(%arg28 : memref<!tpu.dma_semaphore, #tpu.memory_space<semaphore_mem>>) src(%dma_wait3A_650 : memref<20000x144xf32, #tpu.memory_space<hbm>>) dst(%arg24 : memref<64x144xf32, #tpu.memory_space<vmem>>)
      %iota3A_651 = tpu.iota {dimensions = array<i32: 0>} : vector<16xi32>
      %add3A_652 = arith.constant 0 : i32
      %add3A_653 = vector.broadcast %add3A_652 : i32 to vector<16xi32>
      %add3A_654 = arith.addi %iota3A_651, %add3A_653 : vector<16xi32>
      %get3A_655 = arith.constant 0 : index
      %get3A_656 = tpu.vector_load %arg21[%get3A_655] {strides = array<i32>} : memref<128xf32, #tpu.memory_space<vmem>>, vector<16xf32>,
      %broadcast_in_dim3A_657 = arith.constant 128 : i32
      %broadcast_in_dim3A_658 = vector.broadcast %broadcast_in_dim3A_657 : i32 to vector<16xi32>
      tpu.vector_store_idx %arg24[%add3A_654, %broadcast_in_dim3A_658], %get3A_656 : memref<64x144xf32, #tpu.memory_space<vmem>>[vector<16xi32>, vector<16xi32>], vector<16xf32>,
      %iota3A_659 = tpu.iota {dimensions = array<i32: 0>} : vector<16xi32>
      %add3A_660 = arith.constant 16 : i32
      %add3A_661 = vector.broadcast %add3A_660 : i32 to vector<16xi32>
      %add3A_662 = arith.addi %iota3A_659, %add3A_661 : vector<16xi32>
      %get3A_663 = arith.constant 16 : index
      %get3A_664 = tpu.vector_load %arg21[%get3A_663] {strides = array<i32>} : memref<128xf32, #tpu.memory_space<vmem>>, vector<16xf32>,
      %broadcast_in_dim3A_665 = arith.constant 128 : i32
      %broadcast_in_dim3A_666 = vector.broadcast %broadcast_in_dim3A_665 : i32 to vector<16xi32>
      tpu.vector_store_idx %arg24[%add3A_662, %broadcast_in_dim3A_666], %get3A_664 : memref<64x144xf32, #tpu.memory_space<vmem>>[vector<16xi32>, vector<16xi32>], vector<16xf32>,
      %iota3A_667 = tpu.iota {dimensions = array<i32: 0>} : vector<16xi32>
      %add3A_668 = arith.constant 32 : i32
      %add3A_669 = vector.broadcast %add3A_668 : i32 to vector<16xi32>
      %add3A_670 = arith.addi %iota3A_667, %add3A_669 : vector<16xi32>
      %get3A_671 = arith.constant 32 : index
      %get3A_672 = tpu.vector_load %arg21[%get3A_671] {strides = array<i32>} : memref<128xf32, #tpu.memory_space<vmem>>, vector<16xf32>,
      %broadcast_in_dim3A_673 = arith.constant 128 : i32
      %broadcast_in_dim3A_674 = vector.broadcast %broadcast_in_dim3A_673 : i32 to vector<16xi32>
      tpu.vector_store_idx %arg24[%add3A_670, %broadcast_in_dim3A_674], %get3A_672 : memref<64x144xf32, #tpu.memory_space<vmem>>[vector<16xi32>, vector<16xi32>], vector<16xf32>,
      %iota3A_675 = tpu.iota {dimensions = array<i32: 0>} : vector<16xi32>
      %add3A_676 = arith.constant 48 : i32
      %add3A_677 = vector.broadcast %add3A_676 : i32 to vector<16xi32>
      %add3A_678 = arith.addi %iota3A_675, %add3A_677 : vector<16xi32>
      %get3A_679 = arith.constant 48 : index
      %get3A_680 = tpu.vector_load %arg21[%get3A_679] {strides = array<i32>} : memref<128xf32, #tpu.memory_space<vmem>>, vector<16xf32>,
      %broadcast_in_dim3A_681 = arith.constant 128 : i32
      %broadcast_in_dim3A_682 = vector.broadcast %broadcast_in_dim3A_681 : i32 to vector<16xi32>
      tpu.vector_store_idx %arg24[%add3A_678, %broadcast_in_dim3A_682], %get3A_680 : memref<64x144xf32, #tpu.memory_space<vmem>>[vector<16xi32>, vector<16xi32>], vector<16xf32>,
      %parallel_loop3A = arith.constant 0 : i32
      %parallel_loop3A_683 = arith.constant 64 : i32
      %parallel_loop3A_684 = arith.constant 1 : i32
      scf.for %parallel_loop3A_742 = %parallel_loop3A to %parallel_loop3A_683 step %parallel_loop3A_684  : i32 {
        %parallel_loop3A_743 = arith.constant 0 : i32
        %parallel_loop3A_744 = arith.addi %parallel_loop3A_742, %parallel_loop3A_743 : i32
        %parallel_loop3A_745 = vector.broadcast %parallel_loop3A_744 : i32 to vector<16xi32>
        %parallel_loop3A_746 = tpu.vector_load_idx %arg21[%parallel_loop3A_745] : memref<128xf32, #tpu.memory_space<vmem>>[vector<16xi32>], vector<16xf32>,
        %parallel_loop3A_747 = arith.index_cast %parallel_loop3A_742 : i32 to index
        %parallel_loop3A_748 = arith.constant 0 : index
        %parallel_loop3A_749 = tpu.vector_load %arg24[%parallel_loop3A_747, %parallel_loop3A_748] {strides = array<i32>} : memref<64x144xf32, #tpu.memory_space<vmem>>, vector<16xf32>,
        %parallel_loop3A_750 = arith.mulf %parallel_loop3A_749, %parallel_loop3A_746 : vector<16xf32>
        %parallel_loop3A_751 = arith.index_cast %parallel_loop3A_742 : i32 to index
        %parallel_loop3A_752 = arith.constant 0 : index
        %parallel_loop3A_753 = tpu.vector_load %arg24[%parallel_loop3A_751, %parallel_loop3A_752] {strides = array<i32>} : memref<64x144xf32, #tpu.memory_space<vmem>>, vector<16xf32>,
        tpu.vector_store %arg24[%parallel_loop3A_751, %parallel_loop3A_752], %parallel_loop3A_750 {strides = array<i32>} : memref<64x144xf32, #tpu.memory_space<vmem>>, vector<16xf32>,
        %parallel_loop3A_754 = arith.index_cast %parallel_loop3A_742 : i32 to index
        %parallel_loop3A_755 = arith.constant 16 : index
        %parallel_loop3A_756 = tpu.vector_load %arg24[%parallel_loop3A_754, %parallel_loop3A_755] {strides = array<i32>} : memref<64x144xf32, #tpu.memory_space<vmem>>, vector<16xf32>,
        %parallel_loop3A_757 = arith.mulf %parallel_loop3A_756, %parallel_loop3A_746 : vector<16xf32>
        %parallel_loop3A_758 = arith.index_cast %parallel_loop3A_742 : i32 to index
        %parallel_loop3A_759 = arith.constant 16 : index
        %parallel_loop3A_760 = tpu.vector_load %arg24[%parallel_loop3A_758, %parallel_loop3A_759] {strides = array<i32>} : memref<64x144xf32, #tpu.memory_space<vmem>>, vector<16xf32>,
        tpu.vector_store %arg24[%parallel_loop3A_758, %parallel_loop3A_759], %parallel_loop3A_757 {strides = array<i32>} : memref<64x144xf32, #tpu.memory_space<vmem>>, vector<16xf32>,
        %parallel_loop3A_761 = arith.index_cast %parallel_loop3A_742 : i32 to index
        %parallel_loop3A_762 = arith.constant 32 : index
        %parallel_loop3A_763 = tpu.vector_load %arg24[%parallel_loop3A_761, %parallel_loop3A_762] {strides = array<i32>} : memref<64x144xf32, #tpu.memory_space<vmem>>, vector<16xf32>,
        %parallel_loop3A_764 = arith.mulf %parallel_loop3A_763, %parallel_loop3A_746 : vector<16xf32>
        %parallel_loop3A_765 = arith.index_cast %parallel_loop3A_742 : i32 to index
        %parallel_loop3A_766 = arith.constant 32 : index
        %parallel_loop3A_767 = tpu.vector_load %arg24[%parallel_loop3A_765, %parallel_loop3A_766] {strides = array<i32>} : memref<64x144xf32, #tpu.memory_space<vmem>>, vector<16xf32>,
        tpu.vector_store %arg24[%parallel_loop3A_765, %parallel_loop3A_766], %parallel_loop3A_764 {strides = array<i32>} : memref<64x144xf32, #tpu.memory_space<vmem>>, vector<16xf32>,
        %parallel_loop3A_768 = arith.index_cast %parallel_loop3A_742 : i32 to index
        %parallel_loop3A_769 = arith.constant 48 : index
        %parallel_loop3A_770 = tpu.vector_load %arg24[%parallel_loop3A_768, %parallel_loop3A_769] {strides = array<i32>} : memref<64x144xf32, #tpu.memory_space<vmem>>, vector<16xf32>,
        %parallel_loop3A_771 = arith.mulf %parallel_loop3A_770, %parallel_loop3A_746 : vector<16xf32>
        %parallel_loop3A_772 = arith.index_cast %parallel_loop3A_742 : i32 to index
        %parallel_loop3A_773 = arith.constant 48 : index
        %parallel_loop3A_774 = tpu.vector_load %arg24[%parallel_loop3A_772, %parallel_loop3A_773] {strides = array<i32>} : memref<64x144xf32, #tpu.memory_space<vmem>>, vector<16xf32>,
        tpu.vector_store %arg24[%parallel_loop3A_772, %parallel_loop3A_773], %parallel_loop3A_771 {strides = array<i32>} : memref<64x144xf32, #tpu.memory_space<vmem>>, vector<16xf32>,
        %parallel_loop3A_775 = arith.index_cast %parallel_loop3A_742 : i32 to index
        %parallel_loop3A_776 = arith.constant 64 : index
        %parallel_loop3A_777 = tpu.vector_load %arg24[%parallel_loop3A_775, %parallel_loop3A_776] {strides = array<i32>} : memref<64x144xf32, #tpu.memory_space<vmem>>, vector<16xf32>,
        %parallel_loop3A_778 = arith.mulf %parallel_loop3A_777, %parallel_loop3A_746 : vector<16xf32>
        %parallel_loop3A_779 = arith.index_cast %parallel_loop3A_742 : i32 to index
        %parallel_loop3A_780 = arith.constant 64 : index
        %parallel_loop3A_781 = tpu.vector_load %arg24[%parallel_loop3A_779, %parallel_loop3A_780] {strides = array<i32>} : memref<64x144xf32, #tpu.memory_space<vmem>>, vector<16xf32>,
        tpu.vector_store %arg24[%parallel_loop3A_779, %parallel_loop3A_780], %parallel_loop3A_778 {strides = array<i32>} : memref<64x144xf32, #tpu.memory_space<vmem>>, vector<16xf32>,
        %parallel_loop3A_782 = arith.index_cast %parallel_loop3A_742 : i32 to index
        %parallel_loop3A_783 = arith.constant 80 : index
        %parallel_loop3A_784 = tpu.vector_load %arg24[%parallel_loop3A_782, %parallel_loop3A_783] {strides = array<i32>} : memref<64x144xf32, #tpu.memory_space<vmem>>, vector<16xf32>,
        %parallel_loop3A_785 = arith.mulf %parallel_loop3A_784, %parallel_loop3A_746 : vector<16xf32>
        %parallel_loop3A_786 = arith.index_cast %parallel_loop3A_742 : i32 to index
        %parallel_loop3A_787 = arith.constant 80 : index
        %parallel_loop3A_788 = tpu.vector_load %arg24[%parallel_loop3A_786, %parallel_loop3A_787] {strides = array<i32>} : memref<64x144xf32, #tpu.memory_space<vmem>>, vector<16xf32>,
        tpu.vector_store %arg24[%parallel_loop3A_786, %parallel_loop3A_787], %parallel_loop3A_785 {strides = array<i32>} : memref<64x144xf32, #tpu.memory_space<vmem>>, vector<16xf32>,
        %parallel_loop3A_789 = arith.index_cast %parallel_loop3A_742 : i32 to index
        %parallel_loop3A_790 = arith.constant 96 : index
        %parallel_loop3A_791 = tpu.vector_load %arg24[%parallel_loop3A_789, %parallel_loop3A_790] {strides = array<i32>} : memref<64x144xf32, #tpu.memory_space<vmem>>, vector<16xf32>,
        %parallel_loop3A_792 = arith.mulf %parallel_loop3A_791, %parallel_loop3A_746 : vector<16xf32>
        %parallel_loop3A_793 = arith.index_cast %parallel_loop3A_742 : i32 to index
        %parallel_loop3A_794 = arith.constant 96 : index
        %parallel_loop3A_795 = tpu.vector_load %arg24[%parallel_loop3A_793, %parallel_loop3A_794] {strides = array<i32>} : memref<64x144xf32, #tpu.memory_space<vmem>>, vector<16xf32>,
        tpu.vector_store %arg24[%parallel_loop3A_793, %parallel_loop3A_794], %parallel_loop3A_792 {strides = array<i32>} : memref<64x144xf32, #tpu.memory_space<vmem>>, vector<16xf32>,
        %parallel_loop3A_796 = arith.index_cast %parallel_loop3A_742 : i32 to index
        %parallel_loop3A_797 = arith.constant 112 : index
        %parallel_loop3A_798 = tpu.vector_load %arg24[%parallel_loop3A_796, %parallel_loop3A_797] {strides = array<i32>} : memref<64x144xf32, #tpu.memory_space<vmem>>, vector<16xf32>,
        %parallel_loop3A_799 = arith.mulf %parallel_loop3A_798, %parallel_loop3A_746 : vector<16xf32>
        %parallel_loop3A_800 = arith.index_cast %parallel_loop3A_742 : i32 to index
        %parallel_loop3A_801 = arith.constant 112 : index
        %parallel_loop3A_802 = tpu.vector_load %arg24[%parallel_loop3A_800, %parallel_loop3A_801] {strides = array<i32>} : memref<64x144xf32, #tpu.memory_space<vmem>>, vector<16xf32>,
        tpu.vector_store %arg24[%parallel_loop3A_800, %parallel_loop3A_801], %parallel_loop3A_799 {strides = array<i32>} : memref<64x144xf32, #tpu.memory_space<vmem>>, vector<16xf32>,
      } {sc.loop_unroll_factor = 8 : i64, sc.parallel_access}
      %dma_start3A_685 = arith.constant 0 : i32
      %dma_start3A_686 = arith.constant 0 : i32
      %dma_start3A_687 = tpu.memref_slice %arg18[%dma_start3A_685, %dma_start3A_686] : memref<2x64xi32, #tpu.memory_space<vmem>> -> memref<1x64xi32, #tpu.memory_space<vmem>>
      %dma_start3A_688 = tpu.memref_squeeze %dma_start3A_687 : memref<1x64xi32, #tpu.memory_space<vmem>> -> memref<64xi32, #tpu.memory_space<vmem>>
      %dma_start3A_689 = arith.constant 0 : i32
      %dma_start3A_690 = arith.constant 0 : i32
      %dma_start3A_691 = tpu.memref_slice %arg13[%dma_start3A_689, %dma_start3A_690] : memref<10240x144xf32, #tpu.memory_space<vmem_shared>> -> memref<10240x144xf32, #tpu.memory_space<vmem_shared>>
      tpu.enqueue_indirect_dma source(%arg24 : memref<64x144xf32, #tpu.memory_space<vmem>>) target(%dma_start3A_691 : memref<10240x144xf32, #tpu.memory_space<vmem_shared>>) offsets(%dma_start3A_688 : memref<64xi32, #tpu.memory_space<vmem>>) semaphore(%arg28 : memref<!tpu.dma_semaphore, #tpu.memory_space<semaphore_mem>>) {add = true}
      %dma_wait3A_692 = arith.constant 1 : i32
      %dma_wait3A_693 = arith.constant 0 : i32
      %dma_wait3A_694 = tpu.memref_slice %arg17[%dma_wait3A_692, %dma_wait3A_693] : memref<2x64xi32, #tpu.memory_space<vmem>> -> memref<1x64xi32, #tpu.memory_space<vmem>>
      %dma_wait3A_695 = tpu.memref_squeeze %dma_wait3A_694 : memref<1x64xi32, #tpu.memory_space<vmem>> -> memref<64xi32, #tpu.memory_space<vmem>>
      %dma_wait3A_696 = arith.constant 0 : i32
      %dma_wait3A_697 = arith.constant 0 : i32
      %dma_wait3A_698 = tpu.memref_slice %arg3[%dma_wait3A_696, %dma_wait3A_697] : memref<20000x144xf32, #tpu.memory_space<hbm>> -> memref<20000x144xf32, #tpu.memory_space<hbm>>
      tpu.wait_indirect_dma semaphore(%arg29 : memref<!tpu.dma_semaphore, #tpu.memory_space<semaphore_mem>>) src(%dma_wait3A_698 : memref<20000x144xf32, #tpu.memory_space<hbm>>) dst(%arg25 : memref<64x144xf32, #tpu.memory_space<vmem>>)
      %iota3A_699 = tpu.iota {dimensions = array<i32: 0>} : vector<16xi32>
      %add3A_700 = arith.constant 0 : i32
      %add3A_701 = vector.broadcast %add3A_700 : i32 to vector<16xi32>
      %add3A_702 = arith.addi %iota3A_699, %add3A_701 : vector<16xi32>
      %get3A_703 = arith.constant 64 : index
      %get3A_704 = tpu.vector_load %arg21[%get3A_703] {strides = array<i32>} : memref<128xf32, #tpu.memory_space<vmem>>, vector<16xf32>,
      %broadcast_in_dim3A_705 = arith.constant 128 : i32
      %broadcast_in_dim3A_706 = vector.broadcast %broadcast_in_dim3A_705 : i32 to vector<16xi32>
      tpu.vector_store_idx %arg25[%add3A_702, %broadcast_in_dim3A_706], %get3A_704 : memref<64x144xf32, #tpu.memory_space<vmem>>[vector<16xi32>, vector<16xi32>], vector<16xf32>,
      %iota3A_707 = tpu.iota {dimensions = array<i32: 0>} : vector<16xi32>
      %add3A_708 = arith.constant 16 : i32
      %add3A_709 = vector.broadcast %add3A_708 : i32 to vector<16xi32>
      %add3A_710 = arith.addi %iota3A_707, %add3A_709 : vector<16xi32>
      %get3A_711 = arith.constant 80 : index
      %get3A_712 = tpu.vector_load %arg21[%get3A_711] {strides = array<i32>} : memref<128xf32, #tpu.memory_space<vmem>>, vector<16xf32>,
      %broadcast_in_dim3A_713 = arith.constant 128 : i32
      %broadcast_in_dim3A_714 = vector.broadcast %broadcast_in_dim3A_713 : i32 to vector<16xi32>
      tpu.vector_store_idx %arg25[%add3A_710, %broadcast_in_dim3A_714], %get3A_712 : memref<64x144xf32, #tpu.memory_space<vmem>>[vector<16xi32>, vector<16xi32>], vector<16xf32>,
      %iota3A_715 = tpu.iota {dimensions = array<i32: 0>} : vector<16xi32>
      %add3A_716 = arith.constant 32 : i32
      %add3A_717 = vector.broadcast %add3A_716 : i32 to vector<16xi32>
      %add3A_718 = arith.addi %iota3A_715, %add3A_717 : vector<16xi32>
      %get3A_719 = arith.constant 96 : index
      %get3A_720 = tpu.vector_load %arg21[%get3A_719] {strides = array<i32>} : memref<128xf32, #tpu.memory_space<vmem>>, vector<16xf32>,
      %broadcast_in_dim3A_721 = arith.constant 128 : i32
      %broadcast_in_dim3A_722 = vector.broadcast %broadcast_in_dim3A_721 : i32 to vector<16xi32>
      tpu.vector_store_idx %arg25[%add3A_718, %broadcast_in_dim3A_722], %get3A_720 : memref<64x144xf32, #tpu.memory_space<vmem>>[vector<16xi32>, vector<16xi32>], vector<16xf32>,
      %iota3A_723 = tpu.iota {dimensions = array<i32: 0>} : vector<16xi32>
      %add3A_724 = arith.constant 48 : i32
      %add3A_725 = vector.broadcast %add3A_724 : i32 to vector<16xi32>
      %add3A_726 = arith.addi %iota3A_723, %add3A_725 : vector<16xi32>
      %get3A_727 = arith.constant 112 : index
      %get3A_728 = tpu.vector_load %arg21[%get3A_727] {strides = array<i32>} : memref<128xf32, #tpu.memory_space<vmem>>, vector<16xf32>,
      %broadcast_in_dim3A_729 = arith.constant 128 : i32
      %broadcast_in_dim3A_730 = vector.broadcast %broadcast_in_dim3A_729 : i32 to vector<16xi32>
      tpu.vector_store_idx %arg25[%add3A_726, %broadcast_in_dim3A_730], %get3A_728 : memref<64x144xf32, #tpu.memory_space<vmem>>[vector<16xi32>, vector<16xi32>], vector<16xf32>,
      %parallel_loop3A_731 = arith.constant 0 : i32
      %parallel_loop3A_732 = arith.constant 64 : i32
      %parallel_loop3A_733 = arith.constant 1 : i32
      scf.for %parallel_loop3A_742 = %parallel_loop3A_731 to %parallel_loop3A_732 step %parallel_loop3A_733  : i32 {
        %parallel_loop3A_743 = arith.constant 64 : i32
        %parallel_loop3A_744 = arith.addi %parallel_loop3A_742, %parallel_loop3A_743 : i32
        %parallel_loop3A_745 = vector.broadcast %parallel_loop3A_744 : i32 to vector<16xi32>
        %parallel_loop3A_746 = tpu.vector_load_idx %arg21[%parallel_loop3A_745] : memref<128xf32, #tpu.memory_space<vmem>>[vector<16xi32>], vector<16xf32>,
        %parallel_loop3A_747 = arith.index_cast %parallel_loop3A_742 : i32 to index
        %parallel_loop3A_748 = arith.constant 0 : index
        %parallel_loop3A_749 = tpu.vector_load %arg25[%parallel_loop3A_747, %parallel_loop3A_748] {strides = array<i32>} : memref<64x144xf32, #tpu.memory_space<vmem>>, vector<16xf32>,
        %parallel_loop3A_750 = arith.mulf %parallel_loop3A_749, %parallel_loop3A_746 : vector<16xf32>
        %parallel_loop3A_751 = arith.index_cast %parallel_loop3A_742 : i32 to index
        %parallel_loop3A_752 = arith.constant 0 : index
        %parallel_loop3A_753 = tpu.vector_load %arg25[%parallel_loop3A_751, %parallel_loop3A_752] {strides = array<i32>} : memref<64x144xf32, #tpu.memory_space<vmem>>, vector<16xf32>,
        tpu.vector_store %arg25[%parallel_loop3A_751, %parallel_loop3A_752], %parallel_loop3A_750 {strides = array<i32>} : memref<64x144xf32, #tpu.memory_space<vmem>>, vector<16xf32>,
        %parallel_loop3A_754 = arith.index_cast %parallel_loop3A_742 : i32 to index
        %parallel_loop3A_755 = arith.constant 16 : index
        %parallel_loop3A_756 = tpu.vector_load %arg25[%parallel_loop3A_754, %parallel_loop3A_755] {strides = array<i32>} : memref<64x144xf32, #tpu.memory_space<vmem>>, vector<16xf32>,
        %parallel_loop3A_757 = arith.mulf %parallel_loop3A_756, %parallel_loop3A_746 : vector<16xf32>
        %parallel_loop3A_758 = arith.index_cast %parallel_loop3A_742 : i32 to index
        %parallel_loop3A_759 = arith.constant 16 : index
        %parallel_loop3A_760 = tpu.vector_load %arg25[%parallel_loop3A_758, %parallel_loop3A_759] {strides = array<i32>} : memref<64x144xf32, #tpu.memory_space<vmem>>, vector<16xf32>,
        tpu.vector_store %arg25[%parallel_loop3A_758, %parallel_loop3A_759], %parallel_loop3A_757 {strides = array<i32>} : memref<64x144xf32, #tpu.memory_space<vmem>>, vector<16xf32>,
        %parallel_loop3A_761 = arith.index_cast %parallel_loop3A_742 : i32 to index
        %parallel_loop3A_762 = arith.constant 32 : index
        %parallel_loop3A_763 = tpu.vector_load %arg25[%parallel_loop3A_761, %parallel_loop3A_762] {strides = array<i32>} : memref<64x144xf32, #tpu.memory_space<vmem>>, vector<16xf32>,
        %parallel_loop3A_764 = arith.mulf %parallel_loop3A_763, %parallel_loop3A_746 : vector<16xf32>
        %parallel_loop3A_765 = arith.index_cast %parallel_loop3A_742 : i32 to index
        %parallel_loop3A_766 = arith.constant 32 : index
        %parallel_loop3A_767 = tpu.vector_load %arg25[%parallel_loop3A_765, %parallel_loop3A_766] {strides = array<i32>} : memref<64x144xf32, #tpu.memory_space<vmem>>, vector<16xf32>,
        tpu.vector_store %arg25[%parallel_loop3A_765, %parallel_loop3A_766], %parallel_loop3A_764 {strides = array<i32>} : memref<64x144xf32, #tpu.memory_space<vmem>>, vector<16xf32>,
        %parallel_loop3A_768 = arith.index_cast %parallel_loop3A_742 : i32 to index
        %parallel_loop3A_769 = arith.constant 48 : index
        %parallel_loop3A_770 = tpu.vector_load %arg25[%parallel_loop3A_768, %parallel_loop3A_769] {strides = array<i32>} : memref<64x144xf32, #tpu.memory_space<vmem>>, vector<16xf32>,
        %parallel_loop3A_771 = arith.mulf %parallel_loop3A_770, %parallel_loop3A_746 : vector<16xf32>
        %parallel_loop3A_772 = arith.index_cast %parallel_loop3A_742 : i32 to index
        %parallel_loop3A_773 = arith.constant 48 : index
        %parallel_loop3A_774 = tpu.vector_load %arg25[%parallel_loop3A_772, %parallel_loop3A_773] {strides = array<i32>} : memref<64x144xf32, #tpu.memory_space<vmem>>, vector<16xf32>,
        tpu.vector_store %arg25[%parallel_loop3A_772, %parallel_loop3A_773], %parallel_loop3A_771 {strides = array<i32>} : memref<64x144xf32, #tpu.memory_space<vmem>>, vector<16xf32>,
        %parallel_loop3A_775 = arith.index_cast %parallel_loop3A_742 : i32 to index
        %parallel_loop3A_776 = arith.constant 64 : index
        %parallel_loop3A_777 = tpu.vector_load %arg25[%parallel_loop3A_775, %parallel_loop3A_776] {strides = array<i32>} : memref<64x144xf32, #tpu.memory_space<vmem>>, vector<16xf32>,
        %parallel_loop3A_778 = arith.mulf %parallel_loop3A_777, %parallel_loop3A_746 : vector<16xf32>
        %parallel_loop3A_779 = arith.index_cast %parallel_loop3A_742 : i32 to index
        %parallel_loop3A_780 = arith.constant 64 : index
        %parallel_loop3A_781 = tpu.vector_load %arg25[%parallel_loop3A_779, %parallel_loop3A_780] {strides = array<i32>} : memref<64x144xf32, #tpu.memory_space<vmem>>, vector<16xf32>,
        tpu.vector_store %arg25[%parallel_loop3A_779, %parallel_loop3A_780], %parallel_loop3A_778 {strides = array<i32>} : memref<64x144xf32, #tpu.memory_space<vmem>>, vector<16xf32>,
        %parallel_loop3A_782 = arith.index_cast %parallel_loop3A_742 : i32 to index
        %parallel_loop3A_783 = arith.constant 80 : index
        %parallel_loop3A_784 = tpu.vector_load %arg25[%parallel_loop3A_782, %parallel_loop3A_783] {strides = array<i32>} : memref<64x144xf32, #tpu.memory_space<vmem>>, vector<16xf32>,
        %parallel_loop3A_785 = arith.mulf %parallel_loop3A_784, %parallel_loop3A_746 : vector<16xf32>
        %parallel_loop3A_786 = arith.index_cast %parallel_loop3A_742 : i32 to index
        %parallel_loop3A_787 = arith.constant 80 : index
        %parallel_loop3A_788 = tpu.vector_load %arg25[%parallel_loop3A_786, %parallel_loop3A_787] {strides = array<i32>} : memref<64x144xf32, #tpu.memory_space<vmem>>, vector<16xf32>,
        tpu.vector_store %arg25[%parallel_loop3A_786, %parallel_loop3A_787], %parallel_loop3A_785 {strides = array<i32>} : memref<64x144xf32, #tpu.memory_space<vmem>>, vector<16xf32>,
        %parallel_loop3A_789 = arith.index_cast %parallel_loop3A_742 : i32 to index
        %parallel_loop3A_790 = arith.constant 96 : index
        %parallel_loop3A_791 = tpu.vector_load %arg25[%parallel_loop3A_789, %parallel_loop3A_790] {strides = array<i32>} : memref<64x144xf32, #tpu.memory_space<vmem>>, vector<16xf32>,
        %parallel_loop3A_792 = arith.mulf %parallel_loop3A_791, %parallel_loop3A_746 : vector<16xf32>
        %parallel_loop3A_793 = arith.index_cast %parallel_loop3A_742 : i32 to index
        %parallel_loop3A_794 = arith.constant 96 : index
        %parallel_loop3A_795 = tpu.vector_load %arg25[%parallel_loop3A_793, %parallel_loop3A_794] {strides = array<i32>} : memref<64x144xf32, #tpu.memory_space<vmem>>, vector<16xf32>,
        tpu.vector_store %arg25[%parallel_loop3A_793, %parallel_loop3A_794], %parallel_loop3A_792 {strides = array<i32>} : memref<64x144xf32, #tpu.memory_space<vmem>>, vector<16xf32>,
        %parallel_loop3A_796 = arith.index_cast %parallel_loop3A_742 : i32 to index
        %parallel_loop3A_797 = arith.constant 112 : index
        %parallel_loop3A_798 = tpu.vector_load %arg25[%parallel_loop3A_796, %parallel_loop3A_797] {strides = array<i32>} : memref<64x144xf32, #tpu.memory_space<vmem>>, vector<16xf32>,
        %parallel_loop3A_799 = arith.mulf %parallel_loop3A_798, %parallel_loop3A_746 : vector<16xf32>
        %parallel_loop3A_800 = arith.index_cast %parallel_loop3A_742 : i32 to index
        %parallel_loop3A_801 = arith.constant 112 : index
        %parallel_loop3A_802 = tpu.vector_load %arg25[%parallel_loop3A_800, %parallel_loop3A_801] {strides = array<i32>} : memref<64x144xf32, #tpu.memory_space<vmem>>, vector<16xf32>,
        tpu.vector_store %arg25[%parallel_loop3A_800, %parallel_loop3A_801], %parallel_loop3A_799 {strides = array<i32>} : memref<64x144xf32, #tpu.memory_space<vmem>>, vector<16xf32>,
      } {sc.loop_unroll_factor = 8 : i64, sc.parallel_access}
      %dma_start3A_734 = arith.constant 1 : i32
      %dma_start3A_735 = arith.constant 0 : i32
      %dma_start3A_736 = tpu.memref_slice %arg18[%dma_start3A_734, %dma_start3A_735] : memref<2x64xi32, #tpu.memory_space<vmem>> -> memref<1x64xi32, #tpu.memory_space<vmem>>
      %dma_start3A_737 = tpu.memref_squeeze %dma_start3A_736 : memref<1x64xi32, #tpu.memory_space<vmem>> -> memref<64xi32, #tpu.memory_space<vmem>>
      %dma_start3A_738 = arith.constant 0 : i32
      %dma_start3A_739 = arith.constant 0 : i32
      %dma_start3A_740 = tpu.memref_slice %arg13[%dma_start3A_738, %dma_start3A_739] : memref<10240x144xf32, #tpu.memory_space<vmem_shared>> -> memref<10240x144xf32, #tpu.memory_space<vmem_shared>>
      tpu.enqueue_indirect_dma source(%arg25 : memref<64x144xf32, #tpu.memory_space<vmem>>) target(%dma_start3A_740 : memref<10240x144xf32, #tpu.memory_space<vmem_shared>>) offsets(%dma_start3A_737 : memref<64xi32, #tpu.memory_space<vmem>>) semaphore(%arg29 : memref<!tpu.dma_semaphore, #tpu.memory_space<semaphore_mem>>) {add = true}
      %scan3A_741 = arith.constant 0 : i32
      scf.yield %scan3A_741 : i32
    }
    %scan3A_158 = arith.constant 80 : i32
    %dma_wait3A_159 = arith.constant 0 : i32
    %dma_wait3A_160 = arith.constant 0 : i32
    %dma_wait3A_161 = tpu.memref_slice %arg18[%dma_wait3A_159, %dma_wait3A_160] : memref<2x64xi32, #tpu.memory_space<vmem>> -> memref<1x64xi32, #tpu.memory_space<vmem>>
    %dma_wait3A_162 = tpu.memref_squeeze %dma_wait3A_161 : memref<1x64xi32, #tpu.memory_space<vmem>> -> memref<64xi32, #tpu.memory_space<vmem>>
    %dma_wait3A_163 = arith.constant 0 : i32
    %dma_wait3A_164 = arith.constant 0 : i32
    %dma_wait3A_165 = tpu.memref_slice %arg13[%dma_wait3A_163, %dma_wait3A_164] : memref<10240x144xf32, #tpu.memory_space<vmem_shared>> -> memref<10240x144xf32, #tpu.memory_space<vmem_shared>>
    tpu.wait_indirect_dma semaphore(%arg28 : memref<!tpu.dma_semaphore, #tpu.memory_space<semaphore_mem>>) src(%arg24 : memref<64x144xf32, #tpu.memory_space<vmem>>) dst(%dma_wait3A_165 : memref<10240x144xf32, #tpu.memory_space<vmem_shared>>)
    %dma_wait3A_166 = arith.constant 1 : i32
    %dma_wait3A_167 = arith.constant 0 : i32
    %dma_wait3A_168 = tpu.memref_slice %arg18[%dma_wait3A_166, %dma_wait3A_167] : memref<2x64xi32, #tpu.memory_space<vmem>> -> memref<1x64xi32, #tpu.memory_space<vmem>>
    %dma_wait3A_169 = tpu.memref_squeeze %dma_wait3A_168 : memref<1x64xi32, #tpu.memory_space<vmem>> -> memref<64xi32, #tpu.memory_space<vmem>>
    %dma_wait3A_170 = arith.constant 0 : i32
    %dma_wait3A_171 = arith.constant 0 : i32
    %dma_wait3A_172 = tpu.memref_slice %arg13[%dma_wait3A_170, %dma_wait3A_171] : memref<10240x144xf32, #tpu.memory_space<vmem_shared>> -> memref<10240x144xf32, #tpu.memory_space<vmem_shared>>
    tpu.wait_indirect_dma semaphore(%arg29 : memref<!tpu.dma_semaphore, #tpu.memory_space<semaphore_mem>>) src(%arg25 : memref<64x144xf32, #tpu.memory_space<vmem>>) dst(%dma_wait3A_172 : memref<10240x144xf32, #tpu.memory_space<vmem_shared>>)
    %barrier3A_173 = arith.constant 0 : index
    tpu.barrier barrier_id(%barrier3A_173)
    %scan3A_174 = arith.constant 0 : i32
    %scan3A_175 = arith.constant 0 : i32
    %scan3A_176 = arith.constant 10 : i32
    %scan3A_177 = arith.addi %scan3A_175, %scan3A_176 : i32
    %scan3A_178 = arith.constant 1 : i32
    %scan3A_179 = scf.for %scan3A_181 = %scan3A_175 to %scan3A_177 step %scan3A_178 iter_args(%scan3A_182 = %scan3A_174) -> (i32)  : i32 {
      %mul3A_183 = arith.constant 640 : i32
      %mul3A_184 = arith.muli %arg1, %mul3A_183 : i32
      %mul3A_185 = arith.constant 64 : i32
      %mul3A_186 = arith.muli %scan3A_181, %mul3A_185 : i32
      %add3A_187 = arith.addi %mul3A_184, %mul3A_186 : i32
      "tpu.region"() ({
        %run_scoped3A = tpu.sem_alloc : memref<!tpu.dma_semaphore, #tpu.memory_space<semaphore_mem>>
        %dma_start3A_193 = arith.constant 0 : i32
        %dma_start3A_194 = tpu.memref_slice %arg13[%add3A_187, %dma_start3A_193] : memref<10240x144xf32, #tpu.memory_space<vmem_shared>> -> memref<64x144xf32, #tpu.memory_space<vmem_shared>>
        %dma_start3A_195 = arith.constant 0 : i32
        %dma_start3A_196 = tpu.memref_slice %arg13[%add3A_187, %dma_start3A_195] : memref<10240x144xf32, #tpu.memory_space<vmem_shared>> -> memref<64x144xf32, #tpu.memory_space<vmem_shared>>
        tpu.enqueue_dma source(%dma_start3A_196 : memref<64x144xf32, #tpu.memory_space<vmem_shared>>) target(%arg24 : memref<64x144xf32, #tpu.memory_space<vmem>>) target_semaphore(%run_scoped3A : memref<!tpu.dma_semaphore, #tpu.memory_space<semaphore_mem>>)
        %dma_wait3A_197 = arith.constant 0 : i32
        %dma_wait3A_198 = tpu.memref_slice %arg13[%add3A_187, %dma_wait3A_197] : memref<10240x144xf32, #tpu.memory_space<vmem_shared>> -> memref<64x144xf32, #tpu.memory_space<vmem_shared>>
        %dma_wait3A_199 = arith.constant 0 : i32
        %dma_wait3A_200 = tpu.memref_slice %arg13[%add3A_187, %dma_wait3A_199] : memref<10240x144xf32, #tpu.memory_space<vmem_shared>> -> memref<64x144xf32, #tpu.memory_space<vmem_shared>>
        tpu.wait_dma2 semaphore(%run_scoped3A : memref<!tpu.dma_semaphore, #tpu.memory_space<semaphore_mem>>) src(%dma_wait3A_200 : memref<64x144xf32, #tpu.memory_space<vmem_shared>>) dst(%arg24 : memref<64x144xf32, #tpu.memory_space<vmem>>)
        tpu.yield
      }) : () -> ()
      %add3A_188 = arith.addi %mul3A_2, %add3A_187 : i32
      "tpu.region"() ({
        %run_scoped3A = tpu.sem_alloc : memref<!tpu.dma_semaphore, #tpu.memory_space<semaphore_mem>>
        %dma_start3A_193 = arith.constant 0 : i32
        %dma_start3A_194 = tpu.memref_slice %arg12[%add3A_188, %dma_start3A_193] : memref<20480x128xf32, #tpu.memory_space<hbm>> -> memref<64x128xf32, #tpu.memory_space<hbm>>
        %dma_start3A_195 = arith.constant 0 : i32
        %dma_start3A_196 = tpu.memref_slice %arg12[%add3A_188, %dma_start3A_195] : memref<20480x128xf32, #tpu.memory_space<hbm>> -> memref<64x128xf32, #tpu.memory_space<hbm>>
        tpu.enqueue_dma source(%dma_start3A_196 : memref<64x128xf32, #tpu.memory_space<hbm>>) target(%arg26 : memref<64x128xf32, #tpu.memory_space<vmem>>) target_semaphore(%run_scoped3A : memref<!tpu.dma_semaphore, #tpu.memory_space<semaphore_mem>>)
        %dma_wait3A_197 = arith.constant 0 : i32
        %dma_wait3A_198 = tpu.memref_slice %arg12[%add3A_188, %dma_wait3A_197] : memref<20480x128xf32, #tpu.memory_space<hbm>> -> memref<64x128xf32, #tpu.memory_space<hbm>>
        %dma_wait3A_199 = arith.constant 0 : i32
        %dma_wait3A_200 = tpu.memref_slice %arg12[%add3A_188, %dma_wait3A_199] : memref<20480x128xf32, #tpu.memory_space<hbm>> -> memref<64x128xf32, #tpu.memory_space<hbm>>
        tpu.wait_dma2 semaphore(%run_scoped3A : memref<!tpu.dma_semaphore, #tpu.memory_space<semaphore_mem>>) src(%dma_wait3A_200 : memref<64x128xf32, #tpu.memory_space<hbm>>) dst(%arg26 : memref<64x128xf32, #tpu.memory_space<vmem>>)
        tpu.yield
      }) : () -> ()
      %parallel_loop3A = arith.constant 0 : i32
      %parallel_loop3A_189 = arith.constant 64 : i32
      %parallel_loop3A_190 = arith.constant 1 : i32
      scf.for %parallel_loop3A_193 = %parallel_loop3A to %parallel_loop3A_189 step %parallel_loop3A_190  : i32 {
        %parallel_loop3A_194 = vector.broadcast %parallel_loop3A_193 : i32 to vector<16xi32>
        %parallel_loop3A_195 = arith.constant 128 : i32
        %parallel_loop3A_196 = vector.broadcast %parallel_loop3A_195 : i32 to vector<16xi32>
        %parallel_loop3A_197 = tpu.vector_load_idx %arg24[%parallel_loop3A_194, %parallel_loop3A_196] : memref<64x144xf32, #tpu.memory_space<vmem>>[vector<16xi32>, vector<16xi32>], vector<16xf32>,
        %parallel_loop3A_198 = arith.constant 1.000000e-16 : f32
        %parallel_loop3A_199 = vector.broadcast %parallel_loop3A_198 : f32 to vector<16xf32>
        %parallel_loop3A_200 = arith.addf %parallel_loop3A_197, %parallel_loop3A_199 : vector<16xf32>
        %parallel_loop3A_201 = arith.constant 1.000000e+00 : f32
        %parallel_loop3A_202 = vector.broadcast %parallel_loop3A_201 : f32 to vector<16xf32>
        %parallel_loop3A_203 = arith.divf %parallel_loop3A_202, %parallel_loop3A_200 : vector<16xf32>
        %parallel_loop3A_204 = arith.constant 128 : index
        %parallel_loop3A_205 = tpu.vector_load %arg27[%parallel_loop3A_204] {strides = array<i32>} : memref<288xf32, #tpu.memory_space<vmem>>, vector<16xf32>,
        %parallel_loop3A_206 = arith.index_cast %parallel_loop3A_193 : i32 to index
        %parallel_loop3A_207 = arith.constant 0 : index
        %parallel_loop3A_208 = tpu.vector_load %arg24[%parallel_loop3A_206, %parallel_loop3A_207] {strides = array<i32>} : memref<64x144xf32, #tpu.memory_space<vmem>>, vector<16xf32>,
        %parallel_loop3A_209 = arith.mulf %parallel_loop3A_208, %parallel_loop3A_203 : vector<16xf32>
        %parallel_loop3A_210 = arith.addf %parallel_loop3A_209, %parallel_loop3A_205 : vector<16xf32>
        %parallel_loop3A_211 = arith.index_cast %parallel_loop3A_193 : i32 to index
        %parallel_loop3A_212 = arith.constant 0 : index
        %parallel_loop3A_213 = tpu.vector_load %arg26[%parallel_loop3A_211, %parallel_loop3A_212] {strides = array<i32>} : memref<64x128xf32, #tpu.memory_space<vmem>>, vector<16xf32>,
        %parallel_loop3A_214 = arith.constant 272 : index
        %parallel_loop3A_215 = tpu.vector_load %arg27[%parallel_loop3A_214] {strides = array<i32>} : memref<288xf32, #tpu.memory_space<vmem>>, vector<16xf32>,
        %parallel_loop3A_216 = arith.mulf %parallel_loop3A_210, %parallel_loop3A_215 : vector<16xf32>
        %parallel_loop3A_217 = arith.addf %parallel_loop3A_213, %parallel_loop3A_216 : vector<16xf32>
        %parallel_loop3A_218 = arith.index_cast %parallel_loop3A_193 : i32 to index
        %parallel_loop3A_219 = arith.constant 0 : index
        %parallel_loop3A_220 = tpu.vector_load %arg26[%parallel_loop3A_218, %parallel_loop3A_219] {strides = array<i32>} : memref<64x128xf32, #tpu.memory_space<vmem>>, vector<16xf32>,
        tpu.vector_store %arg26[%parallel_loop3A_218, %parallel_loop3A_219], %parallel_loop3A_217 {strides = array<i32>} : memref<64x128xf32, #tpu.memory_space<vmem>>, vector<16xf32>,
        %parallel_loop3A_221 = arith.constant 144 : index
        %parallel_loop3A_222 = tpu.vector_load %arg27[%parallel_loop3A_221] {strides = array<i32>} : memref<288xf32, #tpu.memory_space<vmem>>, vector<16xf32>,
        %parallel_loop3A_223 = arith.index_cast %parallel_loop3A_193 : i32 to index
        %parallel_loop3A_224 = arith.constant 16 : index
        %parallel_loop3A_225 = tpu.vector_load %arg24[%parallel_loop3A_223, %parallel_loop3A_224] {strides = array<i32>} : memref<64x144xf32, #tpu.memory_space<vmem>>, vector<16xf32>,
        %parallel_loop3A_226 = arith.mulf %parallel_loop3A_225, %parallel_loop3A_203 : vector<16xf32>
        %parallel_loop3A_227 = arith.addf %parallel_loop3A_226, %parallel_loop3A_222 : vector<16xf32>
        %parallel_loop3A_228 = arith.index_cast %parallel_loop3A_193 : i32 to index
        %parallel_loop3A_229 = arith.constant 16 : index
        %parallel_loop3A_230 = tpu.vector_load %arg26[%parallel_loop3A_228, %parallel_loop3A_229] {strides = array<i32>} : memref<64x128xf32, #tpu.memory_space<vmem>>, vector<16xf32>,
        %parallel_loop3A_231 = arith.constant 272 : index
        %parallel_loop3A_232 = tpu.vector_load %arg27[%parallel_loop3A_231] {strides = array<i32>} : memref<288xf32, #tpu.memory_space<vmem>>, vector<16xf32>,
        %parallel_loop3A_233 = arith.mulf %parallel_loop3A_227, %parallel_loop3A_232 : vector<16xf32>
        %parallel_loop3A_234 = arith.addf %parallel_loop3A_230, %parallel_loop3A_233 : vector<16xf32>
        %parallel_loop3A_235 = arith.index_cast %parallel_loop3A_193 : i32 to index
        %parallel_loop3A_236 = arith.constant 16 : index
        %parallel_loop3A_237 = tpu.vector_load %arg26[%parallel_loop3A_235, %parallel_loop3A_236] {strides = array<i32>} : memref<64x128xf32, #tpu.memory_space<vmem>>, vector<16xf32>,
        tpu.vector_store %arg26[%parallel_loop3A_235, %parallel_loop3A_236], %parallel_loop3A_234 {strides = array<i32>} : memref<64x128xf32, #tpu.memory_space<vmem>>, vector<16xf32>,
        %parallel_loop3A_238 = arith.constant 160 : index
        %parallel_loop3A_239 = tpu.vector_load %arg27[%parallel_loop3A_238] {strides = array<i32>} : memref<288xf32, #tpu.memory_space<vmem>>, vector<16xf32>,
        %parallel_loop3A_240 = arith.index_cast %parallel_loop3A_193 : i32 to index
        %parallel_loop3A_241 = arith.constant 32 : index
        %parallel_loop3A_242 = tpu.vector_load %arg24[%parallel_loop3A_240, %parallel_loop3A_241] {strides = array<i32>} : memref<64x144xf32, #tpu.memory_space<vmem>>, vector<16xf32>,
        %parallel_loop3A_243 = arith.mulf %parallel_loop3A_242, %parallel_loop3A_203 : vector<16xf32>
        %parallel_loop3A_244 = arith.addf %parallel_loop3A_243, %parallel_loop3A_239 : vector<16xf32>
        %parallel_loop3A_245 = arith.index_cast %parallel_loop3A_193 : i32 to index
        %parallel_loop3A_246 = arith.constant 32 : index
        %parallel_loop3A_247 = tpu.vector_load %arg26[%parallel_loop3A_245, %parallel_loop3A_246] {strides = array<i32>} : memref<64x128xf32, #tpu.memory_space<vmem>>, vector<16xf32>,
        %parallel_loop3A_248 = arith.constant 272 : index
        %parallel_loop3A_249 = tpu.vector_load %arg27[%parallel_loop3A_248] {strides = array<i32>} : memref<288xf32, #tpu.memory_space<vmem>>, vector<16xf32>,
        %parallel_loop3A_250 = arith.mulf %parallel_loop3A_244, %parallel_loop3A_249 : vector<16xf32>
        %parallel_loop3A_251 = arith.addf %parallel_loop3A_247, %parallel_loop3A_250 : vector<16xf32>
        %parallel_loop3A_252 = arith.index_cast %parallel_loop3A_193 : i32 to index
        %parallel_loop3A_253 = arith.constant 32 : index
        %parallel_loop3A_254 = tpu.vector_load %arg26[%parallel_loop3A_252, %parallel_loop3A_253] {strides = array<i32>} : memref<64x128xf32, #tpu.memory_space<vmem>>, vector<16xf32>,
        tpu.vector_store %arg26[%parallel_loop3A_252, %parallel_loop3A_253], %parallel_loop3A_251 {strides = array<i32>} : memref<64x128xf32, #tpu.memory_space<vmem>>, vector<16xf32>,
        %parallel_loop3A_255 = arith.constant 176 : index
        %parallel_loop3A_256 = tpu.vector_load %arg27[%parallel_loop3A_255] {strides = array<i32>} : memref<288xf32, #tpu.memory_space<vmem>>, vector<16xf32>,
        %parallel_loop3A_257 = arith.index_cast %parallel_loop3A_193 : i32 to index
        %parallel_loop3A_258 = arith.constant 48 : index
        %parallel_loop3A_259 = tpu.vector_load %arg24[%parallel_loop3A_257, %parallel_loop3A_258] {strides = array<i32>} : memref<64x144xf32, #tpu.memory_space<vmem>>, vector<16xf32>,
        %parallel_loop3A_260 = arith.mulf %parallel_loop3A_259, %parallel_loop3A_203 : vector<16xf32>
        %parallel_loop3A_261 = arith.addf %parallel_loop3A_260, %parallel_loop3A_256 : vector<16xf32>
        %parallel_loop3A_262 = arith.index_cast %parallel_loop3A_193 : i32 to index
        %parallel_loop3A_263 = arith.constant 48 : index
        %parallel_loop3A_264 = tpu.vector_load %arg26[%parallel_loop3A_262, %parallel_loop3A_263] {strides = array<i32>} : memref<64x128xf32, #tpu.memory_space<vmem>>, vector<16xf32>,
        %parallel_loop3A_265 = arith.constant 272 : index
        %parallel_loop3A_266 = tpu.vector_load %arg27[%parallel_loop3A_265] {strides = array<i32>} : memref<288xf32, #tpu.memory_space<vmem>>, vector<16xf32>,
        %parallel_loop3A_267 = arith.mulf %parallel_loop3A_261, %parallel_loop3A_266 : vector<16xf32>
        %parallel_loop3A_268 = arith.addf %parallel_loop3A_264, %parallel_loop3A_267 : vector<16xf32>
        %parallel_loop3A_269 = arith.index_cast %parallel_loop3A_193 : i32 to index
        %parallel_loop3A_270 = arith.constant 48 : index
        %parallel_loop3A_271 = tpu.vector_load %arg26[%parallel_loop3A_269, %parallel_loop3A_270] {strides = array<i32>} : memref<64x128xf32, #tpu.memory_space<vmem>>, vector<16xf32>,
        tpu.vector_store %arg26[%parallel_loop3A_269, %parallel_loop3A_270], %parallel_loop3A_268 {strides = array<i32>} : memref<64x128xf32, #tpu.memory_space<vmem>>, vector<16xf32>,
        %parallel_loop3A_272 = arith.constant 192 : index
        %parallel_loop3A_273 = tpu.vector_load %arg27[%parallel_loop3A_272] {strides = array<i32>} : memref<288xf32, #tpu.memory_space<vmem>>, vector<16xf32>,
        %parallel_loop3A_274 = arith.index_cast %parallel_loop3A_193 : i32 to index
        %parallel_loop3A_275 = arith.constant 64 : index
        %parallel_loop3A_276 = tpu.vector_load %arg24[%parallel_loop3A_274, %parallel_loop3A_275] {strides = array<i32>} : memref<64x144xf32, #tpu.memory_space<vmem>>, vector<16xf32>,
        %parallel_loop3A_277 = arith.mulf %parallel_loop3A_276, %parallel_loop3A_203 : vector<16xf32>
        %parallel_loop3A_278 = arith.addf %parallel_loop3A_277, %parallel_loop3A_273 : vector<16xf32>
        %parallel_loop3A_279 = arith.index_cast %parallel_loop3A_193 : i32 to index
        %parallel_loop3A_280 = arith.constant 64 : index
        %parallel_loop3A_281 = tpu.vector_load %arg26[%parallel_loop3A_279, %parallel_loop3A_280] {strides = array<i32>} : memref<64x128xf32, #tpu.memory_space<vmem>>, vector<16xf32>,
        %parallel_loop3A_282 = arith.constant 272 : index
        %parallel_loop3A_283 = tpu.vector_load %arg27[%parallel_loop3A_282] {strides = array<i32>} : memref<288xf32, #tpu.memory_space<vmem>>, vector<16xf32>,
        %parallel_loop3A_284 = arith.mulf %parallel_loop3A_278, %parallel_loop3A_283 : vector<16xf32>
        %parallel_loop3A_285 = arith.addf %parallel_loop3A_281, %parallel_loop3A_284 : vector<16xf32>
        %parallel_loop3A_286 = arith.index_cast %parallel_loop3A_193 : i32 to index
        %parallel_loop3A_287 = arith.constant 64 : index
        %parallel_loop3A_288 = tpu.vector_load %arg26[%parallel_loop3A_286, %parallel_loop3A_287] {strides = array<i32>} : memref<64x128xf32, #tpu.memory_space<vmem>>, vector<16xf32>,
        tpu.vector_store %arg26[%parallel_loop3A_286, %parallel_loop3A_287], %parallel_loop3A_285 {strides = array<i32>} : memref<64x128xf32, #tpu.memory_space<vmem>>, vector<16xf32>,
        %parallel_loop3A_289 = arith.constant 208 : index
        %parallel_loop3A_290 = tpu.vector_load %arg27[%parallel_loop3A_289] {strides = array<i32>} : memref<288xf32, #tpu.memory_space<vmem>>, vector<16xf32>,
        %parallel_loop3A_291 = arith.index_cast %parallel_loop3A_193 : i32 to index
        %parallel_loop3A_292 = arith.constant 80 : index
        %parallel_loop3A_293 = tpu.vector_load %arg24[%parallel_loop3A_291, %parallel_loop3A_292] {strides = array<i32>} : memref<64x144xf32, #tpu.memory_space<vmem>>, vector<16xf32>,
        %parallel_loop3A_294 = arith.mulf %parallel_loop3A_293, %parallel_loop3A_203 : vector<16xf32>
        %parallel_loop3A_295 = arith.addf %parallel_loop3A_294, %parallel_loop3A_290 : vector<16xf32>
        %parallel_loop3A_296 = arith.index_cast %parallel_loop3A_193 : i32 to index
        %parallel_loop3A_297 = arith.constant 80 : index
        %parallel_loop3A_298 = tpu.vector_load %arg26[%parallel_loop3A_296, %parallel_loop3A_297] {strides = array<i32>} : memref<64x128xf32, #tpu.memory_space<vmem>>, vector<16xf32>,
        %parallel_loop3A_299 = arith.constant 272 : index
        %parallel_loop3A_300 = tpu.vector_load %arg27[%parallel_loop3A_299] {strides = array<i32>} : memref<288xf32, #tpu.memory_space<vmem>>, vector<16xf32>,
        %parallel_loop3A_301 = arith.mulf %parallel_loop3A_295, %parallel_loop3A_300 : vector<16xf32>
        %parallel_loop3A_302 = arith.addf %parallel_loop3A_298, %parallel_loop3A_301 : vector<16xf32>
        %parallel_loop3A_303 = arith.index_cast %parallel_loop3A_193 : i32 to index
        %parallel_loop3A_304 = arith.constant 80 : index
        %parallel_loop3A_305 = tpu.vector_load %arg26[%parallel_loop3A_303, %parallel_loop3A_304] {strides = array<i32>} : memref<64x128xf32, #tpu.memory_space<vmem>>, vector<16xf32>,
        tpu.vector_store %arg26[%parallel_loop3A_303, %parallel_loop3A_304], %parallel_loop3A_302 {strides = array<i32>} : memref<64x128xf32, #tpu.memory_space<vmem>>, vector<16xf32>,
        %parallel_loop3A_306 = arith.constant 224 : index
        %parallel_loop3A_307 = tpu.vector_load %arg27[%parallel_loop3A_306] {strides = array<i32>} : memref<288xf32, #tpu.memory_space<vmem>>, vector<16xf32>,
        %parallel_loop3A_308 = arith.index_cast %parallel_loop3A_193 : i32 to index
        %parallel_loop3A_309 = arith.constant 96 : index
        %parallel_loop3A_310 = tpu.vector_load %arg24[%parallel_loop3A_308, %parallel_loop3A_309] {strides = array<i32>} : memref<64x144xf32, #tpu.memory_space<vmem>>, vector<16xf32>,
        %parallel_loop3A_311 = arith.mulf %parallel_loop3A_310, %parallel_loop3A_203 : vector<16xf32>
        %parallel_loop3A_312 = arith.addf %parallel_loop3A_311, %parallel_loop3A_307 : vector<16xf32>
        %parallel_loop3A_313 = arith.index_cast %parallel_loop3A_193 : i32 to index
        %parallel_loop3A_314 = arith.constant 96 : index
        %parallel_loop3A_315 = tpu.vector_load %arg26[%parallel_loop3A_313, %parallel_loop3A_314] {strides = array<i32>} : memref<64x128xf32, #tpu.memory_space<vmem>>, vector<16xf32>,
        %parallel_loop3A_316 = arith.constant 272 : index
        %parallel_loop3A_317 = tpu.vector_load %arg27[%parallel_loop3A_316] {strides = array<i32>} : memref<288xf32, #tpu.memory_space<vmem>>, vector<16xf32>,
        %parallel_loop3A_318 = arith.mulf %parallel_loop3A_312, %parallel_loop3A_317 : vector<16xf32>
        %parallel_loop3A_319 = arith.addf %parallel_loop3A_315, %parallel_loop3A_318 : vector<16xf32>
        %parallel_loop3A_320 = arith.index_cast %parallel_loop3A_193 : i32 to index
        %parallel_loop3A_321 = arith.constant 96 : index
        %parallel_loop3A_322 = tpu.vector_load %arg26[%parallel_loop3A_320, %parallel_loop3A_321] {strides = array<i32>} : memref<64x128xf32, #tpu.memory_space<vmem>>, vector<16xf32>,
        tpu.vector_store %arg26[%parallel_loop3A_320, %parallel_loop3A_321], %parallel_loop3A_319 {strides = array<i32>} : memref<64x128xf32, #tpu.memory_space<vmem>>, vector<16xf32>,
        %parallel_loop3A_323 = arith.constant 240 : index
        %parallel_loop3A_324 = tpu.vector_load %arg27[%parallel_loop3A_323] {strides = array<i32>} : memref<288xf32, #tpu.memory_space<vmem>>, vector<16xf32>,
        %parallel_loop3A_325 = arith.index_cast %parallel_loop3A_193 : i32 to index
        %parallel_loop3A_326 = arith.constant 112 : index
        %parallel_loop3A_327 = tpu.vector_load %arg24[%parallel_loop3A_325, %parallel_loop3A_326] {strides = array<i32>} : memref<64x144xf32, #tpu.memory_space<vmem>>, vector<16xf32>,
        %parallel_loop3A_328 = arith.mulf %parallel_loop3A_327, %parallel_loop3A_203 : vector<16xf32>
        %parallel_loop3A_329 = arith.addf %parallel_loop3A_328, %parallel_loop3A_324 : vector<16xf32>
        %parallel_loop3A_330 = arith.index_cast %parallel_loop3A_193 : i32 to index
        %parallel_loop3A_331 = arith.constant 112 : index
        %parallel_loop3A_332 = tpu.vector_load %arg26[%parallel_loop3A_330, %parallel_loop3A_331] {strides = array<i32>} : memref<64x128xf32, #tpu.memory_space<vmem>>, vector<16xf32>,
        %parallel_loop3A_333 = arith.constant 272 : index
        %parallel_loop3A_334 = tpu.vector_load %arg27[%parallel_loop3A_333] {strides = array<i32>} : memref<288xf32, #tpu.memory_space<vmem>>, vector<16xf32>,
        %parallel_loop3A_335 = arith.mulf %parallel_loop3A_329, %parallel_loop3A_334 : vector<16xf32>
        %parallel_loop3A_336 = arith.addf %parallel_loop3A_332, %parallel_loop3A_335 : vector<16xf32>
        %parallel_loop3A_337 = arith.index_cast %parallel_loop3A_193 : i32 to index
        %parallel_loop3A_338 = arith.constant 112 : index
        %parallel_loop3A_339 = tpu.vector_load %arg26[%parallel_loop3A_337, %parallel_loop3A_338] {strides = array<i32>} : memref<64x128xf32, #tpu.memory_space<vmem>>, vector<16xf32>,
        tpu.vector_store %arg26[%parallel_loop3A_337, %parallel_loop3A_338], %parallel_loop3A_336 {strides = array<i32>} : memref<64x128xf32, #tpu.memory_space<vmem>>, vector<16xf32>,
      } {sc.loop_unroll_factor = 2 : i64, sc.parallel_access}
      %add3A_191 = arith.addi %mul3A_2, %add3A_187 : i32
      "tpu.region"() ({
        %run_scoped3A = tpu.sem_alloc : memref<!tpu.dma_semaphore, #tpu.memory_space<semaphore_mem>>
        %dma_start3A_193 = arith.constant 0 : i32
        %dma_start3A_194 = tpu.memref_slice %arg12[%add3A_191, %dma_start3A_193] : memref<20480x128xf32, #tpu.memory_space<hbm>> -> memref<64x128xf32, #tpu.memory_space<hbm>>
        %dma_start3A_195 = arith.constant 0 : i32
        %dma_start3A_196 = tpu.memref_slice %arg12[%add3A_191, %dma_start3A_195] : memref<20480x128xf32, #tpu.memory_space<hbm>> -> memref<64x128xf32, #tpu.memory_space<hbm>>
        tpu.enqueue_dma source(%arg26 : memref<64x128xf32, #tpu.memory_space<vmem>>) target(%dma_start3A_196 : memref<64x128xf32, #tpu.memory_space<hbm>>) target_semaphore(%run_scoped3A : memref<!tpu.dma_semaphore, #tpu.memory_space<semaphore_mem>>)
        %dma_wait3A_197 = arith.constant 0 : i32
        %dma_wait3A_198 = tpu.memref_slice %arg12[%add3A_191, %dma_wait3A_197] : memref<20480x128xf32, #tpu.memory_space<hbm>> -> memref<64x128xf32, #tpu.memory_space<hbm>>
        %dma_wait3A_199 = arith.constant 0 : i32
        %dma_wait3A_200 = tpu.memref_slice %arg12[%add3A_191, %dma_wait3A_199] : memref<20480x128xf32, #tpu.memory_space<hbm>> -> memref<64x128xf32, #tpu.memory_space<hbm>>
        tpu.wait_dma2 semaphore(%run_scoped3A : memref<!tpu.dma_semaphore, #tpu.memory_space<semaphore_mem>>) src(%arg26 : memref<64x128xf32, #tpu.memory_space<vmem>>) dst(%dma_wait3A_200 : memref<64x128xf32, #tpu.memory_space<hbm>>)
        tpu.yield
      }) : () -> ()
      %scan3A_192 = arith.constant 0 : i32
      scf.yield %scan3A_192 : i32
    }
    %scan3A_180 = arith.constant 10 : i32
    return
  }
}

module attributes {stable_mosaic.version = 14 : i64} {
  func.func @_tab_body(%arg0: i32, %arg1: memref<2000x128xf32, #tpu.memory_space<vmem>>, %arg2: memref<128x128xf32, #tpu.memory_space<vmem>>, %arg3: memref<128x128xf32, #tpu.memory_space<vmem>>, %arg4: memref<128x2xf32, #tpu.memory_space<vmem>>, %arg5: memref<128x2xf32, #tpu.memory_space<vmem>>, %arg6: memref<2000x144xf32, #tpu.memory_space<vmem>>, %arg7: memref<2000x144xf32, #tpu.memory_space<vmem>>, %arg8: memref<2000x16xf32, #tpu.memory_space<vmem>>) attributes {dimension_semantics = [#tpu.dimension_semantics<arbitrary>], iteration_bounds = array<i64: 10>, scalar_prefetch = 0 : i64, scratch_operands = 0 : i64, tpu.core_type = #tpu.core_type<tc>, window_params = [{transform_indices = @transform_0, window_bounds = array<i64: 2000, 128>}, {pipeline_mode = #tpu.pipeline_mode<synchronous>, transform_indices = @transform_1, window_bounds = array<i64: 128, 128>}, {pipeline_mode = #tpu.pipeline_mode<synchronous>, transform_indices = @transform_2, window_bounds = array<i64: 128, 128>}, {pipeline_mode = #tpu.pipeline_mode<synchronous>, transform_indices = @transform_3, window_bounds = array<i64: 128, 2>}, {pipeline_mode = #tpu.pipeline_mode<synchronous>, transform_indices = @transform_4, window_bounds = array<i64: 128, 2>}, {transform_indices = @transform_5, window_bounds = array<i64: 2000, 144>}, {transform_indices = @transform_6, window_bounds = array<i64: 2000, 144>}, {transform_indices = @transform_7, window_bounds = array<i64: 2000, 16>}]} {
    %get3A = arith.constant 0 : index
    %get3A_0 = arith.constant 0 : index
    %get3A_1 = vector.load %arg1[%get3A, %get3A_0] : memref<2000x128xf32, #tpu.memory_space<vmem>>, vector<2000x128xf32>
    %get3A_2 = arith.constant 0 : index
    %get3A_3 = arith.constant 0 : index
    %get3A_4 = vector.load %arg2[%get3A_2, %get3A_3] : memref<128x128xf32, #tpu.memory_space<vmem>>, vector<128x128xf32>
    %dot_general3A = arith.constant dense<0.000000e+00> : vector<2000x128xf32>
    %dot_general3A_5 = tpu.matmul %get3A_1, %get3A_4, %dot_general3A {dimension_numbers = #tpu.dot_dimension_numbers<[1], [0], [0], [1], [0, 0, 1, 1], [], []>, transpose_lhs_hint = false} : vector<2000x128xf32>, vector<128x128xf32>, vector<2000x128xf32> -> vector<2000x128xf32>
    %get3A_6 = arith.constant 0 : index
    %get3A_7 = arith.constant 0 : index
    %get3A_8 = vector.load %arg3[%get3A_6, %get3A_7] : memref<128x128xf32, #tpu.memory_space<vmem>>, vector<128x128xf32>
    %dot_general3A_9 = arith.constant dense<0.000000e+00> : vector<2000x128xf32>
    %dot_general3A_10 = tpu.matmul %get3A_1, %get3A_8, %dot_general3A_9 {dimension_numbers = #tpu.dot_dimension_numbers<[1], [0], [0], [1], [0, 0, 1, 1], [], []>, transpose_lhs_hint = false} : vector<2000x128xf32>, vector<128x128xf32>, vector<2000x128xf32> -> vector<2000x128xf32>
    %get3A_11 = arith.constant 0 : index
    %get3A_12 = arith.constant 0 : index
    %get3A_13 = vector.load %arg4[%get3A_11, %get3A_12] : memref<128x2xf32, #tpu.memory_space<vmem>>, vector<128x2xf32>
    %dot_general3A_14 = arith.constant dense<0.000000e+00> : vector<2000x2xf32>
    %dot_general3A_15 = tpu.matmul %dot_general3A_5, %get3A_13, %dot_general3A_14 {dimension_numbers = #tpu.dot_dimension_numbers<[1], [0], [0], [1], [0, 0, 1, 1], [], []>, transpose_lhs_hint = false} : vector<2000x128xf32>, vector<128x2xf32>, vector<2000x2xf32> -> vector<2000x2xf32>
    %get3A_16 = arith.constant 0 : index
    %get3A_17 = arith.constant 0 : index
    %get3A_18 = vector.load %arg5[%get3A_16, %get3A_17] : memref<128x2xf32, #tpu.memory_space<vmem>>, vector<128x2xf32>
    %dot_general3A_19 = arith.constant dense<0.000000e+00> : vector<2000x2xf32>
    %dot_general3A_20 = tpu.matmul %dot_general3A_10, %get3A_18, %dot_general3A_19 {dimension_numbers = #tpu.dot_dimension_numbers<[1], [0], [0], [1], [0, 0, 1, 1], [], []>, transpose_lhs_hint = false} : vector<2000x128xf32>, vector<128x2xf32>, vector<2000x2xf32> -> vector<2000x2xf32>
    %iota3A = tpu.iota {dimensions = array<i32: 1>} : vector<2000x16xi32>
    %eq3A = arith.constant 0 : i32
    %eq3A_21 = vector.broadcast %eq3A : i32 to vector<2000x16xi32>
    %eq3A_22 = arith.cmpi eq, %iota3A, %eq3A_21 : vector<2000x16xi32>
    %convert_element_type3A = arith.extui %eq3A_22 : vector<2000x16xi1> to vector<2000x16xi32>
    %convert_element_type3A_23 = arith.sitofp %convert_element_type3A : vector<2000x16xi32> to vector<2000x16xf32>
    %eq3A_24 = arith.constant 1 : i32
    %eq3A_25 = vector.broadcast %eq3A_24 : i32 to vector<2000x16xi32>
    %eq3A_26 = arith.cmpi eq, %iota3A, %eq3A_25 : vector<2000x16xi32>
    %convert_element_type3A_27 = arith.extui %eq3A_26 : vector<2000x16xi1> to vector<2000x16xi32>
    %convert_element_type3A_28 = arith.sitofp %convert_element_type3A_27 : vector<2000x16xi32> to vector<2000x16xf32>
    %slice3A = vector.extract_strided_slice %dot_general3A_15 {offsets = [0, 0], sizes = [2000, 1], strides = [1, 1]} : vector<2000x2xf32> to vector<2000x1xf32>
    %mul3A = vector.broadcast %slice3A : vector<2000x1xf32> to vector<2000x16xf32>
    %mul3A_29 = arith.mulf %mul3A, %convert_element_type3A_28 : vector<2000x16xf32>
    %add3A = arith.addf %convert_element_type3A_23, %mul3A_29 : vector<2000x16xf32>
    %concatenate3A = tpu.concatenate %dot_general3A_5, %add3A in 1 : vector<2000x128xf32>, vector<2000x16xf32> -> vector<2000x144xf32>
    %swap3A = arith.constant 0 : index
    %swap3A_30 = arith.constant 0 : index
    %swap3A_31 = vector.load %arg6[%swap3A, %swap3A_30] : memref<2000x144xf32, #tpu.memory_space<vmem>>, vector<2000x144xf32>
    tpu.vector_store %arg6[%swap3A, %swap3A_30], %concatenate3A {strides = array<i32>} : memref<2000x144xf32, #tpu.memory_space<vmem>>, vector<2000x144xf32>,
    %slice3A_32 = vector.extract_strided_slice %dot_general3A_20 {offsets = [0, 0], sizes = [2000, 1], strides = [1, 1]} : vector<2000x2xf32> to vector<2000x1xf32>
    %mul3A_33 = vector.broadcast %slice3A_32 : vector<2000x1xf32> to vector<2000x16xf32>
    %mul3A_34 = arith.mulf %mul3A_33, %convert_element_type3A_28 : vector<2000x16xf32>
    %add3A_35 = arith.addf %convert_element_type3A_23, %mul3A_34 : vector<2000x16xf32>
    %concatenate3A_36 = tpu.concatenate %dot_general3A_10, %add3A_35 in 1 : vector<2000x128xf32>, vector<2000x16xf32> -> vector<2000x144xf32>
    %swap3A_37 = arith.constant 0 : index
    %swap3A_38 = arith.constant 0 : index
    %swap3A_39 = vector.load %arg7[%swap3A_37, %swap3A_38] : memref<2000x144xf32, #tpu.memory_space<vmem>>, vector<2000x144xf32>
    tpu.vector_store %arg7[%swap3A_37, %swap3A_38], %concatenate3A_36 {strides = array<i32>} : memref<2000x144xf32, #tpu.memory_space<vmem>>, vector<2000x144xf32>,
    %slice3A_40 = vector.extract_strided_slice %dot_general3A_15 {offsets = [0, 0], sizes = [2000, 1], strides = [1, 1]} : vector<2000x2xf32> to vector<2000x1xf32>
    %eq3A_41 = arith.constant 0 : i32
    %eq3A_42 = vector.broadcast %eq3A_41 : i32 to vector<2000x16xi32>
    %eq3A_43 = arith.cmpi eq, %iota3A, %eq3A_42 : vector<2000x16xi32>
    %convert_element_type3A_44 = arith.extui %eq3A_43 : vector<2000x16xi1> to vector<2000x16xi32>
    %convert_element_type3A_45 = arith.sitofp %convert_element_type3A_44 : vector<2000x16xi32> to vector<2000x16xf32>
    %mul3A_46 = vector.broadcast %slice3A_40 : vector<2000x1xf32> to vector<2000x16xf32>
    %mul3A_47 = arith.mulf %mul3A_46, %convert_element_type3A_45 : vector<2000x16xf32>
    %slice3A_48 = vector.extract_strided_slice %dot_general3A_15 {offsets = [0, 1], sizes = [2000, 1], strides = [1, 1]} : vector<2000x2xf32> to vector<2000x1xf32>
    %mul3A_49 = vector.broadcast %slice3A_48 : vector<2000x1xf32> to vector<2000x16xf32>
    %mul3A_50 = arith.mulf %mul3A_49, %convert_element_type3A_28 : vector<2000x16xf32>
    %add3A_51 = arith.addf %mul3A_47, %mul3A_50 : vector<2000x16xf32>
    %slice3A_52 = vector.extract_strided_slice %dot_general3A_20 {offsets = [0, 0], sizes = [2000, 1], strides = [1, 1]} : vector<2000x2xf32> to vector<2000x1xf32>
    %eq3A_53 = arith.constant 2 : i32
    %eq3A_54 = vector.broadcast %eq3A_53 : i32 to vector<2000x16xi32>
    %eq3A_55 = arith.cmpi eq, %iota3A, %eq3A_54 : vector<2000x16xi32>
    %convert_element_type3A_56 = arith.extui %eq3A_55 : vector<2000x16xi1> to vector<2000x16xi32>
    %convert_element_type3A_57 = arith.sitofp %convert_element_type3A_56 : vector<2000x16xi32> to vector<2000x16xf32>
    %mul3A_58 = vector.broadcast %slice3A_52 : vector<2000x1xf32> to vector<2000x16xf32>
    %mul3A_59 = arith.mulf %mul3A_58, %convert_element_type3A_57 : vector<2000x16xf32>
    %add3A_60 = arith.addf %add3A_51, %mul3A_59 : vector<2000x16xf32>
    %slice3A_61 = vector.extract_strided_slice %dot_general3A_20 {offsets = [0, 1], sizes = [2000, 1], strides = [1, 1]} : vector<2000x2xf32> to vector<2000x1xf32>
    %eq3A_62 = arith.constant 3 : i32
    %eq3A_63 = vector.broadcast %eq3A_62 : i32 to vector<2000x16xi32>
    %eq3A_64 = arith.cmpi eq, %iota3A, %eq3A_63 : vector<2000x16xi32>
    %convert_element_type3A_65 = arith.extui %eq3A_64 : vector<2000x16xi1> to vector<2000x16xi32>
    %convert_element_type3A_66 = arith.sitofp %convert_element_type3A_65 : vector<2000x16xi32> to vector<2000x16xf32>
    %mul3A_67 = vector.broadcast %slice3A_61 : vector<2000x1xf32> to vector<2000x16xf32>
    %mul3A_68 = arith.mulf %mul3A_67, %convert_element_type3A_66 : vector<2000x16xf32>
    %add3A_69 = arith.addf %add3A_60, %mul3A_68 : vector<2000x16xf32>
    %swap3A_70 = arith.constant 0 : index
    %swap3A_71 = arith.constant 0 : index
    %swap3A_72 = vector.load %arg8[%swap3A_70, %swap3A_71] : memref<2000x16xf32, #tpu.memory_space<vmem>>, vector<2000x16xf32>
    tpu.vector_store %arg8[%swap3A_70, %swap3A_71], %add3A_69 {strides = array<i32>} : memref<2000x16xf32, #tpu.memory_space<vmem>>, vector<2000x16xf32>,
    return
  }
  func.func @transform_0(%arg0: i32) -> (i32, i32) {
    %c0_i32 = arith.constant 0 : i32
    %c0_i32_0 = arith.constant 0 : i32
    return %arg0, %c0_i32 : i32, i32
  }
  func.func @transform_1(%arg0: i32) -> (i32, i32) {
    %c0_i32 = arith.constant 0 : i32
    %c0_i32_0 = arith.constant 0 : i32
    %c0_i32_1 = arith.constant 0 : i32
    return %c0_i32, %c0_i32_0 : i32, i32
  }
  func.func @transform_2(%arg0: i32) -> (i32, i32) {
    %c0_i32 = arith.constant 0 : i32
    %c0_i32_0 = arith.constant 0 : i32
    %c0_i32_1 = arith.constant 0 : i32
    return %c0_i32, %c0_i32_0 : i32, i32
  }
  func.func @transform_3(%arg0: i32) -> (i32, i32) {
    %c0_i32 = arith.constant 0 : i32
    %c0_i32_0 = arith.constant 0 : i32
    %c0_i32_1 = arith.constant 0 : i32
    return %c0_i32, %c0_i32_0 : i32, i32
  }
  func.func @transform_4(%arg0: i32) -> (i32, i32) {
    %c0_i32 = arith.constant 0 : i32
    %c0_i32_0 = arith.constant 0 : i32
    %c0_i32_1 = arith.constant 0 : i32
    return %c0_i32, %c0_i32_0 : i32, i32
  }
  func.func @transform_5(%arg0: i32) -> (i32, i32) {
    %c0_i32 = arith.constant 0 : i32
    %c0_i32_0 = arith.constant 0 : i32
    return %arg0, %c0_i32 : i32, i32
  }
  func.func @transform_6(%arg0: i32) -> (i32, i32) {
    %c0_i32 = arith.constant 0 : i32
    %c0_i32_0 = arith.constant 0 : i32
    return %arg0, %c0_i32 : i32, i32
  }
  func.func @transform_7(%arg0: i32) -> (i32, i32) {
    %c0_i32 = arith.constant 0 : i32
    %c0_i32_0 = arith.constant 0 : i32
    return %arg0, %c0_i32 : i32, i32
  }
}

module attributes {stable_mosaic.version = 14 : i64} {
  func.func @_et_body(%arg0: i32, %arg1: memref<1024x5xf32, #tpu.memory_space<vmem>>, %arg2: memref<1x5xf32, #tpu.memory_space<vmem>>, %arg3: memref<8x128xf32, #tpu.memory_space<vmem>>) attributes {dimension_semantics = [#tpu.dimension_semantics<arbitrary>], iteration_bounds = array<i64: 40>, scalar_prefetch = 0 : i64, scratch_operands = 0 : i64, tpu.core_type = #tpu.core_type<tc>, window_params = [{transform_indices = @transform_0, window_bounds = array<i64: 1024, 5>}, {pipeline_mode = #tpu.pipeline_mode<synchronous>, transform_indices = @transform_1, window_bounds = array<i64: 1, 5>}, {transform_indices = @transform_2, window_bounds = array<i64: 8, 128>}]} {
    %get3A = arith.constant 0 : index
    %get3A_0 = arith.constant 0 : index
    %get3A_1 = vector.load %arg1[%get3A, %get3A_0] : memref<1024x5xf32, #tpu.memory_space<vmem>>, vector<1024x5xf32>
    %get3A_2 = arith.constant 0 : index
    %get3A_3 = arith.constant 0 : index
    %get3A_4 = vector.load %arg2[%get3A_2, %get3A_3] : memref<1x5xf32, #tpu.memory_space<vmem>>, vector<1x5xf32>
    %mul3A = vector.broadcast %get3A_4 : vector<1x5xf32> to vector<1024x5xf32>
    %mul3A_5 = arith.mulf %get3A_1, %mul3A : vector<1024x5xf32>
    %reduce_sum3A = arith.constant dense<0.000000e+00> : vector<1024xf32>
    %reduce_sum3A_6 = vector.multi_reduction <add>, %mul3A_5, %reduce_sum3A [1] : vector<1024x5xf32> to vector<1024xf32>
    %reshape3A = vector.shape_cast %reduce_sum3A_6 : vector<1024xf32> to vector<8x128xf32>
    %mul3A_7 = arith.constant 1024 : i32
    %mul3A_8 = arith.muli %arg0, %mul3A_7 : i32
    %iota3A = tpu.iota {dimensions = array<i32: 0>} : vector<8x128xi32>
    %mul3A_9 = arith.constant 128 : i32
    %mul3A_10 = vector.broadcast %mul3A_9 : i32 to vector<8x128xi32>
    %mul3A_11 = arith.muli %iota3A, %mul3A_10 : vector<8x128xi32>
    %add3A = vector.broadcast %mul3A_8 : i32 to vector<8x128xi32>
    %add3A_12 = arith.addi %add3A, %mul3A_11 : vector<8x128xi32>
    %iota3A_13 = tpu.iota {dimensions = array<i32: 1>} : vector<8x128xi32>
    %add3A_14 = arith.addi %add3A_12, %iota3A_13 : vector<8x128xi32>
    %jit3A = arith.constant 20480 : i32
    %eq3A = arith.constant 0 : i32
    %eq3A_15 = arith.cmpi eq, %jit3A, %eq3A : i32
    %jit3A_16 = arith.constant 1 : i32
    %select_n3A = arith.select %eq3A_15, %jit3A_16, %jit3A : i32
    %rem3A = vector.broadcast %select_n3A : i32 to vector<8x128xi32>
    %rem3A_17 = arith.remsi %add3A_14, %rem3A : vector<8x128xi32>
    %ne3A = arith.constant 0 : i32
    %ne3A_18 = vector.broadcast %ne3A : i32 to vector<8x128xi32>
    %ne3A_19 = arith.cmpi ne, %rem3A_17, %ne3A_18 : vector<8x128xi32>
    %lt3A = arith.constant 0 : i32
    %lt3A_20 = vector.broadcast %lt3A : i32 to vector<8x128xi32>
    %lt3A_21 = arith.cmpi slt, %rem3A_17, %lt3A_20 : vector<8x128xi32>
    %lt3A_22 = arith.constant 0 : i32
    %lt3A_23 = arith.cmpi slt, %select_n3A, %lt3A_22 : i32
    %ne3A_24 = vector.broadcast %lt3A_23 : i1 to vector<8x128xi1>
    %ne3A_25 = vector.broadcast %ne3A_24 : vector<8x128xi1> to vector<8x128xi1>
    %ne3A_26 = arith.xori %lt3A_21, %ne3A_25 : vector<8x128xi1>
    %and3A = arith.andi %ne3A_26, %ne3A_19 : vector<8x128xi1>
    %add3A_27 = vector.broadcast %select_n3A : i32 to vector<8x128xi32>
    %add3A_28 = arith.addi %rem3A_17, %add3A_27 : vector<8x128xi32>
    %select_n3A_29 = arith.select %and3A, %add3A_28, %rem3A_17 : vector<8x128xi1>, vector<8x128xi32>
    %lt3A_30 = arith.constant 20000 : i32
    %lt3A_31 = vector.broadcast %lt3A_30 : i32 to vector<8x128xi32>
    %lt3A_32 = arith.cmpi slt, %select_n3A_29, %lt3A_31 : vector<8x128xi32>
    %jit3A_33 = arith.constant -1.000000e+30 : f32
    %broadcast_in_dim3A = vector.broadcast %jit3A_33 : f32 to vector<8x128xf32>
    %select_n3A_34 = arith.select %lt3A_32, %reshape3A, %broadcast_in_dim3A : vector<8x128xi1>, vector<8x128xf32>
    %swap3A = arith.constant 0 : index
    %swap3A_35 = arith.constant 0 : index
    %swap3A_36 = vector.load %arg3[%swap3A, %swap3A_35] : memref<8x128xf32, #tpu.memory_space<vmem>>, vector<8x128xf32>
    tpu.vector_store %arg3[%swap3A, %swap3A_35], %select_n3A_34 {strides = array<i32>} : memref<8x128xf32, #tpu.memory_space<vmem>>, vector<8x128xf32>,
    return
  }
  func.func @transform_0(%arg0: i32) -> (i32, i32) {
    %c0_i32 = arith.constant 0 : i32
    %c0_i32_0 = arith.constant 0 : i32
    return %arg0, %c0_i32 : i32, i32
  }
  func.func @transform_1(%arg0: i32) -> (i32, i32) {
    %c0_i32 = arith.constant 0 : i32
    %c0_i32_0 = arith.constant 0 : i32
    %c0_i32_1 = arith.constant 0 : i32
    return %c0_i32, %c0_i32_0 : i32, i32
  }
  func.func @transform_2(%arg0: i32) -> (i32, i32) {
    %c0_i32 = arith.constant 0 : i32
    %c0_i32_0 = arith.constant 0 : i32
    return %arg0, %c0_i32 : i32, i32
  }
}

module attributes {stable_mosaic.version = 14 : i64} {
  func.func @_et_body(%arg0: i32, %arg1: memref<1024x5xf32, #tpu.memory_space<vmem>>, %arg2: memref<1x5xf32, #tpu.memory_space<vmem>>, %arg3: memref<8x128xf32, #tpu.memory_space<vmem>>) attributes {dimension_semantics = [#tpu.dimension_semantics<arbitrary>], iteration_bounds = array<i64: 320>, scalar_prefetch = 0 : i64, scratch_operands = 0 : i64, tpu.core_type = #tpu.core_type<tc>, window_params = [{transform_indices = @transform_0, window_bounds = array<i64: 1024, 5>}, {pipeline_mode = #tpu.pipeline_mode<synchronous>, transform_indices = @transform_1, window_bounds = array<i64: 1, 5>}, {transform_indices = @transform_2, window_bounds = array<i64: 8, 128>}]} {
    %get3A = arith.constant 0 : index
    %get3A_0 = arith.constant 0 : index
    %get3A_1 = vector.load %arg1[%get3A, %get3A_0] : memref<1024x5xf32, #tpu.memory_space<vmem>>, vector<1024x5xf32>
    %get3A_2 = arith.constant 0 : index
    %get3A_3 = arith.constant 0 : index
    %get3A_4 = vector.load %arg2[%get3A_2, %get3A_3] : memref<1x5xf32, #tpu.memory_space<vmem>>, vector<1x5xf32>
    %mul3A = vector.broadcast %get3A_4 : vector<1x5xf32> to vector<1024x5xf32>
    %mul3A_5 = arith.mulf %get3A_1, %mul3A : vector<1024x5xf32>
    %reduce_sum3A = arith.constant dense<0.000000e+00> : vector<1024xf32>
    %reduce_sum3A_6 = vector.multi_reduction <add>, %mul3A_5, %reduce_sum3A [1] : vector<1024x5xf32> to vector<1024xf32>
    %reshape3A = vector.shape_cast %reduce_sum3A_6 : vector<1024xf32> to vector<8x128xf32>
    %mul3A_7 = arith.constant 1024 : i32
    %mul3A_8 = arith.muli %arg0, %mul3A_7 : i32
    %iota3A = tpu.iota {dimensions = array<i32: 0>} : vector<8x128xi32>
    %mul3A_9 = arith.constant 128 : i32
    %mul3A_10 = vector.broadcast %mul3A_9 : i32 to vector<8x128xi32>
    %mul3A_11 = arith.muli %iota3A, %mul3A_10 : vector<8x128xi32>
    %add3A = vector.broadcast %mul3A_8 : i32 to vector<8x128xi32>
    %add3A_12 = arith.addi %add3A, %mul3A_11 : vector<8x128xi32>
    %iota3A_13 = tpu.iota {dimensions = array<i32: 1>} : vector<8x128xi32>
    %add3A_14 = arith.addi %add3A_12, %iota3A_13 : vector<8x128xi32>
    %jit3A = arith.constant 163840 : i32
    %eq3A = arith.constant 0 : i32
    %eq3A_15 = arith.cmpi eq, %jit3A, %eq3A : i32
    %jit3A_16 = arith.constant 1 : i32
    %select_n3A = arith.select %eq3A_15, %jit3A_16, %jit3A : i32
    %rem3A = vector.broadcast %select_n3A : i32 to vector<8x128xi32>
    %rem3A_17 = arith.remsi %add3A_14, %rem3A : vector<8x128xi32>
    %ne3A = arith.constant 0 : i32
    %ne3A_18 = vector.broadcast %ne3A : i32 to vector<8x128xi32>
    %ne3A_19 = arith.cmpi ne, %rem3A_17, %ne3A_18 : vector<8x128xi32>
    %lt3A = arith.constant 0 : i32
    %lt3A_20 = vector.broadcast %lt3A : i32 to vector<8x128xi32>
    %lt3A_21 = arith.cmpi slt, %rem3A_17, %lt3A_20 : vector<8x128xi32>
    %lt3A_22 = arith.constant 0 : i32
    %lt3A_23 = arith.cmpi slt, %select_n3A, %lt3A_22 : i32
    %ne3A_24 = vector.broadcast %lt3A_23 : i1 to vector<8x128xi1>
    %ne3A_25 = vector.broadcast %ne3A_24 : vector<8x128xi1> to vector<8x128xi1>
    %ne3A_26 = arith.xori %lt3A_21, %ne3A_25 : vector<8x128xi1>
    %and3A = arith.andi %ne3A_26, %ne3A_19 : vector<8x128xi1>
    %add3A_27 = vector.broadcast %select_n3A : i32 to vector<8x128xi32>
    %add3A_28 = arith.addi %rem3A_17, %add3A_27 : vector<8x128xi32>
    %select_n3A_29 = arith.select %and3A, %add3A_28, %rem3A_17 : vector<8x128xi1>, vector<8x128xi32>
    %lt3A_30 = arith.constant 160000 : i32
    %lt3A_31 = vector.broadcast %lt3A_30 : i32 to vector<8x128xi32>
    %lt3A_32 = arith.cmpi slt, %select_n3A_29, %lt3A_31 : vector<8x128xi32>
    %jit3A_33 = arith.constant -1.000000e+30 : f32
    %broadcast_in_dim3A = vector.broadcast %jit3A_33 : f32 to vector<8x128xf32>
    %select_n3A_34 = arith.select %lt3A_32, %reshape3A, %broadcast_in_dim3A : vector<8x128xi1>, vector<8x128xf32>
    %swap3A = arith.constant 0 : index
    %swap3A_35 = arith.constant 0 : index
    %swap3A_36 = vector.load %arg3[%swap3A, %swap3A_35] : memref<8x128xf32, #tpu.memory_space<vmem>>, vector<8x128xf32>
    tpu.vector_store %arg3[%swap3A, %swap3A_35], %select_n3A_34 {strides = array<i32>} : memref<8x128xf32, #tpu.memory_space<vmem>>, vector<8x128xf32>,
    return
  }
  func.func @transform_0(%arg0: i32) -> (i32, i32) {
    %c0_i32 = arith.constant 0 : i32
    %c0_i32_0 = arith.constant 0 : i32
    return %arg0, %c0_i32 : i32, i32
  }
  func.func @transform_1(%arg0: i32) -> (i32, i32) {
    %c0_i32 = arith.constant 0 : i32
    %c0_i32_0 = arith.constant 0 : i32
    %c0_i32_1 = arith.constant 0 : i32
    return %c0_i32, %c0_i32_0 : i32, i32
  }
  func.func @transform_2(%arg0: i32) -> (i32, i32) {
    %c0_i32 = arith.constant 0 : i32
    %c0_i32_0 = arith.constant 0 : i32
    return %arg0, %c0_i32 : i32, i32
  }
}

</mosaic_0001>

<sc_bundles>
// kernel: kernel.6.cloned.1.call-start
scs
__scs_entry_jumppad:
0x0: {  	(pc) =	sbr.rel $0x88, $3  }
0x1: {  	(tag) =	ssettag $0x0;
	lr =	simm.s32 $0x1  }
0x2: {  	[smem:$0x3F8D] =	sst lr;
	_ =	strace $0xD0000000  }
0x3: {  	_ = 	snop  }
0x4: {  	_ = 	snop  }
0x5: {  	_ = 	snop  }
0x6: {  	_ = 	snop  }
0x7: {  	_ = 	snop  }
__scs_overlays_trampoline_lowered:
0x8: {  	[smem:$0x3F9C] =	sst s0  }
0x9: {  	[smem:$0x3F9D] =	sst s1  }
0xa: {  	[smem:$0x3F9E] =	sst s2  }
0xb: {  	[smem:$0x3F9F] =	sst s3  }
0xc: {  	[smem:$0x3FA0] =	sst s4  }
0xd: {  	[smem:$0x3FA1] =	sst s5  }
0xe: {  	[smem:$0x3FA2] =	sst s6  }
0xf: {  	[smem:$0x3FA3] =	sst s7  }
0x10: {  	[smem:$0x3FA4] =	sst s8  }
0x11: {  	[smem:$0x3FA5] =	sst s9;
	s0 =	simm.s32 @!p0 $0x0  }
0x12: {  	s1 =	sld [smem:$0x3F8B];
	s0 =	simm.s32 @p0 $0x1  }
0x13: {  	[smem:$0x3FA6] =	sst s0;
	s0 =	simm.s32 @!p1 $0x0  }
0x14: {  	s2 =	sld [smem:$0x3F8A];
	s0 =	simm.s32 @p1 $0x1  }
0x15: {  	[smem:$0x3FA7] =	sst s0;
	s0 =	simm.s32 @!p2 $0x0  }
0x16: {  	s3 =	sld [smem:$0x3FDB];
	s0 =	simm.s32 @p2 $0x1  }
0x17: {  	s4 =	simm.s32 $0x1BF5;
	[smem:$0x3FA9] =	sst s0  }
0x18: {  	s0 =	sld [smem:$0x3F8C];
	_ =	swait.ge [sflag:s4], $0x0  }
0x19: {  	s7 =	sld [smem:$0x3F8D]  }
0x1a: {  	s8 =	sadd.s32 $0xFFFFE003, lr  }
0x1b: {  	s9 =	sadd.s32 $0xFFFFFEF7, lr;
	s5 =	simm.s32 $0xFFFFFFFF;
	p2 =	slt.u32 s8, $0xFFFFF086  }
0x1c: {  	p1 =	slt.u32 s9, $0xF7A;
	s5 =	simm.s32 @!p2 $0x0  }
0x1d: {  	s5 =	simm.s32 @p1 $0x1;
	p0 =	seq.s32 s7, s2  }
0x1e: {  	s7 =	smul.u32 @!p0 $0xF7A, s2;
	p2 =	seq.s32 @!p0 s5, $0x0  }
0x1f: {  	s9 =	smul.u32 $0xF7A, s1;
	s8 =	simm.s32 @!p0 $0x1BF5;
	p2 =	por !p2, p0  }
0x20: {  	[sflag:s8] =	ssyncset.s32 @!p0 $0xFFFFF086;
	s6 =	sadd.s32 @!p0 s3, s7;
	s7 =	simm.s32 @!p0 $0x108  }
0x21: {  	s3 =	sadd.s32 s3, s9;
	s6 =	sadd.s32 @!p0 $0x88, s6;
	s7 =	simm.s32 @p2 $0x1082  }
0x22: {  	[simem:s7], [sflag:s8] =	dma.local @!p0 [hbm:s6], $0xF7A  }
0x23: {  	s9 =	sor.u32 $0xD0000000, s2;
	s6 =	simm.s32 $0x108;
	_ =	swait.ge @!p0 [sflag:s8], $0x0  }
0x24: {  	s3 =	sadd.s32 $0x88, s3;
	s6 =	simm.s32 @!p1 $0x1082;
	[sflag:s4] =	ssyncset.s32 $0xFFFFF086  }
0x25: {  	[simem:s6], [sflag:s4] =	dma.local [hbm:s3], $0xF7A  }
0x26: {  	[smem:$0x3F8D] =	sst s1;
	(tag) =	ssettag s2;
	_ =	strace s9  }
0x27: {  	s1 =	sld [smem:$0x3F9D]  }
0x28: {  	s2 =	sld [smem:$0x3F9E]  }
0x29: {  	s4 =	sld [smem:$0x3FA0]  }
0x2a: {  	p0 =	seq.s32 s5, $0x0;
	s5 =	sld [smem:$0x3FA1]  }
0x2b: {  	s6 =	sld [smem:$0x3FA2]  }
0x2c: {  	s7 =	sld [smem:$0x3FA3]  }
0x2d: {  	s3 =	simm.s32 $0x108;
	s8 =	sld [smem:$0x3FA4]  }
0x2e: {  	s3 =	simm.s32 @!p0 $0x1082;
	s9 =	sld [smem:$0x3FA5]  }
0x2f: {  	lr =	sadd.s32 s0, s3;
	s0 =	sld [smem:$0x3F9C]  }
0x30: {  	s3 =	sld [smem:$0x3F9F]  }
0x31: {  	[smem:$0x3FA8] =	sst s10  }
0x32: {  	s10 =	sld [smem:$0x3FA6];
	_ =	sdelay $0x3  }
0x33: {  	p0 =	seq.s32 s10, $0x1;
	s10 =	sld [smem:$0x3FA8];
	_ =	sdelay $0x3  }
0x34: {  	[smem:$0x3FA8] =	sst s10  }
0x35: {  	s10 =	sld [smem:$0x3FA7];
	_ =	sdelay $0x3  }
0x36: {  	p1 =	seq.s32 s10, $0x1;
	s10 =	sld [smem:$0x3FA8];
	_ =	sdelay $0x3  }
0x37: {  	[smem:$0x3FA8] =	sst s10  }
0x38: {  	s10 =	sld [smem:$0x3FA9]  }
0x39: {  	_ = 	snop;
	(pc) =	sbr.ind lr, $3  }
0x3a: {  	_ = 	snop  }
0x3b: {  	_ = 	snop  }
0x3c: {  	p2 =	seq.s32 s10, $0x1;
	s10 =	sld [smem:$0x3FA8]  }
0x3d: {  	_ =	shalt  }
0x3e: {  	_ =	shalt  }
0x3f: {  	_ =	shalt  }
0x40: {  	_ =	shalt  }
0x41: {  	_ =	shalt  }
0x42: {  	_ =	shalt  }
0x43: {  	_ =	shalt  }
0x44: {  	_ =	shalt  }
0x45: {  	_ =	shalt  }
0x46: {  	_ =	shalt  }
0x47: {  	_ =	shalt  }
0x48: {  	_ =	shalt  }
0x49: {  	_ =	shalt  }
0x4a: {  	_ =	shalt  }
0x4b: {  	_ =	shalt  }
0x4c: {  	_ =	shalt  }
0x4d: {  	_ =	shalt  }
0x4e: {  	_ =	shalt  }
0x4f: {  	_ =	shalt  }
0x50: {  	_ =	shalt  }
0x51: {  	_ =	shalt  }
0x52: {  	_ =	shalt  }
0x53: {  	_ =	shalt  }
0x54: {  	_ =	shalt  }
0x55: {  	_ =	shalt  }
0x56: {  	_ =	shalt  }
0x57: {  	_ =	shalt  }
0x58: {  	_ =	shalt  }
0x59: {  	_ =	shalt  }
0x5a: {  	_ =	shalt  }
0x5b: {  	_ =	shalt  }
0x5c: {  	_ =	shalt  }
0x5d: {  	_ =	shalt  }
0x5e: {  	_ =	shalt  }
0x5f: {  	_ =	shalt  }
0x60: {  	_ =	shalt  }
0x61: {  	_ =	shalt  }
0x62: {  	_ =	shalt  }
0x63: {  	_ =	shalt  }
0x64: {  	_ =	shalt  }
0x65: {  	_ =	shalt  }
0x66: {  	_ =	shalt  }
0x67: {  	_ =	shalt  }
0x68: {  	_ =	shalt  }
0x69: {  	_ =	shalt  }
0x6a: {  	_ =	shalt  }
0x6b: {  	_ =	shalt  }
0x6c: {  	_ =	shalt  }
0x6d: {  	_ =	shalt  }
0x6e: {  	_ =	shalt  }
0x6f: {  	_ =	shalt  }
0x70: {  	_ =	shalt  }
0x71: {  	_ =	shalt  }
0x72: {  	_ =	shalt  }
0x73: {  	_ =	shalt  }
0x74: {  	_ =	shalt  }
0x75: {  	_ =	shalt  }
0x76: {  	_ =	shalt  }
0x77: {  	_ =	shalt  }
0x78: {  	_ =	shalt  }
0x79: {  	_ =	shalt  }
0x7a: {  	_ =	shalt  }
0x7b: {  	_ =	shalt  }
0x7c: {  	_ =	shalt  }
0x7d: {  	_ =	shalt  }
0x7e: {  	_ =	shalt  }
0x7f: {  	_ =	shalt  }
0x80: {  	_ =	shalt  }
0x81: {  	_ =	shalt  }
0x82: {  	_ =	shalt  }
0x83: {  	_ =	shalt  }
0x84: {  	_ =	shalt  }
0x85: {  	_ =	shalt  }
0x86: {  	_ =	shalt  }
0x87: {  	_ =	shalt  }
.Lfunc_end0:
.L_simem_size_0:
called_computation_lowered:
.L_overlay_start_0:
0x88: {  	s2 =	sld [smem:$0x3FD9]  }
0x89: {  	s3 =	sld [smem:$0x3FFE];
	_ =	sdelay $0x1  }
0x8a: {  	s1 =	srdreg.scid  }
0x8b: {  	s0 =	sand.u32 $0x1, s1  }
0x8c: {  	s17 =	sshll.u32 s0, $0xA;
	s2 =	sadd.s32 s3, s2  }
0x8d: {  	s2 =	sadd.s32 s2, s17  }
0x8e: {  	[smem:$0x3FB4] =	sst s2  }
0x8f: {  	_ = 	snop  }
0x90: {  	s2 =	sld [smem:$0x3FD0];
	(tm) =	ssettm $0x1  }
0x91: {  	s18 =	sld [smem:$0x3FFB];
	_ =	sdelay $0x3  }
0x92: {  	_ =	strace s18  }
0x93: {  	s3 =	sld [smem:$0x3FFC];
	_ =	sdelay $0x3  }
0x94: {  	_ =	strace s3  }
0x95: {  	s3 =	sld [smem:$0x3FFD];
	_ =	sdelay $0x3  }
0x96: {  	_ =	strace s3  }
0x97: {  	_ =	strace $0x8FFFFFFF  }
0x98: {  	s19 =	sld [smem:$0x3FDB];
	_ =	sdelay $0x1  }
0x99: {  	s4 =	simm.s32 $_scs_section_size  }
0x9a: {  	s5 =	simm.s32 $_size__tile_overlayer_lowered;
	s6 =	simm.s32 $_tile_overlayer_lowered  }
0x9b: {  	s22 =	simm.s32 $0x1BFF;
	s21 =	sshll.u32 s6, $0x1;
	s3 =	sadd.s32 s4, s19  }
0x9c: {  	s7 =	simm.s32 $0x0;
	s20 =	sshll.u32 s5, $0x1;
	s5 =	sadd.s32 s21, s3  }
0x9d: {  	[timem:s7], [sflag:s22] =	dma.local [hbm:s5], s20  }
0x9e: {  	_ =	swait.ge [sflag:s22], s20  }
0x9f: {  	s4 =	ssub.s32 $0x0, s20;
	[sflag:s22] =	ssyncset.done $0x0  }
0xa0: {  	[sflag:s22] =	ssyncadd.s32 s4;
	_ =	sdelay $0x1  }
0xa1: {  	s23 =	simm.s32 $0x1B8B  }
0xa2: {  	_ =	swait.ge [sflag:s23], $0x1  }
0xa3: {  	[sflag:s23] =	ssyncset.done $0x0  }
0xa4: {  	s25 =	simm.s32 $0x1B8E;
	s24 =	sld [smem:$0x3FFE];
	[sflag:s23] =	ssyncadd.s32 $0xFFFFFFFF  }
0xa5: {  	s26 =	simm.s32 $execute0_lowered;
	[smem:$0x3FD2] =	sst s25  }
0xa6: {  	s5 =	sshll.u32 s26, $0x1;
	_ =	strace $0x80000046;
	[dreg:$0x1] =	wrdreg $0xFFFFFFFF  }
0xa7: {  	s28 =	simm.s32 $_size_execute0_lowered;
	s3 =	sadd.s32 s3, s5;
	[dreg:$0x0] =	wrdreg $0x0  }
0xa8: {  	s5 =	sshll.u32 s28, $0x1;
	[dreg:$0x2] =	wrdreg s3  }
0xa9: {  	[dreg:$0x3] =	wrdreg s5  }
0xaa: {  	[dreg:$0x4] =	wrdreg $0xC0  }
0xab: {  	_ =	task [dreg:s7], $0x5FFFF  }
0xac: {  	[dreg:$0x1] =	wrdreg $0xFFFFFFFF  }
0xad: {  	[dreg:$0x0] =	wrdreg $0x60  }
0xae: {  	[dreg:$0x2] =	wrdreg s24  }
0xaf: {  	[dreg:$0x3] =	wrdreg s2  }
0xb0: {  	[dreg:$0x4] =	wrdreg $0x0  }
0xb1: {  	[dreg:$0x5] =	wrdreg $0x9  }
0xb2: {  	_ =	task.clear_ibuf [dreg:s7], $0x6FFFF;
	_ =	strace $0x90000046  }
0xb3: {  	s29 =	simm.s32 $0x9;
	_ =	strace $0x80000048  }
0xb4: {  	_ =	swait.ge [sflag:s29], $0x1  }
0xb5: {  	[sflag:s29] =	ssyncadd.s32 $0xFFFFFFFF  }
0xb6: {  	_ =	strace $0x90000048  }
0xb7: {  	_ =	sfence  }
0xb8: {  	s30 =	sld [smem:$0x0];
	_ =	sdelay $0x2  }
0xb9: {  	s31 =	sshll.u32 s1, $0xD;
	s1 =	sshrl.u32 s1, $0x2  }
0xba: {  	s3 =	sand.u32 $0x4000, s31;
	s1 =	sadd.s32 s1, s30  }
0xbb: {  	s0 =	sor.u32 s3, s0;
	s1 =	sshll.u32 s1, $0x11  }
0xbc: {  	s0 =	sor.u32 s1, s0  }
0xbd: {  	s0 =	sadd.s32 $0x8F2B, s0  }
0xbe: {  	[sflag:s0] =	ssyncadd.remote.s32 $0x1  }
0xbf: {  	_ =	sfence.sel $0xFFFF  }
0xc0: {  	[dreg:$0x0] =	wrdreg $0xFFFFFFFF;
	(pc) =	sbr.abs _section_cstart, $3  }
0xc1: {  	[dreg:$0x1] =	wrdreg $0xFFFFFFFF  }
0xc2: {  	_ =	task.clear_ibuf [dreg:s7], $0x2FFFF;
	_ =	strace $0x9FFFFFFF  }
0xc3: {  	(tm) =	ssettm $0x7FFFFFFF  }
tec
execute0_lowered:
.L_overlay_start_1:
0x0: {  	(tag) =	ssettag $0x1  }
0x1: {  	s0 =	rddreg [dreg:$0x0]  }
0x2: {  	s10 =	rddreg [dreg:$0x1];
	s29 =	simm.s32 $0x0  }
0x3: {  	[smem:$0x7FF] =	sst s29;
	s11 =	sadd.s32 $0x1DB600, s0  }
0x4: {  	s31 =	sadd.s32 $0xA2E00, s0;
	s6 =	sadd.s32 $0xFAE00, s0;
	s15 =	sadd.s32 $0x109C00, s0  }
0x5: {  	s2 =	rddreg [dreg:$0x2];
	s16 =	sadd.s32 $0x104C00, s0;
	s12 =	sadd.s32 $0x10F600, s0  }
0x6: {  	s9 =	sadd.s32 $0x2E00, s0;
	s13 =	sadd.s32 $0x10EC00, s0;
	s5 =	sadd.s32 $0x2400, s0  }
0x7: {  	s0 =	sadd.s32 $0x4200, s0;
	_ =	strace $0x80000047;
	[dreg:$0xc] =	wrdreg s5  }
0x8: {  	[dreg:$0xd] =	wrdreg s0  }
0x9: {  	[dreg:$0x9] =	wrdreg s12  }
0xa: {  	[dreg:$0xb] =	wrdreg s13  }
0xb: {  	s1 =	srdreg.scid;
	[dreg:$0x6] =	wrdreg s9  }
0xc: {  	s8 =	stileid.u32;
	[dreg:$0x4] =	wrdreg s11  }
0xd: {  	s1 =	sand.u32 $0x1, s1;
	s17 =	smul.u32 $0x50, s8;
	[dreg:$0x5] =	wrdreg s31  }
0xe: {  	s7 =	smul.u32 $0x500, s8;
	s22 =	sand.u32 $0x1, s8;
	[dreg:$0x7] =	wrdreg s15  }
0xf: {  	s3 =	ssub.s32 $0x2, s1;
	s14 =	smul.u32 $0x2800, s1;
	[dreg:$0x8] =	wrdreg s16  }
0x10: {  	s4 =	smul.u32 $0x500, s1;
	p0 =	seq.s32 s22, $0x1;
	[dreg:$0xa] =	wrdreg s17  }
0x11: {  	s5 =	simm.s32 $0x50;
	s18 =	sadd.s32 s15, s7;
	[dreg:$0xe] =	wrdreg s14  }
0x12: {  	s26 =	sshrl.u32 s3, $0x1;
	s20 =	sadd.s32 s16, s7;
	[dreg:$0x10] =	wrdreg s18  }
0x13: {  	s5 =	simm.s32 @!p0 $0x0;
	s0 =	ssub.s32 s3, s26;
	[dreg:$0x11] =	wrdreg s20  }
0x14: {  	s19 =	sadd.s32 s17, s4;
	[dreg:$0x12] =	wrdreg s5;
	s25 =	sshll.u32 s5, $0x4  }
0x15: {  	s3 =	smul.u32 $0x2710, s1;
	s12 =	sadd.s32 s12, s25;
	[dreg:$0xf] =	wrdreg s19  }
0x16: {  	s14 =	smul.u32 $0x280, s8;
	s0 =	smax.u32 s0, $0x1;
	[dreg:$0x15] =	wrdreg s12  }
0x17: {  	s1 =	smul.u32 $0xA0, s1;
	s21 =	sshll.u32 s19, $0x4;
	[dreg:$0x18] =	wrdreg s0  }
0x18: {  	s26 =	smul.u32 $0x5A000, s8;
	s4 =	sadd.s32 s10, s21;
	[dreg:$0x1a] =	wrdreg s14  }
0x19: {  	s24 =	sadd.s32 s1, s5;
	[dreg:$0x13] =	wrdreg s4  }
0x1a: {  	s1 =	sadd.s32 s13, s25;
	s12 =	sshrl.u32 s26, $0x2;
	[dreg:$0x14] =	wrdreg s24  }
0x1b: {  	s7 =	sshll.u32 s24, $0x4;
	[dreg:$0x16] =	wrdreg s1;
	s13 =	sadd.s32 s12, s2  }
0x1c: {  	s9 =	sadd.s32 s9, s7;
	[dreg:$0x19] =	wrdreg s13  }
0x1d: {  	s18 =	sadd.s32 $0x2400, s13;
	[dreg:$0x17] =	wrdreg s9  }
0x1e: {  	v17 =	vlaneseq.u32;
	s20 =	sadd.s32 $0x4800, s13;
	[dreg:$0x1b] =	wrdreg s18  }
0x1f: {  	s30 =	simm.s32 $0x80;
	v24 =	vimm.s32 $0x0;
	vm0 =	vcmask $0x300;
	v0 =	vmul.u32 $0x10, v17;
	s21 =	sadd.s32 $0x6C00, s13;
	[dreg:$0x1c] =	wrdreg s20  }
0x20: {  	v4 =	vimm.f32 $0.0e+00;
	s23 =	sshrl.u32 s8, $0x1;
	v23 =	vmul.u32 $0x90, v17;
	v24 =	vsel vm0, $0x3, v24;
	s22 =	sadd.s32 $0x9000, s13;
	[dreg:$0x1d] =	wrdreg s21  }
0x21: {  	v5 =	vor.u32 $0x1, v0;
	v6 =	vor.u32 $0x100, v0;
	v7 =	vor.u32 $0x101, v0;
	s4 =	smul.u32 $0x4E2, s23;
	s23 =	sadd.s32 $0xB400, s13;
	[dreg:$0x1e] =	wrdreg s22  }
0x22: {  	s28 =	simm.s32 $0x3;
	v8 =	vor.u32 $0x200, v0;
	v9 =	vor.u32 $0x201, v0;
	v10 =	vor.u32 $0x300, v0;
	s24 =	sadd.s32 $0xD800, s13;
	[dreg:$0x1f] =	wrdreg s23  }
0x23: {  	v11 =	vor.u32 $0x301, v0;
	v12 =	vor.u32 $0x400, v0;
	v13 =	vor.u32 $0x401, v0;
	s14 =	simm.s32 $0x17400;
	s25 =	sadd.s32 $0xFC00, s13;
	[smem:$0x7FA] =	sst s24  }
0x24: {  	v14 =	vor.u32 $0x500, v0;
	v15 =	vor.u32 $0x501, v0;
	v16 =	vor.u32 $0x600, v0;
	s5 =	simm.s32 $0x0;
	s26 =	sadd.s32 $0x12000, s13;
	[smem:$0x7FB] =	sst s25  }
0x25: {  	v17 =	vor.u32 $0x601, v0;
	v18 =	vor.u32 $0x700, v0;
	v19 =	vor.u32 $0x701, v0;
	s1 =	simm.s32 $0x1;
	s0 =	sadd.s32 $0x14400, s13;
	[smem:$0x7FC] =	sst s26  }
0x26: {  	v20 =	vadd.s32 $0x80, v23;
	v21 =	vadd.s32 $0x980, v23;
	v22 =	vadd.s32 $0x1280, v23;
	[smem:$0x7FD] =	sst s0;
	s24 =	simm.s32 $0x5;
	s25 =	simm.s32 $0x17C00  }
0x27: {  	v23 =	vadd.s32 $0x1B80, v23;
	v25 =	vor.u32 $0x2, v0;
	v26 =	vor.u32 $0x3, v0;
	s26 =	simm.s32 $0x4;
	s20 =	simm.s32 $0x16A80;
	s0 =	simm.s32 $0x16C00  }
0x28: {  	v27 =	vor.u32 $0x102, v0;
	v28 =	vor.u32 $0x103, v0;
	v1 =	vmov s4;
	s21 =	simm.s32 $0x16B00;
	s18 =	simm.s32 $0x40;
	s22 =	simm.s32 $0x16980  }
0x29: {  	v29 =	vor.u32 $0x202, v0;
	v2 =	vmov s3;
	s23 =	simm.s32 $0x1A000;
	s9 =	simm.s32 $0x2;
	v3 =	vadd.s32 s3, v1;
	s3 =	simm.s32 $0x16B80  }
.LBB2_1:
0x2a: {  	[smem:$0x7F9] =	sst s5  }
0x2b: {  	s4 =	rddreg [dreg:$0xc];
	s31 =	simm.s32 $0x1E400  }
0x2c: {  	[tilespmem:s31], [sflag:$0x5] =	stream.linear.gather [hbm4b:s4+s29], $0x120, $0x38;
	[tilespmem:$0x1E520] =	vst v63  }
0x2d: {  	_ =	swait.ge [sflag:s24], $0x120  }
0x2e: {  	[sflag:s24] =	ssyncset.done $0x0  }
0x2f: {  	s5 =	simm.s32 $0x240;
	s4 =	simm.s32 $0x0;
	[sflag:s24] =	ssyncadd.s32 $0xFFFFFEE0  }
.LBB2_2:
0x30: {  	p0 =	sne.s32 s5, $0x8DC0;
	[tilespmem:s4+$0x17C80] =	vst v4  }
0x31: {  	[tilespmem:s4+$0x17C00] =	vst v4  }
0x32: {  	[tilespmem:s4+$0x17C10] =	vst v4  }
0x33: {  	[tilespmem:s4+$0x17C20] =	vst v4  }
.Ltmp0:
0x34: {  	[tilespmem:s4+$0x17C30] =	vst v4;
	(pc) =	sbr.rel @p0 .LBB2_2-.Ltmp0, $4  }
0x35: {  	[tilespmem:s4+$0x17C40] =	vst v4  }
0x36: {  	[tilespmem:s4+$0x17C50] =	vst v4  }
0x37: {  	[tilespmem:s4+$0x17C60] =	vst v4  }
0x38: {  	[tilespmem:s4+$0x17C70] =	vst v4;
	s4 =	sshra.s32 s5, $0x2;
	s5 =	sadd.s32 $0x240, s5  }
0x39: {  	[tilespmem:s4+$0x17C80] =	vst v4  }
0x3a: {  	[tilespmem:s4+$0x17C00] =	vst v4  }
0x3b: {  	[tilespmem:s4+$0x17C10] =	vst v4  }
0x3c: {  	[tilespmem:s4+$0x17C20] =	vst v4  }
0x3d: {  	[tilespmem:s4+$0x17C30] =	vst v4  }
0x3e: {  	[tilespmem:s4+$0x17C40] =	vst v4  }
0x3f: {  	[tilespmem:s4+$0x17C50] =	vst v4  }
0x40: {  	[tilespmem:s4+$0x17C60] =	vst v4  }
0x41: {  	[tilespmem:s4+$0x17C70] =	vst v4;
	s29 =	rddreg [dreg:$0x19]  }
0x42: {  	[spmem:s29] =	stream.linear.scatter [tilespmem:s25], [sflag:$0x5], $0x2400, $0x38;
	[tilespmem:$0x1E520] =	vst v63  }
0x43: {  	_ =	swait.ge [sflag:s24], $0x2400  }
0x44: {  	[sflag:s24] =	ssyncset.done $0x0  }
0x45: {  	s31 =	rddreg [dreg:$0x1b];
	[sflag:s24] =	ssyncadd.s32 $0xFFFFDC00  }
0x46: {  	[spmem:s31] =	stream.linear.scatter [tilespmem:s25], [sflag:$0x5], $0x2400, $0x38;
	[tilespmem:$0x1E520] =	vst v63  }
0x47: {  	_ =	swait.ge [sflag:s24], $0x2400  }
0x48: {  	[sflag:s24] =	ssyncset.done $0x0  }
0x49: {  	s5 =	rddreg [dreg:$0x1c];
	[sflag:s24] =	ssyncadd.s32 $0xFFFFDC00  }
0x4a: {  	[spmem:s5] =	stream.linear.scatter [tilespmem:s25], [sflag:$0x5], $0x2400, $0x38;
	[tilespmem:$0x1E520] =	vst v63  }
0x4b: {  	_ =	swait.ge [sflag:s24], $0x2400  }
0x4c: {  	[sflag:s24] =	ssyncset.done $0x0  }
0x4d: {  	s7 =	rddreg [dreg:$0x1d];
	[sflag:s24] =	ssyncadd.s32 $0xFFFFDC00  }
0x4e: {  	[spmem:s7] =	stream.linear.scatter [tilespmem:s25], [sflag:$0x5], $0x2400, $0x38;
	[tilespmem:$0x1E520] =	vst v63  }
0x4f: {  	_ =	swait.ge [sflag:s24], $0x2400  }
0x50: {  	[sflag:s24] =	ssyncset.done $0x0  }
0x51: {  	s8 =	rddreg [dreg:$0x1e];
	[sflag:s24] =	ssyncadd.s32 $0xFFFFDC00  }
0x52: {  	[spmem:s8] =	stream.linear.scatter [tilespmem:s25], [sflag:$0x5], $0x2400, $0x38;
	[tilespmem:$0x1E520] =	vst v63  }
0x53: {  	_ =	swait.ge [sflag:s24], $0x2400  }
0x54: {  	[sflag:s24] =	ssyncset.done $0x0  }
0x55: {  	s12 =	rddreg [dreg:$0x1f];
	[sflag:s24] =	ssyncadd.s32 $0xFFFFDC00  }
0x56: {  	[spmem:s12] =	stream.linear.scatter [tilespmem:s25], [sflag:$0x5], $0x2400, $0x38;
	[tilespmem:$0x1E520] =	vst v63  }
0x57: {  	_ =	swait.ge [sflag:s24], $0x2400  }
0x58: {  	s13 =	sld [smem:$0x7FA]  }
0x59: {  	[sflag:s24] =	ssyncset.done $0x0  }
0x5a: {  	[sflag:s24] =	ssyncadd.s32 $0xFFFFDC00  }
0x5b: {  	[spmem:s13] =	stream.linear.scatter [tilespmem:s25], [sflag:$0x5], $0x2400, $0x38;
	[tilespmem:$0x1E520] =	vst v63  }
0x5c: {  	_ =	swait.ge [sflag:s24], $0x2400  }
0x5d: {  	s29 =	sld [smem:$0x7FB]  }
0x5e: {  	[sflag:s24] =	ssyncset.done $0x0  }
0x5f: {  	[sflag:s24] =	ssyncadd.s32 $0xFFFFDC00  }
0x60: {  	[spmem:s29] =	stream.linear.scatter [tilespmem:s25], [sflag:$0x5], $0x2400, $0x38;
	[tilespmem:$0x1E520] =	vst v63  }
0x61: {  	_ =	swait.ge [sflag:s24], $0x2400  }
0x62: {  	s31 =	sld [smem:$0x7FC]  }
0x63: {  	[sflag:s24] =	ssyncset.done $0x0  }
0x64: {  	[sflag:s24] =	ssyncadd.s32 $0xFFFFDC00  }
0x65: {  	[spmem:s31] =	stream.linear.scatter [tilespmem:s25], [sflag:$0x5], $0x2400, $0x38;
	[tilespmem:$0x1E520] =	vst v63  }
0x66: {  	_ =	swait.ge [sflag:s24], $0x2400  }
0x67: {  	s5 =	sld [smem:$0x7FD]  }
0x68: {  	[sflag:s24] =	ssyncset.done $0x0  }
0x69: {  	[sflag:s24] =	ssyncadd.s32 $0xFFFFDC00  }
0x6a: {  	[spmem:s5] =	stream.linear.scatter [tilespmem:s25], [sflag:$0x5], $0x2400, $0x38;
	[tilespmem:$0x1E520] =	vst v63  }
0x6b: {  	_ =	swait.ge [sflag:s24], $0x2400  }
0x6c: {  	[sflag:s24] =	ssyncset.done $0x0  }
0x6d: {  	[sflag:s24] =	ssyncadd.s32 $0xFFFFDC00  }
0x6e: {  	[bflag:$0x0] =	sbarrier.arrive $0xFFFF  }
0x6f: {  	s12 =	simm.s32 $0x0;
	s5 =	simm.s32 $0x16800;
	s7 =	rddreg [dreg:$0x10]  }
0x70: {  	[tilespmem:s5], [sflag:$0x4] =	stream.linear.gather [hbm4b:s7+s12], $0x80, $0x38;
	[tilespmem:$0x1E520] =	vst v63  }
0x71: {  	s13 =	simm.s32 $0x16880;
	s8 =	rddreg [dreg:$0x11]  }
0x72: {  	[tilespmem:s13], [sflag:$0x4] =	stream.linear.gather [hbm4b:s8+s12], $0x80, $0x38;
	[tilespmem:$0x1E520] =	vst v63  }
0x73: {  	s31 =	simm.s32 $0x16900;
	s29 =	rddreg [dreg:$0x13];
	s13 =	simm.s32 $0x0  }
0x74: {  	[tilespmem:s31], [sflag:$0x4] =	stream.linear.gather [hbm4b:s29+s12], $0x80, $0x38;
	[tilespmem:$0x1E520] =	vst v63  }
.LBB2_4:
0x75: {  	_ =	swait.ge [sflag:s26], $0x80  }
0x76: {  	[sflag:s26] =	ssyncset.done $0x0  }
0x77: {  	[sflag:s26] =	ssyncadd.s32 $0xFFFFFF80  }
0x78: {  	_ =	swait.ge [sflag:s26], $0x80  }
0x79: {  	[sflag:s26] =	ssyncset.done $0x0  }
0x7a: {  	[sflag:s26] =	ssyncadd.s32 $0xFFFFFF80  }
0x7b: {  	_ =	swait.ge [sflag:s26], $0x80  }
0x7c: {  	[sflag:s26] =	ssyncset.done $0x0  }
0x7d: {  	[sflag:s26] =	ssyncadd.s32 $0xFFFFFF80  }
0x7e: {  	v30 =	vld [tilespmem:$0x16800];
	_ =	sdelay $0x1  }
0x7f: {  	v31 =	vld [tilespmem:$0x16880]  }
0x80: {  	v32 =	vld [tilespmem:$0x16810];
	_ =	sdelay $0x1  }
0x81: {  	v33 =	vld [tilespmem:$0x16890];
	v30 =	vadd.s32 v2, v30  }
0x82: {  	v34 =	vld [tilespmem:$0x16820];
	[tilespmem:$0x16980] =	vst v30  }
0x83: {  	[tilespmem:$0x16A80] =	vst v30;
	v30 =	vadd.s32 v2, v31  }
0x84: {  	v31 =	vld [tilespmem:$0x168A0];
	[tilespmem:$0x16B00] =	vst v30;
	v30 =	vadd.s32 v2, v32  }
0x85: {  	v57 =	vld [tilespmem:$0x16830];
	[tilespmem:$0x16990] =	vst v30  }
0x86: {  	[tilespmem:$0x16A90] =	vst v30;
	v30 =	vadd.s32 v2, v33  }
0x87: {  	v58 =	vld [tilespmem:$0x168B0];
	[tilespmem:$0x16B10] =	vst v30;
	v30 =	vadd.s32 v2, v34  }
0x88: {  	v59 =	vld [tilespmem:$0x16840];
	[tilespmem:$0x169A0] =	vst v30  }
0x89: {  	[tilespmem:$0x16AA0] =	vst v30;
	v30 =	vadd.s32 v2, v31  }
0x8a: {  	v31 =	vld [tilespmem:$0x168C0];
	[tilespmem:$0x16B20] =	vst v30;
	v30 =	vadd.s32 v2, v57  }
0x8b: {  	v60 =	vld [tilespmem:$0x16850];
	[tilespmem:$0x169B0] =	vst v30  }
0x8c: {  	[tilespmem:$0x16AB0] =	vst v30;
	v30 =	vadd.s32 v2, v58  }
0x8d: {  	v61 =	vld [tilespmem:$0x168D0];
	[tilespmem:$0x16B30] =	vst v30;
	v30 =	vadd.s32 v2, v59  }
0x8e: {  	v62 =	vld [tilespmem:$0x16860];
	[tilespmem:$0x169C0] =	vst v30  }
0x8f: {  	[tilespmem:$0x16AC0] =	vst v30;
	v30 =	vadd.s32 v2, v31  }
0x90: {  	v31 =	vld [tilespmem:$0x168E0];
	[tilespmem:$0x16B40] =	vst v30;
	v30 =	vadd.s32 v2, v60  }
0x91: {  	v63 =	vld [tilespmem:$0x16870];
	[tilespmem:$0x169D0] =	vst v30  }
0x92: {  	[tilespmem:$0x16AD0] =	vst v30;
	v30 =	vadd.s32 v2, v61  }
0x93: {  	v36 =	vld [tilespmem:$0x168F0];
	[tilespmem:$0x16B50] =	vst v30;
	v30 =	vadd.s32 v2, v62  }
0x94: {  	[tilespmem:$0x169E0] =	vst v30  }
0x95: {  	[tilespmem:$0x16AE0] =	vst v30;
	v30 =	vadd.s32 v2, v31  }
0x96: {  	[tilespmem:$0x16B60] =	vst v30;
	v30 =	vadd.s32 v2, v63  }
0x97: {  	[tilespmem:$0x169F0] =	vst v30  }
0x98: {  	[tilespmem:$0x16AF0] =	vst v30;
	v30 =	vadd.s32 v2, v36  }
0x99: {  	p0 =	seq.s32 s13, $0x0;
	[tilespmem:$0x16B70] =	vst v30  }
0x9a: {  	[tilespmem:s0], [sflag:$0x3] =	stream.indirect.gather [hbm4b:s6+s30], $0x10, s20, s30, $0xb8;
	[tilespmem:$0x1E520] =	vst v63  }
0x9b: {  	s5 =	simm.s32 @!p0 $0x1  }
0x9c: {  	[tilespmem:s14], [sflag:$0x3] =	stream.indirect.gather [hbm4b:s6+s30], $0x10, s21, s30, $0xb8;
	[tilespmem:$0x1E520] =	vst v63  }
0x9d: {  	_ =	swait.ge @!p0 [sflag:s5], $0x2400  }
0x9e: {  	[sflag:s5] =	ssyncset.done @!p0 $0x0  }
0x9f: {  	[sflag:s5] =	ssyncadd.s32 @!p0 $0xFFFFDC00;
	s5 =	simm.s32 @!p0 $0x2  }
0xa0: {  	_ =	swait.ge @!p0 [sflag:s5], $0x2400  }
0xa1: {  	[sflag:s5] =	ssyncset.done @!p0 $0x0  }
0xa2: {  	[sflag:s5] =	ssyncadd.s32 @!p0 $0xFFFFDC00  }
0xa3: {  	v30 =	vld [tilespmem:$0x16880]  }
0xa4: {  	v31 =	vld [tilespmem:$0x16890]  }
0xa5: {  	v37 =	vld [tilespmem:$0x168A0]  }
0xa6: {  	v38 =	vld [tilespmem:$0x168B0]  }
0xa7: {  	v39 =	vld [tilespmem:$0x168C0]  }
0xa8: {  	v40 =	vld [tilespmem:$0x168F0];
	[tilespmem:$0x16A00] =	vst v30  }
0xa9: {  	v30 =	vld [tilespmem:$0x168D0];
	[tilespmem:$0x16A10] =	vst v31  }
0xaa: {  	v31 =	vld [tilespmem:$0x168E0];
	[tilespmem:$0x16A20] =	vst v37  }
0xab: {  	s4 =	smov.u32 s13;
	[tilespmem:$0x16A30] =	vst v38  }
0xac: {  	s13 =	sadd.s32 $0x1, s13;
	p0 =	seq.s32 s4, $0x4F;
	[tilespmem:$0x16A40] =	vst v39  }
0xad: {  	s4 =	sadd.s32 @!p0 s17, s13;
	[tilespmem:$0x16A70] =	vst v40  }
0xae: {  	s5 =	sshll.u32 @!p0 s4, $0x4;
	[tilespmem:$0x16A50] =	vst v30  }
0xaf: {  	s8 =	simm.s32 @!p0 $0x16800;
	s4 =	simm.s32 @!p0 $0x0;
	s7 =	sadd.s32 @!p0 s15, s5;
	[tilespmem:$0x16A60] =	vst v31  }
0xb0: {  	[tilespmem:s8], [sflag:$0x4] =	stream.linear.gather @!p0 [hbm4b:s7+s4], $0x80, $0x38;
	[tilespmem:$0x1E520] =	vst v63  }
0xb1: {  	s5 =	sadd.s32 @!p0 s16, s5;
	s7 =	simm.s32 @!p0 $0x16880  }
0xb2: {  	[tilespmem:s7], [sflag:$0x4] =	stream.linear.gather @!p0 [hbm4b:s5+s4], $0x80, $0x38;
	[tilespmem:$0x1E520] =	vst v63  }
0xb3: {  	_ = 	snop  }
0xb4: {  	[tilespmem:s25], [sflag:$0x1] =	stream.indirect.gather [hbm4b:s11+s18], $0x90, s22, s18, $0xb8;
	[tilespmem:$0x1E520] =	vst v63  }
0xb5: {  	s8 =	simm.s32 $0x169C0  }
0xb6: {  	[tilespmem:s23], [sflag:$0x2] =	stream.indirect.gather [hbm4b:s11+s18], $0x90, s8, s18, $0xb8;
	[tilespmem:$0x1E520] =	vst v63  }
0xb7: {  	_ =	swait.ge [sflag:s28], $0x800  }
0xb8: {  	[sflag:s28] =	ssyncset.done $0x0  }
0xb9: {  	[sflag:s28] =	ssyncadd.s32 $0xFFFFF800  }
0xba: {  	_ =	swait.ge [sflag:s28], $0x800  }
0xbb: {  	[sflag:s28] =	ssyncset.done $0x0  }
0xbc: {  	[sflag:s28] =	ssyncadd.s32 $0xFFFFF800  }
0xbd: {  	v30 =	vld.idx.msk [tilespmem:v0+s0+$0x0], $0xffff  }
0xbe: {  	v31 =	vld.idx.msk [tilespmem:v5+s14+$0x0], $0xffff;
	_ =	sdelay $0x1  }
0xbf: {  	v41 =	vld [tilespmem:$0x16900];
	_ =	sdelay $0x2  }
0xc0: {  	v30 =	vadd.f32 v31, v30;
	_ =	sdelay $0x1  }
0xc1: {  	v30 =	vadd.f32 v41, v30;
	_ =	sdelay $0x1  }
0xc2: {  	v31 =	vmul.f32 $2.000000030e-01, v30;
	_ =	sdelay $0x1  }
0xc3: {  	v30 =	vmax.f32 v30, v31  }
0xc4: {  	v30 =	vmul.f32 $1.442695020e+00, v30;
	_ =	sdelay $0x1  }
0xc5: {  	(erf) = vpow2.f32 v30;
	_ =	sdelay $0x8  }
0xc6: {  	v30 =	vpop (erf)  }
0xc7: {  	[tilespmem:$0x16B80] =	vst v30  }
0xc8: {  	v30 =	vld.idx.msk [tilespmem:v6+s0+$0x0], $0xffff  }
0xc9: {  	v31 =	vld.idx.msk [tilespmem:v7+s14+$0x0], $0xffff;
	_ =	sdelay $0x1  }
0xca: {  	v42 =	vld [tilespmem:$0x16910];
	_ =	sdelay $0x2  }
0xcb: {  	v30 =	vadd.f32 v31, v30;
	_ =	sdelay $0x1  }
0xcc: {  	v30 =	vadd.f32 v42, v30;
	_ =	sdelay $0x1  }
0xcd: {  	v31 =	vmul.f32 $2.000000030e-01, v30;
	_ =	sdelay $0x1  }
0xce: {  	v30 =	vmax.f32 v30, v31  }
0xcf: {  	v30 =	vmul.f32 $1.442695020e+00, v30;
	_ =	sdelay $0x1  }
0xd0: {  	(erf) = vpow2.f32 v30;
	_ =	sdelay $0x8  }
0xd1: {  	v30 =	vpop (erf)  }
0xd2: {  	[tilespmem:$0x16B90] =	vst v30  }
0xd3: {  	v30 =	vld.idx.msk [tilespmem:v8+s0+$0x0], $0xffff  }
0xd4: {  	v31 =	vld.idx.msk [tilespmem:v9+s14+$0x0], $0xffff;
	_ =	sdelay $0x1  }
0xd5: {  	v43 =	vld [tilespmem:$0x16920];
	_ =	sdelay $0x2  }
0xd6: {  	v30 =	vadd.f32 v31, v30;
	_ =	sdelay $0x1  }
0xd7: {  	v30 =	vadd.f32 v43, v30;
	_ =	sdelay $0x1  }
0xd8: {  	v31 =	vmul.f32 $2.000000030e-01, v30;
	_ =	sdelay $0x1  }
0xd9: {  	v30 =	vmax.f32 v30, v31  }
0xda: {  	v30 =	vmul.f32 $1.442695020e+00, v30;
	_ =	sdelay $0x1  }
0xdb: {  	(erf) = vpow2.f32 v30;
	_ =	sdelay $0x8  }
0xdc: {  	v30 =	vpop (erf)  }
0xdd: {  	[tilespmem:$0x16BA0] =	vst v30  }
0xde: {  	v30 =	vld.idx.msk [tilespmem:v10+s0+$0x0], $0xffff  }
0xdf: {  	v31 =	vld.idx.msk [tilespmem:v11+s14+$0x0], $0xffff;
	_ =	sdelay $0x1  }
0xe0: {  	v44 =	vld [tilespmem:$0x16930];
	_ =	sdelay $0x2  }
0xe1: {  	v30 =	vadd.f32 v31, v30;
	_ =	sdelay $0x1  }
0xe2: {  	v30 =	vadd.f32 v44, v30;
	_ =	sdelay $0x1  }
0xe3: {  	v31 =	vmul.f32 $2.000000030e-01, v30;
	_ =	sdelay $0x1  }
0xe4: {  	v30 =	vmax.f32 v30, v31  }
0xe5: {  	v30 =	vmul.f32 $1.442695020e+00, v30;
	_ =	sdelay $0x1  }
0xe6: {  	(erf) = vpow2.f32 v30;
	_ =	sdelay $0x8  }
0xe7: {  	v30 =	vpop (erf)  }
0xe8: {  	[tilespmem:$0x16BB0] =	vst v30  }
0xe9: {  	v30 =	vld.idx.msk [tilespmem:v12+s0+$0x0], $0xffff  }
0xea: {  	v31 =	vld.idx.msk [tilespmem:v13+s14+$0x0], $0xffff;
	_ =	sdelay $0x1  }
0xeb: {  	v45 =	vld [tilespmem:$0x16940];
	_ =	sdelay $0x2  }
0xec: {  	v30 =	vadd.f32 v31, v30;
	_ =	sdelay $0x1  }
0xed: {  	v30 =	vadd.f32 v45, v30;
	_ =	sdelay $0x1  }
0xee: {  	v31 =	vmul.f32 $2.000000030e-01, v30;
	_ =	sdelay $0x1  }
0xef: {  	v30 =	vmax.f32 v30, v31  }
0xf0: {  	v30 =	vmul.f32 $1.442695020e+00, v30;
	_ =	sdelay $0x1  }
0xf1: {  	(erf) = vpow2.f32 v30;
	_ =	sdelay $0x8  }
0xf2: {  	v30 =	vpop (erf)  }
0xf3: {  	[tilespmem:$0x16BC0] =	vst v30  }
0xf4: {  	v30 =	vld.idx.msk [tilespmem:v14+s0+$0x0], $0xffff  }
0xf5: {  	v31 =	vld.idx.msk [tilespmem:v15+s14+$0x0], $0xffff;
	_ =	sdelay $0x1  }
0xf6: {  	v46 =	vld [tilespmem:$0x16950];
	_ =	sdelay $0x2  }
0xf7: {  	v30 =	vadd.f32 v31, v30;
	_ =	sdelay $0x1  }
0xf8: {  	v30 =	vadd.f32 v46, v30;
	_ =	sdelay $0x1  }
0xf9: {  	v31 =	vmul.f32 $2.000000030e-01, v30;
	_ =	sdelay $0x1  }
0xfa: {  	v30 =	vmax.f32 v30, v31  }
0xfb: {  	v30 =	vmul.f32 $1.442695020e+00, v30;
	_ =	sdelay $0x1  }
0xfc: {  	(erf) = vpow2.f32 v30;
	_ =	sdelay $0x8  }
0xfd: {  	v30 =	vpop (erf)  }
0xfe: {  	[tilespmem:$0x16BD0] =	vst v30  }
0xff: {  	v30 =	vld.idx.msk [tilespmem:v16+s0+$0x0], $0xffff  }
0x100: {  	v31 =	vld.idx.msk [tilespmem:v17+s14+$0x0], $0xffff;
	_ =	sdelay $0x1  }
0x101: {  	v47 =	vld [tilespmem:$0x16960];
	_ =	sdelay $0x2  }
0x102: {  	v30 =	vadd.f32 v31, v30;
	_ =	sdelay $0x1  }
0x103: {  	v30 =	vadd.f32 v47, v30;
	_ =	sdelay $0x1  }
0x104: {  	v31 =	vmul.f32 $2.000000030e-01, v30;
	_ =	sdelay $0x1  }
0x105: {  	v30 =	vmax.f32 v30, v31  }
0x106: {  	v30 =	vmul.f32 $1.442695020e+00, v30;
	_ =	sdelay $0x1  }
0x107: {  	(erf) = vpow2.f32 v30;
	_ =	sdelay $0x8  }
0x108: {  	v30 =	vpop (erf)  }
0x109: {  	[tilespmem:$0x16BE0] =	vst v30  }
0x10a: {  	v30 =	vld.idx.msk [tilespmem:v18+s0+$0x0], $0xffff  }
0x10b: {  	v31 =	vld.idx.msk [tilespmem:v19+s14+$0x0], $0xffff;
	_ =	sdelay $0x1  }
0x10c: {  	v48 =	vld [tilespmem:$0x16970];
	_ =	sdelay $0x2  }
0x10d: {  	v30 =	vadd.f32 v31, v30;
	_ =	sdelay $0x1  }
0x10e: {  	v30 =	vadd.f32 v48, v30;
	_ =	sdelay $0x1  }
0x10f: {  	v31 =	vmul.f32 $2.000000030e-01, v30;
	_ =	sdelay $0x1  }
0x110: {  	v30 =	vmax.f32 v30, v31  }
0x111: {  	v30 =	vmul.f32 $1.442695020e+00, v30;
	_ =	sdelay $0x1  }
0x112: {  	(erf) = vpow2.f32 v30;
	_ =	sdelay $0x7  }
0x113: {  	s5 =	sadd.s32 @!p0 s19, s13  }
0x114: {  	s5 =	sshll.u32 @!p0 s5, $0x4;
	v30 =	vpop (erf)  }
0x115: {  	s7 =	simm.s32 @!p0 $0x16900;
	s5 =	sadd.s32 @!p0 s10, s5;
	[tilespmem:$0x16BF0] =	vst v30  }
0x116: {  	[tilespmem:s7], [sflag:$0x4] =	stream.linear.gather @!p0 [hbm4b:s5+s4], $0x80, $0x38;
	[tilespmem:$0x1E520] =	vst v63  }
0x117: {  	_ =	swait.ge [sflag:s1], $0x2400  }
0x118: {  	[sflag:s1] =	ssyncset.done $0x0  }
0x119: {  	[sflag:s1] =	ssyncadd.s32 $0xFFFFDC00  }
0x11a: {  	v30 =	vld [tilespmem:$0x16B80];
	_ =	sdelay $0x4  }
0x11b: {  	[tilespmem:v20+s25+$0x0] =	vst.idx.msk $0xffff, v30  }
0x11c: {  	v30 =	vld [tilespmem:$0x16B90];
	_ =	sdelay $0x4  }
0x11d: {  	[tilespmem:v21+s25+$0x0] =	vst.idx.msk $0xffff, v30  }
0x11e: {  	v30 =	vld [tilespmem:$0x16BA0];
	_ =	sdelay $0x2  }
0x11f: {  	v31 =	vmov s12  }
0x120: {  	v31 =	vshrl.u32 v31, $0x3  }
0x121: {  	[tilespmem:v22+s25+$0x0] =	vst.idx.msk $0xffff, v30;
	v30 =	vshll.u32 v31, v24  }
0x122: {  	v52 =	vld [tilespmem:$0x16BB0];
	v30 =	vbroadcast v30, $0x0;
	_ =	sdelay $0x4  }
0x123: {  	[tilespmem:v23+s25+$0x0] =	vst.idx.msk $0xffff, v52  }
0x124: {  	s7 =	simm.s32 $0x17E40;
	v33 =	vld.idx.msk [tilespmem:v30+s3+$0x0], $0xffff  }
0x125: {  	v53 =	vld [tilespmem:s7+$0xFFFFFDC0]  }
0x126: {  	v54 =	vld [tilespmem:s7+$0xFFFFFDD0]  }
0x127: {  	s29 =	simm.s32 $0x1;
	s31 =	simm.s32 $0x7;
	v35 =	vld [tilespmem:s7+$0xFFFFFDE0]  }
0x128: {  	v49 =	vmov s29;
	v50 =	vmov s31;
	v36 =	vld [tilespmem:s7+$0xFFFFFDF0]  }
0x129: {  	v51 =	vshrl.u32 v50, $0x3;
	v32 =	vshrl.u32 v49, $0x3;
	v37 =	vld [tilespmem:s7+$0xFFFFFE00]  }
0x12a: {  	v31 =	vshll.u32 v32, v24;
	v32 =	vshll.u32 v51, v24;
	v38 =	vld [tilespmem:s7+$0xFFFFFE10]  }
0x12b: {  	v32 =	vadd.s32 $0x7, v32;
	v40 =	vld [tilespmem:s7+$0xFFFFFE20]  }
0x12c: {  	v32 =	vbroadcast v32, $0x0;
	v41 =	vld [tilespmem:s7+$0x220]  }
0x12d: {  	v56 =	vld [tilespmem:s7+$0xFFFFFE30]  }
0x12e: {  	v42 =	vld [tilespmem:s7+$0xFFFFFE50]  }
0x12f: {  	v31 =	vadd.s32 $0x1, v31;
	v43 =	vld [tilespmem:s7+$0xFFFFFE60]  }
0x130: {  	v31 =	vbroadcast v31, $0x0;
	v44 =	vld [tilespmem:s7+$0xFFFFFE70]  }
0x131: {  	v45 =	vld [tilespmem:s7+$0xFFFFFE80]  }
0x132: {  	v30 =	vld.idx.msk [tilespmem:v32+s3+$0x0], $0xffff;
	v32 =	vmul.f32 v53, v33  }
0x133: {  	s5 =	simm.s32 $0x2;
	v46 =	vld [tilespmem:s7+$0xFFFFFE90];
	v34 =	vmul.f32 v54, v33  }
0x134: {  	v39 =	vmov s5;
	v61 =	vld [tilespmem:s7+$0xFFFFFEE0];
	v35 =	vmul.f32 v35, v33;
	[tilespmem:s7+$0xFFFFFDC0] =	vst v32  }
0x135: {  	v39 =	vshrl.u32 v39, $0x3;
	v63 =	vld [tilespmem:s7+$0xFFFFFEF0];
	v36 =	vmul.f32 v36, v33;
	[tilespmem:s7+$0xFFFFFDD0] =	vst v34  }
0x136: {  	v55 =	vshll.u32 v39, v24;
	v31 =	vld.idx.msk [tilespmem:v31+s3+$0x0], $0xffff;
	v59 =	vmul.f32 v37, v33;
	[tilespmem:s7+$0xFFFFFDE0] =	vst v35  }
0x137: {  	v48 =	vld [tilespmem:s7+$0xFFFFFF00];
	v60 =	vmul.f32 v38, v33;
	v32 =	vadd.s32 $0x2, v55;
	[tilespmem:s7+$0xFFFFFDF0] =	vst v36  }
0x138: {  	v50 =	vld [tilespmem:s7+$0xFFFFFF10];
	v62 =	vmul.f32 v40, v33;
	[tilespmem:s7+$0xFFFFFE00] =	vst v59;
	v32 =	vbroadcast v32, $0x0  }
0x139: {  	v52 =	vld [tilespmem:s7+$0xFFFFFF20];
	v33 =	vmul.f32 v56, v33;
	[tilespmem:s7+$0xFFFFFE10] =	vst v60  }
0x13a: {  	s8 =	simm.s32 $0x3;
	v37 =	vld [tilespmem:s7+$0xFFFFFEC0];
	v41 =	vmul.f32 v41, v30;
	[tilespmem:s7+$0xFFFFFE20] =	vst v62  }
0x13b: {  	v47 =	vmov s8;
	v57 =	vmul.f32 v42, v31;
	v42 =	vld [tilespmem:s7+$0xFFFFFEA0];
	[tilespmem:s7+$0xFFFFFE30] =	vst v33  }
0x13c: {  	s29 =	simm.s32 $0x4;
	v47 =	vshrl.u32 v47, $0x3;
	v49 =	vmul.f32 v43, v31;
	v34 =	vld [tilespmem:s7+$0xFFFFFEB0];
	[tilespmem:s7+$0x220] =	vst v41  }
0x13d: {  	v58 =	vshll.u32 v47, v24;
	v54 =	vld [tilespmem:s7+$0xFFFFFF30];
	v51 =	vmul.f32 v44, v31;
	v55 =	vmov s29;
	[tilespmem:s7+$0xFFFFFE50] =	vst v57  }
0x13e: {  	v45 =	vmul.f32 v45, v31;
	v41 =	vadd.s32 $0x3, v58;
	[tilespmem:s7+$0xFFFFFE60] =	vst v49;
	v44 =	vshrl.u32 v55, $0x3;
	v32 =	vld.idx.msk [tilespmem:v32+s3+$0x0], $0xffff  }
0x13f: {  	v56 =	vld [tilespmem:s7+$0xFFFFFF40];
	v46 =	vmul.f32 v46, v31;
	[tilespmem:s7+$0xFFFFFE70] =	vst v51;
	v41 =	vbroadcast v41, $0x0;
	v57 =	vshll.u32 v44, v24  }
0x140: {  	v59 =	vld [tilespmem:s7+$0xFFFFFF70];
	[tilespmem:s7+$0xFFFFFE80] =	vst v45;
	v35 =	vadd.s32 $0x4, v57;
	v42 =	vmul.f32 v42, v31  }
0x141: {  	v60 =	vld [tilespmem:s7+$0xFFFFFF80];
	[tilespmem:s7+$0xFFFFFE90] =	vst v46;
	v35 =	vbroadcast v35, $0x0;
	v34 =	vmul.f32 v34, v31  }
0x142: {  	v62 =	vld [tilespmem:s7+$0xFFFFFF90];
	v31 =	vmul.f32 v37, v31;
	[tilespmem:s7+$0xFFFFFEA0] =	vst v42  }
0x143: {  	v58 =	vld [tilespmem:s7+$0xFFFFFF50];
	[tilespmem:s7+$0xFFFFFEB0] =	vst v34;
	v53 =	vmul.f32 v61, v32  }
0x144: {  	v49 =	vld [tilespmem:s7+$0xFFFFFFB0];
	[tilespmem:s7+$0xFFFFFEC0] =	vst v31;
	v61 =	vmul.f32 v63, v32  }
0x145: {  	v41 =	vld.idx.msk [tilespmem:v41+s3+$0x0], $0xffff;
	v31 =	vmul.f32 v48, v32;
	[tilespmem:s7+$0xFFFFFEE0] =	vst v53  }
0x146: {  	v37 =	vld [tilespmem:s7+$0xE0];
	v48 =	vmul.f32 v50, v32;
	[tilespmem:s7+$0xFFFFFEF0] =	vst v61  }
0x147: {  	v35 =	vld.idx.msk [tilespmem:v35+s3+$0x0], $0xffff;
	v43 =	vmul.f32 v52, v32;
	[tilespmem:s7+$0xFFFFFF00] =	vst v31  }
0x148: {  	v63 =	vld [tilespmem:s7+$0xFFFFFFA0];
	v38 =	vmul.f32 v54, v32;
	[tilespmem:s7+$0xFFFFFF10] =	vst v48  }
0x149: {  	s31 =	simm.s32 $0x5;
	v50 =	vld [tilespmem:s7+$0xFFFFFFC0];
	v33 =	vmul.f32 v56, v32;
	[tilespmem:s7+$0xFFFFFF20] =	vst v43  }
0x14a: {  	v51 =	vmov s31;
	v52 =	vld [tilespmem:s7+$0xFFFFFFD0];
	v31 =	vmul.f32 v59, v41;
	[tilespmem:s7+$0xFFFFFF30] =	vst v38  }
0x14b: {  	v45 =	vshrl.u32 v51, $0x3;
	v32 =	vmul.f32 v58, v32;
	v54 =	vld [tilespmem:s7+$0x0];
	[tilespmem:s7+$0xFFFFFF40] =	vst v33  }
0x14c: {  	v56 =	vld [tilespmem:s7+$0x10];
	v55 =	vmul.f32 v60, v41;
	[tilespmem:s7+$0xFFFFFF70] =	vst v31;
	v31 =	vshll.u32 v45, v24  }
0x14d: {  	v58 =	vld [tilespmem:s7+$0x20];
	v57 =	vmul.f32 v62, v41;
	[tilespmem:s7+$0xFFFFFF50] =	vst v32;
	v31 =	vadd.s32 $0x5, v31  }
0x14e: {  	v62 =	vld [tilespmem:s7+$0x40];
	v61 =	vmul.f32 v49, v41;
	[tilespmem:s7+$0xFFFFFF80] =	vst v55;
	v31 =	vbroadcast v31, $0x0  }
0x14f: {  	v53 =	vld [tilespmem:s7+$0xFFFFFFE0];
	[tilespmem:s7+$0xFFFFFF90] =	vst v57;
	v59 =	vmul.f32 v63, v41  }
0x150: {  	[tilespmem:s7+$0xFFFFFFB0] =	vst v61;
	v63 =	vmul.f32 v54, v35;
	v42 =	vmul.f32 v50, v41;
	v50 =	vld [tilespmem:s7+$0x60]  }
0x151: {  	v60 =	vld [tilespmem:s7+$0x30];
	[tilespmem:s7+$0xFFFFFFA0] =	vst v59  }
0x152: {  	v48 =	vld [tilespmem:s7+$0x50];
	v55 =	vmul.f32 v58, v35;
	[tilespmem:s7+$0x0] =	vst v63  }
0x153: {  	s5 =	simm.s32 $0x6;
	v54 =	vld [tilespmem:s7+$0x90];
	v58 =	vmul.f32 v62, v35;
	[tilespmem:s7+$0xFFFFFFC0] =	vst v42  }
0x154: {  	v49 =	vmov s5;
	[tilespmem:s7+$0x20] =	vst v55;
	v45 =	vld.idx.msk [tilespmem:v31+s3+$0x0], $0xffff;
	v31 =	vmul.f32 v52, v41  }
0x155: {  	v44 =	vshrl.u32 v49, $0x3;
	[tilespmem:s7+$0x40] =	vst v58;
	v32 =	vmul.f32 v50, v35;
	v52 =	vmul.f32 v53, v41;
	v53 =	vld [tilespmem:s7+$0x70]  }
0x156: {  	v57 =	vld [tilespmem:s7+$0xB0];
	v51 =	vshll.u32 v44, v24;
	[tilespmem:s7+$0xFFFFFFD0] =	vst v31;
	v31 =	vmul.f32 v56, v35  }
0x157: {  	v33 =	vadd.s32 $0x6, v51;
	v59 =	vld [tilespmem:s7+$0xC0];
	[tilespmem:s7+$0x60] =	vst v32  }
0x158: {  	v33 =	vbroadcast v33, $0x0;
	v56 =	vld [tilespmem:s7+$0xA0];
	[tilespmem:s7+$0x10] =	vst v31;
	v31 =	vmul.f32 v60, v35  }
0x159: {  	s8 =	simm.s32 $0x8;
	v63 =	vld [tilespmem:s7+$0xF0];
	[tilespmem:s7+$0xFFFFFFE0] =	vst v52;
	v61 =	vmul.f32 v54, v45  }
0x15a: {  	v62 =	vmov s8;
	s8 =	simm.s32 $0xC;
	v60 =	vld [tilespmem:s7+$0xD0];
	v49 =	vmul.f32 v53, v35;
	[tilespmem:s7+$0x30] =	vst v31  }
0x15b: {  	v55 =	vmov s8;
	v53 =	vld [tilespmem:s7+$0x100];
	v36 =	vmul.f32 v57, v45;
	[tilespmem:s7+$0x90] =	vst v61  }
0x15c: {  	s29 =	simm.s32 $0x9;
	v42 =	vshrl.u32 v55, $0x3;
	v39 =	vmul.f32 v59, v45;
	v59 =	vld [tilespmem:s7+$0x130];
	v31 =	vmul.f32 v48, v35;
	[tilespmem:s7+$0x70] =	vst v49  }
0x15d: {  	s31 =	simm.s32 $0xA;
	v51 =	vmov s29;
	v42 =	vshll.u32 v42, v24;
	v40 =	vmul.f32 v56, v45;
	v56 =	vld [tilespmem:s7+$0x120];
	[tilespmem:s7+$0xB0] =	vst v36  }
0x15e: {  	v50 =	vshrl.u32 v62, $0x3;
	v52 =	vmov s31;
	s31 =	simm.s32 $0xE;
	v37 =	vmul.f32 v37, v45;
	[tilespmem:s7+$0x50] =	vst v31;
	v31 =	vld.idx.msk [tilespmem:v33+s3+$0x0], $0xffff  }
0x15f: {  	v58 =	vmov s31;
	v34 =	vshrl.u32 v52, $0x3;
	v62 =	vmul.f32 v63, v45;
	v63 =	vld [tilespmem:s7+$0x160];
	[tilespmem:s7+$0xC0] =	vst v39  }
0x160: {  	s5 =	simm.s32 $0xB;
	s29 =	simm.s32 $0xD;
	v32 =	vshrl.u32 v51, $0x3;
	v55 =	vshrl.u32 v58, $0x3;
	v34 =	vshll.u32 v34, v24;
	v61 =	vld [tilespmem:s7+$0x140];
	[tilespmem:s7+$0xE0] =	vst v37  }
0x161: {  	v54 =	vmov s5;
	v57 =	vmov s29;
	v39 =	vld [tilespmem:s7+$0x150];
	[tilespmem:s7+$0xF0] =	vst v62;
	v60 =	vmul.f32 v60, v45  }
0x162: {  	v35 =	vshll.u32 v50, v24;
	v48 =	vshrl.u32 v54, $0x3;
	v54 =	vld [tilespmem:s7+$0x170];
	[tilespmem:s7+$0xA0] =	vst v40;
	v52 =	vmul.f32 v53, v45  }
0x163: {  	v51 =	vshrl.u32 v57, $0x3;
	v57 =	vld [tilespmem:s7+$0x180];
	v58 =	vshll.u32 v48, v24;
	[tilespmem:s7+$0xD0] =	vst v60;
	v53 =	vmul.f32 v56, v31  }
0x164: {  	v62 =	vadd.s32 $0x2, v34;
	v33 =	vbroadcast v35, $0x0;
	[tilespmem:s7+$0x100] =	vst v52;
	v40 =	vmul.f32 v59, v31  }
0x165: {  	v44 =	vadd.s32 $0x3, v58;
	v56 =	vshll.u32 v32, v24;
	v38 =	vmul.f32 v61, v31;
	v32 =	vld [tilespmem:s7+$0x190];
	[tilespmem:s7+$0x120] =	vst v53  }
0x166: {  	v35 =	vld [tilespmem:s7+$0x1B0];
	v60 =	vshll.u32 v55, v24;
	v59 =	vshll.u32 v51, v24;
	v39 =	vmul.f32 v39, v31;
	[tilespmem:s7+$0x130] =	vst v40  }
0x167: {  	v36 =	vld [tilespmem:s7+$0x1C0];
	v63 =	vmul.f32 v63, v31;
	v43 =	vmul.f32 v54, v31;
	v61 =	vadd.s32 $0x1, v56;
	[tilespmem:s7+$0x140] =	vst v38  }
0x168: {  	v37 =	vld [tilespmem:s7+$0x1D0];
	v45 =	vmul.f32 v57, v31;
	v41 =	vadd.s32 $0x5, v59;
	v34 =	vbroadcast v61, $0x0;
	[tilespmem:s7+$0x150] =	vst v39  }
0x169: {  	s4 =	simm.s32 $0x10;
	s5 =	simm.s32 $0xF;
	v40 =	vadd.s32 $0x4, v42;
	v39 =	vbroadcast v62, $0x0;
	v42 =	vadd.s32 $0x6, v60;
	[tilespmem:s7+$0x160] =	vst v63;
	v38 =	vld [tilespmem:s7+$0x1E0]  }
.LBB2_5:
0x16a: {  	p0 =	slt.u32 s4, $0x38;
	v44 =	vbroadcast v44, $0x0;
	v46 =	vmov s5;
	[tilespmem:s7+$0x170] =	vst v43;
	v31 =	vmul.f32 v32, v31;
	v32 =	vld [tilespmem:s7+$0x1F0]  }
0x16b: {  	v40 =	vbroadcast v40, $0x0;
	v43 =	vshrl.u32 v46, $0x3;
	[tilespmem:s7+$0x180] =	vst v45;
	v35 =	vmul.f32 v35, v30;
	v45 =	vld [tilespmem:s7+$0x200]  }
0x16c: {  	v41 =	vbroadcast v41, $0x0;
	v43 =	vshll.u32 v43, v24;
	[tilespmem:s7+$0x190] =	vst v31;
	v31 =	vmul.f32 v36, v30;
	v36 =	vld [tilespmem:s7+$0x210]  }
0x16d: {  	v42 =	vbroadcast v42, $0x0;
	v46 =	vld.idx.msk [tilespmem:v33+s3+$0x0], $0xffff;
	v33 =	vadd.s32 $0x7, v43;
	[tilespmem:s7+$0x1B0] =	vst v35;
	v35 =	vmul.f32 v37, v30  }
0x16e: {  	v37 =	vld.idx.msk [tilespmem:v34+s3+$0x0], $0xffff;
	v43 =	vbroadcast v33, $0x0;
	[tilespmem:s7+$0x1C0] =	vst v31;
	v31 =	vmul.f32 v38, v30  }
0x16f: {  	v38 =	vld.idx.msk [tilespmem:v39+s3+$0x0], $0xffff;
	[tilespmem:s7+$0x1D0] =	vst v35;
	v32 =	vmul.f32 v32, v30  }
0x170: {  	v34 =	vld.idx.msk [tilespmem:v44+s3+$0x0], $0xffff;
	[tilespmem:s7+$0x1E0] =	vst v31;
	v31 =	vmul.f32 v45, v30  }
0x171: {  	v33 =	vld.idx.msk [tilespmem:v40+s3+$0x0], $0xffff;
	[tilespmem:s7+$0x1F0] =	vst v32;
	v30 =	vmul.f32 v36, v30  }
0x172: {  	v32 =	vld.idx.msk [tilespmem:v41+s3+$0x0], $0xffff;
	[tilespmem:s7+$0x200] =	vst v31  }
0x173: {  	v31 =	vld.idx.msk [tilespmem:v42+s3+$0x0], $0xffff;
	[tilespmem:s7+$0x210] =	vst v30  }
0x174: {  	s7 =	sadd.s32 $0x480, s7;
	v30 =	vld.idx.msk [tilespmem:v43+s3+$0x0], $0xffff  }
0x175: {  	v35 =	vld [tilespmem:s7+$0x220]  }
0x176: {  	v36 =	vld [tilespmem:s7+$0xFFFFFDC0]  }
0x177: {  	v39 =	vld [tilespmem:s7+$0xFFFFFDD0]  }
0x178: {  	v40 =	vld [tilespmem:s7+$0xFFFFFDE0]  }
0x179: {  	v41 =	vld [tilespmem:s7+$0xFFFFFDF0]  }
0x17a: {  	v42 =	vld [tilespmem:s7+$0xFFFFFE00];
	v35 =	vmul.f32 v35, v30  }
0x17b: {  	v36 =	vmul.f32 v36, v46;
	v43 =	vld [tilespmem:s7+$0xFFFFFE10]  }
0x17c: {  	v39 =	vmul.f32 v39, v46;
	v44 =	vld [tilespmem:s7+$0xFFFFFE20];
	[tilespmem:s7+$0x220] =	vst v35  }
0x17d: {  	[tilespmem:s7+$0xFFFFFDC0] =	vst v36;
	v35 =	vmul.f32 v40, v46;
	v36 =	vld [tilespmem:s7+$0xFFFFFE30]  }
0x17e: {  	[tilespmem:s7+$0xFFFFFDD0] =	vst v39;
	v39 =	vmul.f32 v41, v46;
	v40 =	vld [tilespmem:s7+$0xFFFFFE50]  }
0x17f: {  	[tilespmem:s7+$0xFFFFFDE0] =	vst v35;
	v35 =	vmul.f32 v42, v46;
	v41 =	vld [tilespmem:s7+$0xFFFFFE60]  }
0x180: {  	[tilespmem:s7+$0xFFFFFDF0] =	vst v39;
	v39 =	vmul.f32 v43, v46;
	v42 =	vld [tilespmem:s7+$0xFFFFFE70]  }
0x181: {  	[tilespmem:s7+$0xFFFFFE00] =	vst v35;
	v35 =	vmul.f32 v44, v46;
	v43 =	vld [tilespmem:s7+$0xFFFFFE80]  }
0x182: {  	[tilespmem:s7+$0xFFFFFE10] =	vst v39;
	v36 =	vmul.f32 v36, v46;
	v39 =	vld [tilespmem:s7+$0xFFFFFE90]  }
0x183: {  	[tilespmem:s7+$0xFFFFFE20] =	vst v35;
	v35 =	vmul.f32 v40, v37;
	v40 =	vld [tilespmem:s7+$0xFFFFFEA0]  }
0x184: {  	[tilespmem:s7+$0xFFFFFE30] =	vst v36;
	v36 =	vmul.f32 v41, v37;
	v41 =	vld [tilespmem:s7+$0xFFFFFEB0]  }
0x185: {  	[tilespmem:s7+$0xFFFFFE50] =	vst v35;
	v35 =	vmul.f32 v42, v37;
	v42 =	vld [tilespmem:s7+$0xFFFFFEC0]  }
0x186: {  	[tilespmem:s7+$0xFFFFFE60] =	vst v36;
	v36 =	vmul.f32 v43, v37;
	v43 =	vld [tilespmem:s7+$0xFFFFFEE0]  }
0x187: {  	[tilespmem:s7+$0xFFFFFE70] =	vst v35;
	v35 =	vmul.f32 v39, v37;
	v39 =	vld [tilespmem:s7+$0xFFFFFEF0]  }
0x188: {  	[tilespmem:s7+$0xFFFFFE80] =	vst v36;
	v36 =	vmul.f32 v40, v37;
	v40 =	vld [tilespmem:s7+$0xFFFFFF00]  }
0x189: {  	[tilespmem:s7+$0xFFFFFE90] =	vst v35;
	v35 =	vmul.f32 v41, v37;
	v41 =	vld [tilespmem:s7+$0xFFFFFF10]  }
0x18a: {  	[tilespmem:s7+$0xFFFFFEA0] =	vst v36;
	v36 =	vmul.f32 v42, v37;
	v37 =	vld [tilespmem:s7+$0xFFFFFF20]  }
0x18b: {  	[tilespmem:s7+$0xFFFFFEB0] =	vst v35;
	v35 =	vmul.f32 v43, v38;
	v42 =	vld [tilespmem:s7+$0xFFFFFF30]  }
0x18c: {  	[tilespmem:s7+$0xFFFFFEC0] =	vst v36;
	v36 =	vmul.f32 v39, v38;
	v39 =	vld [tilespmem:s7+$0xFFFFFF40]  }
0x18d: {  	[tilespmem:s7+$0xFFFFFEE0] =	vst v35;
	v35 =	vmul.f32 v40, v38;
	v40 =	vld [tilespmem:s7+$0xFFFFFF50]  }
0x18e: {  	[tilespmem:s7+$0xFFFFFEF0] =	vst v36;
	v36 =	vmul.f32 v41, v38;
	v41 =	vld [tilespmem:s7+$0xFFFFFF70]  }
0x18f: {  	[tilespmem:s7+$0xFFFFFF00] =	vst v35;
	v35 =	vmul.f32 v37, v38;
	v37 =	vld [tilespmem:s7+$0xFFFFFF80]  }
0x190: {  	[tilespmem:s7+$0xFFFFFF10] =	vst v36;
	v36 =	vmul.f32 v42, v38;
	v42 =	vld [tilespmem:s7+$0xFFFFFF90]  }
0x191: {  	[tilespmem:s7+$0xFFFFFF20] =	vst v35;
	v35 =	vmul.f32 v39, v38;
	v39 =	vld [tilespmem:s7+$0xFFFFFFA0]  }
0x192: {  	[tilespmem:s7+$0xFFFFFF30] =	vst v36;
	v36 =	vmul.f32 v40, v38;
	v38 =	vld [tilespmem:s7+$0xFFFFFFB0]  }
0x193: {  	[tilespmem:s7+$0xFFFFFF40] =	vst v35;
	v35 =	vmul.f32 v41, v34;
	v40 =	vld [tilespmem:s7+$0xFFFFFFC0]  }
0x194: {  	[tilespmem:s7+$0xFFFFFF50] =	vst v36;
	v36 =	vmul.f32 v37, v34;
	v37 =	vld [tilespmem:s7+$0xFFFFFFD0]  }
0x195: {  	[tilespmem:s7+$0xFFFFFF70] =	vst v35;
	v35 =	vmul.f32 v42, v34;
	v41 =	vld [tilespmem:s7+$0xFFFFFFE0]  }
0x196: {  	[tilespmem:s7+$0xFFFFFF80] =	vst v36;
	v36 =	vmul.f32 v39, v34;
	v39 =	vld [tilespmem:s7+$0x0]  }
0x197: {  	[tilespmem:s7+$0xFFFFFF90] =	vst v35;
	v35 =	vmul.f32 v38, v34;
	v38 =	vld [tilespmem:s7+$0x10]  }
0x198: {  	[tilespmem:s7+$0xFFFFFFA0] =	vst v36;
	v36 =	vmul.f32 v40, v34;
	v40 =	vld [tilespmem:s7+$0x20]  }
0x199: {  	[tilespmem:s7+$0xFFFFFFB0] =	vst v35;
	v35 =	vmul.f32 v37, v34;
	v37 =	vld [tilespmem:s7+$0x30]  }
0x19a: {  	[tilespmem:s7+$0xFFFFFFC0] =	vst v36;
	v34 =	vmul.f32 v41, v34;
	v36 =	vld [tilespmem:s7+$0x40]  }
0x19b: {  	[tilespmem:s7+$0xFFFFFFD0] =	vst v35;
	v35 =	vmul.f32 v39, v33;
	v39 =	vld [tilespmem:s7+$0x50]  }
0x19c: {  	[tilespmem:s7+$0xFFFFFFE0] =	vst v34;
	v34 =	vmul.f32 v38, v33;
	v38 =	vld [tilespmem:s7+$0x60]  }
0x19d: {  	[tilespmem:s7+$0x0] =	vst v35;
	v35 =	vmul.f32 v40, v33;
	v40 =	vld [tilespmem:s7+$0x70]  }
0x19e: {  	[tilespmem:s7+$0x10] =	vst v34;
	v34 =	vmul.f32 v37, v33;
	v37 =	vld [tilespmem:s7+$0x90]  }
0x19f: {  	[tilespmem:s7+$0x20] =	vst v35;
	v35 =	vmul.f32 v36, v33;
	v36 =	vld [tilespmem:s7+$0xA0]  }
0x1a0: {  	[tilespmem:s7+$0x30] =	vst v34;
	v34 =	vmul.f32 v39, v33;
	v39 =	vld [tilespmem:s7+$0xB0]  }
0x1a1: {  	[tilespmem:s7+$0x40] =	vst v35;
	v35 =	vmul.f32 v38, v33;
	v38 =	vld [tilespmem:s7+$0xC0]  }
0x1a2: {  	v41 =	vmov s4;
	[tilespmem:s7+$0x50] =	vst v34;
	v33 =	vmul.f32 v40, v33;
	v34 =	vld [tilespmem:s7+$0xD0]  }
0x1a3: {  	s5 =	sadd.s32 $0x1, s4;
	s8 =	sadd.s32 $0x2, s4;
	v40 =	vshrl.u32 v41, $0x3;
	[tilespmem:s7+$0x60] =	vst v35;
	v35 =	vmul.f32 v37, v32;
	v37 =	vld [tilespmem:s7+$0xE0]  }
0x1a4: {  	v42 =	vmov s8;
	s8 =	sadd.s32 $0x4, s4;
	v41 =	vmov s5;
	s5 =	sadd.s32 $0x3, s4;
	[tilespmem:s7+$0x70] =	vst v33;
	v33 =	vmul.f32 v36, v32;
	v36 =	vld [tilespmem:s7+$0xF0]  }
0x1a5: {  	v44 =	vmov s8;
	s8 =	sadd.s32 $0x6, s4;
	v43 =	vmov s5;
	s5 =	sadd.s32 $0x5, s4;
	[tilespmem:s7+$0x90] =	vst v35;
	v35 =	vmul.f32 v39, v32;
	v39 =	vld [tilespmem:s7+$0x100]  }
0x1a6: {  	v46 =	vmov s8;
	v45 =	vmov s5;
	[tilespmem:s7+$0xA0] =	vst v33;
	v33 =	vmul.f32 v38, v32;
	v38 =	vld [tilespmem:s7+$0x120]  }
0x1a7: {  	v40 =	vshll.u32 v40, v24;
	v41 =	vshrl.u32 v41, $0x3;
	[tilespmem:s7+$0xB0] =	vst v35;
	v34 =	vmul.f32 v34, v32;
	v35 =	vld [tilespmem:s7+$0x130]  }
0x1a8: {  	v42 =	vshrl.u32 v42, $0x3;
	v43 =	vshrl.u32 v43, $0x3;
	[tilespmem:s7+$0xC0] =	vst v33;
	v37 =	vmul.f32 v37, v32;
	v47 =	vld [tilespmem:s7+$0x140]  }
0x1a9: {  	v44 =	vshrl.u32 v44, $0x3;
	v45 =	vshrl.u32 v45, $0x3;
	[tilespmem:s7+$0xD0] =	vst v34;
	v34 =	vmul.f32 v36, v32;
	v36 =	vld [tilespmem:s7+$0x150]  }
0x1aa: {  	v33 =	vbroadcast v40, $0x0;
	v40 =	vshrl.u32 v46, $0x3;
	[tilespmem:s7+$0xE0] =	vst v37;
	v32 =	vmul.f32 v39, v32;
	v37 =	vld [tilespmem:s7+$0x160]  }
0x1ab: {  	v39 =	vshll.u32 v41, v24;
	v41 =	vshll.u32 v42, v24;
	[tilespmem:s7+$0xF0] =	vst v34;
	v34 =	vmul.f32 v38, v31;
	v38 =	vld [tilespmem:s7+$0x170]  }
0x1ac: {  	v42 =	vshll.u32 v43, v24;
	v43 =	vshll.u32 v44, v24;
	[tilespmem:s7+$0x100] =	vst v32;
	v35 =	vmul.f32 v35, v31;
	v46 =	vld [tilespmem:s7+$0x180]  }
.Ltmp1:
0x1ad: {  	v45 =	vshll.u32 v45, v24;
	v48 =	vshll.u32 v40, v24;
	[tilespmem:s7+$0x120] =	vst v34;
	v34 =	vmul.f32 v47, v31;
	v32 =	vld [tilespmem:s7+$0x190];
	(pc) =	sbr.rel @p0 .LBB2_5-.Ltmp1, $4  }
0x1ae: {  	v39 =	vadd.s32 $0x1, v39;
	v47 =	vadd.s32 $0x2, v41;
	[tilespmem:s7+$0x130] =	vst v35;
	v49 =	vmul.f32 v36, v31;
	v35 =	vld [tilespmem:s7+$0x1B0]  }
0x1af: {  	v44 =	vadd.s32 $0x3, v42;
	v40 =	vadd.s32 $0x4, v43;
	[tilespmem:s7+$0x140] =	vst v34;
	v50 =	vmul.f32 v37, v31;
	v36 =	vld [tilespmem:s7+$0x1C0]  }
0x1b0: {  	v41 =	vadd.s32 $0x5, v45;
	v34 =	vbroadcast v39, $0x0;
	[tilespmem:s7+$0x150] =	vst v49;
	v43 =	vmul.f32 v38, v31;
	v37 =	vld [tilespmem:s7+$0x1D0]  }
0x1b1: {  	s5 =	sadd.s32 $0x7, s4;
	s4 =	sadd.s32 $0x8, s4;
	v42 =	vadd.s32 $0x6, v48;
	v39 =	vbroadcast v47, $0x0;
	[tilespmem:s7+$0x160] =	vst v50;
	v45 =	vmul.f32 v46, v31;
	v38 =	vld [tilespmem:s7+$0x1E0]  }
0x1b2: {  	_ = 	snop  }
0x1b3: {  	v47 =	vld [tilespmem:s7+$0x1F0]  }
0x1b4: {  	v48 =	vld [tilespmem:s7+$0x200]  }
0x1b5: {  	v49 =	vld [tilespmem:s7+$0x210]  }
0x1b6: {  	v50 =	vld.idx.msk [tilespmem:v33+s3+$0x0], $0xffff  }
0x1b7: {  	s4 =	sadd.s32 $0x480, s7;
	v39 =	vld.idx.msk [tilespmem:v39+s3+$0x0], $0xffff  }
0x1b8: {  	v58 =	vld [tilespmem:s4+$0x220]  }
0x1b9: {  	v60 =	vld [tilespmem:s4+$0xFFFFFDC0]  }
0x1ba: {  	v46 =	vmov s5;
	v62 =	vld [tilespmem:s4+$0xFFFFFDD0]  }
0x1bb: {  	v31 =	vmul.f32 v32, v31;
	v46 =	vshrl.u32 v46, $0x3;
	[tilespmem:s7+$0x180] =	vst v45;
	v45 =	vld [tilespmem:s4+$0xFFFFFDE0]  }
0x1bc: {  	[tilespmem:s7+$0x170] =	vst v43;
	v35 =	vmul.f32 v35, v30;
	v52 =	vld [tilespmem:s4+$0xFFFFFE30];
	v46 =	vshll.u32 v46, v24  }
0x1bd: {  	v40 =	vbroadcast v40, $0x0;
	v53 =	vld [tilespmem:s4+$0xFFFFFE50];
	[tilespmem:s7+$0x190] =	vst v31;
	v36 =	vmul.f32 v36, v30;
	v56 =	vadd.s32 $0x7, v46  }
0x1be: {  	v54 =	vld [tilespmem:s4+$0xFFFFFE60];
	[tilespmem:s7+$0x1B0] =	vst v35;
	v57 =	vmul.f32 v37, v30;
	v51 =	vbroadcast v56, $0x0  }
0x1bf: {  	v46 =	vld.idx.msk [tilespmem:v34+s3+$0x0], $0xffff;
	[tilespmem:s7+$0x1C0] =	vst v36;
	v59 =	vmul.f32 v38, v30  }
0x1c0: {  	[tilespmem:s7+$0x1D0] =	vst v57;
	v61 =	vmul.f32 v47, v30;
	v47 =	vld [tilespmem:s4+$0xFFFFFDF0]  }
0x1c1: {  	v63 =	vmul.f32 v48, v30;
	v48 =	vld [tilespmem:s4+$0xFFFFFE00];
	[tilespmem:s7+$0x1E0] =	vst v59  }
0x1c2: {  	v30 =	vmul.f32 v49, v30;
	v49 =	vld [tilespmem:s4+$0xFFFFFE10];
	[tilespmem:s7+$0x1F0] =	vst v61  }
0x1c3: {  	v44 =	vbroadcast v44, $0x0;
	v34 =	vld.idx.msk [tilespmem:v40+s3+$0x0], $0xffff;
	v40 =	vmul.f32 v62, v50;
	[tilespmem:s7+$0x200] =	vst v63  }
0x1c4: {  	[tilespmem:s7+$0x210] =	vst v30;
	v30 =	vmul.f32 v60, v50;
	v31 =	vld.idx.msk [tilespmem:v51+s3+$0x0], $0xffff  }
0x1c5: {  	[tilespmem:s4+$0xFFFFFDD0] =	vst v40;
	v61 =	vmul.f32 v54, v46;
	v51 =	vld [tilespmem:s4+$0xFFFFFE20]  }
0x1c6: {  	v41 =	vbroadcast v41, $0x0;
	v57 =	vld [tilespmem:s4+$0xFFFFFE80];
	[tilespmem:s4+$0xFFFFFDC0] =	vst v30;
	v30 =	vmul.f32 v45, v50  }
0x1c7: {  	v56 =	vld [tilespmem:s4+$0xFFFFFE70];
	v35 =	vmul.f32 v47, v50;
	[tilespmem:s4+$0xFFFFFE60] =	vst v61  }
0x1c8: {  	v42 =	vbroadcast v42, $0x0;
	v60 =	vld [tilespmem:s4+$0xFFFFFEA0];
	[tilespmem:s4+$0xFFFFFDE0] =	vst v30;
	v30 =	vmul.f32 v48, v50  }
0x1c9: {  	v44 =	vld.idx.msk [tilespmem:v44+s3+$0x0], $0xffff;
	v55 =	vmul.f32 v49, v50;
	[tilespmem:s4+$0xFFFFFDF0] =	vst v35  }
0x1ca: {  	v54 =	vld [tilespmem:s4+$0xFFFFFF30];
	[tilespmem:s4+$0xFFFFFE00] =	vst v30;
	v30 =	vmul.f32 v51, v50  }
0x1cb: {  	v59 =	vld [tilespmem:s4+$0xFFFFFE90];
	v45 =	vmul.f32 v57, v46;
	[tilespmem:s4+$0xFFFFFE10] =	vst v55  }
0x1cc: {  	v33 =	vld.idx.msk [tilespmem:v41+s3+$0x0], $0xffff;
	[tilespmem:s4+$0xFFFFFE20] =	vst v30;
	v30 =	vmul.f32 v53, v46  }
0x1cd: {  	v62 =	vld [tilespmem:s4+$0xFFFFFEB0];
	[tilespmem:s4+$0xFFFFFE80] =	vst v45;
	v49 =	vmul.f32 v60, v46  }
0x1ce: {  	v32 =	vld.idx.msk [tilespmem:v42+s3+$0x0], $0xffff;
	[tilespmem:s4+$0xFFFFFE50] =	vst v30;
	v30 =	vmul.f32 v56, v46  }
0x1cf: {  	v47 =	vld [tilespmem:s4+$0xFFFFFEE0];
	v61 =	vmul.f32 v54, v39;
	[tilespmem:s4+$0xFFFFFEA0] =	vst v49  }
0x1d0: {  	v63 =	vld [tilespmem:s4+$0xFFFFFEC0];
	[tilespmem:s4+$0xFFFFFE70] =	vst v30;
	v30 =	vmul.f32 v59, v46  }
0x1d1: {  	v37 =	vmul.f32 v58, v31;
	v58 =	vmul.f32 v52, v50;
	v50 =	vld [tilespmem:s4+$0xFFFFFF00];
	[tilespmem:s4+$0xFFFFFF30] =	vst v61  }
0x1d2: {  	v57 =	vld [tilespmem:s4+$0xFFFFFF50];
	[tilespmem:s4+$0xFFFFFE90] =	vst v30;
	v30 =	vmul.f32 v62, v46  }
0x1d3: {  	[tilespmem:s4+$0x220] =	vst v37;
	v53 =	vld [tilespmem:s4+$0xFFFFFF20]  }
0x1d4: {  	v48 =	vld [tilespmem:s4+$0xFFFFFEF0];
	[tilespmem:s4+$0xFFFFFEB0] =	vst v30;
	v30 =	vmul.f32 v47, v39  }
0x1d5: {  	v52 =	vmul.f32 v63, v46;
	[tilespmem:s4+$0xFFFFFE30] =	vst v58;
	v56 =	vld [tilespmem:s4+$0xFFFFFF40]  }
0x1d6: {  	v60 =	vld [tilespmem:s4+$0xFFFFFF80];
	[tilespmem:s4+$0xFFFFFEE0] =	vst v30;
	v30 =	vmul.f32 v50, v39  }
0x1d7: {  	v45 =	vmul.f32 v57, v39;
	[tilespmem:s4+$0xFFFFFEC0] =	vst v52;
	v59 =	vld [tilespmem:s4+$0xFFFFFF70]  }
0x1d8: {  	v51 =	vld [tilespmem:s4+$0xFFFFFF10];
	[tilespmem:s4+$0xFFFFFF00] =	vst v30;
	v30 =	vmul.f32 v53, v39  }
0x1d9: {  	v55 =	vmul.f32 v48, v39;
	[tilespmem:s4+$0xFFFFFF50] =	vst v45;
	v62 =	vld [tilespmem:s4+$0xFFFFFF90]  }
0x1da: {  	v63 =	vld [tilespmem:s4+$0xFFFFFFA0];
	[tilespmem:s4+$0xFFFFFF20] =	vst v30;
	v30 =	vmul.f32 v56, v39  }
0x1db: {  	v48 =	vmul.f32 v60, v44;
	[tilespmem:s4+$0xFFFFFEF0] =	vst v55;
	v46 =	vld [tilespmem:s4+$0xFFFFFFB0]  }
0x1dc: {  	v45 =	vld [tilespmem:s4+$0xA0];
	[tilespmem:s4+$0xFFFFFF40] =	vst v30;
	v30 =	vmul.f32 v59, v44  }
0x1dd: {  	v49 =	vld [tilespmem:s4+$0xFFFFFFD0];
	[tilespmem:s4+$0xFFFFFF80] =	vst v48;
	v58 =	vmul.f32 v51, v39  }
0x1de: {  	v47 =	vld [tilespmem:s4+$0xFFFFFFC0];
	[tilespmem:s4+$0xFFFFFF70] =	vst v30;
	v30 =	vmul.f32 v62, v44  }
0x1df: {  	v52 =	vld [tilespmem:s4+$0x0];
	v51 =	vmul.f32 v63, v44;
	[tilespmem:s4+$0xFFFFFF10] =	vst v58  }
0x1e0: {  	v50 =	vld [tilespmem:s4+$0xFFFFFFE0];
	[tilespmem:s4+$0xFFFFFF90] =	vst v30;
	v30 =	vmul.f32 v46, v44  }
0x1e1: {  	v55 =	vld [tilespmem:s4+$0x20];
	[tilespmem:s4+$0xFFFFFFA0] =	vst v51;
	v51 =	vmul.f32 v45, v33  }
0x1e2: {  	v48 =	vld [tilespmem:s4+$0xC0];
	[tilespmem:s4+$0xFFFFFFB0] =	vst v30;
	v30 =	vmul.f32 v49, v44  }
0x1e3: {  	v58 =	vld [tilespmem:s4+$0x40];
	[tilespmem:s4+$0xA0] =	vst v51;
	v54 =	vmul.f32 v47, v44  }
0x1e4: {  	v53 =	vld [tilespmem:s4+$0x10];
	[tilespmem:s4+$0xFFFFFFD0] =	vst v30;
	v30 =	vmul.f32 v52, v34  }
0x1e5: {  	v61 =	vld [tilespmem:s4+$0x60];
	[tilespmem:s4+$0xFFFFFFC0] =	vst v54;
	v57 =	vmul.f32 v50, v44  }
0x1e6: {  	v59 =	vld [tilespmem:s4+$0x50];
	[tilespmem:s4+$0x0] =	vst v30;
	v30 =	vmul.f32 v55, v34  }
0x1e7: {  	v54 =	vmul.f32 v48, v33;
	[tilespmem:s4+$0xFFFFFFE0] =	vst v57;
	v44 =	vld [tilespmem:s4+$0x90]  }
0x1e8: {  	v56 =	vld [tilespmem:s4+$0x30];
	[tilespmem:s4+$0x20] =	vst v30;
	v30 =	vmul.f32 v58, v34  }
0x1e9: {  	v47 =	vld [tilespmem:s4+$0xB0];
	v60 =	vmul.f32 v53, v34;
	[tilespmem:s4+$0xC0] =	vst v54  }
0x1ea: {  	v50 =	vld [tilespmem:s4+$0xE0];
	[tilespmem:s4+$0x40] =	vst v30;
	v30 =	vmul.f32 v61, v34  }
0x1eb: {  	[tilespmem:s4+$0x10] =	vst v60;
	v46 =	vmul.f32 v59, v34;
	v49 =	vld [tilespmem:s4+$0xD0]  }
0x1ec: {  	v59 =	vld [tilespmem:s4+$0x150];
	[tilespmem:s4+$0x60] =	vst v30;
	v30 =	vmul.f32 v44, v33  }
0x1ed: {  	v63 =	vmul.f32 v56, v34;
	[tilespmem:s4+$0x50] =	vst v46;
	v52 =	vld [tilespmem:s4+$0xF0]  }
0x1ee: {  	v46 =	vld [tilespmem:s4+$0x1E0];
	[tilespmem:s4+$0x90] =	vst v30;
	v30 =	vmul.f32 v47, v33  }
0x1ef: {  	v57 =	vmul.f32 v50, v33;
	[tilespmem:s4+$0x30] =	vst v63;
	v55 =	vld [tilespmem:s4+$0x120]  }
0x1f0: {  	v62 =	vld [tilespmem:s4+$0x70];
	[tilespmem:s4+$0xB0] =	vst v30;
	v30 =	vmul.f32 v49, v33  }
0x1f1: {  	[tilespmem:s4+$0xE0] =	vst v57;
	v41 =	vmul.f32 v59, v32;
	v58 =	vld [tilespmem:s4+$0x140]  }
0x1f2: {  	v56 =	vld [tilespmem:s4+$0x130];
	[tilespmem:s4+$0xD0] =	vst v30;
	v30 =	vmul.f32 v52, v33  }
0x1f3: {  	v60 =	vld [tilespmem:s4+$0x160];
	[tilespmem:s4+$0x150] =	vst v41;
	v51 =	vmul.f32 v46, v31  }
0x1f4: {  	v61 =	vld [tilespmem:s4+$0x170];
	[tilespmem:s4+$0xF0] =	vst v30;
	v30 =	vmul.f32 v55, v32  }
0x1f5: {  	v63 =	vld [tilespmem:s4+$0x180];
	v34 =	vmul.f32 v62, v34;
	[tilespmem:s4+$0x1E0] =	vst v51  }
0x1f6: {  	v43 =	vld [tilespmem:s4+$0x1C0];
	[tilespmem:s4+$0x120] =	vst v30;
	v30 =	vmul.f32 v58, v32  }
0x1f7: {  	v42 =	vld [tilespmem:s4+$0x1B0];
	v62 =	vmul.f32 v56, v32;
	[tilespmem:s4+$0x70] =	vst v34  }
0x1f8: {  	v53 =	vld [tilespmem:s4+$0x100];
	[tilespmem:s4+$0x140] =	vst v30;
	v30 =	vmul.f32 v60, v32  }
0x1f9: {  	v45 =	vld [tilespmem:s4+$0x1D0];
	[tilespmem:s4+$0x130] =	vst v62;
	v44 =	vmul.f32 v61, v32  }
0x1fa: {  	v48 =	vld [tilespmem:s4+$0x200];
	[tilespmem:s4+$0x160] =	vst v30;
	v30 =	vmul.f32 v63, v32  }
0x1fb: {  	v47 =	vld [tilespmem:s4+$0x1F0];
	v49 =	vmul.f32 v43, v31;
	[tilespmem:s4+$0x170] =	vst v44  }
0x1fc: {  	v40 =	vld [tilespmem:s4+$0x190];
	[tilespmem:s4+$0x180] =	vst v30;
	v30 =	vmul.f32 v42, v31  }
0x1fd: {  	v50 =	vld [tilespmem:s4+$0x210];
	v33 =	vmul.f32 v53, v33;
	[tilespmem:s4+$0x1C0] =	vst v49  }
0x1fe: {  	[tilespmem:s4+$0x1B0] =	vst v30;
	v30 =	vmul.f32 v45, v31  }
0x1ff: {  	v52 =	vmul.f32 v48, v31;
	[tilespmem:s4+$0x100] =	vst v33  }
0x200: {  	[tilespmem:s4+$0x1D0] =	vst v30;
	v30 =	vmul.f32 v47, v31  }
0x201: {  	[tilespmem:s4+$0x200] =	vst v52;
	v32 =	vmul.f32 v40, v32  }
0x202: {  	[tilespmem:s4+$0x1F0] =	vst v30;
	v30 =	vmul.f32 v50, v31  }
0x203: {  	[tilespmem:s4+$0x190] =	vst v32  }
0x204: {  	s5 =	simm.s32 $0x16A00;
	[tilespmem:s4+$0x210] =	vst v30  }
0x205: {  	[spmem:s2] =	stream.indirect.scatter.add.f32 [tilespmem:s25], [sflag:$0x1], $0x90, s5, s18, $0xb8;
	[tilespmem:$0x1E520] =	vst v63  }
0x206: {  	_ =	swait.ge [sflag:s9], $0x2400  }
0x207: {  	[sflag:s9] =	ssyncset.done $0x0  }
0x208: {  	[sflag:s9] =	ssyncadd.s32 $0xFFFFDC00  }
0x209: {  	v30 =	vld [tilespmem:$0x16BC0];
	_ =	sdelay $0x4  }
0x20a: {  	[tilespmem:v20+s23+$0x0] =	vst.idx.msk $0xffff, v30  }
0x20b: {  	v30 =	vld [tilespmem:$0x16BD0];
	_ =	sdelay $0x4  }
0x20c: {  	[tilespmem:v21+s23+$0x0] =	vst.idx.msk $0xffff, v30  }
0x20d: {  	v30 =	vld [tilespmem:$0x16BE0];
	_ =	sdelay $0x1  }
0x20e: {  	s7 =	simm.s32 $0x40  }
0x20f: {  	v31 =	vmov s7  }
0x210: {  	v31 =	vshrl.u32 v31, $0x3  }
0x211: {  	[tilespmem:v22+s23+$0x0] =	vst.idx.msk $0xffff, v30;
	v30 =	vshll.u32 v31, v24  }
0x212: {  	v56 =	vld [tilespmem:$0x16BF0];
	v30 =	vbroadcast v30, $0x0;
	_ =	sdelay $0x4  }
0x213: {  	[tilespmem:v23+s23+$0x0] =	vst.idx.msk $0xffff, v56  }
0x214: {  	s7 =	simm.s32 $0x1A240;
	v33 =	vld.idx.msk [tilespmem:v30+s3+$0x0], $0xffff  }
0x215: {  	v59 =	vld [tilespmem:s7+$0x220]  }
0x216: {  	s8 =	simm.s32 $0x41;
	s29 =	simm.s32 $0x47;
	v60 =	vld [tilespmem:s7+$0xFFFFFDC0]  }
0x217: {  	v54 =	vmov s29;
	v53 =	vmov s8;
	v61 =	vld [tilespmem:s7+$0xFFFFFDD0]  }
0x218: {  	v55 =	vshrl.u32 v54, $0x3;
	v32 =	vshrl.u32 v53, $0x3;
	v62 =	vld [tilespmem:s7+$0xFFFFFDE0]  }
0x219: {  	v31 =	vshll.u32 v32, v24;
	v32 =	vshll.u32 v55, v24;
	v63 =	vld [tilespmem:s7+$0xFFFFFDF0]  }
0x21a: {  	v32 =	vadd.s32 $0x7, v32;
	v48 =	vld [tilespmem:s7+$0xFFFFFE00]  }
0x21b: {  	v32 =	vbroadcast v32, $0x0;
	v49 =	vld [tilespmem:s7+$0xFFFFFE10]  }
0x21c: {  	v31 =	vadd.s32 $0x1, v31;
	v51 =	vld [tilespmem:s7+$0xFFFFFE20]  }
0x21d: {  	v31 =	vbroadcast v31, $0x0;
	v53 =	vld [tilespmem:s7+$0xFFFFFE30]  }
0x21e: {  	v54 =	vld [tilespmem:s7+$0xFFFFFE50]  }
0x21f: {  	s31 =	simm.s32 $0x42;
	s5 =	simm.s32 $0x43;
	v55 =	vld [tilespmem:s7+$0xFFFFFE60]  }
0x220: {  	v50 =	vmov s5;
	v30 =	vmov s31;
	v56 =	vld [tilespmem:s7+$0xFFFFFE70]  }
0x221: {  	v41 =	vshrl.u32 v50, $0x3;
	v57 =	vshrl.u32 v30, $0x3;
	v30 =	vld.idx.msk [tilespmem:v32+s3+$0x0], $0xffff;
	v35 =	vmul.f32 v60, v33  }
0x222: {  	v52 =	vshll.u32 v41, v24;
	v41 =	vld [tilespmem:s7+$0xFFFFFEA0];
	v36 =	vmul.f32 v61, v33  }
0x223: {  	v31 =	vld.idx.msk [tilespmem:v31+s3+$0x0], $0xffff;
	v58 =	vshll.u32 v57, v24;
	v57 =	vmul.f32 v62, v33;
	[tilespmem:s7+$0xFFFFFDC0] =	vst v35  }
0x224: {  	v40 =	vld [tilespmem:s7+$0xFFFFFEC0];
	v39 =	vmul.f32 v48, v33;
	[tilespmem:s7+$0xFFFFFDD0] =	vst v36  }
0x225: {  	v50 =	vld [tilespmem:s7+$0xFFFFFEE0];
	v48 =	vmul.f32 v51, v33;
	[tilespmem:s7+$0xFFFFFDE0] =	vst v57  }
0x226: {  	v37 =	vld [tilespmem:s7+$0x70];
	v32 =	vadd.s32 $0x2, v58;
	v34 =	vmul.f32 v59, v30;
	[tilespmem:s7+$0xFFFFFE00] =	vst v39  }
0x227: {  	v38 =	vld [tilespmem:s7+$0x90];
	v32 =	vbroadcast v32, $0x0;
	v59 =	vmul.f32 v63, v33;
	[tilespmem:s7+$0xFFFFFE20] =	vst v48  }
0x228: {  	s8 =	simm.s32 $0x44;
	v58 =	vld [tilespmem:s7+$0xFFFFFE80];
	v61 =	vmul.f32 v54, v31;
	[tilespmem:s7+$0x220] =	vst v34  }
0x229: {  	v60 =	vld [tilespmem:s7+$0xFFFFFE90];
	v62 =	vmov s8;
	v63 =	vmul.f32 v49, v33;
	[tilespmem:s7+$0xFFFFFDF0] =	vst v59  }
0x22a: {  	v46 =	vshrl.u32 v62, $0x3;
	v49 =	vmul.f32 v53, v33;
	v54 =	vld [tilespmem:s7+$0xFFFFFF00];
	[tilespmem:s7+$0xFFFFFE50] =	vst v61  }
0x22b: {  	v51 =	vmul.f32 v55, v31;
	v36 =	vld [tilespmem:s7+$0xFFFFFEB0];
	v46 =	vshll.u32 v46, v24;
	[tilespmem:s7+$0xFFFFFE10] =	vst v63  }
0x22c: {  	v53 =	vmul.f32 v56, v31;
	v56 =	vld [tilespmem:s7+$0xFFFFFF10];
	v34 =	vadd.s32 $0x4, v46;
	[tilespmem:s7+$0xFFFFFE30] =	vst v49  }
0x22d: {  	v41 =	vmul.f32 v41, v31;
	[tilespmem:s7+$0xFFFFFE60] =	vst v51;
	v34 =	vbroadcast v34, $0x0;
	v43 =	vld.idx.msk [tilespmem:v32+s3+$0x0], $0xffff  }
0x22e: {  	s29 =	simm.s32 $0x45;
	v55 =	vmul.f32 v58, v31;
	[tilespmem:s7+$0xFFFFFE70] =	vst v53;
	v32 =	vadd.s32 $0x3, v52;
	v52 =	vld [tilespmem:s7+$0xFFFFFEF0]  }
0x22f: {  	v62 =	vld [tilespmem:s7+$0xFFFFFF40];
	v61 =	vmov s29;
	[tilespmem:s7+$0xFFFFFEA0] =	vst v41;
	v57 =	vmul.f32 v60, v31  }
0x230: {  	v58 =	vld [tilespmem:s7+$0xFFFFFF20];
	v63 =	vshrl.u32 v61, $0x3;
	[tilespmem:s7+$0xFFFFFE80] =	vst v55;
	v32 =	vbroadcast v32, $0x0;
	v48 =	vmul.f32 v36, v31  }
0x231: {  	v60 =	vld [tilespmem:s7+$0xFFFFFF30];
	v49 =	vshll.u32 v63, v24;
	[tilespmem:s7+$0xFFFFFE90] =	vst v57;
	v31 =	vmul.f32 v40, v31  }
0x232: {  	v35 =	vadd.s32 $0x5, v49;
	v49 =	vld [tilespmem:s7+$0x0];
	[tilespmem:s7+$0xFFFFFEB0] =	vst v48;
	v59 =	vmul.f32 v50, v43  }
0x233: {  	[tilespmem:s7+$0xFFFFFEC0] =	vst v31;
	v33 =	vld.idx.msk [tilespmem:v34+s3+$0x0], $0xffff;
	v51 =	vmul.f32 v52, v43  }
0x234: {  	v50 =	vld [tilespmem:s7+$0xFFFFFF50];
	v31 =	vmul.f32 v54, v43;
	[tilespmem:s7+$0xFFFFFEE0] =	vst v59  }
0x235: {  	v52 =	vld [tilespmem:s7+$0xFFFFFF70];
	v54 =	vmul.f32 v56, v43;
	[tilespmem:s7+$0xFFFFFEF0] =	vst v51  }
0x236: {  	v57 =	vmul.f32 v60, v43;
	v47 =	vld.idx.msk [tilespmem:v32+s3+$0x0], $0xffff;
	[tilespmem:s7+$0xFFFFFF00] =	vst v31  }
0x237: {  	v53 =	vld [tilespmem:s7+$0xFFFFFF80];
	v61 =	vmul.f32 v62, v43;
	[tilespmem:s7+$0xFFFFFF10] =	vst v54  }
0x238: {  	v55 =	vld [tilespmem:s7+$0xFFFFFF90];
	v31 =	vmul.f32 v58, v43;
	[tilespmem:s7+$0xFFFFFF30] =	vst v57  }
0x239: {  	v56 =	vld [tilespmem:s7+$0xFFFFFFA0];
	[tilespmem:s7+$0xFFFFFF40] =	vst v61;
	v63 =	vmul.f32 v50, v43  }
0x23a: {  	v58 =	vld [tilespmem:s7+$0xFFFFFFB0];
	[tilespmem:s7+$0xFFFFFF20] =	vst v31;
	v57 =	vmul.f32 v49, v33  }
0x23b: {  	v59 =	vld [tilespmem:s7+$0xFFFFFFC0];
	v31 =	vmul.f32 v52, v47;
	[tilespmem:s7+$0xFFFFFF50] =	vst v63  }
0x23c: {  	v62 =	vld [tilespmem:s7+$0xFFFFFFD0];
	v45 =	vmul.f32 v53, v47;
	[tilespmem:s7+$0x0] =	vst v57  }
0x23d: {  	s31 =	simm.s32 $0x46;
	v46 =	vld [tilespmem:s7+$0xFFFFFFE0];
	v48 =	vmul.f32 v55, v47;
	[tilespmem:s7+$0xFFFFFF70] =	vst v31  }
0x23e: {  	v60 =	vmov s31;
	v51 =	vld [tilespmem:s7+$0x10];
	v50 =	vmul.f32 v56, v47;
	[tilespmem:s7+$0xFFFFFF80] =	vst v45  }
0x23f: {  	v35 =	vbroadcast v35, $0x0;
	v42 =	vshrl.u32 v60, $0x3;
	v52 =	vmul.f32 v58, v47;
	v53 =	vld [tilespmem:s7+$0x20];
	[tilespmem:s7+$0xFFFFFF90] =	vst v48  }
0x240: {  	v54 =	vmul.f32 v59, v47;
	v56 =	vld [tilespmem:s7+$0x40];
	v31 =	vshll.u32 v42, v24;
	[tilespmem:s7+$0xFFFFFFA0] =	vst v50  }
0x241: {  	v55 =	vld [tilespmem:s7+$0x30];
	v34 =	vmul.f32 v62, v47;
	[tilespmem:s7+$0xFFFFFFB0] =	vst v52;
	v31 =	vadd.s32 $0x6, v31  }
0x242: {  	v58 =	vld [tilespmem:s7+$0x50];
	v59 =	vmul.f32 v46, v47;
	[tilespmem:s7+$0xFFFFFFC0] =	vst v54;
	v31 =	vbroadcast v31, $0x0  }
0x243: {  	v60 =	vld [tilespmem:s7+$0x60];
	v61 =	vmul.f32 v51, v33;
	[tilespmem:s7+$0xFFFFFFD0] =	vst v34  }
0x244: {  	v36 =	vld [tilespmem:s7+$0xA0];
	[tilespmem:s7+$0xFFFFFFE0] =	vst v59;
	v62 =	vmul.f32 v53, v33  }
0x245: {  	v32 =	vld.idx.msk [tilespmem:v35+s3+$0x0], $0xffff;
	[tilespmem:s7+$0x10] =	vst v61;
	v35 =	vmul.f32 v56, v33  }
0x246: {  	v34 =	vld [tilespmem:s7+$0xB0];
	v63 =	vmul.f32 v55, v33;
	[tilespmem:s7+$0x20] =	vst v62  }
0x247: {  	v40 =	vmul.f32 v58, v33;
	[tilespmem:s7+$0x40] =	vst v35;
	v35 =	vld [tilespmem:s7+$0xC0]  }
0x248: {  	s4 =	simm.s32 $0x0;
	v39 =	vmul.f32 v60, v33;
	[tilespmem:s7+$0x30] =	vst v63;
	v31 =	vld.idx.msk [tilespmem:v31+s3+$0x0], $0xffff  }
.LBB2_7:
0x249: {  	s5 =	sadd.s32 $0x48, s4;
	s8 =	sadd.s32 $0x49, s4;
	[tilespmem:s7+$0x50] =	vst v40;
	v33 =	vmul.f32 v37, v33;
	v37 =	vld [tilespmem:s7+$0xD0]  }
0x24a: {  	v40 =	vmov s5;
	v41 =	vmov s8;
	s5 =	sadd.s32 $0x4A, s4;
	s8 =	sadd.s32 $0x4B, s4;
	[tilespmem:s7+$0x60] =	vst v39;
	v38 =	vmul.f32 v38, v32;
	v39 =	vld [tilespmem:s7+$0xE0]  }
0x24b: {  	v42 =	vmov s5;
	v43 =	vmov s8;
	s5 =	sadd.s32 $0x4C, s4;
	s8 =	sadd.s32 $0x4D, s4;
	[tilespmem:s7+$0x70] =	vst v33;
	v33 =	vmul.f32 v36, v32;
	v36 =	vld [tilespmem:s7+$0xF0]  }
0x24c: {  	v44 =	vmov s5;
	v45 =	vmov s8;
	s5 =	sadd.s32 $0x4E, s4;
	[tilespmem:s7+$0x90] =	vst v38;
	v34 =	vmul.f32 v34, v32;
	v38 =	vld [tilespmem:s7+$0x100]  }
0x24d: {  	v40 =	vshrl.u32 v40, $0x3;
	v46 =	vmov s5;
	[tilespmem:s7+$0xA0] =	vst v33;
	v33 =	vmul.f32 v35, v32;
	v35 =	vld [tilespmem:s7+$0x120]  }
0x24e: {  	v41 =	vshrl.u32 v41, $0x3;
	v42 =	vshrl.u32 v42, $0x3;
	[tilespmem:s7+$0xB0] =	vst v34;
	v34 =	vmul.f32 v37, v32;
	v37 =	vld [tilespmem:s7+$0x130]  }
0x24f: {  	v43 =	vshrl.u32 v43, $0x3;
	v44 =	vshrl.u32 v44, $0x3;
	[tilespmem:s7+$0xC0] =	vst v33;
	v33 =	vmul.f32 v39, v32;
	v39 =	vld [tilespmem:s7+$0x140]  }
0x250: {  	v45 =	vshrl.u32 v45, $0x3;
	v46 =	vshrl.u32 v46, $0x3;
	[tilespmem:s7+$0xD0] =	vst v34;
	v34 =	vmul.f32 v36, v32;
	v36 =	vld [tilespmem:s7+$0x150]  }
0x251: {  	v40 =	vshll.u32 v40, v24;
	v41 =	vshll.u32 v41, v24;
	[tilespmem:s7+$0xE0] =	vst v33;
	v32 =	vmul.f32 v38, v32;
	v33 =	vld [tilespmem:s7+$0x160]  }
0x252: {  	v38 =	vshll.u32 v42, v24;
	v42 =	vshll.u32 v43, v24;
	[tilespmem:s7+$0xF0] =	vst v34;
	v34 =	vmul.f32 v35, v31;
	v35 =	vld [tilespmem:s7+$0x170]  }
0x253: {  	v43 =	vshll.u32 v44, v24;
	v44 =	vshll.u32 v45, v24;
	[tilespmem:s7+$0x100] =	vst v32;
	v32 =	vmul.f32 v37, v31;
	v37 =	vld [tilespmem:s7+$0x180]  }
0x254: {  	v40 =	vbroadcast v40, $0x0;
	v45 =	vshll.u32 v46, v24;
	[tilespmem:s7+$0x120] =	vst v34;
	v34 =	vmul.f32 v39, v31;
	v39 =	vld [tilespmem:s7+$0x190]  }
0x255: {  	v41 =	vadd.s32 $0x1, v41;
	v38 =	vadd.s32 $0x2, v38;
	[tilespmem:s7+$0x130] =	vst v32;
	v32 =	vmul.f32 v36, v31;
	v36 =	vld [tilespmem:s7+$0x1B0]  }
0x256: {  	v42 =	vadd.s32 $0x3, v42;
	v43 =	vadd.s32 $0x4, v43;
	[tilespmem:s7+$0x140] =	vst v34;
	v33 =	vmul.f32 v33, v31;
	v34 =	vld [tilespmem:s7+$0x1C0]  }
0x257: {  	v41 =	vbroadcast v41, $0x0;
	v44 =	vadd.s32 $0x5, v44;
	[tilespmem:s7+$0x150] =	vst v32;
	v32 =	vmul.f32 v35, v31;
	v35 =	vld [tilespmem:s7+$0x1D0]  }
0x258: {  	s5 =	sadd.s32 $0x4F, s4;
	s4 =	sadd.s32 $0x8, s4;
	v45 =	vadd.s32 $0x6, v45;
	v38 =	vbroadcast v38, $0x0;
	[tilespmem:s7+$0x160] =	vst v33;
	v33 =	vmul.f32 v37, v31;
	v37 =	vld [tilespmem:s7+$0x1E0]  }
0x259: {  	p0 =	slt.u32 s4, $0x38;
	v46 =	vmov s5;
	v42 =	vbroadcast v42, $0x0;
	[tilespmem:s7+$0x170] =	vst v32;
	v31 =	vmul.f32 v39, v31;
	v32 =	vld [tilespmem:s7+$0x1F0]  }
0x25a: {  	v39 =	vbroadcast v43, $0x0;
	v43 =	vshrl.u32 v46, $0x3;
	[tilespmem:s7+$0x180] =	vst v33;
	v33 =	vmul.f32 v36, v30;
	v36 =	vld [tilespmem:s7+$0x200]  }
0x25b: {  	v44 =	vbroadcast v44, $0x0;
	v43 =	vshll.u32 v43, v24;
	[tilespmem:s7+$0x190] =	vst v31;
	v31 =	vmul.f32 v34, v30;
	v46 =	vld [tilespmem:s7+$0x210]  }
0x25c: {  	v45 =	vbroadcast v45, $0x0;
	v34 =	vadd.s32 $0x7, v43;
	v40 =	vld.idx.msk [tilespmem:v40+s3+$0x0], $0xffff;
	[tilespmem:s7+$0x1B0] =	vst v33;
	v33 =	vmul.f32 v35, v30  }
0x25d: {  	v35 =	vld.idx.msk [tilespmem:v41+s3+$0x0], $0xffff;
	v41 =	vbroadcast v34, $0x0;
	[tilespmem:s7+$0x1C0] =	vst v31;
	v31 =	vmul.f32 v37, v30  }
0x25e: {  	v37 =	vld.idx.msk [tilespmem:v38+s3+$0x0], $0xffff;
	[tilespmem:s7+$0x1D0] =	vst v33;
	v32 =	vmul.f32 v32, v30  }
0x25f: {  	v34 =	vld.idx.msk [tilespmem:v42+s3+$0x0], $0xffff;
	[tilespmem:s7+$0x1E0] =	vst v31;
	v31 =	vmul.f32 v36, v30  }
0x260: {  	v33 =	vld.idx.msk [tilespmem:v39+s3+$0x0], $0xffff;
	[tilespmem:s7+$0x1F0] =	vst v32;
	v30 =	vmul.f32 v46, v30  }
0x261: {  	v32 =	vld.idx.msk [tilespmem:v44+s3+$0x0], $0xffff;
	[tilespmem:s7+$0x200] =	vst v31  }
0x262: {  	v31 =	vld.idx.msk [tilespmem:v45+s3+$0x0], $0xffff;
	[tilespmem:s7+$0x210] =	vst v30  }
0x263: {  	s7 =	sadd.s32 $0x480, s7;
	v30 =	vld.idx.msk [tilespmem:v41+s3+$0x0], $0xffff  }
0x264: {  	v36 =	vld [tilespmem:s7+$0x220]  }
0x265: {  	v38 =	vld [tilespmem:s7+$0xFFFFFDC0]  }
0x266: {  	v39 =	vld [tilespmem:s7+$0xFFFFFDD0]  }
0x267: {  	v41 =	vld [tilespmem:s7+$0xFFFFFDE0]  }
0x268: {  	v42 =	vld [tilespmem:s7+$0xFFFFFDF0]  }
0x269: {  	v43 =	vld [tilespmem:s7+$0xFFFFFE00];
	v36 =	vmul.f32 v36, v30  }
0x26a: {  	v38 =	vmul.f32 v38, v40;
	v44 =	vld [tilespmem:s7+$0xFFFFFE10]  }
0x26b: {  	v39 =	vmul.f32 v39, v40;
	v45 =	vld [tilespmem:s7+$0xFFFFFE20];
	[tilespmem:s7+$0x220] =	vst v36  }
0x26c: {  	[tilespmem:s7+$0xFFFFFDC0] =	vst v38;
	v36 =	vmul.f32 v41, v40;
	v38 =	vld [tilespmem:s7+$0xFFFFFE30]  }
0x26d: {  	[tilespmem:s7+$0xFFFFFDD0] =	vst v39;
	v39 =	vmul.f32 v42, v40;
	v41 =	vld [tilespmem:s7+$0xFFFFFE50]  }
0x26e: {  	[tilespmem:s7+$0xFFFFFDE0] =	vst v36;
	v36 =	vmul.f32 v43, v40;
	v42 =	vld [tilespmem:s7+$0xFFFFFE60]  }
0x26f: {  	[tilespmem:s7+$0xFFFFFDF0] =	vst v39;
	v39 =	vmul.f32 v44, v40;
	v43 =	vld [tilespmem:s7+$0xFFFFFE70]  }
0x270: {  	[tilespmem:s7+$0xFFFFFE00] =	vst v36;
	v36 =	vmul.f32 v45, v40;
	v44 =	vld [tilespmem:s7+$0xFFFFFE80]  }
0x271: {  	[tilespmem:s7+$0xFFFFFE10] =	vst v39;
	v38 =	vmul.f32 v38, v40;
	v39 =	vld [tilespmem:s7+$0xFFFFFE90]  }
0x272: {  	[tilespmem:s7+$0xFFFFFE20] =	vst v36;
	v36 =	vmul.f32 v41, v35;
	v40 =	vld [tilespmem:s7+$0xFFFFFEA0]  }
0x273: {  	[tilespmem:s7+$0xFFFFFE30] =	vst v38;
	v38 =	vmul.f32 v42, v35;
	v41 =	vld [tilespmem:s7+$0xFFFFFEB0]  }
0x274: {  	[tilespmem:s7+$0xFFFFFE50] =	vst v36;
	v36 =	vmul.f32 v43, v35;
	v42 =	vld [tilespmem:s7+$0xFFFFFEC0]  }
0x275: {  	[tilespmem:s7+$0xFFFFFE60] =	vst v38;
	v38 =	vmul.f32 v44, v35;
	v43 =	vld [tilespmem:s7+$0xFFFFFEE0]  }
0x276: {  	[tilespmem:s7+$0xFFFFFE70] =	vst v36;
	v36 =	vmul.f32 v39, v35;
	v39 =	vld [tilespmem:s7+$0xFFFFFEF0]  }
0x277: {  	[tilespmem:s7+$0xFFFFFE80] =	vst v38;
	v38 =	vmul.f32 v40, v35;
	v40 =	vld [tilespmem:s7+$0xFFFFFF00]  }
0x278: {  	[tilespmem:s7+$0xFFFFFE90] =	vst v36;
	v36 =	vmul.f32 v41, v35;
	v41 =	vld [tilespmem:s7+$0xFFFFFF10]  }
0x279: {  	[tilespmem:s7+$0xFFFFFEA0] =	vst v38;
	v35 =	vmul.f32 v42, v35;
	v38 =	vld [tilespmem:s7+$0xFFFFFF20]  }
0x27a: {  	[tilespmem:s7+$0xFFFFFEB0] =	vst v36;
	v36 =	vmul.f32 v43, v37;
	v42 =	vld [tilespmem:s7+$0xFFFFFF30]  }
0x27b: {  	[tilespmem:s7+$0xFFFFFEC0] =	vst v35;
	v35 =	vmul.f32 v39, v37;
	v39 =	vld [tilespmem:s7+$0xFFFFFF40]  }
0x27c: {  	[tilespmem:s7+$0xFFFFFEE0] =	vst v36;
	v36 =	vmul.f32 v40, v37;
	v40 =	vld [tilespmem:s7+$0xFFFFFF50]  }
0x27d: {  	[tilespmem:s7+$0xFFFFFEF0] =	vst v35;
	v35 =	vmul.f32 v41, v37;
	v41 =	vld [tilespmem:s7+$0xFFFFFF70]  }
0x27e: {  	[tilespmem:s7+$0xFFFFFF00] =	vst v36;
	v36 =	vmul.f32 v38, v37;
	v38 =	vld [tilespmem:s7+$0xFFFFFF80]  }
0x27f: {  	[tilespmem:s7+$0xFFFFFF10] =	vst v35;
	v35 =	vmul.f32 v42, v37;
	v42 =	vld [tilespmem:s7+$0xFFFFFF90]  }
0x280: {  	[tilespmem:s7+$0xFFFFFF20] =	vst v36;
	v36 =	vmul.f32 v39, v37;
	v39 =	vld [tilespmem:s7+$0xFFFFFFA0]  }
0x281: {  	[tilespmem:s7+$0xFFFFFF30] =	vst v35;
	v35 =	vmul.f32 v40, v37;
	v37 =	vld [tilespmem:s7+$0xFFFFFFB0]  }
0x282: {  	[tilespmem:s7+$0xFFFFFF40] =	vst v36;
	v36 =	vmul.f32 v41, v34;
	v40 =	vld [tilespmem:s7+$0xFFFFFFC0]  }
0x283: {  	[tilespmem:s7+$0xFFFFFF50] =	vst v35;
	v35 =	vmul.f32 v38, v34;
	v38 =	vld [tilespmem:s7+$0xFFFFFFD0]  }
0x284: {  	[tilespmem:s7+$0xFFFFFF70] =	vst v36;
	v36 =	vmul.f32 v42, v34;
	v41 =	vld [tilespmem:s7+$0xFFFFFFE0]  }
0x285: {  	[tilespmem:s7+$0xFFFFFF80] =	vst v35;
	v35 =	vmul.f32 v39, v34;
	v39 =	vld [tilespmem:s7+$0x0]  }
0x286: {  	[tilespmem:s7+$0xFFFFFF90] =	vst v36;
	v36 =	vmul.f32 v37, v34;
	v37 =	vld [tilespmem:s7+$0x10]  }
0x287: {  	[tilespmem:s7+$0xFFFFFFA0] =	vst v35;
	v35 =	vmul.f32 v40, v34;
	v40 =	vld [tilespmem:s7+$0x20]  }
0x288: {  	[tilespmem:s7+$0xFFFFFFB0] =	vst v36;
	v36 =	vmul.f32 v38, v34;
	v38 =	vld [tilespmem:s7+$0x30]  }
0x289: {  	[tilespmem:s7+$0xFFFFFFC0] =	vst v35;
	v34 =	vmul.f32 v41, v34;
	v35 =	vld [tilespmem:s7+$0x40]  }
0x28a: {  	[tilespmem:s7+$0xFFFFFFD0] =	vst v36;
	v36 =	vmul.f32 v39, v33;
	v39 =	vld [tilespmem:s7+$0x50]  }
0x28b: {  	[tilespmem:s7+$0xFFFFFFE0] =	vst v34;
	v34 =	vmul.f32 v37, v33;
	v41 =	vld [tilespmem:s7+$0x60]  }
.Ltmp2:
0x28c: {  	[tilespmem:s7+$0x0] =	vst v36;
	v36 =	vmul.f32 v40, v33;
	v37 =	vld [tilespmem:s7+$0x70];
	(pc) =	sbr.rel @p0 .LBB2_7-.Ltmp2, $4  }
0x28d: {  	[tilespmem:s7+$0x10] =	vst v34;
	v34 =	vmul.f32 v38, v33;
	v38 =	vld [tilespmem:s7+$0x90]  }
0x28e: {  	[tilespmem:s7+$0x20] =	vst v36;
	v35 =	vmul.f32 v35, v33;
	v36 =	vld [tilespmem:s7+$0xA0]  }
0x28f: {  	[tilespmem:s7+$0x30] =	vst v34;
	v40 =	vmul.f32 v39, v33;
	v34 =	vld [tilespmem:s7+$0xB0]  }
0x290: {  	[tilespmem:s7+$0x40] =	vst v35;
	v39 =	vmul.f32 v41, v33;
	v35 =	vld [tilespmem:s7+$0xC0]  }
0x291: {  	v41 =	vld [tilespmem:s7+$0xD0]  }
0x292: {  	v42 =	vld [tilespmem:s7+$0xE0];
	[tilespmem:s7+$0x50] =	vst v40;
	v33 =	vmul.f32 v37, v33  }
0x293: {  	v55 =	vld [tilespmem:s7+$0xF0];
	v38 =	vmul.f32 v38, v32;
	[tilespmem:s7+$0x60] =	vst v39  }
0x294: {  	v56 =	vld [tilespmem:s7+$0x100];
	v36 =	vmul.f32 v36, v32;
	[tilespmem:s7+$0x70] =	vst v33  }
0x295: {  	v58 =	vld [tilespmem:s7+$0x120];
	[tilespmem:s7+$0x90] =	vst v38;
	v57 =	vmul.f32 v34, v32  }
0x296: {  	v59 =	vld [tilespmem:s7+$0x130];
	[tilespmem:s7+$0xA0] =	vst v36;
	v35 =	vmul.f32 v35, v32  }
0x297: {  	v61 =	vld [tilespmem:s7+$0x140];
	[tilespmem:s7+$0xB0] =	vst v57;
	v60 =	vmul.f32 v41, v32  }
0x298: {  	v63 =	vld [tilespmem:s7+$0x150];
	v62 =	vmul.f32 v42, v32;
	[tilespmem:s7+$0xC0] =	vst v35  }
0x299: {  	v45 =	vld [tilespmem:s7+$0x160];
	v44 =	vmul.f32 v55, v32;
	[tilespmem:s7+$0xD0] =	vst v60  }
0x29a: {  	v46 =	vld [tilespmem:s7+$0x170];
	v34 =	vmul.f32 v58, v31;
	[tilespmem:s7+$0xE0] =	vst v62  }
0x29b: {  	v48 =	vld [tilespmem:s7+$0x180];
	v47 =	vmul.f32 v56, v32;
	[tilespmem:s7+$0xF0] =	vst v44  }
0x29c: {  	v52 =	vld [tilespmem:s7+$0x1B0];
	v36 =	vmul.f32 v59, v31;
	[tilespmem:s7+$0x120] =	vst v34  }
0x29d: {  	v50 =	vld [tilespmem:s7+$0x190];
	v49 =	vmul.f32 v61, v31;
	[tilespmem:s7+$0x100] =	vst v47  }
0x29e: {  	v51 =	vmul.f32 v63, v31;
	[tilespmem:s7+$0x130] =	vst v36  }
0x29f: {  	v54 =	vld [tilespmem:s7+$0x1C0];
	v53 =	vmul.f32 v45, v31;
	[tilespmem:s7+$0x140] =	vst v49  }
0x2a0: {  	v55 =	vld [tilespmem:s7+$0x1D0];
	v56 =	vmul.f32 v48, v31;
	[tilespmem:s7+$0x150] =	vst v51  }
0x2a1: {  	v57 =	vld [tilespmem:s7+$0x1E0];
	v59 =	vmul.f32 v52, v30;
	[tilespmem:s7+$0x160] =	vst v53  }
0x2a2: {  	v58 =	vld [tilespmem:s7+$0x1F0];
	v35 =	vmul.f32 v46, v31;
	v31 =	vmul.f32 v50, v31;
	[tilespmem:s7+$0x180] =	vst v56  }
0x2a3: {  	v60 =	vld [tilespmem:s7+$0x200];
	[tilespmem:s7+$0x1B0] =	vst v59  }
0x2a4: {  	v61 =	vld [tilespmem:s7+$0x210];
	[tilespmem:s7+$0x190] =	vst v31;
	v31 =	vmul.f32 v54, v30  }
0x2a5: {  	[tilespmem:s7+$0x170] =	vst v35;
	v62 =	vmul.f32 v55, v30  }
0x2a6: {  	[tilespmem:s7+$0x1C0] =	vst v31;
	v31 =	vmul.f32 v57, v30  }
0x2a7: {  	p0 =	sne.s32 s13, $0x50;
	v63 =	vmul.f32 v58, v30;
	[tilespmem:s7+$0x1D0] =	vst v62  }
.Ltmp3:
0x2a8: {  	[tilespmem:s7+$0x1E0] =	vst v31;
	v31 =	vmul.f32 v60, v30;
	(pc) =	sbr.rel @p0 .LBB2_4-.Ltmp3, $4  }
0x2a9: {  	[tilespmem:s7+$0x1F0] =	vst v63;
	v30 =	vmul.f32 v61, v30  }
0x2aa: {  	[tilespmem:s7+$0x200] =	vst v31  }
0x2ab: {  	s4 =	simm.s32 $0x16A40;
	[tilespmem:s7+$0x210] =	vst v30  }
0x2ac: {  	[spmem:s2] =	stream.indirect.scatter.add.f32 [tilespmem:s23], [sflag:$0x2], $0x90, s4, s18, $0xb8;
	[tilespmem:$0x1E520] =	vst v63  }
0x2ad: {  	_ =	swait.ge [sflag:s1], $0x2400  }
0x2ae: {  	[sflag:s1] =	ssyncset.done $0x0  }
0x2af: {  	[sflag:s1] =	ssyncadd.s32 $0xFFFFDC00  }
0x2b0: {  	_ =	swait.ge [sflag:s9], $0x2400  }
0x2b1: {  	[sflag:s9] =	ssyncset.done $0x0  }
0x2b2: {  	[sflag:s9] =	ssyncadd.s32 $0xFFFFDC00  }
0x2b3: {  	s12 =	simm.s32 $0x0;
	s13 =	simm.s32 $0x0;
	[bflag:$0x0] =	sbarrier.arrive $0xFFFF  }
.LBB2_10:
0x2b4: {  	s4 =	sshll.u32 s13, $0x6;
	v30 =	vmov s12;
	s5 =	rddreg [dreg:$0x1a]  }
0x2b5: {  	s17 =	sadd.s32 s5, s4;
	v30 =	vmul.u32 $0x90, v30  }
0x2b6: {  	s4 =	smul.u32 $0x240, s17  }
0x2b7: {  	v30 =	vadd.s32 $0x80, v30  }
0x2b8: {  	s4 =	sshra.s32 s4, $0x2;
	v30 =	vbroadcast v30, $0x0  }
0x2b9: {  	s4 =	sadd.s32 s4, s2  }
0x2ba: {  	[tilespmem:s25], [sflag:$0x5] =	stream.linear.gather [spmem:s4], $0x2400, $0x38;
	[tilespmem:$0x1E520] =	vst v63  }
0x2bb: {  	_ =	swait.ge [sflag:s24], $0x2400  }
0x2bc: {  	[sflag:s24] =	ssyncset.done $0x0  }
0x2bd: {  	[sflag:s24] =	ssyncadd.s32 $0xFFFFDC00  }
0x2be: {  	v30 =	vld.idx.msk [tilespmem:v30+s25+$0x0], $0xffff;
	_ =	sdelay $0x4  }
0x2bf: {  	v30 =	vadd.f32 $1.000000020e-16, v30;
	_ =	sdelay $0x1  }
0x2c0: {  	(erf) = vrcp.f32 v30;
	_ =	sdelay $0x3  }
0x2c1: {  	s7 =	simm.s32 $0x17C90  }
0x2c2: {  	v30 =	vld [tilespmem:s7+$0xFFFFFF70];
	_ =	sdelay $0x1  }
0x2c3: {  	v32 =	vld [tilespmem:$0x1E400];
	_ =	sdelay $0x1  }
0x2c4: {  	v36 =	vpop (erf)  }
0x2c5: {  	v30 =	vmul.f32 v36, v30;
	_ =	sdelay $0x1  }
0x2c6: {  	v31 =	vld [tilespmem:$0x1E500];
	v30 =	vadd.f32 v30, v32;
	_ =	sdelay $0x1  }
0x2c7: {  	v33 =	vmul.f32 $9.999999770e-03, v30;
	_ =	sdelay $0x1  }
0x2c8: {  	v30 =	vmax.f32 v30, v33  }
0x2c9: {  	v30 =	vmul.f32 v30, v31  }
0x2ca: {  	s22 =	simm.s32 $0x1C480  }
0x2cb: {  	[tilespmem:s22+$0xFFFFFF80] =	vst v30  }
0x2cc: {  	v30 =	vld [tilespmem:s7+$0xFFFFFF80];
	_ =	sdelay $0x1  }
0x2cd: {  	v31 =	vld [tilespmem:$0x1E410];
	_ =	sdelay $0x2  }
0x2ce: {  	v30 =	vmul.f32 v30, v36;
	_ =	sdelay $0x1  }
0x2cf: {  	v60 =	vld [tilespmem:$0x1E500];
	v30 =	vadd.f32 v30, v31;
	_ =	sdelay $0x1  }
0x2d0: {  	v31 =	vmul.f32 $9.999999770e-03, v30  }
0x2d1: {  	s11 =	simm.s32 $0x2  }
0x2d2: {  	v34 =	vmov s11;
	v30 =	vmax.f32 v30, v31  }
0x2d3: {  	v31 =	vmul.u32 $0x90, v34;
	v30 =	vmul.f32 v30, v60;
	_ =	sdelay $0x1  }
0x2d4: {  	v31 =	vadd.s32 $0x80, v31;
	[tilespmem:s22+$0xFFFFFF90] =	vst v30  }
0x2d5: {  	v30 =	vbroadcast v31, $0x0;
	v31 =	vld [tilespmem:s7+$0xFFFFFF90];
	_ =	sdelay $0x1  }
0x2d6: {  	v61 =	vld [tilespmem:$0x1E420];
	_ =	sdelay $0x2  }
0x2d7: {  	v31 =	vmul.f32 v31, v36  }
0x2d8: {  	v30 =	vld.idx.msk [tilespmem:v30+s25+$0x0], $0xffff  }
0x2d9: {  	v62 =	vld [tilespmem:$0x1E500];
	v31 =	vadd.f32 v31, v61;
	_ =	sdelay $0x1  }
0x2da: {  	v33 =	vmul.f32 $9.999999770e-03, v31;
	_ =	sdelay $0x1  }
0x2db: {  	v30 =	vadd.f32 $1.000000020e-16, v30;
	v31 =	vmax.f32 v31, v33  }
0x2dc: {  	v31 =	vmul.f32 v31, v62  }
0x2dd: {  	(erf) = vrcp.f32 v30  }
0x2de: {  	[tilespmem:s22+$0xFFFFFFA0] =	vst v31  }
0x2df: {  	v30 =	vld [tilespmem:s7+$0xFFFFFFA0];
	_ =	sdelay $0x1  }
0x2e0: {  	s31 =	simm.s32 $0x17DB0;
	v31 =	vld [tilespmem:$0x1E430]  }
0x2e1: {  	v63 =	vld [tilespmem:s31+$0xFFFFFF70];
	_ =	sdelay $0x1  }
0x2e2: {  	v39 =	vld [tilespmem:$0x1E400];
	v30 =	vmul.f32 v30, v36;
	_ =	sdelay $0x1  }
0x2e3: {  	v38 =	vpop (erf);
	v30 =	vadd.f32 v30, v31;
	v31 =	vld [tilespmem:$0x1E500]  }
0x2e4: {  	v33 =	vmul.f32 v38, v63  }
0x2e5: {  	v40 =	vmul.f32 $9.999999770e-03, v30  }
0x2e6: {  	v35 =	vld [tilespmem:$0x1E500];
	v33 =	vadd.f32 v33, v39  }
0x2e7: {  	v30 =	vmax.f32 v30, v40  }
0x2e8: {  	v30 =	vmul.f32 v30, v31;
	v31 =	vmul.f32 $9.999999770e-03, v33;
	_ =	sdelay $0x1  }
0x2e9: {  	[tilespmem:s22+$0xFFFFFFB0] =	vst v30;
	v30 =	vmax.f32 v33, v31  }
0x2ea: {  	v31 =	vld [tilespmem:s7+$0xFFFFFFB0];
	v30 =	vmul.f32 v30, v35  }
0x2eb: {  	s20 =	simm.s32 $0x1C580  }
0x2ec: {  	v41 =	vld [tilespmem:$0x1E440];
	[tilespmem:s20+$0xFFFFFF80] =	vst v30  }
0x2ed: {  	v30 =	vld [tilespmem:s31+$0xFFFFFF80];
	_ =	sdelay $0x1  }
0x2ee: {  	v42 =	vld [tilespmem:$0x1E410];
	v31 =	vmul.f32 v31, v36;
	_ =	sdelay $0x1  }
0x2ef: {  	v43 =	vld [tilespmem:$0x1E500];
	v31 =	vadd.f32 v31, v41  }
0x2f0: {  	v30 =	vmul.f32 v30, v38  }
0x2f1: {  	v33 =	vmul.f32 $9.999999770e-03, v31  }
0x2f2: {  	v37 =	vld [tilespmem:$0x1E500];
	v30 =	vadd.f32 v30, v42  }
0x2f3: {  	v31 =	vmax.f32 v31, v33  }
0x2f4: {  	v31 =	vmul.f32 v31, v43;
	v34 =	vmul.f32 $9.999999770e-03, v30;
	_ =	sdelay $0x1  }
0x2f5: {  	[tilespmem:s22+$0xFFFFFFC0] =	vst v31;
	v30 =	vmax.f32 v30, v34  }
0x2f6: {  	s11 =	simm.s32 $0x4;
	v31 =	vld [tilespmem:s7+$0xFFFFFFC0];
	v30 =	vmul.f32 v30, v37  }
0x2f7: {  	v44 =	vmov s11  }
0x2f8: {  	s15 =	simm.s32 $0x1;
	v33 =	vmul.u32 $0x90, v44;
	v46 =	vld [tilespmem:$0x1E450];
	[tilespmem:s20+$0xFFFFFF90] =	vst v30  }
0x2f9: {  	v45 =	vmov s15;
	v30 =	vld [tilespmem:s31+$0xFFFFFF90]  }
0x2fa: {  	v33 =	vadd.s32 $0x80, v33;
	v34 =	vmul.u32 $0x90, v45  }
0x2fb: {  	v33 =	vbroadcast v33, $0x0;
	v47 =	vld [tilespmem:$0x1E420];
	v31 =	vmul.f32 v31, v36  }
0x2fc: {  	v34 =	vadd.s32 $0x80, v34  }
0x2fd: {  	v40 =	vld [tilespmem:$0x1E500];
	v34 =	vbroadcast v34, $0x0;
	v31 =	vadd.f32 v31, v46  }
0x2fe: {  	v30 =	vmul.f32 v30, v38  }
0x2ff: {  	v35 =	vmul.f32 $9.999999770e-03, v31  }
0x300: {  	v41 =	vld [tilespmem:$0x1E500];
	v30 =	vadd.f32 v30, v47  }
0x301: {  	v33 =	vld.idx.msk [tilespmem:v33+s25+$0x0], $0xffff;
	v31 =	vmax.f32 v31, v35  }
0x302: {  	v31 =	vmul.f32 v31, v40;
	v48 =	vmul.f32 $9.999999770e-03, v30  }
0x303: {  	v34 =	vld.idx.msk [tilespmem:v34+s25+$0x0], $0xffff  }
0x304: {  	[tilespmem:s22+$0xFFFFFFD0] =	vst v31;
	v30 =	vmax.f32 v30, v48  }
0x305: {  	v31 =	vld [tilespmem:s7+$0xFFFFFFD0];
	v30 =	vmul.f32 v30, v41  }
0x306: {  	v33 =	vadd.f32 $1.000000020e-16, v33  }
0x307: {  	v50 =	vld [tilespmem:$0x1E460];
	[tilespmem:s20+$0xFFFFFFA0] =	vst v30  }
0x308: {  	(erf) = vrcp.f32 v33;
	v49 =	vadd.f32 $1.000000020e-16, v34;
	v51 =	vld [tilespmem:s31+$0xFFFFFFA0];
	_ =	sdelay $0x1  }
0x309: {  	s21 =	simm.s32 $0x17ED0;
	(erf) = vrcp.f32 v49;
	v30 =	vmul.f32 v31, v36;
	v31 =	vld [tilespmem:$0x1E430]  }
0x30a: {  	v52 =	vld [tilespmem:s21+$0xFFFFFF70]  }
0x30b: {  	v54 =	vld [tilespmem:s7+$0x0];
	v34 =	vadd.f32 v30, v50  }
0x30c: {  	v35 =	vld [tilespmem:$0x1E400];
	v33 =	vmul.f32 v51, v38  }
0x30d: {  	v53 =	vld [tilespmem:$0x1E500];
	v42 =	vmul.f32 $9.999999770e-03, v34  }
0x30e: {  	v43 =	vld [tilespmem:$0x1E500];
	v33 =	vadd.f32 v33, v31  }
0x30f: {  	v31 =	vmax.f32 v34, v42  }
0x310: {  	v30 =	vpop (erf);
	v56 =	vmul.f32 $9.999999770e-03, v33  }
0x311: {  	v37 =	vmul.f32 v30, v52  }
0x312: {  	v40 =	vmul.f32 v31, v53;
	v31 =	vpop (erf);
	v33 =	vmax.f32 v33, v56  }
0x313: {  	v55 =	vld [tilespmem:$0x1E500];
	v37 =	vadd.f32 v37, v35;
	v41 =	vmul.f32 v31, v54;
	v33 =	vmul.f32 v33, v43  }
0x314: {  	[tilespmem:s22+$0xFFFFFFE0] =	vst v40  }
0x315: {  	v44 =	vmul.f32 $9.999999770e-03, v37;
	v40 =	vld [tilespmem:$0x1E500];
	v32 =	vadd.f32 v41, v32;
	[tilespmem:s20+$0xFFFFFFB0] =	vst v33  }
0x316: {  	v33 =	vld [tilespmem:s31+$0xFFFFFFB0]  }
0x317: {  	v37 =	vmax.f32 v37, v44;
	v57 =	vmul.f32 $9.999999770e-03, v32  }
0x318: {  	v34 =	vmul.f32 v37, v55;
	v58 =	vld [tilespmem:$0x1E440]  }
0x319: {  	s19 =	simm.s32 $0x1C680;
	v32 =	vmax.f32 v32, v57  }
0x31a: {  	v63 =	vld [tilespmem:$0x1E500];
	[tilespmem:s19+$0xFFFFFF80] =	vst v34;
	v32 =	vmul.f32 v32, v40  }
0x31b: {  	v34 =	vld [tilespmem:s21+$0xFFFFFF80];
	v33 =	vmul.f32 v33, v38  }
0x31c: {  	s4 =	simm.s32 $0x6;
	v59 =	vld [tilespmem:$0x1E410];
	[tilespmem:s22+$0x0] =	vst v32  }
0x31d: {  	v60 =	vmov s4;
	v61 =	vld [tilespmem:s7+$0x10];
	v33 =	vadd.f32 v33, v58  }
0x31e: {  	v32 =	vmul.u32 $0x90, v60  }
0x31f: {  	v62 =	vld [tilespmem:$0x1E410];
	v49 =	vmul.f32 $9.999999770e-03, v33  }
0x320: {  	v34 =	vmul.f32 v34, v30;
	v32 =	vadd.s32 $0x80, v32  }
0x321: {  	v32 =	vbroadcast v32, $0x0;
	v33 =	vmax.f32 v33, v49  }
0x322: {  	v48 =	vld [tilespmem:$0x1E500];
	v34 =	vadd.f32 v34, v59;
	v42 =	vmul.f32 v61, v31;
	v33 =	vmul.f32 v33, v63;
	_ =	sdelay $0x1  }
0x323: {  	v51 =	vld [tilespmem:$0x1E500];
	v45 =	vmul.f32 $9.999999770e-03, v34;
	v50 =	vadd.f32 v42, v62;
	[tilespmem:s20+$0xFFFFFFC0] =	vst v33  }
0x324: {  	v33 =	vld [tilespmem:s31+$0xFFFFFFC0]  }
0x325: {  	v34 =	vmax.f32 v34, v45;
	v52 =	vmul.f32 $9.999999770e-03, v50  }
0x326: {  	s16 =	simm.s32 $0x3;
	v34 =	vmul.f32 v34, v48;
	v55 =	vld [tilespmem:$0x1E450]  }
0x327: {  	v53 =	vmov s16;
	v32 =	vld.idx.msk [tilespmem:v32+s25+$0x0], $0xffff;
	v37 =	vmax.f32 v50, v52  }
0x328: {  	v58 =	vld [tilespmem:$0x1E500];
	[tilespmem:s19+$0xFFFFFF90] =	vst v34;
	v34 =	vmul.u32 $0x90, v53;
	v37 =	vmul.f32 v37, v51  }
0x329: {  	v54 =	vld [tilespmem:s21+$0xFFFFFF90];
	v33 =	vmul.f32 v33, v38  }
0x32a: {  	v56 =	vld [tilespmem:$0x1E420];
	v34 =	vadd.s32 $0x80, v34;
	[tilespmem:s22+$0x10] =	vst v37  }
0x32b: {  	v34 =	vbroadcast v34, $0x0;
	v37 =	vld [tilespmem:s7+$0x20];
	v33 =	vadd.f32 v33, v55;
	_ =	sdelay $0x1  }
0x32c: {  	v32 =	vadd.f32 $1.000000020e-16, v32;
	v57 =	vld [tilespmem:$0x1E420];
	v60 =	vmul.f32 $9.999999770e-03, v33  }
0x32d: {  	v41 =	vmul.f32 v54, v30  }
0x32e: {  	(erf) = vrcp.f32 v32;
	v33 =	vmax.f32 v33, v60  }
0x32f: {  	v59 =	vld [tilespmem:$0x1E500];
	v41 =	vadd.f32 v41, v56;
	v37 =	vmul.f32 v37, v31;
	v32 =	vmul.f32 v33, v58  }
0x330: {  	v34 =	vld.idx.msk [tilespmem:v34+s25+$0x0], $0xffff  }
0x331: {  	v63 =	vld [tilespmem:$0x1E500];
	v61 =	vmul.f32 $9.999999770e-03, v41;
	v62 =	vadd.f32 v37, v57;
	[tilespmem:s20+$0xFFFFFFD0] =	vst v32  }
0x332: {  	s29 =	simm.s32 $0x17FF0;
	v51 =	vld [tilespmem:s31+$0xFFFFFFD0]  }
0x333: {  	v48 =	vld [tilespmem:s29+$0xFFFFFF70];
	v47 =	vmax.f32 v41, v61;
	v50 =	vmul.f32 $9.999999770e-03, v62  }
0x334: {  	v49 =	vmul.f32 v47, v59;
	v53 =	vld [tilespmem:$0x1E460]  }
0x335: {  	v58 =	vld [tilespmem:s31+$0x0];
	v34 =	vadd.f32 $1.000000020e-16, v34;
	v42 =	vmax.f32 v62, v50  }
0x336: {  	v37 =	vld [tilespmem:$0x1E400];
	[tilespmem:s19+$0xFFFFFFA0] =	vst v49;
	v42 =	vmul.f32 v42, v63  }
0x337: {  	v32 =	vpop (erf);
	v52 =	vld [tilespmem:s21+$0xFFFFFFA0];
	(erf) = vrcp.f32 v34;
	v33 =	vmul.f32 v51, v38  }
0x338: {  	v54 =	vld [tilespmem:$0x1E430];
	[tilespmem:s22+$0x20] =	vst v42  }
0x339: {  	v41 =	vmul.f32 v32, v48;
	v56 =	vld [tilespmem:s7+$0x30];
	v33 =	vadd.f32 v33, v53  }
0x33a: {  	v48 =	vld [tilespmem:$0x1E500]  }
0x33b: {  	v55 =	vadd.f32 v41, v37;
	v47 =	vld [tilespmem:$0x1E430];
	v60 =	vmul.f32 $9.999999770e-03, v33  }
0x33c: {  	v57 =	vld [tilespmem:$0x1E500];
	v43 =	vmul.f32 v52, v30  }
0x33d: {  	v46 =	vmul.f32 $9.999999770e-03, v55;
	v33 =	vmax.f32 v33, v60  }
0x33e: {  	v59 =	vld [tilespmem:$0x1E500];
	v43 =	vadd.f32 v43, v54;
	v41 =	vmul.f32 v56, v31  }
0x33f: {  	v34 =	vmax.f32 v55, v46  }
0x340: {  	v62 =	vld [tilespmem:$0x1E500];
	v61 =	vmul.f32 $9.999999770e-03, v43;
	v48 =	vmul.f32 v33, v48;
	v41 =	vadd.f32 v41, v47;
	v33 =	vpop (erf)  }
0x341: {  	v49 =	vld [tilespmem:$0x1E470];
	v34 =	vmul.f32 v34, v57;
	v51 =	vmul.f32 v33, v58  }
0x342: {  	s8 =	simm.s32 $0x1C780;
	v63 =	vld [tilespmem:s7+$0xFFFFFFE0];
	v50 =	vmax.f32 v43, v61;
	[tilespmem:s20+$0xFFFFFFE0] =	vst v48;
	v52 =	vmul.f32 $9.999999770e-03, v41  }
0x343: {  	[tilespmem:s8+$0xFFFFFF80] =	vst v34;
	v53 =	vmul.f32 v50, v59;
	v34 =	vld [tilespmem:$0x1E500];
	v39 =	vadd.f32 v51, v39  }
0x344: {  	v54 =	vld [tilespmem:s29+$0xFFFFFF80];
	v41 =	vmax.f32 v41, v52  }
0x345: {  	v55 =	vld [tilespmem:$0x1E410];
	[tilespmem:s19+$0xFFFFFFB0] =	vst v53;
	v41 =	vmul.f32 v41, v62;
	v56 =	vmul.f32 $9.999999770e-03, v39  }
0x346: {  	v44 =	vld [tilespmem:s21+$0xFFFFFFB0]  }
0x347: {  	s16 =	simm.s32 $0x8;
	v57 =	vld [tilespmem:$0x1E440];
	[tilespmem:s22+$0x30] =	vst v41;
	v39 =	vmax.f32 v39, v56  }
0x348: {  	v58 =	vmov s16;
	v60 =	vld [tilespmem:s7+$0x40];
	v39 =	vmul.f32 v39, v34  }
0x349: {  	v61 =	vld [tilespmem:$0x1E500];
	v59 =	vmul.u32 $0x90, v58;
	v45 =	vmul.f32 v54, v32  }
0x34a: {  	v36 =	vmul.f32 v63, v36;
	v62 =	vld [tilespmem:$0x1E440];
	[tilespmem:s20+$0x0] =	vst v39  }
0x34b: {  	v63 =	vadd.f32 v45, v55;
	v41 =	vadd.s32 $0x80, v59;
	v54 =	vmul.f32 v44, v30;
	v56 =	vld [tilespmem:s31+$0x10]  }
0x34c: {  	v36 =	vadd.f32 v36, v49;
	v49 =	vld [tilespmem:$0x1E500];
	v41 =	vbroadcast v41, $0x0  }
0x34d: {  	v50 =	vmul.f32 $9.999999770e-03, v63;
	v46 =	vadd.f32 v54, v57;
	v51 =	vld [tilespmem:$0x1E410];
	v57 =	vmul.f32 v60, v31  }
0x34e: {  	v58 =	vld [tilespmem:s31+$0xFFFFFFE0];
	v55 =	vmul.f32 $9.999999770e-03, v36  }
0x34f: {  	v44 =	vld [tilespmem:$0x1E500];
	v39 =	vmax.f32 v63, v50;
	v59 =	vmul.f32 $9.999999770e-03, v46;
	v48 =	vadd.f32 v57, v62  }
0x350: {  	v36 =	vmax.f32 v36, v55;
	v45 =	vld [tilespmem:$0x1E500];
	v60 =	vmul.f32 v39, v61;
	v61 =	vmul.f32 v56, v33  }
0x351: {  	v36 =	vmul.f32 v36, v40;
	v39 =	vld [tilespmem:$0x1E500];
	v62 =	vmax.f32 v46, v59;
	v63 =	vmul.f32 $9.999999770e-03, v48  }
0x352: {  	v42 =	vld.idx.msk [tilespmem:v41+s25+$0x0], $0xffff;
	[tilespmem:s8+$0xFFFFFF90] =	vst v60;
	v40 =	vmul.f32 v62, v49;
	v46 =	vadd.f32 v61, v51  }
0x353: {  	s10 =	simm.s32 $0x17FF0;
	s5 =	simm.s32 $0xA;
	[tilespmem:s22+$0xFFFFFFF0] =	vst v36;
	v36 =	vmul.f32 v58, v38;
	v41 =	vld [tilespmem:$0x1E420];
	v47 =	vmax.f32 v48, v63  }
.LBB2_11:
0x354: {  	p0 =	slt.u32 s5, $0x3E;
	v38 =	vld [tilespmem:s29+$0xFFFFFF90];
	[tilespmem:s19+$0xFFFFFFC0] =	vst v40;
	s11 =	sadd.s32 $0x1, s11;
	v40 =	vmul.f32 $9.999999770e-03, v46;
	v43 =	vmul.f32 v47, v44;
	s15 =	smov.u32 s19  }
0x355: {  	s19 =	smov.u32 s8;
	v44 =	vld [tilespmem:s21+$0xFFFFFFC0];
	v47 =	vmov s11;
	s11 =	smov.u32 s4;
	s4 =	smov.u32 s16  }
0x356: {  	s16 =	smov.u32 s5;
	v48 =	vld [tilespmem:$0x1E450];
	v47 =	vmul.u32 $0x90, v47;
	v40 =	vmax.f32 v46, v40;
	[tilespmem:s22+$0x40] =	vst v43  }
0x357: {  	v40 =	vmul.f32 v40, v45;
	v43 =	vld [tilespmem:s7+$0x50]  }
0x358: {  	v45 =	vld [tilespmem:$0x1E500];
	v46 =	vadd.s32 $0x80, v47  }
0x359: {  	v42 =	vadd.f32 $1.000000020e-16, v42;
	v38 =	vmul.f32 v38, v32;
	v46 =	vbroadcast v46, $0x0;
	[tilespmem:s20+$0x10] =	vst v40;
	v40 =	vld [tilespmem:$0x1E450]  }
0x35a: {  	v44 =	vmul.f32 v44, v30;
	v47 =	vld [tilespmem:s31+$0x20]  }
0x35b: {  	(erf) = vrcp.f32 v42;
	v38 =	vadd.f32 v38, v41;
	v41 =	vld [tilespmem:$0x1E500]  }
0x35c: {  	v42 =	vadd.f32 v44, v48;
	v44 =	vld [tilespmem:$0x1E420];
	v43 =	vmul.f32 v43, v31  }
0x35d: {  	v48 =	vld [tilespmem:$0x1E400];
	v49 =	vmul.f32 $9.999999770e-03, v38  }
0x35e: {  	v50 =	vmul.f32 $9.999999770e-03, v42;
	v40 =	vadd.f32 v43, v40;
	v43 =	vld [tilespmem:$0x1E500]  }
0x35f: {  	s29 =	sadd.s32 $0x120, s29;
	v38 =	vmax.f32 v38, v49;
	v46 =	vld.idx.msk [tilespmem:v46+s25+$0x0], $0xffff;
	v47 =	vmul.f32 v47, v33  }
0x360: {  	v49 =	vld [tilespmem:s29+$0xFFFFFF70];
	v38 =	vmul.f32 v38, v45;
	v42 =	vmax.f32 v42, v50;
	v45 =	vmul.f32 $9.999999770e-03, v40  }
0x361: {  	v41 =	vmul.f32 v42, v41;
	v42 =	vadd.f32 v47, v44;
	v44 =	vld [tilespmem:$0x1E500]  }
0x362: {  	[tilespmem:s8+$0xFFFFFFA0] =	vst v38;
	v47 =	vld [tilespmem:s21+$0x0];
	v45 =	vmax.f32 v40, v45  }
0x363: {  	v40 =	vld [tilespmem:s10+$0xFFFFFFA0];
	[tilespmem:s15+$0xFFFFFFD0] =	vst v41;
	v41 =	vmul.f32 $9.999999770e-03, v42;
	v43 =	vmul.f32 v45, v43  }
0x364: {  	v38 =	vpop (erf);
	v45 =	vld [tilespmem:s21+$0xFFFFFFD0]  }
0x365: {  	v46 =	vadd.f32 $1.000000020e-16, v46;
	v49 =	vmul.f32 v38, v49;
	v50 =	vld [tilespmem:$0x1E460];
	v41 =	vmax.f32 v42, v41;
	[tilespmem:s22+$0x50] =	vst v43  }
0x366: {  	v41 =	vmul.f32 v41, v44;
	v42 =	vld [tilespmem:s7+$0x60]  }
0x367: {  	v43 =	vadd.f32 v49, v48;
	v44 =	vld [tilespmem:$0x1E430];
	(erf) = vrcp.f32 v46  }
0x368: {  	[tilespmem:s20+$0x20] =	vst v41;
	v41 =	vld [tilespmem:$0x1E460]  }
0x369: {  	v46 =	vmul.f32 $9.999999770e-03, v43;
	v45 =	vmul.f32 v45, v30;
	v49 =	vld [tilespmem:s31+$0x30]  }
0x36a: {  	v40 =	vmul.f32 v40, v32;
	v51 =	vld [tilespmem:$0x1E500]  }
0x36b: {  	v43 =	vmax.f32 v43, v46;
	v45 =	vadd.f32 v45, v50;
	v46 =	vld [tilespmem:$0x1E430];
	v42 =	vmul.f32 v42, v31  }
0x36c: {  	v39 =	vmul.f32 v43, v39;
	v40 =	vadd.f32 v40, v44;
	v43 =	vld [tilespmem:$0x1E500]  }
0x36d: {  	s8 =	sadd.s32 $0x100, s8;
	v54 =	vmul.f32 $9.999999770e-03, v45;
	v41 =	vadd.f32 v42, v41;
	v42 =	vld [tilespmem:$0x1E500]  }
0x36e: {  	[tilespmem:s8+$0xFFFFFF80] =	vst v39;
	v39 =	vmul.f32 $9.999999770e-03, v40;
	v50 =	vld [tilespmem:$0x1E470];
	v49 =	vmul.f32 v49, v33  }
0x36f: {  	v52 =	vld [tilespmem:$0x1E500];
	v53 =	vmax.f32 v45, v54;
	v45 =	vmul.f32 $9.999999770e-03, v41  }
0x370: {  	v39 =	vmax.f32 v40, v39;
	v40 =	vmul.f32 v53, v51;
	v44 =	vpop (erf);
	v46 =	vadd.f32 v49, v46;
	v49 =	vld [tilespmem:$0x1E500]  }
0x371: {  	v51 =	vld [tilespmem:$0x1E410];
	v39 =	vmul.f32 v39, v43;
	v43 =	vmul.f32 v44, v47;
	v41 =	vmax.f32 v41, v45  }
0x372: {  	v45 =	vld [tilespmem:s29+$0xFFFFFF80];
	[tilespmem:s15+$0xFFFFFFE0] =	vst v40;
	v40 =	vmul.f32 $9.999999770e-03, v46;
	v41 =	vmul.f32 v41, v42  }
0x373: {  	[tilespmem:s19+$0xFFFFFFB0] =	vst v39;
	v39 =	vld [tilespmem:$0x1E500];
	v42 =	vadd.f32 v43, v35;
	v36 =	vadd.f32 v36, v50;
	v35 =	vmovc v37;
	v37 =	vmov v48  }
0x374: {  	v43 =	vld [tilespmem:$0x1E440];
	v40 =	vmax.f32 v46, v40;
	[tilespmem:s22+$0x60] =	vst v41  }
0x375: {  	v41 =	vmul.f32 $9.999999770e-03, v42;
	v40 =	vmul.f32 v40, v49;
	v46 =	vld [tilespmem:s7+$0x70];
	s7 =	smov.u32 s31;
	s31 =	smov.u32 s21;
	s21 =	smov.u32 s10  }
0x376: {  	v48 =	vmul.f32 $9.999999770e-03, v36;
	s10 =	smov.u32 s29;
	v47 =	vld [tilespmem:s21+$0xFFFFFFB0]  }
0x377: {  	v49 =	vmov s5;
	v41 =	vmax.f32 v42, v41;
	[tilespmem:s20+$0x30] =	vst v40;
	v40 =	vld [tilespmem:$0x1E470]  }
0x378: {  	v42 =	vmul.u32 $0x90, v49;
	v36 =	vmax.f32 v36, v48;
	v41 =	vmul.f32 v41, v39;
	v48 =	vld [tilespmem:s7+$0x40]  }
0x379: {  	v45 =	vmul.f32 v45, v38;
	v36 =	vmul.f32 v36, v34;
	v34 =	vmov v39;
	v49 =	vld [tilespmem:$0x1E500]  }
0x37a: {  	v39 =	vadd.s32 $0x80, v42;
	[tilespmem:s15+$0x0] =	vst v41;
	v41 =	vld [tilespmem:$0x1E440];
	v42 =	vmul.f32 v46, v31;
	v31 =	vmovc v33;
	v33 =	vmov v44  }
0x37b: {  	v46 =	vbroadcast v39, $0x0;
	v39 =	vadd.f32 v45, v51;
	v44 =	vmul.f32 v47, v32;
	v45 =	vld [tilespmem:s31+$0x10];
	[tilespmem:s20+$0xFFFFFFF0] =	vst v36  }
0x37c: {  	v36 =	vadd.f32 v42, v40;
	v40 =	vld [tilespmem:$0x1E500]  }
0x37d: {  	v42 =	vmul.f32 $9.999999770e-03, v39;
	v43 =	vadd.f32 v44, v43;
	v47 =	vld [tilespmem:$0x1E410];
	v44 =	vmul.f32 v48, v31  }
0x37e: {  	v48 =	vld [tilespmem:s31+$0xFFFFFFE0];
	v50 =	vmul.f32 $9.999999770e-03, v36  }
.Ltmp4:
0x37f: {  	v42 =	vmax.f32 v39, v42;
	v51 =	vmul.f32 $9.999999770e-03, v43;
	v53 =	vadd.f32 v44, v41;
	v44 =	vld [tilespmem:$0x1E500];
	(pc) =	sbr.rel @p0 .LBB2_11-.Ltmp4, $4  }
0x380: {  	v41 =	vmul.f32 v42, v52;
	v39 =	vld [tilespmem:$0x1E500];
	v45 =	vmul.f32 v45, v33;
	v36 =	vmax.f32 v36, v50  }
0x381: {  	v42 =	vld.idx.msk [tilespmem:v46+s25+$0x0], $0xffff;
	v43 =	vmax.f32 v43, v51;
	v50 =	vmul.f32 $9.999999770e-03, v53;
	v51 =	vmul.f32 v36, v40  }
0x382: {  	[tilespmem:s8+$0xFFFFFF90] =	vst v41;
	v40 =	vmul.f32 v43, v49;
	v46 =	vadd.f32 v45, v47;
	v45 =	vld [tilespmem:$0x1E500]  }
0x383: {  	s5 =	sadd.s32 $0x2, s5;
	v41 =	vld [tilespmem:$0x1E420];
	v36 =	vmul.f32 v48, v30;
	v47 =	vmax.f32 v53, v50;
	[tilespmem:s22+$0x70] =	vst v51;
	v30 =	vmovc v32;
	v32 =	vmov v38;
	s22 =	smov.u32 s20;
	s20 =	smov.u32 s15  }
0x384: {  	_ =	sdelay $0x1  }
0x385: {  	v38 =	vadd.f32 $1.000000020e-16, v42;
	_ =	sdelay $0x1  }
0x386: {  	(erf) = vrcp.f32 v38;
	_ =	sdelay $0x3  }
0x387: {  	s15 =	sadd.s32 $0x120, s29  }
0x388: {  	v63 =	vld [tilespmem:s15+$0xFFFFFF70];
	_ =	sdelay $0x1  }
0x389: {  	v48 =	vld [tilespmem:$0x1E400];
	_ =	sdelay $0x1  }
0x38a: {  	v38 =	vpop (erf)  }
0x38b: {  	v42 =	vmul.f32 v38, v63;
	_ =	sdelay $0x1  }
0x38c: {  	v42 =	vadd.f32 v42, v48;
	_ =	sdelay $0x1  }
0x38d: {  	v43 =	vmul.f32 $9.999999770e-03, v42;
	_ =	sdelay $0x1  }
0x38e: {  	v42 =	vmax.f32 v42, v43  }
0x38f: {  	v39 =	vmul.f32 v42, v39  }
0x390: {  	s5 =	sadd.s32 $0x100, s8  }
0x391: {  	[tilespmem:s5+$0xFFFFFF80] =	vst v39  }
0x392: {  	v39 =	vld [tilespmem:s15+$0xFFFFFF80];
	_ =	sdelay $0x1  }
0x393: {  	v49 =	vld [tilespmem:$0x1E410];
	_ =	sdelay $0x2  }
0x394: {  	v39 =	vmul.f32 v39, v38;
	_ =	sdelay $0x1  }
0x395: {  	v50 =	vld [tilespmem:$0x1E500];
	v39 =	vadd.f32 v39, v49;
	_ =	sdelay $0x1  }
0x396: {  	v42 =	vmul.f32 $9.999999770e-03, v39;
	_ =	sdelay $0x1  }
0x397: {  	v39 =	vmax.f32 v39, v42  }
0x398: {  	v39 =	vmul.f32 v39, v50;
	_ =	sdelay $0x1  }
0x399: {  	v51 =	vld [tilespmem:s29+$0xFFFFFF90];
	[tilespmem:s5+$0xFFFFFF90] =	vst v39  }
0x39a: {  	v39 =	vld [tilespmem:s15+$0xFFFFFF90];
	_ =	sdelay $0x1  }
0x39b: {  	v52 =	vld [tilespmem:$0x1E420];
	_ =	sdelay $0x1  }
0x39c: {  	v42 =	vmul.f32 v51, v32  }
0x39d: {  	v39 =	vmul.f32 v39, v38  }
0x39e: {  	v49 =	vld [tilespmem:$0x1E500];
	v41 =	vadd.f32 v42, v41  }
0x39f: {  	v53 =	vld [tilespmem:$0x1E500];
	v39 =	vadd.f32 v39, v52  }
0x3a0: {  	v54 =	vmul.f32 $9.999999770e-03, v41  }
0x3a1: {  	v50 =	vmul.f32 $9.999999770e-03, v39  }
0x3a2: {  	v41 =	vmax.f32 v41, v54  }
0x3a3: {  	v41 =	vmul.f32 v41, v49;
	v39 =	vmax.f32 v39, v50  }
0x3a4: {  	v39 =	vmul.f32 v39, v53  }
0x3a5: {  	[tilespmem:s8+$0xFFFFFFA0] =	vst v41  }
0x3a6: {  	v41 =	vld [tilespmem:s10+$0xFFFFFFA0];
	[tilespmem:s5+$0xFFFFFFA0] =	vst v39  }
0x3a7: {  	v39 =	vld [tilespmem:s15+$0xFFFFFFA0]  }
0x3a8: {  	v55 =	vld [tilespmem:$0x1E430]  }
0x3a9: {  	v56 =	vld [tilespmem:$0x1E430];
	_ =	sdelay $0x1  }
0x3aa: {  	v41 =	vmul.f32 v41, v32  }
0x3ab: {  	v39 =	vmul.f32 v39, v38  }
0x3ac: {  	v57 =	vld [tilespmem:$0x1E500];
	v41 =	vadd.f32 v41, v55  }
0x3ad: {  	v58 =	vld [tilespmem:$0x1E500];
	v39 =	vadd.f32 v39, v56  }
0x3ae: {  	v59 =	vmul.f32 $9.999999770e-03, v41  }
0x3af: {  	v60 =	vmul.f32 $9.999999770e-03, v39  }
0x3b0: {  	v41 =	vmax.f32 v41, v59  }
0x3b1: {  	v41 =	vmul.f32 v41, v57;
	v39 =	vmax.f32 v39, v60  }
0x3b2: {  	v39 =	vmul.f32 v39, v58  }
0x3b3: {  	[tilespmem:s8+$0xFFFFFFB0] =	vst v41  }
0x3b4: {  	v41 =	vld [tilespmem:s10+$0xFFFFFFB0];
	[tilespmem:s5+$0xFFFFFFB0] =	vst v39  }
0x3b5: {  	v39 =	vld [tilespmem:s15+$0xFFFFFFB0]  }
0x3b6: {  	v61 =	vld [tilespmem:$0x1E440]  }
0x3b7: {  	v62 =	vld [tilespmem:$0x1E440];
	_ =	sdelay $0x1  }
0x3b8: {  	v41 =	vmul.f32 v41, v32  }
0x3b9: {  	v39 =	vmul.f32 v39, v38  }
0x3ba: {  	v63 =	vld [tilespmem:$0x1E500];
	v41 =	vadd.f32 v41, v61  }
0x3bb: {  	v54 =	vld [tilespmem:$0x1E500];
	v39 =	vadd.f32 v39, v62  }
0x3bc: {  	[tilespmem:s19+$0xFFFFFFC0] =	vst v40;
	s11 =	sadd.s32 $0x1, s11;
	v55 =	vmul.f32 $9.999999770e-03, v41  }
0x3bd: {  	v51 =	vmov s11;
	v56 =	vld [tilespmem:s21+$0xFFFFFFC0];
	v57 =	vmul.f32 $9.999999770e-03, v39  }
0x3be: {  	v51 =	vmul.u32 $0x90, v51;
	v40 =	vmax.f32 v41, v55  }
0x3bf: {  	v58 =	vld [tilespmem:$0x1E450];
	v40 =	vmul.f32 v40, v63;
	v39 =	vmax.f32 v39, v57  }
0x3c0: {  	s16 =	sadd.s32 $0x1, s16;
	v59 =	vadd.s32 $0x80, v51;
	v39 =	vmul.f32 v39, v54  }
0x3c1: {  	v60 =	vld [tilespmem:$0x1E500];
	v61 =	vbroadcast v59, $0x0;
	v59 =	vmov s16;
	[tilespmem:s8+$0xFFFFFFC0] =	vst v40  }
0x3c2: {  	s4 =	sadd.s32 $0x1, s4;
	v51 =	vmul.u32 $0x90, v59;
	v63 =	vld [tilespmem:s10+$0xFFFFFFC0];
	v62 =	vmul.f32 v56, v30;
	[tilespmem:s5+$0xFFFFFFC0] =	vst v39  }
0x3c3: {  	v56 =	vmov s4;
	v57 =	vld [tilespmem:s15+$0xFFFFFFC0]  }
0x3c4: {  	v51 =	vadd.s32 $0x80, v51;
	v41 =	vadd.f32 v62, v58;
	v58 =	vld [tilespmem:$0x1E450];
	v39 =	vmul.u32 $0x90, v56  }
0x3c5: {  	v51 =	vbroadcast v51, $0x0;
	v52 =	vld [tilespmem:$0x1E450]  }
0x3c6: {  	v53 =	vmul.f32 $9.999999770e-03, v41;
	v39 =	vadd.s32 $0x80, v39  }
0x3c7: {  	v43 =	vmul.f32 v63, v32;
	v39 =	vbroadcast v39, $0x0  }
0x3c8: {  	v40 =	vld.idx.msk [tilespmem:v61+s25+$0x0], $0xffff;
	v41 =	vmax.f32 v41, v53;
	v50 =	vmul.f32 v57, v38  }
0x3c9: {  	v41 =	vmul.f32 v41, v60;
	v60 =	vld [tilespmem:$0x1E500];
	v42 =	vadd.f32 v43, v58  }
0x3ca: {  	v61 =	vld [tilespmem:$0x1E500];
	v50 =	vadd.f32 v50, v52  }
0x3cb: {  	v55 =	vld.idx.msk [tilespmem:v51+s25+$0x0], $0xffff;
	[tilespmem:s19+$0xFFFFFFD0] =	vst v41;
	v62 =	vmul.f32 $9.999999770e-03, v42  }
0x3cc: {  	v63 =	vld [tilespmem:s21+$0xFFFFFFD0];
	v54 =	vmul.f32 $9.999999770e-03, v50  }
0x3cd: {  	v40 =	vadd.f32 $1.000000020e-16, v40;
	v41 =	vmax.f32 v42, v62;
	v39 =	vld.idx.msk [tilespmem:v39+s25+$0x0], $0xffff  }
0x3ce: {  	v41 =	vmul.f32 v41, v60;
	v57 =	vld [tilespmem:$0x1E460];
	v56 =	vmax.f32 v50, v54  }
0x3cf: {  	(erf) = vrcp.f32 v40;
	v59 =	vld [tilespmem:$0x1E500];
	v58 =	vmul.f32 v56, v61  }
0x3d0: {  	[tilespmem:s8+$0xFFFFFFD0] =	vst v41;
	v52 =	vld [tilespmem:s21+$0x0]  }
0x3d1: {  	v41 =	vld [tilespmem:s10+$0xFFFFFFD0];
	v60 =	vmul.f32 v63, v30;
	[tilespmem:s5+$0xFFFFFFD0] =	vst v58  }
0x3d2: {  	v39 =	vadd.f32 $1.000000020e-16, v39;
	v61 =	vld [tilespmem:s15+$0xFFFFFFD0]  }
0x3d3: {  	v42 =	vadd.f32 $1.000000020e-16, v55;
	v62 =	vld [tilespmem:$0x1E460];
	v40 =	vadd.f32 v60, v57  }
0x3d4: {  	(erf) = vrcp.f32 v39;
	v63 =	vld [tilespmem:$0x1E460]  }
0x3d5: {  	v56 =	vmul.f32 $9.999999770e-03, v40;
	(erf) = vrcp.f32 v42  }
0x3d6: {  	v41 =	vmul.f32 v41, v32  }
0x3d7: {  	v53 =	vld [tilespmem:s10+$0x0];
	v40 =	vmax.f32 v40, v56;
	v49 =	vmul.f32 v61, v38  }
0x3d8: {  	v57 =	vld [tilespmem:$0x1E500];
	v41 =	vadd.f32 v41, v62;
	v40 =	vmul.f32 v40, v59;
	v39 =	vpop (erf)  }
0x3d9: {  	v59 =	vld [tilespmem:$0x1E500];
	v58 =	vmul.f32 v39, v52;
	v49 =	vadd.f32 v49, v63  }
0x3da: {  	v60 =	vmul.f32 $9.999999770e-03, v41;
	[tilespmem:s19+$0xFFFFFFE0] =	vst v40;
	v61 =	vld [tilespmem:s15+$0x0]  }
0x3db: {  	v43 =	vld [tilespmem:$0x1E500];
	v35 =	vadd.f32 v58, v35;
	v62 =	vmul.f32 $9.999999770e-03, v49  }
0x3dc: {  	v50 =	vmax.f32 v41, v60  }
0x3dd: {  	v50 =	vmul.f32 v50, v57;
	v63 =	vmul.f32 $9.999999770e-03, v35;
	v41 =	vpop (erf);
	v40 =	vmax.f32 v49, v62  }
0x3de: {  	v56 =	vmul.f32 v41, v53;
	v42 =	vpop (erf);
	v51 =	vmul.f32 v40, v59  }
0x3df: {  	[tilespmem:s8+$0xFFFFFFE0] =	vst v50;
	v35 =	vmax.f32 v35, v63;
	v57 =	vmul.f32 v42, v61  }
0x3e0: {  	v58 =	vmul.f32 v35, v43;
	v40 =	vld [tilespmem:$0x1E500];
	v37 =	vadd.f32 v56, v37;
	[tilespmem:s5+$0xFFFFFFE0] =	vst v51  }
0x3e1: {  	v48 =	vadd.f32 v57, v48;
	v35 =	vld [tilespmem:$0x1E500]  }
0x3e2: {  	[tilespmem:s19+$0x0] =	vst v58;
	v59 =	vmul.f32 $9.999999770e-03, v37  }
0x3e3: {  	v61 =	vld [tilespmem:s21+$0x10];
	v60 =	vmul.f32 $9.999999770e-03, v48  }
0x3e4: {  	v37 =	vmax.f32 v37, v59  }
0x3e5: {  	v63 =	vld [tilespmem:$0x1E410];
	v37 =	vmul.f32 v37, v40;
	v48 =	vmax.f32 v48, v60  }
0x3e6: {  	v62 =	vmul.f32 $9.999999770e-03, v46;
	v48 =	vmul.f32 v48, v35  }
0x3e7: {  	v52 =	vld [tilespmem:$0x1E500];
	[tilespmem:s8+$0x0] =	vst v37  }
0x3e8: {  	v54 =	vmax.f32 v46, v62;
	v56 =	vmul.f32 v61, v39;
	v55 =	vld [tilespmem:s10+$0x10];
	[tilespmem:s5+$0x0] =	vst v48  }
0x3e9: {  	v37 =	vmul.f32 v54, v45;
	v48 =	vld [tilespmem:s15+$0x10]  }
0x3ea: {  	v57 =	vld [tilespmem:$0x1E410];
	v58 =	vadd.f32 v56, v63  }
0x3eb: {  	[tilespmem:s20+$0x10] =	vst v37;
	v59 =	vld [tilespmem:$0x1E410]  }
0x3ec: {  	v60 =	vld [tilespmem:s31+$0x20];
	v61 =	vmul.f32 $9.999999770e-03, v58  }
0x3ed: {  	v46 =	vmul.f32 v55, v41  }
0x3ee: {  	v62 =	vld [tilespmem:$0x1E420];
	v37 =	vmax.f32 v58, v61;
	v48 =	vmul.f32 v48, v42  }
0x3ef: {  	v63 =	vld [tilespmem:$0x1E500];
	v37 =	vmul.f32 v37, v52;
	v46 =	vadd.f32 v46, v57  }
0x3f0: {  	v54 =	vld [tilespmem:$0x1E500];
	v45 =	vadd.f32 v48, v59  }
0x3f1: {  	v55 =	vmul.f32 v60, v33;
	[tilespmem:s19+$0x10] =	vst v37;
	v56 =	vmul.f32 $9.999999770e-03, v46  }
0x3f2: {  	v44 =	vmul.f32 v47, v44;
	v60 =	vld [tilespmem:s21+$0x20];
	v58 =	vmul.f32 $9.999999770e-03, v45  }
0x3f3: {  	v57 =	vld [tilespmem:$0x1E500];
	v59 =	vadd.f32 v55, v62;
	v46 =	vmax.f32 v46, v56  }
0x3f4: {  	[tilespmem:s22+$0x40] =	vst v44;
	v62 =	vld [tilespmem:$0x1E420];
	v46 =	vmul.f32 v46, v63;
	v37 =	vmax.f32 v45, v58  }
0x3f5: {  	v50 =	vld [tilespmem:s7+$0x50];
	v61 =	vmul.f32 $9.999999770e-03, v59;
	v37 =	vmul.f32 v37, v54  }
0x3f6: {  	v47 =	vld [tilespmem:$0x1E500];
	[tilespmem:s8+$0x10] =	vst v46  }
0x3f7: {  	v56 =	vmul.f32 v60, v39;
	v44 =	vmax.f32 v59, v61;
	v63 =	vld [tilespmem:s10+$0x20];
	[tilespmem:s5+$0x10] =	vst v37  }
0x3f8: {  	v55 =	vmul.f32 v44, v57;
	v57 =	vld [tilespmem:s15+$0x20]  }
0x3f9: {  	v58 =	vld [tilespmem:$0x1E420];
	v59 =	vadd.f32 v56, v62  }
0x3fa: {  	[tilespmem:s20+$0x20] =	vst v55;
	v60 =	vld [tilespmem:$0x1E420]  }
0x3fb: {  	v62 =	vmul.f32 $9.999999770e-03, v59;
	v61 =	vld [tilespmem:s31+$0x30]  }
0x3fc: {  	v53 =	vld [tilespmem:$0x1E470];
	v45 =	vmul.f32 v63, v41  }
0x3fd: {  	v37 =	vmax.f32 v59, v62;
	v63 =	vld [tilespmem:$0x1E430];
	v46 =	vmul.f32 v57, v42  }
0x3fe: {  	v56 =	vld [tilespmem:$0x1E500];
	v37 =	vmul.f32 v37, v47;
	v45 =	vadd.f32 v45, v58  }
0x3ff: {  	v57 =	vld [tilespmem:$0x1E500];
	v44 =	vadd.f32 v46, v60  }
0x400: {  	v51 =	vld [tilespmem:$0x1E450];
	[tilespmem:s19+$0x20] =	vst v37;
	v58 =	vmul.f32 v61, v33;
	v59 =	vmul.f32 $9.999999770e-03, v45  }
0x401: {  	v62 =	vld [tilespmem:s21+$0x30];
	v61 =	vmul.f32 $9.999999770e-03, v44  }
0x402: {  	v60 =	vld [tilespmem:$0x1E500];
	v47 =	vadd.f32 v58, v63;
	v45 =	vmax.f32 v45, v59  }
0x403: {  	v50 =	vmul.f32 v50, v31;
	v54 =	vld [tilespmem:$0x1E500];
	v45 =	vmul.f32 v45, v56;
	v37 =	vmax.f32 v44, v61  }
0x404: {  	v55 =	vmul.f32 $9.999999770e-03, v47;
	v56 =	vld [tilespmem:$0x1E430];
	v37 =	vmul.f32 v37, v57  }
0x405: {  	v63 =	vadd.f32 v50, v51;
	v51 =	vld [tilespmem:$0x1E500];
	[tilespmem:s8+$0x20] =	vst v45  }
0x406: {  	v59 =	vmul.f32 v62, v39;
	v44 =	vmax.f32 v47, v55;
	v45 =	vld [tilespmem:s10+$0x30];
	[tilespmem:s5+$0x20] =	vst v37  }
0x407: {  	v57 =	vmul.f32 $9.999999770e-03, v63;
	v44 =	vmul.f32 v44, v60;
	v60 =	vld [tilespmem:s15+$0x30]  }
0x408: {  	v61 =	vld [tilespmem:$0x1E430]  }
0x409: {  	v58 =	vmax.f32 v63, v57;
	[tilespmem:s20+$0x30] =	vst v44;
	v62 =	vadd.f32 v59, v56;
	v63 =	vld [tilespmem:$0x1E430]  }
0x40a: {  	v37 =	vmul.f32 v58, v54;
	v56 =	vld [tilespmem:s31+$0x40]  }
0x40b: {  	v59 =	vld [tilespmem:$0x1E500];
	v57 =	vmul.f32 $9.999999770e-03, v62;
	v45 =	vmul.f32 v45, v41  }
0x40c: {  	v58 =	vld [tilespmem:$0x1E440];
	[tilespmem:s22+$0x50] =	vst v37;
	v47 =	vmul.f32 v60, v42  }
0x40d: {  	v48 =	vld [tilespmem:s7+$0x60];
	v44 =	vmax.f32 v62, v57;
	v45 =	vadd.f32 v45, v61  }
0x40e: {  	v44 =	vmul.f32 v44, v51;
	v60 =	vld [tilespmem:$0x1E500];
	v46 =	vadd.f32 v47, v63  }
0x40f: {  	v61 =	vld [tilespmem:$0x1E460];
	v37 =	vmul.f32 v56, v33;
	v62 =	vmul.f32 $9.999999770e-03, v45  }
0x410: {  	[tilespmem:s19+$0x30] =	vst v44;
	v63 =	vld [tilespmem:$0x1E500];
	v56 =	vmul.f32 $9.999999770e-03, v46  }
0x411: {  	v37 =	vadd.f32 v37, v58;
	v57 =	vld [tilespmem:s21+$0x40];
	v45 =	vmax.f32 v45, v62  }
0x412: {  	v51 =	vld [tilespmem:$0x1E500];
	v45 =	vmul.f32 v45, v59;
	v44 =	vmax.f32 v46, v56  }
0x413: {  	v58 =	vmul.f32 $9.999999770e-03, v37;
	v59 =	vld [tilespmem:$0x1E440];
	v44 =	vmul.f32 v44, v60  }
0x414: {  	[tilespmem:s8+$0x30] =	vst v45;
	v60 =	vmul.f32 v48, v31;
	v48 =	vld [tilespmem:$0x1E500]  }
0x415: {  	v37 =	vmax.f32 v37, v58;
	v45 =	vld [tilespmem:s10+$0x40];
	[tilespmem:s5+$0x30] =	vst v44  }
0x416: {  	v37 =	vmul.f32 v37, v63;
	v62 =	vmul.f32 v57, v39;
	v61 =	vadd.f32 v60, v61;
	v63 =	vld [tilespmem:s15+$0x40]  }
0x417: {  	v56 =	vld [tilespmem:$0x1E440]  }
0x418: {  	[tilespmem:s20+$0x40] =	vst v37;
	v58 =	vadd.f32 v62, v59;
	v59 =	vld [tilespmem:$0x1E440];
	v57 =	vmul.f32 $9.999999770e-03, v61  }
0x419: {  	v60 =	vld [tilespmem:s31+$0x50]  }
0x41a: {  	v45 =	vmul.f32 v45, v41;
	v44 =	vmax.f32 v61, v57;
	v61 =	vmul.f32 $9.999999770e-03, v58  }
0x41b: {  	v62 =	vld [tilespmem:$0x1E450];
	v47 =	vmul.f32 v63, v42  }
0x41c: {  	v45 =	vadd.f32 v45, v56;
	v37 =	vmax.f32 v58, v61;
	v63 =	vld [tilespmem:$0x1E500]  }
0x41d: {  	v57 =	vld [tilespmem:$0x1E500];
	v44 =	vmul.f32 v44, v51;
	v37 =	vmul.f32 v37, v48;
	v56 =	vadd.f32 v47, v59  }
0x41e: {  	v36 =	vadd.f32 v36, v53;
	v53 =	vld [tilespmem:$0x1E470];
	v58 =	vmul.f32 v60, v33;
	v59 =	vmul.f32 $9.999999770e-03, v45  }
0x41f: {  	v60 =	vld [tilespmem:$0x1E500];
	[tilespmem:s19+$0x40] =	vst v37;
	v61 =	vmul.f32 $9.999999770e-03, v56  }
0x420: {  	[tilespmem:s22+$0x60] =	vst v44;
	v48 =	vadd.f32 v58, v62;
	v62 =	vld [tilespmem:s21+$0x50];
	v45 =	vmax.f32 v45, v59  }
0x421: {  	v47 =	vld [tilespmem:s7+$0x70];
	v45 =	vmul.f32 v45, v63;
	v37 =	vmax.f32 v56, v61  }
0x422: {  	v54 =	vld [tilespmem:$0x1E450];
	v37 =	vmul.f32 v37, v57  }
0x423: {  	v46 =	vld [tilespmem:$0x1E500];
	v63 =	vmul.f32 $9.999999770e-03, v48;
	[tilespmem:s8+$0x40] =	vst v45  }
0x424: {  	v45 =	vld [tilespmem:s10+$0x50];
	[tilespmem:s5+$0x40] =	vst v37  }
0x425: {  	v44 =	vmax.f32 v48, v63;
	v56 =	vmul.f32 v62, v39;
	v57 =	vld [tilespmem:s15+$0x50]  }
0x426: {  	v55 =	vmul.f32 v44, v60;
	v58 =	vld [tilespmem:$0x1E450]  }
0x427: {  	v60 =	vld [tilespmem:$0x1E450];
	v59 =	vadd.f32 v56, v54  }
0x428: {  	v49 =	vld [tilespmem:$0x1E470];
	[tilespmem:s20+$0x50] =	vst v55  }
0x429: {  	v61 =	vld [tilespmem:s31+$0x60];
	v62 =	vmul.f32 $9.999999770e-03, v59;
	v45 =	vmul.f32 v45, v41  }
0x42a: {  	v63 =	vld [tilespmem:$0x1E500];
	v48 =	vmul.f32 v57, v42  }
0x42b: {  	v55 =	vld [tilespmem:$0x1E460];
	v37 =	vmax.f32 v59, v62;
	v45 =	vadd.f32 v45, v58  }
0x42c: {  	v37 =	vmul.f32 v37, v46;
	v46 =	vld [tilespmem:$0x1E500];
	v44 =	vadd.f32 v48, v60  }
0x42d: {  	v52 =	vld [tilespmem:$0x1E500];
	v31 =	vmul.f32 v47, v31;
	v60 =	vmul.f32 $9.999999770e-03, v45  }
0x42e: {  	v47 =	vld [tilespmem:s10+$0xFFFFFFE0];
	v50 =	vmul.f32 v61, v33;
	[tilespmem:s19+$0x50] =	vst v37;
	v61 =	vmul.f32 $9.999999770e-03, v44  }
0x42f: {  	v62 =	vld [tilespmem:s21+$0x60];
	v45 =	vmax.f32 v45, v60  }
0x430: {  	v56 =	vld [tilespmem:$0x1E500];
	v50 =	vadd.f32 v50, v55;
	v45 =	vmul.f32 v45, v63;
	v37 =	vmax.f32 v44, v61  }
0x431: {  	v57 =	vld [tilespmem:$0x1E460];
	v37 =	vmul.f32 v37, v46  }
0x432: {  	v48 =	vld [tilespmem:s21+$0xFFFFFFE0];
	v63 =	vmul.f32 $9.999999770e-03, v50;
	[tilespmem:s8+$0x50] =	vst v45  }
0x433: {  	v45 =	vld [tilespmem:s10+$0x60];
	[tilespmem:s5+$0x50] =	vst v37  }
0x434: {  	v44 =	vmax.f32 v50, v63;
	v59 =	vmul.f32 v62, v39;
	v50 =	vld [tilespmem:s15+$0x60]  }
0x435: {  	v60 =	vld [tilespmem:$0x1E460]  }
0x436: {  	v58 =	vmul.f32 v44, v56;
	v62 =	vld [tilespmem:$0x1E460];
	v61 =	vadd.f32 v59, v57  }
0x437: {  	v46 =	vld [tilespmem:$0x1E500]  }
0x438: {  	v54 =	vld [tilespmem:$0x1E470];
	[tilespmem:s20+$0x60] =	vst v58;
	v57 =	vmul.f32 $9.999999770e-03, v61;
	v45 =	vmul.f32 v45, v41  }
0x439: {  	v63 =	vld [tilespmem:s31+$0x70];
	v50 =	vmul.f32 v50, v42  }
0x43a: {  	v37 =	vmax.f32 v61, v57;
	v45 =	vadd.f32 v45, v60;
	v57 =	vld [tilespmem:$0x1E500]  }
0x43b: {  	v30 =	vmul.f32 v48, v30;
	v59 =	vld [tilespmem:$0x1E500];
	v44 =	vadd.f32 v50, v62  }
0x43c: {  	v56 =	vld [tilespmem:$0x1E470];
	v37 =	vmul.f32 v37, v46;
	v60 =	vmul.f32 $9.999999770e-03, v45  }
0x43d: {  	v31 =	vadd.f32 v31, v49;
	v58 =	vld [tilespmem:$0x1E500];
	v61 =	vmul.f32 $9.999999770e-03, v44  }
0x43e: {  	v30 =	vadd.f32 v30, v54;
	v46 =	vld [tilespmem:s15+$0xFFFFFFE0];
	[tilespmem:s19+$0x60] =	vst v37;
	v45 =	vmax.f32 v45, v60  }
0x43f: {  	v54 =	vmul.f32 $9.999999770e-03, v31;
	v50 =	vld [tilespmem:s21+$0x70];
	v45 =	vmul.f32 v45, v57;
	v37 =	vmax.f32 v44, v61  }
0x440: {  	v63 =	vmul.f32 v63, v33;
	v44 =	vld [tilespmem:$0x1E470];
	v37 =	vmul.f32 v37, v59  }
0x441: {  	[tilespmem:s8+$0x60] =	vst v45;
	v45 =	vld [tilespmem:$0x1E470]  }
0x442: {  	v31 =	vmax.f32 v31, v54;
	v62 =	vmul.f32 $9.999999770e-03, v36;
	v33 =	vadd.f32 v63, v56;
	v55 =	vld [tilespmem:s10+$0x70];
	[tilespmem:s5+$0x60] =	vst v37  }
0x443: {  	v31 =	vmul.f32 v31, v52;
	v60 =	vmul.f32 v47, v32;
	v59 =	vld [tilespmem:s15+$0x70]  }
0x444: {  	v36 =	vmax.f32 v36, v62;
	v57 =	vmul.f32 $9.999999770e-03, v30;
	v62 =	vmul.f32 $9.999999770e-03, v33;
	v61 =	vld [tilespmem:$0x1E470]  }
0x445: {  	v34 =	vmul.f32 v36, v34;
	v32 =	vadd.f32 v60, v53;
	v39 =	vmul.f32 v50, v39;
	v63 =	vld [tilespmem:$0x1E470]  }
0x446: {  	v38 =	vmul.f32 v46, v38;
	v30 =	vmax.f32 v30, v57;
	v33 =	vmax.f32 v33, v62  }
0x447: {  	v53 =	vld [tilespmem:$0x1E500];
	v30 =	vmul.f32 v30, v43;
	v52 =	vadd.f32 v39, v44;
	v36 =	vmul.f32 v55, v41  }
0x448: {  	v54 =	vmul.f32 $9.999999770e-03, v32;
	v38 =	vadd.f32 v38, v45;
	v42 =	vmul.f32 v59, v42  }
0x449: {  	[tilespmem:s22+$0x70] =	vst v31;
	v33 =	vmul.f32 v33, v58;
	v56 =	vld [tilespmem:$0x1E500];
	v55 =	vmul.f32 $9.999999770e-03, v52;
	v36 =	vadd.f32 v36, v61  }
0x44a: {  	[tilespmem:s20+$0xFFFFFFF0] =	vst v34;
	v31 =	vmax.f32 v32, v54;
	v57 =	vmul.f32 $9.999999770e-03, v38;
	v59 =	vld [tilespmem:$0x1E500];
	v58 =	vadd.f32 v42, v63  }
0x44b: {  	[tilespmem:s19+$0xFFFFFFF0] =	vst v30;
	v30 =	vmul.f32 v31, v40;
	v31 =	vmax.f32 v52, v55;
	v60 =	vmul.f32 $9.999999770e-03, v36  }
0x44c: {  	[tilespmem:s20+$0x70] =	vst v33;
	v31 =	vmul.f32 v31, v53;
	v32 =	vmax.f32 v38, v57;
	v61 =	vmul.f32 $9.999999770e-03, v58  }
0x44d: {  	[tilespmem:s8+$0xFFFFFFF0] =	vst v30;
	v30 =	vmul.f32 v32, v35;
	v62 =	vmax.f32 v36, v60  }
0x44e: {  	[tilespmem:s19+$0x70] =	vst v31;
	v31 =	vmul.f32 v62, v56;
	v63 =	vmax.f32 v58, v61  }
0x44f: {  	[tilespmem:s5+$0xFFFFFFF0] =	vst v30;
	v30 =	vmul.f32 v63, v59  }
0x450: {  	s13 =	sadd.s32 $0x1, s13;
	s29 =	rddreg [dreg:$0xe];
	[tilespmem:s8+$0x70] =	vst v31  }
0x451: {  	p0 =	sne.s32 s13, $0xA;
	s4 =	sadd.s32 s29, s17;
	[tilespmem:s5+$0x70] =	vst v30  }
0x452: {  	s31 =	simm.s32 $0x1C400;
	s4 =	sshll.u32 s4, $0x4;
	s5 =	rddreg [dreg:$0xd]  }
.Ltmp5:
0x453: {  	s4 =	sadd.s32 s5, s4;
	s5 =	simm.s32 $0x0;
	(pc) =	sbr.rel @p0 .LBB2_10-.Ltmp5, $4  }
0x454: {  	[hbm4b:s4+s5] =	stream.linear.scatter [tilespmem:s31], [sflag:$0x5], $0x2000, $0x38;
	[tilespmem:$0x1E520] =	vst v63  }
0x455: {  	_ =	swait.ge [sflag:s24], $0x2000  }
0x456: {  	[sflag:s24] =	ssyncset.done $0x0  }
0x457: {  	[sflag:s24] =	ssyncadd.s32 $0xFFFFE000  }
0x458: {  	s4 =	sshra.s32 s5, $0x2;
	s5 =	sadd.s32 $0x240, s5  }
.LBB2_14:
0x459: {  	p0 =	sne.s32 s5, $0x8DC0;
	[tilespmem:s4+$0x17C80] =	vst v4  }
0x45a: {  	[tilespmem:s4+$0x17C00] =	vst v4  }
0x45b: {  	[tilespmem:s4+$0x17C10] =	vst v4  }
0x45c: {  	[tilespmem:s4+$0x17C20] =	vst v4  }
.Ltmp6:
0x45d: {  	[tilespmem:s4+$0x17C30] =	vst v4;
	(pc) =	sbr.rel @p0 .LBB2_14-.Ltmp6, $4  }
0x45e: {  	[tilespmem:s4+$0x17C40] =	vst v4  }
0x45f: {  	[tilespmem:s4+$0x17C50] =	vst v4  }
0x460: {  	[tilespmem:s4+$0x17C60] =	vst v4  }
0x461: {  	[tilespmem:s4+$0x17C70] =	vst v4;
	s4 =	sshra.s32 s5, $0x2;
	s5 =	sadd.s32 $0x240, s5  }
0x462: {  	[tilespmem:s4+$0x17C80] =	vst v4  }
0x463: {  	[tilespmem:s4+$0x17C00] =	vst v4  }
0x464: {  	[tilespmem:s4+$0x17C10] =	vst v4  }
0x465: {  	[tilespmem:s4+$0x17C20] =	vst v4  }
0x466: {  	[tilespmem:s4+$0x17C30] =	vst v4  }
0x467: {  	[tilespmem:s4+$0x17C40] =	vst v4  }
0x468: {  	[tilespmem:s4+$0x17C50] =	vst v4  }
0x469: {  	[tilespmem:s4+$0x17C60] =	vst v4  }
0x46a: {  	[tilespmem:s4+$0x17C70] =	vst v4;
	s22 =	rddreg [dreg:$0x19]  }
0x46b: {  	[spmem:s22] =	stream.linear.scatter [tilespmem:s25], [sflag:$0x5], $0x2400, $0x38;
	[tilespmem:$0x1E520] =	vst v63  }
0x46c: {  	_ =	swait.ge [sflag:s24], $0x2400  }
0x46d: {  	[sflag:s24] =	ssyncset.done $0x0  }
0x46e: {  	s5 =	rddreg [dreg:$0x1b];
	[sflag:s24] =	ssyncadd.s32 $0xFFFFDC00  }
0x46f: {  	[spmem:s5] =	stream.linear.scatter [tilespmem:s25], [sflag:$0x5], $0x2400, $0x38;
	[tilespmem:$0x1E520] =	vst v63  }
0x470: {  	_ =	swait.ge [sflag:s24], $0x2400  }
0x471: {  	[sflag:s24] =	ssyncset.done $0x0  }
0x472: {  	s7 =	rddreg [dreg:$0x1c];
	[sflag:s24] =	ssyncadd.s32 $0xFFFFDC00  }
0x473: {  	[spmem:s7] =	stream.linear.scatter [tilespmem:s25], [sflag:$0x5], $0x2400, $0x38;
	[tilespmem:$0x1E520] =	vst v63  }
0x474: {  	_ =	swait.ge [sflag:s24], $0x2400  }
0x475: {  	[sflag:s24] =	ssyncset.done $0x0  }
0x476: {  	s8 =	rddreg [dreg:$0x1d];
	[sflag:s24] =	ssyncadd.s32 $0xFFFFDC00  }
0x477: {  	[spmem:s8] =	stream.linear.scatter [tilespmem:s25], [sflag:$0x5], $0x2400, $0x38;
	[tilespmem:$0x1E520] =	vst v63  }
0x478: {  	_ =	swait.ge [sflag:s24], $0x2400  }
0x479: {  	[sflag:s24] =	ssyncset.done $0x0  }
0x47a: {  	s10 =	rddreg [dreg:$0x1e];
	[sflag:s24] =	ssyncadd.s32 $0xFFFFDC00  }
0x47b: {  	[spmem:s10] =	stream.linear.scatter [tilespmem:s25], [sflag:$0x5], $0x2400, $0x38;
	[tilespmem:$0x1E520] =	vst v63  }
0x47c: {  	_ =	swait.ge [sflag:s24], $0x2400  }
0x47d: {  	[sflag:s24] =	ssyncset.done $0x0  }
0x47e: {  	s11 =	rddreg [dreg:$0x1f];
	[sflag:s24] =	ssyncadd.s32 $0xFFFFDC00  }
0x47f: {  	[spmem:s11] =	stream.linear.scatter [tilespmem:s25], [sflag:$0x5], $0x2400, $0x38;
	[tilespmem:$0x1E520] =	vst v63  }
0x480: {  	_ =	swait.ge [sflag:s24], $0x2400  }
0x481: {  	s12 =	sld [smem:$0x7FA]  }
0x482: {  	[sflag:s24] =	ssyncset.done $0x0  }
0x483: {  	[sflag:s24] =	ssyncadd.s32 $0xFFFFDC00  }
0x484: {  	[spmem:s12] =	stream.linear.scatter [tilespmem:s25], [sflag:$0x5], $0x2400, $0x38;
	[tilespmem:$0x1E520] =	vst v63  }
0x485: {  	_ =	swait.ge [sflag:s24], $0x2400  }
0x486: {  	s13 =	sld [smem:$0x7FB]  }
0x487: {  	[sflag:s24] =	ssyncset.done $0x0  }
0x488: {  	[sflag:s24] =	ssyncadd.s32 $0xFFFFDC00  }
0x489: {  	[spmem:s13] =	stream.linear.scatter [tilespmem:s25], [sflag:$0x5], $0x2400, $0x38;
	[tilespmem:$0x1E520] =	vst v63  }
0x48a: {  	_ =	swait.ge [sflag:s24], $0x2400  }
0x48b: {  	s15 =	sld [smem:$0x7FC]  }
0x48c: {  	[sflag:s24] =	ssyncset.done $0x0  }
0x48d: {  	[sflag:s24] =	ssyncadd.s32 $0xFFFFDC00  }
0x48e: {  	[spmem:s15] =	stream.linear.scatter [tilespmem:s25], [sflag:$0x5], $0x2400, $0x38;
	[tilespmem:$0x1E520] =	vst v63  }
0x48f: {  	_ =	swait.ge [sflag:s24], $0x2400  }
0x490: {  	s16 =	sld [smem:$0x7FD]  }
0x491: {  	[sflag:s24] =	ssyncset.done $0x0  }
0x492: {  	[sflag:s24] =	ssyncadd.s32 $0xFFFFDC00  }
0x493: {  	[spmem:s16] =	stream.linear.scatter [tilespmem:s25], [sflag:$0x5], $0x2400, $0x38;
	[tilespmem:$0x1E520] =	vst v63  }
0x494: {  	_ =	swait.ge [sflag:s24], $0x2400  }
0x495: {  	[sflag:s24] =	ssyncset.done $0x0  }
0x496: {  	[sflag:s24] =	ssyncadd.s32 $0xFFFFDC00  }
0x497: {  	[bflag:$0x0] =	sbarrier.arrive $0xFFFF  }
0x498: {  	s17 =	rddreg [dreg:$0x15]  }
0x499: {  	s19 =	rddreg [dreg:$0x16]  }
0x49a: {  	s21 =	rddreg [dreg:$0x17]  }
0x49b: {  	s31 =	rddreg [dreg:$0x5]  }
0x49c: {  	s10 =	rddreg [dreg:$0x6]  }
0x49d: {  	s11 =	rddreg [dreg:$0x9]  }
0x49e: {  	s5 =	simm.s32 $0x16800;
	s12 =	simm.s32 $0x0;
	s15 =	rddreg [dreg:$0xb]  }
0x49f: {  	[tilespmem:s5], [sflag:$0x4] =	stream.linear.gather [hbm4b:s17+s12], $0x80, $0x38;
	[tilespmem:$0x1E520] =	vst v63  }
0x4a0: {  	s20 =	simm.s32 $0x16880;
	s29 =	simm.s32 $0x0;
	s16 =	rddreg [dreg:$0x12]  }
0x4a1: {  	[tilespmem:s20], [sflag:$0x4] =	stream.linear.gather [hbm4b:s19+s12], $0x80, $0x38;
	[tilespmem:$0x1E520] =	vst v63  }
0x4a2: {  	s22 =	simm.s32 $0x16900;
	s13 =	simm.s32 $0x0;
	s17 =	rddreg [dreg:$0x14]  }
0x4a3: {  	[tilespmem:s22], [sflag:$0x4] =	stream.linear.gather [hbm4b:s21+s12], $0x80, $0x38;
	[tilespmem:$0x1E520] =	vst v63  }
0x4a4: {  	s19 =	simm.s32 $0x16A80;
	s20 =	simm.s32 $0x16B00;
	s21 =	simm.s32 $0x16980  }
.LBB2_16:
0x4a5: {  	_ =	swait.ge [sflag:s26], $0x80  }
0x4a6: {  	[sflag:s26] =	ssyncset.done $0x0  }
0x4a7: {  	[sflag:s26] =	ssyncadd.s32 $0xFFFFFF80  }
0x4a8: {  	_ =	swait.ge [sflag:s26], $0x80  }
0x4a9: {  	[sflag:s26] =	ssyncset.done $0x0  }
0x4aa: {  	[sflag:s26] =	ssyncadd.s32 $0xFFFFFF80  }
0x4ab: {  	_ =	swait.ge [sflag:s26], $0x80  }
0x4ac: {  	[sflag:s26] =	ssyncset.done $0x0  }
0x4ad: {  	[sflag:s26] =	ssyncadd.s32 $0xFFFFFF80  }
0x4ae: {  	v30 =	vld [tilespmem:$0x16800];
	_ =	sdelay $0x1  }
0x4af: {  	v31 =	vld [tilespmem:$0x16880]  }
0x4b0: {  	v32 =	vld [tilespmem:$0x16810];
	_ =	sdelay $0x1  }
0x4b1: {  	v33 =	vld [tilespmem:$0x16890];
	v30 =	vadd.s32 v30, v3  }
0x4b2: {  	v34 =	vld [tilespmem:$0x16820];
	[tilespmem:$0x16980] =	vst v30  }
0x4b3: {  	[tilespmem:$0x16A80] =	vst v30;
	v30 =	vadd.s32 v31, v3  }
0x4b4: {  	v31 =	vld [tilespmem:$0x168A0];
	[tilespmem:$0x16B00] =	vst v30;
	v30 =	vadd.s32 v32, v3  }
0x4b5: {  	v51 =	vld [tilespmem:$0x16830];
	[tilespmem:$0x16990] =	vst v30  }
0x4b6: {  	[tilespmem:$0x16A90] =	vst v30;
	v30 =	vadd.s32 v33, v3  }
0x4b7: {  	v52 =	vld [tilespmem:$0x168B0];
	[tilespmem:$0x16B10] =	vst v30;
	v30 =	vadd.s32 v34, v3  }
0x4b8: {  	v53 =	vld [tilespmem:$0x16840];
	[tilespmem:$0x169A0] =	vst v30  }
0x4b9: {  	[tilespmem:$0x16AA0] =	vst v30;
	v30 =	vadd.s32 v31, v3  }
0x4ba: {  	v31 =	vld [tilespmem:$0x168C0];
	[tilespmem:$0x16B20] =	vst v30;
	v30 =	vadd.s32 v51, v3  }
0x4bb: {  	v54 =	vld [tilespmem:$0x16850];
	[tilespmem:$0x169B0] =	vst v30  }
0x4bc: {  	[tilespmem:$0x16AB0] =	vst v30;
	v30 =	vadd.s32 v52, v3  }
0x4bd: {  	v55 =	vld [tilespmem:$0x168D0];
	[tilespmem:$0x16B30] =	vst v30;
	v30 =	vadd.s32 v53, v3  }
0x4be: {  	v56 =	vld [tilespmem:$0x16860];
	[tilespmem:$0x169C0] =	vst v30  }
0x4bf: {  	[tilespmem:$0x16AC0] =	vst v30;
	v30 =	vadd.s32 v31, v3  }
0x4c0: {  	v31 =	vld [tilespmem:$0x168E0];
	[tilespmem:$0x16B40] =	vst v30;
	v30 =	vadd.s32 v54, v3  }
0x4c1: {  	v57 =	vld [tilespmem:$0x16870];
	[tilespmem:$0x169D0] =	vst v30  }
0x4c2: {  	[tilespmem:$0x16AD0] =	vst v30;
	v30 =	vadd.s32 v55, v3  }
0x4c3: {  	v58 =	vld [tilespmem:$0x168F0];
	[tilespmem:$0x16B50] =	vst v30;
	v30 =	vadd.s32 v56, v3  }
0x4c4: {  	[tilespmem:$0x169E0] =	vst v30  }
0x4c5: {  	[tilespmem:$0x16AE0] =	vst v30;
	v30 =	vadd.s32 v31, v3  }
0x4c6: {  	[tilespmem:$0x16B60] =	vst v30;
	v30 =	vadd.s32 v57, v3  }
0x4c7: {  	[tilespmem:$0x169F0] =	vst v30  }
0x4c8: {  	[tilespmem:$0x16AF0] =	vst v30;
	v30 =	vadd.s32 v58, v3  }
0x4c9: {  	p0 =	seq.s32 s13, $0x0;
	[tilespmem:$0x16B70] =	vst v30  }
0x4ca: {  	[tilespmem:s0], [sflag:$0x3] =	stream.indirect.gather [hbm4b:s6+s30], $0x10, s19, s30, $0xb8;
	[tilespmem:$0x1E520] =	vst v63  }
0x4cb: {  	s5 =	simm.s32 @!p0 $0x1  }
0x4cc: {  	[tilespmem:s14], [sflag:$0x3] =	stream.indirect.gather [hbm4b:s6+s30], $0x10, s20, s30, $0xb8;
	[tilespmem:$0x1E520] =	vst v63  }
0x4cd: {  	_ =	swait.ge @!p0 [sflag:s5], $0x2400  }
0x4ce: {  	[sflag:s5] =	ssyncset.done @!p0 $0x0  }
0x4cf: {  	[sflag:s5] =	ssyncadd.s32 @!p0 $0xFFFFDC00;
	s5 =	simm.s32 @!p0 $0x2  }
0x4d0: {  	_ =	swait.ge @!p0 [sflag:s5], $0x2400  }
0x4d1: {  	[sflag:s5] =	ssyncset.done @!p0 $0x0  }
0x4d2: {  	[sflag:s5] =	ssyncadd.s32 @!p0 $0xFFFFDC00  }
0x4d3: {  	v30 =	vld [tilespmem:$0x16880]  }
0x4d4: {  	v31 =	vld [tilespmem:$0x16890]  }
0x4d5: {  	v59 =	vld [tilespmem:$0x168A0]  }
0x4d6: {  	v60 =	vld [tilespmem:$0x168B0]  }
0x4d7: {  	v61 =	vld [tilespmem:$0x168C0]  }
0x4d8: {  	v35 =	vld [tilespmem:$0x168D0];
	v30 =	vadd.s32 v1, v30  }
0x4d9: {  	[tilespmem:$0x16A00] =	vst v30;
	v30 =	vadd.s32 v1, v31;
	v31 =	vld [tilespmem:$0x168E0]  }
0x4da: {  	v62 =	vld [tilespmem:$0x168F0];
	[tilespmem:$0x16A10] =	vst v30;
	v30 =	vadd.s32 v1, v59  }
0x4db: {  	[tilespmem:$0x16A20] =	vst v30;
	v30 =	vadd.s32 v1, v60  }
0x4dc: {  	s4 =	smov.u32 s13;
	[tilespmem:$0x16A30] =	vst v30;
	v30 =	vadd.s32 v1, v61  }
0x4dd: {  	s13 =	sadd.s32 $0x1, s13;
	p0 =	seq.s32 s4, $0x4F;
	[tilespmem:$0x16A40] =	vst v30;
	v30 =	vadd.s32 v1, v35  }
0x4de: {  	s4 =	sadd.s32 @!p0 s16, s13;
	[tilespmem:$0x16A50] =	vst v30;
	v30 =	vadd.s32 v1, v31  }
0x4df: {  	s5 =	sshll.u32 @!p0 s4, $0x4;
	[tilespmem:$0x16A60] =	vst v30;
	v30 =	vadd.s32 v1, v62  }
0x4e0: {  	s8 =	simm.s32 @!p0 $0x16800;
	s4 =	simm.s32 @!p0 $0x0;
	s7 =	sadd.s32 @!p0 s11, s5;
	[tilespmem:$0x16A70] =	vst v30  }
0x4e1: {  	[tilespmem:s8], [sflag:$0x4] =	stream.linear.gather @!p0 [hbm4b:s7+s4], $0x80, $0x38;
	[tilespmem:$0x1E520] =	vst v63  }
0x4e2: {  	s5 =	sadd.s32 @!p0 s15, s5;
	s7 =	simm.s32 @!p0 $0x16880  }
0x4e3: {  	[tilespmem:s7], [sflag:$0x4] =	stream.linear.gather @!p0 [hbm4b:s5+s4], $0x80, $0x38;
	[tilespmem:$0x1E520] =	vst v63  }
0x4e4: {  	_ = 	snop  }
0x4e5: {  	[tilespmem:s25], [sflag:$0x1] =	stream.indirect.gather [hbm4b:s31+s18], $0x90, s21, s18, $0xb8;
	[tilespmem:$0x1E520] =	vst v63  }
0x4e6: {  	s22 =	simm.s32 $0x169C0  }
0x4e7: {  	[tilespmem:s23], [sflag:$0x2] =	stream.indirect.gather [hbm4b:s31+s18], $0x90, s22, s18, $0xb8;
	[tilespmem:$0x1E520] =	vst v63  }
0x4e8: {  	_ =	swait.ge [sflag:s28], $0x800  }
0x4e9: {  	[sflag:s28] =	ssyncset.done $0x0  }
0x4ea: {  	[sflag:s28] =	ssyncadd.s32 $0xFFFFF800  }
0x4eb: {  	_ =	swait.ge [sflag:s28], $0x800  }
0x4ec: {  	[sflag:s28] =	ssyncset.done $0x0  }
0x4ed: {  	[sflag:s28] =	ssyncadd.s32 $0xFFFFF800  }
0x4ee: {  	v30 =	vld.idx.msk [tilespmem:v25+s0+$0x0], $0xffff  }
0x4ef: {  	v31 =	vld.idx.msk [tilespmem:v26+s14+$0x0], $0xffff;
	_ =	sdelay $0x1  }
0x4f0: {  	v63 =	vld [tilespmem:$0x16900];
	_ =	sdelay $0x2  }
0x4f1: {  	v30 =	vadd.f32 v31, v30;
	_ =	sdelay $0x1  }
0x4f2: {  	v30 =	vadd.f32 v63, v30;
	_ =	sdelay $0x1  }
0x4f3: {  	v31 =	vmul.f32 $2.000000030e-01, v30;
	_ =	sdelay $0x1  }
0x4f4: {  	v30 =	vmax.f32 v30, v31  }
0x4f5: {  	v30 =	vmul.f32 $1.442695020e+00, v30;
	_ =	sdelay $0x1  }
0x4f6: {  	(erf) = vpow2.f32 v30;
	_ =	sdelay $0x8  }
0x4f7: {  	v30 =	vpop (erf)  }
0x4f8: {  	[tilespmem:$0x16B80] =	vst v30  }
0x4f9: {  	v30 =	vld.idx.msk [tilespmem:v27+s0+$0x0], $0xffff  }
0x4fa: {  	v31 =	vld.idx.msk [tilespmem:v28+s14+$0x0], $0xffff;
	_ =	sdelay $0x1  }
0x4fb: {  	v36 =	vld [tilespmem:$0x16910];
	_ =	sdelay $0x2  }
0x4fc: {  	v30 =	vadd.f32 v31, v30;
	_ =	sdelay $0x1  }
0x4fd: {  	v30 =	vadd.f32 v36, v30;
	_ =	sdelay $0x1  }
0x4fe: {  	v31 =	vmul.f32 $2.000000030e-01, v30;
	_ =	sdelay $0x1  }
0x4ff: {  	v30 =	vmax.f32 v30, v31  }
0x500: {  	v30 =	vmul.f32 $1.442695020e+00, v30;
	_ =	sdelay $0x1  }
0x501: {  	(erf) = vpow2.f32 v30;
	_ =	sdelay $0x6  }
0x502: {  	v30 =	vor.u32 $0x203, v0;
	_ =	sdelay $0x1  }
0x503: {  	v31 =	vpop (erf)  }
0x504: {  	[tilespmem:$0x16B90] =	vst v31  }
0x505: {  	v31 =	vld.idx.msk [tilespmem:v29+s0+$0x0], $0xffff  }
0x506: {  	v30 =	vld.idx.msk [tilespmem:v30+s14+$0x0], $0xffff;
	_ =	sdelay $0x1  }
0x507: {  	v37 =	vld [tilespmem:$0x16920];
	_ =	sdelay $0x2  }
0x508: {  	v30 =	vadd.f32 v30, v31;
	_ =	sdelay $0x1  }
0x509: {  	v30 =	vadd.f32 v37, v30;
	_ =	sdelay $0x1  }
0x50a: {  	v31 =	vmul.f32 $2.000000030e-01, v30;
	_ =	sdelay $0x1  }
0x50b: {  	v30 =	vmax.f32 v30, v31  }
0x50c: {  	v30 =	vmul.f32 $1.442695020e+00, v30;
	_ =	sdelay $0x1  }
0x50d: {  	(erf) = vpow2.f32 v30;
	_ =	sdelay $0x5  }
0x50e: {  	v30 =	vor.u32 $0x302, v0  }
0x50f: {  	v31 =	vor.u32 $0x303, v0;
	_ =	sdelay $0x1  }
0x510: {  	v38 =	vpop (erf)  }
0x511: {  	[tilespmem:$0x16BA0] =	vst v38  }
0x512: {  	v30 =	vld.idx.msk [tilespmem:v30+s0+$0x0], $0xffff  }
0x513: {  	v31 =	vld.idx.msk [tilespmem:v31+s14+$0x0], $0xffff;
	_ =	sdelay $0x1  }
0x514: {  	v39 =	vld [tilespmem:$0x16930];
	_ =	sdelay $0x2  }
0x515: {  	v30 =	vadd.f32 v31, v30;
	_ =	sdelay $0x1  }
0x516: {  	v30 =	vadd.f32 v39, v30;
	_ =	sdelay $0x1  }
0x517: {  	v31 =	vmul.f32 $2.000000030e-01, v30;
	_ =	sdelay $0x1  }
0x518: {  	v30 =	vmax.f32 v30, v31  }
0x519: {  	v30 =	vmul.f32 $1.442695020e+00, v30;
	_ =	sdelay $0x1  }
0x51a: {  	(erf) = vpow2.f32 v30;
	_ =	sdelay $0x5  }
0x51b: {  	v30 =	vor.u32 $0x402, v0  }
0x51c: {  	v31 =	vor.u32 $0x403, v0;
	_ =	sdelay $0x1  }
0x51d: {  	v40 =	vpop (erf)  }
0x51e: {  	[tilespmem:$0x16BB0] =	vst v40  }
0x51f: {  	v30 =	vld.idx.msk [tilespmem:v30+s0+$0x0], $0xffff  }
0x520: {  	v31 =	vld.idx.msk [tilespmem:v31+s14+$0x0], $0xffff;
	_ =	sdelay $0x1  }
0x521: {  	v41 =	vld [tilespmem:$0x16940];
	_ =	sdelay $0x2  }
0x522: {  	v30 =	vadd.f32 v31, v30;
	_ =	sdelay $0x1  }
0x523: {  	v30 =	vadd.f32 v41, v30;
	_ =	sdelay $0x1  }
0x524: {  	v31 =	vmul.f32 $2.000000030e-01, v30;
	_ =	sdelay $0x1  }
0x525: {  	v30 =	vmax.f32 v30, v31  }
0x526: {  	v30 =	vmul.f32 $1.442695020e+00, v30;
	_ =	sdelay $0x1  }
0x527: {  	(erf) = vpow2.f32 v30;
	_ =	sdelay $0x5  }
0x528: {  	v30 =	vor.u32 $0x502, v0  }
0x529: {  	v31 =	vor.u32 $0x503, v0;
	_ =	sdelay $0x1  }
0x52a: {  	v42 =	vpop (erf)  }
0x52b: {  	[tilespmem:$0x16BC0] =	vst v42  }
0x52c: {  	v30 =	vld.idx.msk [tilespmem:v30+s0+$0x0], $0xffff  }
0x52d: {  	v31 =	vld.idx.msk [tilespmem:v31+s14+$0x0], $0xffff;
	_ =	sdelay $0x1  }
0x52e: {  	v43 =	vld [tilespmem:$0x16950];
	_ =	sdelay $0x2  }
0x52f: {  	v30 =	vadd.f32 v31, v30;
	_ =	sdelay $0x1  }
0x530: {  	v30 =	vadd.f32 v43, v30;
	_ =	sdelay $0x1  }
0x531: {  	v31 =	vmul.f32 $2.000000030e-01, v30;
	_ =	sdelay $0x1  }
0x532: {  	v30 =	vmax.f32 v30, v31  }
0x533: {  	v30 =	vmul.f32 $1.442695020e+00, v30;
	_ =	sdelay $0x1  }
0x534: {  	(erf) = vpow2.f32 v30;
	_ =	sdelay $0x5  }
0x535: {  	v30 =	vor.u32 $0x602, v0  }
0x536: {  	v31 =	vor.u32 $0x603, v0;
	_ =	sdelay $0x1  }
0x537: {  	v44 =	vpop (erf)  }
0x538: {  	[tilespmem:$0x16BD0] =	vst v44  }
0x539: {  	v30 =	vld.idx.msk [tilespmem:v30+s0+$0x0], $0xffff  }
0x53a: {  	v31 =	vld.idx.msk [tilespmem:v31+s14+$0x0], $0xffff;
	_ =	sdelay $0x1  }
0x53b: {  	v45 =	vld [tilespmem:$0x16960];
	_ =	sdelay $0x2  }
0x53c: {  	v30 =	vadd.f32 v31, v30;
	_ =	sdelay $0x1  }
0x53d: {  	v30 =	vadd.f32 v45, v30;
	_ =	sdelay $0x1  }
0x53e: {  	v31 =	vmul.f32 $2.000000030e-01, v30;
	_ =	sdelay $0x1  }
0x53f: {  	v30 =	vmax.f32 v30, v31  }
0x540: {  	v30 =	vmul.f32 $1.442695020e+00, v30;
	_ =	sdelay $0x1  }
0x541: {  	(erf) = vpow2.f32 v30;
	_ =	sdelay $0x5  }
0x542: {  	v30 =	vor.u32 $0x702, v0  }
0x543: {  	v31 =	vor.u32 $0x703, v0;
	_ =	sdelay $0x1  }
0x544: {  	v46 =	vpop (erf)  }
0x545: {  	[tilespmem:$0x16BE0] =	vst v46  }
0x546: {  	v30 =	vld.idx.msk [tilespmem:v30+s0+$0x0], $0xffff  }
0x547: {  	v31 =	vld.idx.msk [tilespmem:v31+s14+$0x0], $0xffff;
	_ =	sdelay $0x1  }
0x548: {  	v47 =	vld [tilespmem:$0x16970];
	_ =	sdelay $0x2  }
0x549: {  	v30 =	vadd.f32 v31, v30;
	_ =	sdelay $0x1  }
0x54a: {  	v30 =	vadd.f32 v47, v30;
	_ =	sdelay $0x1  }
0x54b: {  	v31 =	vmul.f32 $2.000000030e-01, v30;
	_ =	sdelay $0x1  }
0x54c: {  	v30 =	vmax.f32 v30, v31  }
0x54d: {  	v30 =	vmul.f32 $1.442695020e+00, v30;
	_ =	sdelay $0x1  }
0x54e: {  	(erf) = vpow2.f32 v30;
	_ =	sdelay $0x7  }
0x54f: {  	s5 =	sadd.s32 @!p0 s17, s13  }
0x550: {  	s5 =	sshll.u32 @!p0 s5, $0x4;
	v30 =	vpop (erf)  }
0x551: {  	s7 =	simm.s32 @!p0 $0x16900;
	s5 =	sadd.s32 @!p0 s10, s5;
	[tilespmem:$0x16BF0] =	vst v30  }
0x552: {  	[tilespmem:s7], [sflag:$0x4] =	stream.linear.gather @!p0 [hbm4b:s5+s4], $0x80, $0x38;
	[tilespmem:$0x1E520] =	vst v63  }
0x553: {  	_ =	swait.ge [sflag:s1], $0x2400  }
0x554: {  	[sflag:s1] =	ssyncset.done $0x0  }
0x555: {  	[sflag:s1] =	ssyncadd.s32 $0xFFFFDC00  }
0x556: {  	v30 =	vld [tilespmem:$0x16B80];
	_ =	sdelay $0x4  }
0x557: {  	[tilespmem:v20+s25+$0x0] =	vst.idx.msk $0xffff, v30  }
0x558: {  	v30 =	vld [tilespmem:$0x16B90];
	_ =	sdelay $0x4  }
0x559: {  	[tilespmem:v21+s25+$0x0] =	vst.idx.msk $0xffff, v30  }
0x55a: {  	v30 =	vld [tilespmem:$0x16BA0];
	_ =	sdelay $0x2  }
0x55b: {  	v31 =	vmov s12  }
0x55c: {  	v31 =	vshrl.u32 v31, $0x3  }
0x55d: {  	[tilespmem:v22+s25+$0x0] =	vst.idx.msk $0xffff, v30;
	v30 =	vshll.u32 v31, v24  }
0x55e: {  	v51 =	vld [tilespmem:$0x16BB0];
	v30 =	vbroadcast v30, $0x0;
	_ =	sdelay $0x4  }
0x55f: {  	s7 =	simm.s32 $0x7;
	[tilespmem:v23+s25+$0x0] =	vst.idx.msk $0xffff, v51  }
0x560: {  	v49 =	vmov s7;
	s7 =	simm.s32 $0x17E40;
	v33 =	vld.idx.msk [tilespmem:v30+s3+$0x0], $0xffff  }
0x561: {  	v52 =	vld [tilespmem:s7+$0xFFFFFDC0]  }
0x562: {  	v53 =	vld [tilespmem:s7+$0xFFFFFDD0]  }
0x563: {  	s5 =	simm.s32 $0x1;
	v54 =	vld [tilespmem:s7+$0xFFFFFDE0]  }
0x564: {  	v48 =	vmov s5;
	v36 =	vld [tilespmem:s7+$0xFFFFFDF0]  }
0x565: {  	v32 =	vshrl.u32 v48, $0x3;
	v50 =	vshrl.u32 v49, $0x3;
	v37 =	vld [tilespmem:s7+$0xFFFFFE00]  }
0x566: {  	v31 =	vshll.u32 v32, v24;
	v32 =	vshll.u32 v50, v24;
	v38 =	vld [tilespmem:s7+$0xFFFFFE10]  }
0x567: {  	v32 =	vadd.s32 $0x7, v32;
	v40 =	vld [tilespmem:s7+$0xFFFFFE20]  }
0x568: {  	v32 =	vbroadcast v32, $0x0;
	v41 =	vld [tilespmem:s7+$0x220]  }
0x569: {  	v56 =	vld [tilespmem:s7+$0xFFFFFE30]  }
0x56a: {  	v42 =	vld [tilespmem:s7+$0xFFFFFE50]  }
0x56b: {  	v31 =	vadd.s32 $0x1, v31;
	v43 =	vld [tilespmem:s7+$0xFFFFFE60]  }
0x56c: {  	v31 =	vbroadcast v31, $0x0;
	v44 =	vld [tilespmem:s7+$0xFFFFFE70]  }
0x56d: {  	v45 =	vld [tilespmem:s7+$0xFFFFFE80]  }
0x56e: {  	v30 =	vld.idx.msk [tilespmem:v32+s3+$0x0], $0xffff;
	v32 =	vmul.f32 v52, v33  }
0x56f: {  	s8 =	simm.s32 $0x2;
	v46 =	vld [tilespmem:s7+$0xFFFFFE90];
	v34 =	vmul.f32 v53, v33  }
0x570: {  	v39 =	vmov s8;
	v61 =	vld [tilespmem:s7+$0xFFFFFEE0];
	v35 =	vmul.f32 v54, v33;
	[tilespmem:s7+$0xFFFFFDC0] =	vst v32  }
0x571: {  	v39 =	vshrl.u32 v39, $0x3;
	v63 =	vld [tilespmem:s7+$0xFFFFFEF0];
	v36 =	vmul.f32 v36, v33;
	[tilespmem:s7+$0xFFFFFDD0] =	vst v34  }
0x572: {  	v55 =	vshll.u32 v39, v24;
	v31 =	vld.idx.msk [tilespmem:v31+s3+$0x0], $0xffff;
	v59 =	vmul.f32 v37, v33;
	[tilespmem:s7+$0xFFFFFDE0] =	vst v35  }
0x573: {  	v48 =	vld [tilespmem:s7+$0xFFFFFF00];
	v60 =	vmul.f32 v38, v33;
	v32 =	vadd.s32 $0x2, v55;
	[tilespmem:s7+$0xFFFFFDF0] =	vst v36  }
0x574: {  	v50 =	vld [tilespmem:s7+$0xFFFFFF10];
	v62 =	vmul.f32 v40, v33;
	[tilespmem:s7+$0xFFFFFE00] =	vst v59;
	v32 =	vbroadcast v32, $0x0  }
0x575: {  	v37 =	vld [tilespmem:s7+$0xFFFFFEC0];
	v33 =	vmul.f32 v56, v33;
	[tilespmem:s7+$0xFFFFFE10] =	vst v60  }
0x576: {  	s22 =	simm.s32 $0x3;
	v52 =	vld [tilespmem:s7+$0xFFFFFF20];
	v41 =	vmul.f32 v41, v30;
	[tilespmem:s7+$0xFFFFFE20] =	vst v62  }
0x577: {  	v47 =	vmov s22;
	v57 =	vmul.f32 v42, v31;
	v42 =	vld [tilespmem:s7+$0xFFFFFEA0];
	[tilespmem:s7+$0xFFFFFE30] =	vst v33  }
0x578: {  	v47 =	vshrl.u32 v47, $0x3;
	s5 =	simm.s32 $0x4;
	v49 =	vmul.f32 v43, v31;
	v34 =	vld [tilespmem:s7+$0xFFFFFEB0];
	[tilespmem:s7+$0x220] =	vst v41  }
0x579: {  	v58 =	vshll.u32 v47, v24;
	v54 =	vld [tilespmem:s7+$0xFFFFFF30];
	v51 =	vmul.f32 v44, v31;
	v55 =	vmov s5;
	[tilespmem:s7+$0xFFFFFE50] =	vst v57  }
0x57a: {  	v45 =	vmul.f32 v45, v31;
	v41 =	vadd.s32 $0x3, v58;
	[tilespmem:s7+$0xFFFFFE60] =	vst v49;
	v44 =	vshrl.u32 v55, $0x3;
	v32 =	vld.idx.msk [tilespmem:v32+s3+$0x0], $0xffff  }
0x57b: {  	v56 =	vld [tilespmem:s7+$0xFFFFFF40];
	v46 =	vmul.f32 v46, v31;
	[tilespmem:s7+$0xFFFFFE70] =	vst v51;
	v41 =	vbroadcast v41, $0x0;
	v57 =	vshll.u32 v44, v24  }
0x57c: {  	v59 =	vld [tilespmem:s7+$0xFFFFFF70];
	[tilespmem:s7+$0xFFFFFE80] =	vst v45;
	v35 =	vadd.s32 $0x4, v57;
	v42 =	vmul.f32 v42, v31  }
0x57d: {  	v60 =	vld [tilespmem:s7+$0xFFFFFF80];
	[tilespmem:s7+$0xFFFFFE90] =	vst v46;
	v35 =	vbroadcast v35, $0x0;
	v34 =	vmul.f32 v34, v31  }
0x57e: {  	v62 =	vld [tilespmem:s7+$0xFFFFFF90];
	v31 =	vmul.f32 v37, v31;
	[tilespmem:s7+$0xFFFFFEA0] =	vst v42  }
0x57f: {  	v58 =	vld [tilespmem:s7+$0xFFFFFF50];
	[tilespmem:s7+$0xFFFFFEB0] =	vst v34;
	v53 =	vmul.f32 v61, v32  }
0x580: {  	v49 =	vld [tilespmem:s7+$0xFFFFFFB0];
	[tilespmem:s7+$0xFFFFFEC0] =	vst v31;
	v61 =	vmul.f32 v63, v32  }
0x581: {  	v41 =	vld.idx.msk [tilespmem:v41+s3+$0x0], $0xffff;
	v31 =	vmul.f32 v48, v32;
	[tilespmem:s7+$0xFFFFFEE0] =	vst v53  }
0x582: {  	v37 =	vld [tilespmem:s7+$0xE0];
	v48 =	vmul.f32 v50, v32;
	[tilespmem:s7+$0xFFFFFEF0] =	vst v61  }
0x583: {  	v35 =	vld.idx.msk [tilespmem:v35+s3+$0x0], $0xffff;
	v43 =	vmul.f32 v52, v32;
	[tilespmem:s7+$0xFFFFFF00] =	vst v31  }
0x584: {  	v63 =	vld [tilespmem:s7+$0xFFFFFFA0];
	v38 =	vmul.f32 v54, v32;
	[tilespmem:s7+$0xFFFFFF10] =	vst v48  }
0x585: {  	s8 =	simm.s32 $0x5;
	v50 =	vld [tilespmem:s7+$0xFFFFFFC0];
	v33 =	vmul.f32 v56, v32;
	[tilespmem:s7+$0xFFFFFF20] =	vst v43  }
0x586: {  	v51 =	vmov s8;
	v52 =	vld [tilespmem:s7+$0xFFFFFFD0];
	v31 =	vmul.f32 v59, v41;
	[tilespmem:s7+$0xFFFFFF30] =	vst v38  }
0x587: {  	v45 =	vshrl.u32 v51, $0x3;
	v32 =	vmul.f32 v58, v32;
	v54 =	vld [tilespmem:s7+$0x0];
	[tilespmem:s7+$0xFFFFFF40] =	vst v33  }
0x588: {  	v56 =	vld [tilespmem:s7+$0x10];
	v55 =	vmul.f32 v60, v41;
	[tilespmem:s7+$0xFFFFFF70] =	vst v31;
	v31 =	vshll.u32 v45, v24  }
0x589: {  	v58 =	vld [tilespmem:s7+$0x20];
	v57 =	vmul.f32 v62, v41;
	[tilespmem:s7+$0xFFFFFF50] =	vst v32;
	v31 =	vadd.s32 $0x5, v31  }
0x58a: {  	v62 =	vld [tilespmem:s7+$0x40];
	v61 =	vmul.f32 v49, v41;
	[tilespmem:s7+$0xFFFFFF80] =	vst v55;
	v31 =	vbroadcast v31, $0x0  }
0x58b: {  	v53 =	vld [tilespmem:s7+$0xFFFFFFE0];
	[tilespmem:s7+$0xFFFFFF90] =	vst v57;
	v59 =	vmul.f32 v63, v41  }
0x58c: {  	[tilespmem:s7+$0xFFFFFFB0] =	vst v61;
	v63 =	vmul.f32 v54, v35;
	v42 =	vmul.f32 v50, v41;
	v50 =	vld [tilespmem:s7+$0x60]  }
0x58d: {  	v60 =	vld [tilespmem:s7+$0x30];
	[tilespmem:s7+$0xFFFFFFA0] =	vst v59  }
0x58e: {  	v48 =	vld [tilespmem:s7+$0x50];
	v55 =	vmul.f32 v58, v35;
	[tilespmem:s7+$0x0] =	vst v63  }
0x58f: {  	s22 =	simm.s32 $0x6;
	v54 =	vld [tilespmem:s7+$0x90];
	v58 =	vmul.f32 v62, v35;
	[tilespmem:s7+$0xFFFFFFC0] =	vst v42  }
0x590: {  	v49 =	vmov s22;
	[tilespmem:s7+$0x20] =	vst v55;
	v45 =	vld.idx.msk [tilespmem:v31+s3+$0x0], $0xffff;
	v31 =	vmul.f32 v52, v41  }
0x591: {  	v44 =	vshrl.u32 v49, $0x3;
	[tilespmem:s7+$0x40] =	vst v58;
	v32 =	vmul.f32 v50, v35;
	v52 =	vmul.f32 v53, v41;
	v53 =	vld [tilespmem:s7+$0x70]  }
0x592: {  	v57 =	vld [tilespmem:s7+$0xB0];
	v51 =	vshll.u32 v44, v24;
	[tilespmem:s7+$0xFFFFFFD0] =	vst v31;
	v31 =	vmul.f32 v56, v35  }
0x593: {  	v33 =	vadd.s32 $0x6, v51;
	v59 =	vld [tilespmem:s7+$0xC0];
	[tilespmem:s7+$0x60] =	vst v32  }
0x594: {  	v33 =	vbroadcast v33, $0x0;
	v56 =	vld [tilespmem:s7+$0xA0];
	[tilespmem:s7+$0x10] =	vst v31;
	v31 =	vmul.f32 v60, v35  }
0x595: {  	v63 =	vld [tilespmem:s7+$0xF0];
	[tilespmem:s7+$0xFFFFFFE0] =	vst v52;
	v61 =	vmul.f32 v54, v45  }
0x596: {  	s5 =	simm.s32 $0x8;
	s8 =	simm.s32 $0x9;
	v60 =	vld [tilespmem:s7+$0xD0];
	v49 =	vmul.f32 v53, v35;
	[tilespmem:s7+$0x30] =	vst v31  }
0x597: {  	v51 =	vmov s8;
	v62 =	vmov s5;
	v53 =	vld [tilespmem:s7+$0x100];
	v36 =	vmul.f32 v57, v45;
	[tilespmem:s7+$0x90] =	vst v61  }
0x598: {  	s22 =	simm.s32 $0xA;
	v50 =	vshrl.u32 v62, $0x3;
	v39 =	vmul.f32 v59, v45;
	v59 =	vld [tilespmem:s7+$0x130];
	v31 =	vmul.f32 v48, v35;
	[tilespmem:s7+$0x70] =	vst v49  }
0x599: {  	v32 =	vshrl.u32 v51, $0x3;
	v52 =	vmov s22;
	s22 =	simm.s32 $0xC;
	v40 =	vmul.f32 v56, v45;
	v56 =	vld [tilespmem:s7+$0x120];
	[tilespmem:s7+$0xB0] =	vst v36  }
0x59a: {  	v55 =	vmov s22;
	s22 =	simm.s32 $0xE;
	v34 =	vshrl.u32 v52, $0x3;
	v37 =	vmul.f32 v37, v45;
	[tilespmem:s7+$0x50] =	vst v31;
	v31 =	vld.idx.msk [tilespmem:v33+s3+$0x0], $0xffff  }
0x59b: {  	s8 =	simm.s32 $0xB;
	v58 =	vmov s22;
	v42 =	vshrl.u32 v55, $0x3;
	v62 =	vmul.f32 v63, v45;
	v63 =	vld [tilespmem:s7+$0x160];
	[tilespmem:s7+$0xC0] =	vst v39  }
0x59c: {  	v34 =	vshll.u32 v34, v24;
	v54 =	vmov s8;
	s8 =	simm.s32 $0xD;
	v55 =	vshrl.u32 v58, $0x3;
	v61 =	vld [tilespmem:s7+$0x140];
	[tilespmem:s7+$0xE0] =	vst v37  }
0x59d: {  	v42 =	vshll.u32 v42, v24;
	v57 =	vmov s8;
	v39 =	vld [tilespmem:s7+$0x150];
	[tilespmem:s7+$0xF0] =	vst v62;
	v60 =	vmul.f32 v60, v45  }
0x59e: {  	v35 =	vshll.u32 v50, v24;
	v48 =	vshrl.u32 v54, $0x3;
	v54 =	vld [tilespmem:s7+$0x170];
	[tilespmem:s7+$0xA0] =	vst v40;
	v52 =	vmul.f32 v53, v45  }
0x59f: {  	v51 =	vshrl.u32 v57, $0x3;
	v57 =	vld [tilespmem:s7+$0x180];
	v58 =	vshll.u32 v48, v24;
	[tilespmem:s7+$0xD0] =	vst v60;
	v53 =	vmul.f32 v56, v31  }
0x5a0: {  	v62 =	vadd.s32 $0x2, v34;
	v33 =	vbroadcast v35, $0x0;
	[tilespmem:s7+$0x100] =	vst v52;
	v40 =	vmul.f32 v59, v31  }
0x5a1: {  	v44 =	vadd.s32 $0x3, v58;
	v56 =	vshll.u32 v32, v24;
	v38 =	vmul.f32 v61, v31;
	v32 =	vld [tilespmem:s7+$0x190];
	[tilespmem:s7+$0x120] =	vst v53  }
0x5a2: {  	v35 =	vld [tilespmem:s7+$0x1B0];
	v60 =	vshll.u32 v55, v24;
	v59 =	vshll.u32 v51, v24;
	v39 =	vmul.f32 v39, v31;
	[tilespmem:s7+$0x130] =	vst v40  }
0x5a3: {  	v36 =	vld [tilespmem:s7+$0x1C0];
	v63 =	vmul.f32 v63, v31;
	v43 =	vmul.f32 v54, v31;
	v61 =	vadd.s32 $0x1, v56;
	[tilespmem:s7+$0x140] =	vst v38  }
0x5a4: {  	v37 =	vld [tilespmem:s7+$0x1D0];
	v45 =	vmul.f32 v57, v31;
	v41 =	vadd.s32 $0x5, v59;
	v34 =	vbroadcast v61, $0x0;
	[tilespmem:s7+$0x150] =	vst v39  }
0x5a5: {  	s4 =	simm.s32 $0x10;
	s5 =	simm.s32 $0xF;
	v40 =	vadd.s32 $0x4, v42;
	v39 =	vbroadcast v62, $0x0;
	v42 =	vadd.s32 $0x6, v60;
	[tilespmem:s7+$0x160] =	vst v63;
	v38 =	vld [tilespmem:s7+$0x1E0]  }
.LBB2_17:
0x5a6: {  	p0 =	slt.u32 s4, $0x38;
	v44 =	vbroadcast v44, $0x0;
	v46 =	vmov s5;
	[tilespmem:s7+$0x170] =	vst v43;
	v31 =	vmul.f32 v32, v31;
	v32 =	vld [tilespmem:s7+$0x1F0]  }
0x5a7: {  	v40 =	vbroadcast v40, $0x0;
	v43 =	vshrl.u32 v46, $0x3;
	[tilespmem:s7+$0x180] =	vst v45;
	v35 =	vmul.f32 v35, v30;
	v45 =	vld [tilespmem:s7+$0x200]  }
0x5a8: {  	v41 =	vbroadcast v41, $0x0;
	v43 =	vshll.u32 v43, v24;
	[tilespmem:s7+$0x190] =	vst v31;
	v31 =	vmul.f32 v36, v30;
	v36 =	vld [tilespmem:s7+$0x210]  }
0x5a9: {  	v42 =	vbroadcast v42, $0x0;
	v46 =	vld.idx.msk [tilespmem:v33+s3+$0x0], $0xffff;
	v33 =	vadd.s32 $0x7, v43;
	[tilespmem:s7+$0x1B0] =	vst v35;
	v35 =	vmul.f32 v37, v30  }
0x5aa: {  	v37 =	vld.idx.msk [tilespmem:v34+s3+$0x0], $0xffff;
	v43 =	vbroadcast v33, $0x0;
	[tilespmem:s7+$0x1C0] =	vst v31;
	v31 =	vmul.f32 v38, v30  }
0x5ab: {  	v38 =	vld.idx.msk [tilespmem:v39+s3+$0x0], $0xffff;
	[tilespmem:s7+$0x1D0] =	vst v35;
	v32 =	vmul.f32 v32, v30  }
0x5ac: {  	v34 =	vld.idx.msk [tilespmem:v44+s3+$0x0], $0xffff;
	[tilespmem:s7+$0x1E0] =	vst v31;
	v31 =	vmul.f32 v45, v30  }
0x5ad: {  	v33 =	vld.idx.msk [tilespmem:v40+s3+$0x0], $0xffff;
	[tilespmem:s7+$0x1F0] =	vst v32;
	v30 =	vmul.f32 v36, v30  }
0x5ae: {  	v32 =	vld.idx.msk [tilespmem:v41+s3+$0x0], $0xffff;
	[tilespmem:s7+$0x200] =	vst v31  }
0x5af: {  	v31 =	vld.idx.msk [tilespmem:v42+s3+$0x0], $0xffff;
	[tilespmem:s7+$0x210] =	vst v30  }
0x5b0: {  	s7 =	sadd.s32 $0x480, s7;
	v30 =	vld.idx.msk [tilespmem:v43+s3+$0x0], $0xffff  }
0x5b1: {  	v35 =	vld [tilespmem:s7+$0x220]  }
0x5b2: {  	v36 =	vld [tilespmem:s7+$0xFFFFFDC0]  }
0x5b3: {  	v39 =	vld [tilespmem:s7+$0xFFFFFDD0]  }
0x5b4: {  	v40 =	vld [tilespmem:s7+$0xFFFFFDE0]  }
0x5b5: {  	v41 =	vld [tilespmem:s7+$0xFFFFFDF0]  }
0x5b6: {  	v42 =	vld [tilespmem:s7+$0xFFFFFE00];
	v35 =	vmul.f32 v35, v30  }
0x5b7: {  	v36 =	vmul.f32 v36, v46;
	v43 =	vld [tilespmem:s7+$0xFFFFFE10]  }
0x5b8: {  	v39 =	vmul.f32 v39, v46;
	v44 =	vld [tilespmem:s7+$0xFFFFFE20];
	[tilespmem:s7+$0x220] =	vst v35  }
0x5b9: {  	[tilespmem:s7+$0xFFFFFDC0] =	vst v36;
	v35 =	vmul.f32 v40, v46;
	v36 =	vld [tilespmem:s7+$0xFFFFFE30]  }
0x5ba: {  	[tilespmem:s7+$0xFFFFFDD0] =	vst v39;
	v39 =	vmul.f32 v41, v46;
	v40 =	vld [tilespmem:s7+$0xFFFFFE50]  }
0x5bb: {  	[tilespmem:s7+$0xFFFFFDE0] =	vst v35;
	v35 =	vmul.f32 v42, v46;
	v41 =	vld [tilespmem:s7+$0xFFFFFE60]  }
0x5bc: {  	[tilespmem:s7+$0xFFFFFDF0] =	vst v39;
	v39 =	vmul.f32 v43, v46;
	v42 =	vld [tilespmem:s7+$0xFFFFFE70]  }
0x5bd: {  	[tilespmem:s7+$0xFFFFFE00] =	vst v35;
	v35 =	vmul.f32 v44, v46;
	v43 =	vld [tilespmem:s7+$0xFFFFFE80]  }
0x5be: {  	[tilespmem:s7+$0xFFFFFE10] =	vst v39;
	v36 =	vmul.f32 v36, v46;
	v39 =	vld [tilespmem:s7+$0xFFFFFE90]  }
0x5bf: {  	[tilespmem:s7+$0xFFFFFE20] =	vst v35;
	v35 =	vmul.f32 v40, v37;
	v40 =	vld [tilespmem:s7+$0xFFFFFEA0]  }
0x5c0: {  	[tilespmem:s7+$0xFFFFFE30] =	vst v36;
	v36 =	vmul.f32 v41, v37;
	v41 =	vld [tilespmem:s7+$0xFFFFFEB0]  }
0x5c1: {  	[tilespmem:s7+$0xFFFFFE50] =	vst v35;
	v35 =	vmul.f32 v42, v37;
	v42 =	vld [tilespmem:s7+$0xFFFFFEC0]  }
0x5c2: {  	[tilespmem:s7+$0xFFFFFE60] =	vst v36;
	v36 =	vmul.f32 v43, v37;
	v43 =	vld [tilespmem:s7+$0xFFFFFEE0]  }
0x5c3: {  	[tilespmem:s7+$0xFFFFFE70] =	vst v35;
	v35 =	vmul.f32 v39, v37;
	v39 =	vld [tilespmem:s7+$0xFFFFFEF0]  }
0x5c4: {  	[tilespmem:s7+$0xFFFFFE80] =	vst v36;
	v36 =	vmul.f32 v40, v37;
	v40 =	vld [tilespmem:s7+$0xFFFFFF00]  }
0x5c5: {  	[tilespmem:s7+$0xFFFFFE90] =	vst v35;
	v35 =	vmul.f32 v41, v37;
	v41 =	vld [tilespmem:s7+$0xFFFFFF10]  }
0x5c6: {  	[tilespmem:s7+$0xFFFFFEA0] =	vst v36;
	v36 =	vmul.f32 v42, v37;
	v37 =	vld [tilespmem:s7+$0xFFFFFF20]  }
0x5c7: {  	[tilespmem:s7+$0xFFFFFEB0] =	vst v35;
	v35 =	vmul.f32 v43, v38;
	v42 =	vld [tilespmem:s7+$0xFFFFFF30]  }
0x5c8: {  	[tilespmem:s7+$0xFFFFFEC0] =	vst v36;
	v36 =	vmul.f32 v39, v38;
	v39 =	vld [tilespmem:s7+$0xFFFFFF40]  }
0x5c9: {  	[tilespmem:s7+$0xFFFFFEE0] =	vst v35;
	v35 =	vmul.f32 v40, v38;
	v40 =	vld [tilespmem:s7+$0xFFFFFF50]  }
0x5ca: {  	[tilespmem:s7+$0xFFFFFEF0] =	vst v36;
	v36 =	vmul.f32 v41, v38;
	v41 =	vld [tilespmem:s7+$0xFFFFFF70]  }
0x5cb: {  	[tilespmem:s7+$0xFFFFFF00] =	vst v35;
	v35 =	vmul.f32 v37, v38;
	v37 =	vld [tilespmem:s7+$0xFFFFFF80]  }
0x5cc: {  	[tilespmem:s7+$0xFFFFFF10] =	vst v36;
	v36 =	vmul.f32 v42, v38;
	v42 =	vld [tilespmem:s7+$0xFFFFFF90]  }
0x5cd: {  	[tilespmem:s7+$0xFFFFFF20] =	vst v35;
	v35 =	vmul.f32 v39, v38;
	v39 =	vld [tilespmem:s7+$0xFFFFFFA0]  }
0x5ce: {  	[tilespmem:s7+$0xFFFFFF30] =	vst v36;
	v36 =	vmul.f32 v40, v38;
	v38 =	vld [tilespmem:s7+$0xFFFFFFB0]  }
0x5cf: {  	[tilespmem:s7+$0xFFFFFF40] =	vst v35;
	v35 =	vmul.f32 v41, v34;
	v40 =	vld [tilespmem:s7+$0xFFFFFFC0]  }
0x5d0: {  	[tilespmem:s7+$0xFFFFFF50] =	vst v36;
	v36 =	vmul.f32 v37, v34;
	v37 =	vld [tilespmem:s7+$0xFFFFFFD0]  }
0x5d1: {  	[tilespmem:s7+$0xFFFFFF70] =	vst v35;
	v35 =	vmul.f32 v42, v34;
	v41 =	vld [tilespmem:s7+$0xFFFFFFE0]  }
0x5d2: {  	[tilespmem:s7+$0xFFFFFF80] =	vst v36;
	v36 =	vmul.f32 v39, v34;
	v39 =	vld [tilespmem:s7+$0x0]  }
0x5d3: {  	[tilespmem:s7+$0xFFFFFF90] =	vst v35;
	v35 =	vmul.f32 v38, v34;
	v38 =	vld [tilespmem:s7+$0x10]  }
0x5d4: {  	[tilespmem:s7+$0xFFFFFFA0] =	vst v36;
	v36 =	vmul.f32 v40, v34;
	v40 =	vld [tilespmem:s7+$0x20]  }
0x5d5: {  	[tilespmem:s7+$0xFFFFFFB0] =	vst v35;
	v35 =	vmul.f32 v37, v34;
	v37 =	vld [tilespmem:s7+$0x30]  }
0x5d6: {  	[tilespmem:s7+$0xFFFFFFC0] =	vst v36;
	v34 =	vmul.f32 v41, v34;
	v36 =	vld [tilespmem:s7+$0x40]  }
0x5d7: {  	[tilespmem:s7+$0xFFFFFFD0] =	vst v35;
	v35 =	vmul.f32 v39, v33;
	v39 =	vld [tilespmem:s7+$0x50]  }
0x5d8: {  	[tilespmem:s7+$0xFFFFFFE0] =	vst v34;
	v34 =	vmul.f32 v38, v33;
	v38 =	vld [tilespmem:s7+$0x60]  }
0x5d9: {  	[tilespmem:s7+$0x0] =	vst v35;
	v35 =	vmul.f32 v40, v33;
	v40 =	vld [tilespmem:s7+$0x70]  }
0x5da: {  	[tilespmem:s7+$0x10] =	vst v34;
	v34 =	vmul.f32 v37, v33;
	v37 =	vld [tilespmem:s7+$0x90]  }
0x5db: {  	[tilespmem:s7+$0x20] =	vst v35;
	v35 =	vmul.f32 v36, v33;
	v36 =	vld [tilespmem:s7+$0xA0]  }
0x5dc: {  	[tilespmem:s7+$0x30] =	vst v34;
	v34 =	vmul.f32 v39, v33;
	v39 =	vld [tilespmem:s7+$0xB0]  }
0x5dd: {  	[tilespmem:s7+$0x40] =	vst v35;
	v35 =	vmul.f32 v38, v33;
	v38 =	vld [tilespmem:s7+$0xC0]  }
0x5de: {  	v41 =	vmov s4;
	[tilespmem:s7+$0x50] =	vst v34;
	v33 =	vmul.f32 v40, v33;
	v34 =	vld [tilespmem:s7+$0xD0]  }
0x5df: {  	s5 =	sadd.s32 $0x1, s4;
	s8 =	sadd.s32 $0x2, s4;
	v40 =	vshrl.u32 v41, $0x3;
	[tilespmem:s7+$0x60] =	vst v35;
	v35 =	vmul.f32 v37, v32;
	v37 =	vld [tilespmem:s7+$0xE0]  }
0x5e0: {  	v42 =	vmov s8;
	s8 =	sadd.s32 $0x4, s4;
	v41 =	vmov s5;
	s5 =	sadd.s32 $0x3, s4;
	[tilespmem:s7+$0x70] =	vst v33;
	v33 =	vmul.f32 v36, v32;
	v36 =	vld [tilespmem:s7+$0xF0]  }
0x5e1: {  	v44 =	vmov s8;
	s8 =	sadd.s32 $0x6, s4;
	v43 =	vmov s5;
	s5 =	sadd.s32 $0x5, s4;
	[tilespmem:s7+$0x90] =	vst v35;
	v35 =	vmul.f32 v39, v32;
	v39 =	vld [tilespmem:s7+$0x100]  }
0x5e2: {  	v46 =	vmov s8;
	v45 =	vmov s5;
	[tilespmem:s7+$0xA0] =	vst v33;
	v33 =	vmul.f32 v38, v32;
	v38 =	vld [tilespmem:s7+$0x120]  }
0x5e3: {  	v40 =	vshll.u32 v40, v24;
	v41 =	vshrl.u32 v41, $0x3;
	[tilespmem:s7+$0xB0] =	vst v35;
	v34 =	vmul.f32 v34, v32;
	v35 =	vld [tilespmem:s7+$0x130]  }
0x5e4: {  	v42 =	vshrl.u32 v42, $0x3;
	v43 =	vshrl.u32 v43, $0x3;
	[tilespmem:s7+$0xC0] =	vst v33;
	v37 =	vmul.f32 v37, v32;
	v47 =	vld [tilespmem:s7+$0x140]  }
0x5e5: {  	v44 =	vshrl.u32 v44, $0x3;
	v45 =	vshrl.u32 v45, $0x3;
	[tilespmem:s7+$0xD0] =	vst v34;
	v34 =	vmul.f32 v36, v32;
	v36 =	vld [tilespmem:s7+$0x150]  }
0x5e6: {  	v33 =	vbroadcast v40, $0x0;
	v40 =	vshrl.u32 v46, $0x3;
	[tilespmem:s7+$0xE0] =	vst v37;
	v32 =	vmul.f32 v39, v32;
	v37 =	vld [tilespmem:s7+$0x160]  }
0x5e7: {  	v39 =	vshll.u32 v41, v24;
	v41 =	vshll.u32 v42, v24;
	[tilespmem:s7+$0xF0] =	vst v34;
	v34 =	vmul.f32 v38, v31;
	v38 =	vld [tilespmem:s7+$0x170]  }
0x5e8: {  	v42 =	vshll.u32 v43, v24;
	v43 =	vshll.u32 v44, v24;
	[tilespmem:s7+$0x100] =	vst v32;
	v35 =	vmul.f32 v35, v31;
	v46 =	vld [tilespmem:s7+$0x180]  }
.Ltmp7:
0x5e9: {  	v45 =	vshll.u32 v45, v24;
	v48 =	vshll.u32 v40, v24;
	[tilespmem:s7+$0x120] =	vst v34;
	v34 =	vmul.f32 v47, v31;
	v32 =	vld [tilespmem:s7+$0x190];
	(pc) =	sbr.rel @p0 .LBB2_17-.Ltmp7, $4  }
0x5ea: {  	v39 =	vadd.s32 $0x1, v39;
	v47 =	vadd.s32 $0x2, v41;
	[tilespmem:s7+$0x130] =	vst v35;
	v49 =	vmul.f32 v36, v31;
	v35 =	vld [tilespmem:s7+$0x1B0]  }
0x5eb: {  	v44 =	vadd.s32 $0x3, v42;
	v40 =	vadd.s32 $0x4, v43;
	[tilespmem:s7+$0x140] =	vst v34;
	v50 =	vmul.f32 v37, v31;
	v36 =	vld [tilespmem:s7+$0x1C0]  }
0x5ec: {  	v41 =	vadd.s32 $0x5, v45;
	v34 =	vbroadcast v39, $0x0;
	[tilespmem:s7+$0x150] =	vst v49;
	v43 =	vmul.f32 v38, v31;
	v37 =	vld [tilespmem:s7+$0x1D0]  }
0x5ed: {  	s5 =	sadd.s32 $0x7, s4;
	s4 =	sadd.s32 $0x8, s4;
	v42 =	vadd.s32 $0x6, v48;
	v39 =	vbroadcast v47, $0x0;
	[tilespmem:s7+$0x160] =	vst v50;
	v45 =	vmul.f32 v46, v31;
	v38 =	vld [tilespmem:s7+$0x1E0]  }
0x5ee: {  	_ = 	snop  }
0x5ef: {  	v47 =	vld [tilespmem:s7+$0x1F0]  }
0x5f0: {  	v48 =	vld [tilespmem:s7+$0x200]  }
0x5f1: {  	v49 =	vld [tilespmem:s7+$0x210]  }
0x5f2: {  	v50 =	vld.idx.msk [tilespmem:v33+s3+$0x0], $0xffff  }
0x5f3: {  	s4 =	sadd.s32 $0x480, s7;
	v39 =	vld.idx.msk [tilespmem:v39+s3+$0x0], $0xffff  }
0x5f4: {  	v58 =	vld [tilespmem:s4+$0x220]  }
0x5f5: {  	v60 =	vld [tilespmem:s4+$0xFFFFFDC0]  }
0x5f6: {  	v46 =	vmov s5;
	v62 =	vld [tilespmem:s4+$0xFFFFFDD0]  }
0x5f7: {  	v31 =	vmul.f32 v32, v31;
	v46 =	vshrl.u32 v46, $0x3;
	[tilespmem:s7+$0x180] =	vst v45;
	v45 =	vld [tilespmem:s4+$0xFFFFFDE0]  }
0x5f8: {  	[tilespmem:s7+$0x170] =	vst v43;
	v35 =	vmul.f32 v35, v30;
	v52 =	vld [tilespmem:s4+$0xFFFFFE30];
	v46 =	vshll.u32 v46, v24  }
0x5f9: {  	v40 =	vbroadcast v40, $0x0;
	v53 =	vld [tilespmem:s4+$0xFFFFFE50];
	[tilespmem:s7+$0x190] =	vst v31;
	v36 =	vmul.f32 v36, v30;
	v56 =	vadd.s32 $0x7, v46  }
0x5fa: {  	v54 =	vld [tilespmem:s4+$0xFFFFFE60];
	[tilespmem:s7+$0x1B0] =	vst v35;
	v57 =	vmul.f32 v37, v30;
	v51 =	vbroadcast v56, $0x0  }
0x5fb: {  	v46 =	vld.idx.msk [tilespmem:v34+s3+$0x0], $0xffff;
	[tilespmem:s7+$0x1C0] =	vst v36;
	v59 =	vmul.f32 v38, v30  }
0x5fc: {  	[tilespmem:s7+$0x1D0] =	vst v57;
	v61 =	vmul.f32 v47, v30;
	v47 =	vld [tilespmem:s4+$0xFFFFFDF0]  }
0x5fd: {  	v63 =	vmul.f32 v48, v30;
	v48 =	vld [tilespmem:s4+$0xFFFFFE00];
	[tilespmem:s7+$0x1E0] =	vst v59  }
0x5fe: {  	v30 =	vmul.f32 v49, v30;
	v49 =	vld [tilespmem:s4+$0xFFFFFE10];
	[tilespmem:s7+$0x1F0] =	vst v61  }
0x5ff: {  	v44 =	vbroadcast v44, $0x0;
	v34 =	vld.idx.msk [tilespmem:v40+s3+$0x0], $0xffff;
	v40 =	vmul.f32 v62, v50;
	[tilespmem:s7+$0x200] =	vst v63  }
0x600: {  	[tilespmem:s7+$0x210] =	vst v30;
	v30 =	vmul.f32 v60, v50;
	v31 =	vld.idx.msk [tilespmem:v51+s3+$0x0], $0xffff  }
0x601: {  	[tilespmem:s4+$0xFFFFFDD0] =	vst v40;
	v61 =	vmul.f32 v54, v46;
	v51 =	vld [tilespmem:s4+$0xFFFFFE20]  }
0x602: {  	v41 =	vbroadcast v41, $0x0;
	v57 =	vld [tilespmem:s4+$0xFFFFFE80];
	[tilespmem:s4+$0xFFFFFDC0] =	vst v30;
	v30 =	vmul.f32 v45, v50  }
0x603: {  	v56 =	vld [tilespmem:s4+$0xFFFFFE70];
	v35 =	vmul.f32 v47, v50;
	[tilespmem:s4+$0xFFFFFE60] =	vst v61  }
0x604: {  	v42 =	vbroadcast v42, $0x0;
	v60 =	vld [tilespmem:s4+$0xFFFFFEA0];
	[tilespmem:s4+$0xFFFFFDE0] =	vst v30;
	v30 =	vmul.f32 v48, v50  }
0x605: {  	v44 =	vld.idx.msk [tilespmem:v44+s3+$0x0], $0xffff;
	v55 =	vmul.f32 v49, v50;
	[tilespmem:s4+$0xFFFFFDF0] =	vst v35  }
0x606: {  	v54 =	vld [tilespmem:s4+$0xFFFFFF30];
	[tilespmem:s4+$0xFFFFFE00] =	vst v30;
	v30 =	vmul.f32 v51, v50  }
0x607: {  	v59 =	vld [tilespmem:s4+$0xFFFFFE90];
	v45 =	vmul.f32 v57, v46;
	[tilespmem:s4+$0xFFFFFE10] =	vst v55  }
0x608: {  	v33 =	vld.idx.msk [tilespmem:v41+s3+$0x0], $0xffff;
	[tilespmem:s4+$0xFFFFFE20] =	vst v30;
	v30 =	vmul.f32 v53, v46  }
0x609: {  	v62 =	vld [tilespmem:s4+$0xFFFFFEB0];
	[tilespmem:s4+$0xFFFFFE80] =	vst v45;
	v49 =	vmul.f32 v60, v46  }
0x60a: {  	v32 =	vld.idx.msk [tilespmem:v42+s3+$0x0], $0xffff;
	[tilespmem:s4+$0xFFFFFE50] =	vst v30;
	v30 =	vmul.f32 v56, v46  }
0x60b: {  	v47 =	vld [tilespmem:s4+$0xFFFFFEE0];
	v61 =	vmul.f32 v54, v39;
	[tilespmem:s4+$0xFFFFFEA0] =	vst v49  }
0x60c: {  	v63 =	vld [tilespmem:s4+$0xFFFFFEC0];
	[tilespmem:s4+$0xFFFFFE70] =	vst v30;
	v30 =	vmul.f32 v59, v46  }
0x60d: {  	v37 =	vmul.f32 v58, v31;
	v58 =	vmul.f32 v52, v50;
	v50 =	vld [tilespmem:s4+$0xFFFFFF00];
	[tilespmem:s4+$0xFFFFFF30] =	vst v61  }
0x60e: {  	v57 =	vld [tilespmem:s4+$0xFFFFFF50];
	[tilespmem:s4+$0xFFFFFE90] =	vst v30;
	v30 =	vmul.f32 v62, v46  }
0x60f: {  	[tilespmem:s4+$0x220] =	vst v37;
	v53 =	vld [tilespmem:s4+$0xFFFFFF20]  }
0x610: {  	v48 =	vld [tilespmem:s4+$0xFFFFFEF0];
	[tilespmem:s4+$0xFFFFFEB0] =	vst v30;
	v30 =	vmul.f32 v47, v39  }
0x611: {  	v52 =	vmul.f32 v63, v46;
	[tilespmem:s4+$0xFFFFFE30] =	vst v58;
	v56 =	vld [tilespmem:s4+$0xFFFFFF40]  }
0x612: {  	v60 =	vld [tilespmem:s4+$0xFFFFFF80];
	[tilespmem:s4+$0xFFFFFEE0] =	vst v30;
	v30 =	vmul.f32 v50, v39  }
0x613: {  	v45 =	vmul.f32 v57, v39;
	[tilespmem:s4+$0xFFFFFEC0] =	vst v52;
	v59 =	vld [tilespmem:s4+$0xFFFFFF70]  }
0x614: {  	v51 =	vld [tilespmem:s4+$0xFFFFFF10];
	[tilespmem:s4+$0xFFFFFF00] =	vst v30;
	v30 =	vmul.f32 v53, v39  }
0x615: {  	v55 =	vmul.f32 v48, v39;
	[tilespmem:s4+$0xFFFFFF50] =	vst v45;
	v62 =	vld [tilespmem:s4+$0xFFFFFF90]  }
0x616: {  	v63 =	vld [tilespmem:s4+$0xFFFFFFA0];
	[tilespmem:s4+$0xFFFFFF20] =	vst v30;
	v30 =	vmul.f32 v56, v39  }
0x617: {  	v48 =	vmul.f32 v60, v44;
	[tilespmem:s4+$0xFFFFFEF0] =	vst v55;
	v46 =	vld [tilespmem:s4+$0xFFFFFFB0]  }
0x618: {  	v45 =	vld [tilespmem:s4+$0xA0];
	[tilespmem:s4+$0xFFFFFF40] =	vst v30;
	v30 =	vmul.f32 v59, v44  }
0x619: {  	v49 =	vld [tilespmem:s4+$0xFFFFFFD0];
	[tilespmem:s4+$0xFFFFFF80] =	vst v48;
	v58 =	vmul.f32 v51, v39  }
0x61a: {  	v47 =	vld [tilespmem:s4+$0xFFFFFFC0];
	[tilespmem:s4+$0xFFFFFF70] =	vst v30;
	v30 =	vmul.f32 v62, v44  }
0x61b: {  	v52 =	vld [tilespmem:s4+$0x0];
	v51 =	vmul.f32 v63, v44;
	[tilespmem:s4+$0xFFFFFF10] =	vst v58  }
0x61c: {  	v50 =	vld [tilespmem:s4+$0xFFFFFFE0];
	[tilespmem:s4+$0xFFFFFF90] =	vst v30;
	v30 =	vmul.f32 v46, v44  }
0x61d: {  	v55 =	vld [tilespmem:s4+$0x20];
	[tilespmem:s4+$0xFFFFFFA0] =	vst v51;
	v51 =	vmul.f32 v45, v33  }
0x61e: {  	v48 =	vld [tilespmem:s4+$0xC0];
	[tilespmem:s4+$0xFFFFFFB0] =	vst v30;
	v30 =	vmul.f32 v49, v44  }
0x61f: {  	v58 =	vld [tilespmem:s4+$0x40];
	[tilespmem:s4+$0xA0] =	vst v51;
	v54 =	vmul.f32 v47, v44  }
0x620: {  	v53 =	vld [tilespmem:s4+$0x10];
	[tilespmem:s4+$0xFFFFFFD0] =	vst v30;
	v30 =	vmul.f32 v52, v34  }
0x621: {  	v61 =	vld [tilespmem:s4+$0x60];
	[tilespmem:s4+$0xFFFFFFC0] =	vst v54;
	v57 =	vmul.f32 v50, v44  }
0x622: {  	v59 =	vld [tilespmem:s4+$0x50];
	[tilespmem:s4+$0x0] =	vst v30;
	v30 =	vmul.f32 v55, v34  }
0x623: {  	v54 =	vmul.f32 v48, v33;
	[tilespmem:s4+$0xFFFFFFE0] =	vst v57;
	v44 =	vld [tilespmem:s4+$0x90]  }
0x624: {  	v56 =	vld [tilespmem:s4+$0x30];
	[tilespmem:s4+$0x20] =	vst v30;
	v30 =	vmul.f32 v58, v34  }
0x625: {  	v47 =	vld [tilespmem:s4+$0xB0];
	v60 =	vmul.f32 v53, v34;
	[tilespmem:s4+$0xC0] =	vst v54  }
0x626: {  	v50 =	vld [tilespmem:s4+$0xE0];
	[tilespmem:s4+$0x40] =	vst v30;
	v30 =	vmul.f32 v61, v34  }
0x627: {  	[tilespmem:s4+$0x10] =	vst v60;
	v46 =	vmul.f32 v59, v34;
	v49 =	vld [tilespmem:s4+$0xD0]  }
0x628: {  	v59 =	vld [tilespmem:s4+$0x150];
	[tilespmem:s4+$0x60] =	vst v30;
	v30 =	vmul.f32 v44, v33  }
0x629: {  	v63 =	vmul.f32 v56, v34;
	[tilespmem:s4+$0x50] =	vst v46;
	v52 =	vld [tilespmem:s4+$0xF0]  }
0x62a: {  	v46 =	vld [tilespmem:s4+$0x1E0];
	[tilespmem:s4+$0x90] =	vst v30;
	v30 =	vmul.f32 v47, v33  }
0x62b: {  	v57 =	vmul.f32 v50, v33;
	[tilespmem:s4+$0x30] =	vst v63;
	v55 =	vld [tilespmem:s4+$0x120]  }
0x62c: {  	v62 =	vld [tilespmem:s4+$0x70];
	[tilespmem:s4+$0xB0] =	vst v30;
	v30 =	vmul.f32 v49, v33  }
0x62d: {  	[tilespmem:s4+$0xE0] =	vst v57;
	v41 =	vmul.f32 v59, v32;
	v58 =	vld [tilespmem:s4+$0x140]  }
0x62e: {  	v56 =	vld [tilespmem:s4+$0x130];
	[tilespmem:s4+$0xD0] =	vst v30;
	v30 =	vmul.f32 v52, v33  }
0x62f: {  	v60 =	vld [tilespmem:s4+$0x160];
	[tilespmem:s4+$0x150] =	vst v41;
	v51 =	vmul.f32 v46, v31  }
0x630: {  	v61 =	vld [tilespmem:s4+$0x170];
	[tilespmem:s4+$0xF0] =	vst v30;
	v30 =	vmul.f32 v55, v32  }
0x631: {  	v63 =	vld [tilespmem:s4+$0x180];
	v34 =	vmul.f32 v62, v34;
	[tilespmem:s4+$0x1E0] =	vst v51  }
0x632: {  	v43 =	vld [tilespmem:s4+$0x1C0];
	[tilespmem:s4+$0x120] =	vst v30;
	v30 =	vmul.f32 v58, v32  }
0x633: {  	v42 =	vld [tilespmem:s4+$0x1B0];
	v62 =	vmul.f32 v56, v32;
	[tilespmem:s4+$0x70] =	vst v34  }
0x634: {  	v53 =	vld [tilespmem:s4+$0x100];
	[tilespmem:s4+$0x140] =	vst v30;
	v30 =	vmul.f32 v60, v32  }
0x635: {  	v45 =	vld [tilespmem:s4+$0x1D0];
	[tilespmem:s4+$0x130] =	vst v62;
	v44 =	vmul.f32 v61, v32  }
0x636: {  	v48 =	vld [tilespmem:s4+$0x200];
	[tilespmem:s4+$0x160] =	vst v30;
	v30 =	vmul.f32 v63, v32  }
0x637: {  	v47 =	vld [tilespmem:s4+$0x1F0];
	v49 =	vmul.f32 v43, v31;
	[tilespmem:s4+$0x170] =	vst v44  }
0x638: {  	v40 =	vld [tilespmem:s4+$0x190];
	[tilespmem:s4+$0x180] =	vst v30;
	v30 =	vmul.f32 v42, v31  }
0x639: {  	v50 =	vld [tilespmem:s4+$0x210];
	v33 =	vmul.f32 v53, v33;
	[tilespmem:s4+$0x1C0] =	vst v49  }
0x63a: {  	[tilespmem:s4+$0x1B0] =	vst v30;
	v30 =	vmul.f32 v45, v31  }
0x63b: {  	v52 =	vmul.f32 v48, v31;
	[tilespmem:s4+$0x100] =	vst v33  }
0x63c: {  	[tilespmem:s4+$0x1D0] =	vst v30;
	v30 =	vmul.f32 v47, v31  }
0x63d: {  	[tilespmem:s4+$0x200] =	vst v52;
	v32 =	vmul.f32 v40, v32  }
0x63e: {  	[tilespmem:s4+$0x1F0] =	vst v30;
	v30 =	vmul.f32 v50, v31  }
0x63f: {  	[tilespmem:s4+$0x190] =	vst v32  }
0x640: {  	s7 =	simm.s32 $0x16A00;
	[tilespmem:s4+$0x210] =	vst v30  }
0x641: {  	[spmem:s2] =	stream.indirect.scatter.add.f32 [tilespmem:s25], [sflag:$0x1], $0x90, s7, s18, $0xb8;
	[tilespmem:$0x1E520] =	vst v63  }
0x642: {  	_ =	swait.ge [sflag:s9], $0x2400  }
0x643: {  	[sflag:s9] =	ssyncset.done $0x0  }
0x644: {  	[sflag:s9] =	ssyncadd.s32 $0xFFFFDC00  }
0x645: {  	v30 =	vld [tilespmem:$0x16BC0];
	_ =	sdelay $0x4  }
0x646: {  	[tilespmem:v20+s23+$0x0] =	vst.idx.msk $0xffff, v30  }
0x647: {  	v30 =	vld [tilespmem:$0x16BD0];
	_ =	sdelay $0x4  }
0x648: {  	[tilespmem:v21+s23+$0x0] =	vst.idx.msk $0xffff, v30  }
0x649: {  	v30 =	vld [tilespmem:$0x16BE0];
	_ =	sdelay $0x1  }
0x64a: {  	s8 =	simm.s32 $0x40  }
0x64b: {  	v31 =	vmov s8  }
0x64c: {  	v31 =	vshrl.u32 v31, $0x3  }
0x64d: {  	[tilespmem:v22+s23+$0x0] =	vst.idx.msk $0xffff, v30;
	v30 =	vshll.u32 v31, v24  }
0x64e: {  	v56 =	vld [tilespmem:$0x16BF0];
	v30 =	vbroadcast v30, $0x0;
	_ =	sdelay $0x4  }
0x64f: {  	s7 =	simm.s32 $0x47;
	[tilespmem:v23+s23+$0x0] =	vst.idx.msk $0xffff, v56  }
0x650: {  	v54 =	vmov s7;
	s7 =	simm.s32 $0x1A240;
	v33 =	vld.idx.msk [tilespmem:v30+s3+$0x0], $0xffff  }
0x651: {  	v59 =	vld [tilespmem:s7+$0x220]  }
0x652: {  	s22 =	simm.s32 $0x41;
	v60 =	vld [tilespmem:s7+$0xFFFFFDC0]  }
0x653: {  	v53 =	vmov s22;
	v61 =	vld [tilespmem:s7+$0xFFFFFDD0]  }
0x654: {  	v32 =	vshrl.u32 v53, $0x3;
	v55 =	vshrl.u32 v54, $0x3;
	v62 =	vld [tilespmem:s7+$0xFFFFFDE0]  }
0x655: {  	v31 =	vshll.u32 v32, v24;
	v32 =	vshll.u32 v55, v24;
	v63 =	vld [tilespmem:s7+$0xFFFFFDF0]  }
0x656: {  	v32 =	vadd.s32 $0x7, v32;
	v48 =	vld [tilespmem:s7+$0xFFFFFE00]  }
0x657: {  	v32 =	vbroadcast v32, $0x0;
	v49 =	vld [tilespmem:s7+$0xFFFFFE10]  }
0x658: {  	v31 =	vadd.s32 $0x1, v31;
	v51 =	vld [tilespmem:s7+$0xFFFFFE20]  }
0x659: {  	v31 =	vbroadcast v31, $0x0;
	v53 =	vld [tilespmem:s7+$0xFFFFFE30]  }
0x65a: {  	v54 =	vld [tilespmem:s7+$0xFFFFFE50]  }
0x65b: {  	s22 =	simm.s32 $0x43;
	s8 =	simm.s32 $0x42;
	v55 =	vld [tilespmem:s7+$0xFFFFFE60]  }
0x65c: {  	v50 =	vmov s22;
	v30 =	vmov s8;
	v56 =	vld [tilespmem:s7+$0xFFFFFE70]  }
0x65d: {  	v41 =	vshrl.u32 v50, $0x3;
	v57 =	vshrl.u32 v30, $0x3;
	v30 =	vld.idx.msk [tilespmem:v32+s3+$0x0], $0xffff;
	v35 =	vmul.f32 v60, v33  }
0x65e: {  	v52 =	vshll.u32 v41, v24;
	v41 =	vld [tilespmem:s7+$0xFFFFFEA0];
	v36 =	vmul.f32 v61, v33  }
0x65f: {  	v31 =	vld.idx.msk [tilespmem:v31+s3+$0x0], $0xffff;
	v58 =	vshll.u32 v57, v24;
	v57 =	vmul.f32 v62, v33;
	[tilespmem:s7+$0xFFFFFDC0] =	vst v35  }
0x660: {  	v40 =	vld [tilespmem:s7+$0xFFFFFEC0];
	v39 =	vmul.f32 v48, v33;
	[tilespmem:s7+$0xFFFFFDD0] =	vst v36  }
0x661: {  	v50 =	vld [tilespmem:s7+$0xFFFFFEE0];
	v48 =	vmul.f32 v51, v33;
	[tilespmem:s7+$0xFFFFFDE0] =	vst v57  }
0x662: {  	v37 =	vld [tilespmem:s7+$0x70];
	v32 =	vadd.s32 $0x2, v58;
	v34 =	vmul.f32 v59, v30;
	[tilespmem:s7+$0xFFFFFE00] =	vst v39  }
0x663: {  	v38 =	vld [tilespmem:s7+$0x90];
	v32 =	vbroadcast v32, $0x0;
	v59 =	vmul.f32 v63, v33;
	[tilespmem:s7+$0xFFFFFE20] =	vst v48  }
0x664: {  	s5 =	simm.s32 $0x44;
	v58 =	vld [tilespmem:s7+$0xFFFFFE80];
	v61 =	vmul.f32 v54, v31;
	[tilespmem:s7+$0x220] =	vst v34  }
0x665: {  	v60 =	vld [tilespmem:s7+$0xFFFFFE90];
	v62 =	vmov s5;
	v63 =	vmul.f32 v49, v33;
	[tilespmem:s7+$0xFFFFFDF0] =	vst v59  }
0x666: {  	v46 =	vshrl.u32 v62, $0x3;
	v49 =	vmul.f32 v53, v33;
	v54 =	vld [tilespmem:s7+$0xFFFFFF00];
	[tilespmem:s7+$0xFFFFFE50] =	vst v61  }
0x667: {  	v51 =	vmul.f32 v55, v31;
	v36 =	vld [tilespmem:s7+$0xFFFFFEB0];
	v46 =	vshll.u32 v46, v24;
	[tilespmem:s7+$0xFFFFFE10] =	vst v63  }
0x668: {  	v53 =	vmul.f32 v56, v31;
	v56 =	vld [tilespmem:s7+$0xFFFFFF10];
	v34 =	vadd.s32 $0x4, v46;
	[tilespmem:s7+$0xFFFFFE30] =	vst v49  }
0x669: {  	v41 =	vmul.f32 v41, v31;
	[tilespmem:s7+$0xFFFFFE60] =	vst v51;
	v34 =	vbroadcast v34, $0x0;
	v43 =	vld.idx.msk [tilespmem:v32+s3+$0x0], $0xffff  }
0x66a: {  	s8 =	simm.s32 $0x45;
	v55 =	vmul.f32 v58, v31;
	[tilespmem:s7+$0xFFFFFE70] =	vst v53;
	v32 =	vadd.s32 $0x3, v52;
	v52 =	vld [tilespmem:s7+$0xFFFFFEF0]  }
0x66b: {  	v62 =	vld [tilespmem:s7+$0xFFFFFF40];
	v61 =	vmov s8;
	[tilespmem:s7+$0xFFFFFEA0] =	vst v41;
	v57 =	vmul.f32 v60, v31  }
0x66c: {  	v58 =	vld [tilespmem:s7+$0xFFFFFF20];
	v63 =	vshrl.u32 v61, $0x3;
	[tilespmem:s7+$0xFFFFFE80] =	vst v55;
	v32 =	vbroadcast v32, $0x0;
	v48 =	vmul.f32 v36, v31  }
0x66d: {  	v60 =	vld [tilespmem:s7+$0xFFFFFF30];
	v49 =	vshll.u32 v63, v24;
	[tilespmem:s7+$0xFFFFFE90] =	vst v57;
	v31 =	vmul.f32 v40, v31  }
0x66e: {  	v35 =	vadd.s32 $0x5, v49;
	v49 =	vld [tilespmem:s7+$0x0];
	[tilespmem:s7+$0xFFFFFEB0] =	vst v48;
	v59 =	vmul.f32 v50, v43  }
0x66f: {  	[tilespmem:s7+$0xFFFFFEC0] =	vst v31;
	v33 =	vld.idx.msk [tilespmem:v34+s3+$0x0], $0xffff;
	v51 =	vmul.f32 v52, v43  }
0x670: {  	v50 =	vld [tilespmem:s7+$0xFFFFFF50];
	v31 =	vmul.f32 v54, v43;
	[tilespmem:s7+$0xFFFFFEE0] =	vst v59  }
0x671: {  	v52 =	vld [tilespmem:s7+$0xFFFFFF70];
	v54 =	vmul.f32 v56, v43;
	[tilespmem:s7+$0xFFFFFEF0] =	vst v51  }
0x672: {  	v57 =	vmul.f32 v60, v43;
	v47 =	vld.idx.msk [tilespmem:v32+s3+$0x0], $0xffff;
	[tilespmem:s7+$0xFFFFFF00] =	vst v31  }
0x673: {  	v53 =	vld [tilespmem:s7+$0xFFFFFF80];
	v61 =	vmul.f32 v62, v43;
	[tilespmem:s7+$0xFFFFFF10] =	vst v54  }
0x674: {  	v55 =	vld [tilespmem:s7+$0xFFFFFF90];
	v31 =	vmul.f32 v58, v43;
	[tilespmem:s7+$0xFFFFFF30] =	vst v57  }
0x675: {  	v56 =	vld [tilespmem:s7+$0xFFFFFFA0];
	[tilespmem:s7+$0xFFFFFF40] =	vst v61;
	v63 =	vmul.f32 v50, v43  }
0x676: {  	v58 =	vld [tilespmem:s7+$0xFFFFFFB0];
	[tilespmem:s7+$0xFFFFFF20] =	vst v31;
	v57 =	vmul.f32 v49, v33  }
0x677: {  	v59 =	vld [tilespmem:s7+$0xFFFFFFC0];
	v31 =	vmul.f32 v52, v47;
	[tilespmem:s7+$0xFFFFFF50] =	vst v63  }
0x678: {  	v62 =	vld [tilespmem:s7+$0xFFFFFFD0];
	v45 =	vmul.f32 v53, v47;
	[tilespmem:s7+$0x0] =	vst v57  }
0x679: {  	s22 =	simm.s32 $0x46;
	v46 =	vld [tilespmem:s7+$0xFFFFFFE0];
	v48 =	vmul.f32 v55, v47;
	[tilespmem:s7+$0xFFFFFF70] =	vst v31  }
0x67a: {  	v60 =	vmov s22;
	v51 =	vld [tilespmem:s7+$0x10];
	v50 =	vmul.f32 v56, v47;
	[tilespmem:s7+$0xFFFFFF80] =	vst v45  }
0x67b: {  	v35 =	vbroadcast v35, $0x0;
	v42 =	vshrl.u32 v60, $0x3;
	v52 =	vmul.f32 v58, v47;
	v53 =	vld [tilespmem:s7+$0x20];
	[tilespmem:s7+$0xFFFFFF90] =	vst v48  }
0x67c: {  	v54 =	vmul.f32 v59, v47;
	v56 =	vld [tilespmem:s7+$0x40];
	v31 =	vshll.u32 v42, v24;
	[tilespmem:s7+$0xFFFFFFA0] =	vst v50  }
0x67d: {  	v55 =	vld [tilespmem:s7+$0x30];
	v34 =	vmul.f32 v62, v47;
	[tilespmem:s7+$0xFFFFFFB0] =	vst v52;
	v31 =	vadd.s32 $0x6, v31  }
0x67e: {  	v58 =	vld [tilespmem:s7+$0x50];
	v59 =	vmul.f32 v46, v47;
	[tilespmem:s7+$0xFFFFFFC0] =	vst v54;
	v31 =	vbroadcast v31, $0x0  }
0x67f: {  	v60 =	vld [tilespmem:s7+$0x60];
	v61 =	vmul.f32 v51, v33;
	[tilespmem:s7+$0xFFFFFFD0] =	vst v34  }
0x680: {  	v36 =	vld [tilespmem:s7+$0xA0];
	[tilespmem:s7+$0xFFFFFFE0] =	vst v59;
	v62 =	vmul.f32 v53, v33  }
0x681: {  	v32 =	vld.idx.msk [tilespmem:v35+s3+$0x0], $0xffff;
	[tilespmem:s7+$0x10] =	vst v61;
	v35 =	vmul.f32 v56, v33  }
0x682: {  	v34 =	vld [tilespmem:s7+$0xB0];
	v63 =	vmul.f32 v55, v33;
	[tilespmem:s7+$0x20] =	vst v62  }
0x683: {  	v40 =	vmul.f32 v58, v33;
	[tilespmem:s7+$0x40] =	vst v35;
	v35 =	vld [tilespmem:s7+$0xC0]  }
0x684: {  	s4 =	simm.s32 $0x0;
	v39 =	vmul.f32 v60, v33;
	[tilespmem:s7+$0x30] =	vst v63;
	v31 =	vld.idx.msk [tilespmem:v31+s3+$0x0], $0xffff  }
.LBB2_19:
0x685: {  	s5 =	sadd.s32 $0x48, s4;
	s8 =	sadd.s32 $0x49, s4;
	[tilespmem:s7+$0x50] =	vst v40;
	v33 =	vmul.f32 v37, v33;
	v37 =	vld [tilespmem:s7+$0xD0]  }
0x686: {  	v40 =	vmov s5;
	v41 =	vmov s8;
	s5 =	sadd.s32 $0x4A, s4;
	s8 =	sadd.s32 $0x4B, s4;
	[tilespmem:s7+$0x60] =	vst v39;
	v38 =	vmul.f32 v38, v32;
	v39 =	vld [tilespmem:s7+$0xE0]  }
0x687: {  	v42 =	vmov s5;
	v43 =	vmov s8;
	s5 =	sadd.s32 $0x4C, s4;
	s8 =	sadd.s32 $0x4D, s4;
	[tilespmem:s7+$0x70] =	vst v33;
	v33 =	vmul.f32 v36, v32;
	v36 =	vld [tilespmem:s7+$0xF0]  }
0x688: {  	v44 =	vmov s5;
	v45 =	vmov s8;
	s5 =	sadd.s32 $0x4E, s4;
	[tilespmem:s7+$0x90] =	vst v38;
	v34 =	vmul.f32 v34, v32;
	v38 =	vld [tilespmem:s7+$0x100]  }
0x689: {  	v40 =	vshrl.u32 v40, $0x3;
	v46 =	vmov s5;
	[tilespmem:s7+$0xA0] =	vst v33;
	v33 =	vmul.f32 v35, v32;
	v35 =	vld [tilespmem:s7+$0x120]  }
0x68a: {  	v41 =	vshrl.u32 v41, $0x3;
	v42 =	vshrl.u32 v42, $0x3;
	[tilespmem:s7+$0xB0] =	vst v34;
	v34 =	vmul.f32 v37, v32;
	v37 =	vld [tilespmem:s7+$0x130]  }
0x68b: {  	v43 =	vshrl.u32 v43, $0x3;
	v44 =	vshrl.u32 v44, $0x3;
	[tilespmem:s7+$0xC0] =	vst v33;
	v33 =	vmul.f32 v39, v32;
	v39 =	vld [tilespmem:s7+$0x140]  }
0x68c: {  	v45 =	vshrl.u32 v45, $0x3;
	v46 =	vshrl.u32 v46, $0x3;
	[tilespmem:s7+$0xD0] =	vst v34;
	v34 =	vmul.f32 v36, v32;
	v36 =	vld [tilespmem:s7+$0x150]  }
0x68d: {  	v40 =	vshll.u32 v40, v24;
	v41 =	vshll.u32 v41, v24;
	[tilespmem:s7+$0xE0] =	vst v33;
	v32 =	vmul.f32 v38, v32;
	v33 =	vld [tilespmem:s7+$0x160]  }
0x68e: {  	v38 =	vshll.u32 v42, v24;
	v42 =	vshll.u32 v43, v24;
	[tilespmem:s7+$0xF0] =	vst v34;
	v34 =	vmul.f32 v35, v31;
	v35 =	vld [tilespmem:s7+$0x170]  }
0x68f: {  	v43 =	vshll.u32 v44, v24;
	v44 =	vshll.u32 v45, v24;
	[tilespmem:s7+$0x100] =	vst v32;
	v32 =	vmul.f32 v37, v31;
	v37 =	vld [tilespmem:s7+$0x180]  }
0x690: {  	v40 =	vbroadcast v40, $0x0;
	v45 =	vshll.u32 v46, v24;
	[tilespmem:s7+$0x120] =	vst v34;
	v34 =	vmul.f32 v39, v31;
	v39 =	vld [tilespmem:s7+$0x190]  }
0x691: {  	v41 =	vadd.s32 $0x1, v41;
	v38 =	vadd.s32 $0x2, v38;
	[tilespmem:s7+$0x130] =	vst v32;
	v32 =	vmul.f32 v36, v31;
	v36 =	vld [tilespmem:s7+$0x1B0]  }
0x692: {  	v42 =	vadd.s32 $0x3, v42;
	v43 =	vadd.s32 $0x4, v43;
	[tilespmem:s7+$0x140] =	vst v34;
	v33 =	vmul.f32 v33, v31;
	v34 =	vld [tilespmem:s7+$0x1C0]  }
0x693: {  	v41 =	vbroadcast v41, $0x0;
	v44 =	vadd.s32 $0x5, v44;
	[tilespmem:s7+$0x150] =	vst v32;
	v32 =	vmul.f32 v35, v31;
	v35 =	vld [tilespmem:s7+$0x1D0]  }
0x694: {  	s5 =	sadd.s32 $0x4F, s4;
	s4 =	sadd.s32 $0x8, s4;
	v45 =	vadd.s32 $0x6, v45;
	v38 =	vbroadcast v38, $0x0;
	[tilespmem:s7+$0x160] =	vst v33;
	v33 =	vmul.f32 v37, v31;
	v37 =	vld [tilespmem:s7+$0x1E0]  }
0x695: {  	p0 =	slt.u32 s4, $0x38;
	v46 =	vmov s5;
	v42 =	vbroadcast v42, $0x0;
	[tilespmem:s7+$0x170] =	vst v32;
	v31 =	vmul.f32 v39, v31;
	v32 =	vld [tilespmem:s7+$0x1F0]  }
0x696: {  	v39 =	vbroadcast v43, $0x0;
	v43 =	vshrl.u32 v46, $0x3;
	[tilespmem:s7+$0x180] =	vst v33;
	v33 =	vmul.f32 v36, v30;
	v36 =	vld [tilespmem:s7+$0x200]  }
0x697: {  	v44 =	vbroadcast v44, $0x0;
	v43 =	vshll.u32 v43, v24;
	[tilespmem:s7+$0x190] =	vst v31;
	v31 =	vmul.f32 v34, v30;
	v46 =	vld [tilespmem:s7+$0x210]  }
0x698: {  	v45 =	vbroadcast v45, $0x0;
	v34 =	vadd.s32 $0x7, v43;
	v40 =	vld.idx.msk [tilespmem:v40+s3+$0x0], $0xffff;
	[tilespmem:s7+$0x1B0] =	vst v33;
	v33 =	vmul.f32 v35, v30  }
0x699: {  	v35 =	vld.idx.msk [tilespmem:v41+s3+$0x0], $0xffff;
	v41 =	vbroadcast v34, $0x0;
	[tilespmem:s7+$0x1C0] =	vst v31;
	v31 =	vmul.f32 v37, v30  }
0x69a: {  	v37 =	vld.idx.msk [tilespmem:v38+s3+$0x0], $0xffff;
	[tilespmem:s7+$0x1D0] =	vst v33;
	v32 =	vmul.f32 v32, v30  }
0x69b: {  	v34 =	vld.idx.msk [tilespmem:v42+s3+$0x0], $0xffff;
	[tilespmem:s7+$0x1E0] =	vst v31;
	v31 =	vmul.f32 v36, v30  }
0x69c: {  	v33 =	vld.idx.msk [tilespmem:v39+s3+$0x0], $0xffff;
	[tilespmem:s7+$0x1F0] =	vst v32;
	v30 =	vmul.f32 v46, v30  }
0x69d: {  	v32 =	vld.idx.msk [tilespmem:v44+s3+$0x0], $0xffff;
	[tilespmem:s7+$0x200] =	vst v31  }
0x69e: {  	v31 =	vld.idx.msk [tilespmem:v45+s3+$0x0], $0xffff;
	[tilespmem:s7+$0x210] =	vst v30  }
0x69f: {  	s7 =	sadd.s32 $0x480, s7;
	v30 =	vld.idx.msk [tilespmem:v41+s3+$0x0], $0xffff  }
0x6a0: {  	v36 =	vld [tilespmem:s7+$0x220]  }
0x6a1: {  	v38 =	vld [tilespmem:s7+$0xFFFFFDC0]  }
0x6a2: {  	v39 =	vld [tilespmem:s7+$0xFFFFFDD0]  }
0x6a3: {  	v41 =	vld [tilespmem:s7+$0xFFFFFDE0]  }
0x6a4: {  	v42 =	vld [tilespmem:s7+$0xFFFFFDF0]  }
0x6a5: {  	v43 =	vld [tilespmem:s7+$0xFFFFFE00];
	v36 =	vmul.f32 v36, v30  }
0x6a6: {  	v38 =	vmul.f32 v38, v40;
	v44 =	vld [tilespmem:s7+$0xFFFFFE10]  }
0x6a7: {  	v39 =	vmul.f32 v39, v40;
	v45 =	vld [tilespmem:s7+$0xFFFFFE20];
	[tilespmem:s7+$0x220] =	vst v36  }
0x6a8: {  	[tilespmem:s7+$0xFFFFFDC0] =	vst v38;
	v36 =	vmul.f32 v41, v40;
	v38 =	vld [tilespmem:s7+$0xFFFFFE30]  }
0x6a9: {  	[tilespmem:s7+$0xFFFFFDD0] =	vst v39;
	v39 =	vmul.f32 v42, v40;
	v41 =	vld [tilespmem:s7+$0xFFFFFE50]  }
0x6aa: {  	[tilespmem:s7+$0xFFFFFDE0] =	vst v36;
	v36 =	vmul.f32 v43, v40;
	v42 =	vld [tilespmem:s7+$0xFFFFFE60]  }
0x6ab: {  	[tilespmem:s7+$0xFFFFFDF0] =	vst v39;
	v39 =	vmul.f32 v44, v40;
	v43 =	vld [tilespmem:s7+$0xFFFFFE70]  }
0x6ac: {  	[tilespmem:s7+$0xFFFFFE00] =	vst v36;
	v36 =	vmul.f32 v45, v40;
	v44 =	vld [tilespmem:s7+$0xFFFFFE80]  }
0x6ad: {  	[tilespmem:s7+$0xFFFFFE10] =	vst v39;
	v38 =	vmul.f32 v38, v40;
	v39 =	vld [tilespmem:s7+$0xFFFFFE90]  }
0x6ae: {  	[tilespmem:s7+$0xFFFFFE20] =	vst v36;
	v36 =	vmul.f32 v41, v35;
	v40 =	vld [tilespmem:s7+$0xFFFFFEA0]  }
0x6af: {  	[tilespmem:s7+$0xFFFFFE30] =	vst v38;
	v38 =	vmul.f32 v42, v35;
	v41 =	vld [tilespmem:s7+$0xFFFFFEB0]  }
0x6b0: {  	[tilespmem:s7+$0xFFFFFE50] =	vst v36;
	v36 =	vmul.f32 v43, v35;
	v42 =	vld [tilespmem:s7+$0xFFFFFEC0]  }
0x6b1: {  	[tilespmem:s7+$0xFFFFFE60] =	vst v38;
	v38 =	vmul.f32 v44, v35;
	v43 =	vld [tilespmem:s7+$0xFFFFFEE0]  }
0x6b2: {  	[tilespmem:s7+$0xFFFFFE70] =	vst v36;
	v36 =	vmul.f32 v39, v35;
	v39 =	vld [tilespmem:s7+$0xFFFFFEF0]  }
0x6b3: {  	[tilespmem:s7+$0xFFFFFE80] =	vst v38;
	v38 =	vmul.f32 v40, v35;
	v40 =	vld [tilespmem:s7+$0xFFFFFF00]  }
0x6b4: {  	[tilespmem:s7+$0xFFFFFE90] =	vst v36;
	v36 =	vmul.f32 v41, v35;
	v41 =	vld [tilespmem:s7+$0xFFFFFF10]  }
0x6b5: {  	[tilespmem:s7+$0xFFFFFEA0] =	vst v38;
	v35 =	vmul.f32 v42, v35;
	v38 =	vld [tilespmem:s7+$0xFFFFFF20]  }
0x6b6: {  	[tilespmem:s7+$0xFFFFFEB0] =	vst v36;
	v36 =	vmul.f32 v43, v37;
	v42 =	vld [tilespmem:s7+$0xFFFFFF30]  }
0x6b7: {  	[tilespmem:s7+$0xFFFFFEC0] =	vst v35;
	v35 =	vmul.f32 v39, v37;
	v39 =	vld [tilespmem:s7+$0xFFFFFF40]  }
0x6b8: {  	[tilespmem:s7+$0xFFFFFEE0] =	vst v36;
	v36 =	vmul.f32 v40, v37;
	v40 =	vld [tilespmem:s7+$0xFFFFFF50]  }
0x6b9: {  	[tilespmem:s7+$0xFFFFFEF0] =	vst v35;
	v35 =	vmul.f32 v41, v37;
	v41 =	vld [tilespmem:s7+$0xFFFFFF70]  }
0x6ba: {  	[tilespmem:s7+$0xFFFFFF00] =	vst v36;
	v36 =	vmul.f32 v38, v37;
	v38 =	vld [tilespmem:s7+$0xFFFFFF80]  }
0x6bb: {  	[tilespmem:s7+$0xFFFFFF10] =	vst v35;
	v35 =	vmul.f32 v42, v37;
	v42 =	vld [tilespmem:s7+$0xFFFFFF90]  }
0x6bc: {  	[tilespmem:s7+$0xFFFFFF20] =	vst v36;
	v36 =	vmul.f32 v39, v37;
	v39 =	vld [tilespmem:s7+$0xFFFFFFA0]  }
0x6bd: {  	[tilespmem:s7+$0xFFFFFF30] =	vst v35;
	v35 =	vmul.f32 v40, v37;
	v37 =	vld [tilespmem:s7+$0xFFFFFFB0]  }
0x6be: {  	[tilespmem:s7+$0xFFFFFF40] =	vst v36;
	v36 =	vmul.f32 v41, v34;
	v40 =	vld [tilespmem:s7+$0xFFFFFFC0]  }
0x6bf: {  	[tilespmem:s7+$0xFFFFFF50] =	vst v35;
	v35 =	vmul.f32 v38, v34;
	v38 =	vld [tilespmem:s7+$0xFFFFFFD0]  }
0x6c0: {  	[tilespmem:s7+$0xFFFFFF70] =	vst v36;
	v36 =	vmul.f32 v42, v34;
	v41 =	vld [tilespmem:s7+$0xFFFFFFE0]  }
0x6c1: {  	[tilespmem:s7+$0xFFFFFF80] =	vst v35;
	v35 =	vmul.f32 v39, v34;
	v39 =	vld [tilespmem:s7+$0x0]  }
0x6c2: {  	[tilespmem:s7+$0xFFFFFF90] =	vst v36;
	v36 =	vmul.f32 v37, v34;
	v37 =	vld [tilespmem:s7+$0x10]  }
0x6c3: {  	[tilespmem:s7+$0xFFFFFFA0] =	vst v35;
	v35 =	vmul.f32 v40, v34;
	v40 =	vld [tilespmem:s7+$0x20]  }
0x6c4: {  	[tilespmem:s7+$0xFFFFFFB0] =	vst v36;
	v36 =	vmul.f32 v38, v34;
	v38 =	vld [tilespmem:s7+$0x30]  }
0x6c5: {  	[tilespmem:s7+$0xFFFFFFC0] =	vst v35;
	v34 =	vmul.f32 v41, v34;
	v35 =	vld [tilespmem:s7+$0x40]  }
0x6c6: {  	[tilespmem:s7+$0xFFFFFFD0] =	vst v36;
	v36 =	vmul.f32 v39, v33;
	v39 =	vld [tilespmem:s7+$0x50]  }
0x6c7: {  	[tilespmem:s7+$0xFFFFFFE0] =	vst v34;
	v34 =	vmul.f32 v37, v33;
	v41 =	vld [tilespmem:s7+$0x60]  }
.Ltmp8:
0x6c8: {  	[tilespmem:s7+$0x0] =	vst v36;
	v36 =	vmul.f32 v40, v33;
	v37 =	vld [tilespmem:s7+$0x70];
	(pc) =	sbr.rel @p0 .LBB2_19-.Ltmp8, $4  }
0x6c9: {  	[tilespmem:s7+$0x10] =	vst v34;
	v34 =	vmul.f32 v38, v33;
	v38 =	vld [tilespmem:s7+$0x90]  }
0x6ca: {  	[tilespmem:s7+$0x20] =	vst v36;
	v35 =	vmul.f32 v35, v33;
	v36 =	vld [tilespmem:s7+$0xA0]  }
0x6cb: {  	[tilespmem:s7+$0x30] =	vst v34;
	v40 =	vmul.f32 v39, v33;
	v34 =	vld [tilespmem:s7+$0xB0]  }
0x6cc: {  	[tilespmem:s7+$0x40] =	vst v35;
	v39 =	vmul.f32 v41, v33;
	v35 =	vld [tilespmem:s7+$0xC0]  }
0x6cd: {  	v41 =	vld [tilespmem:s7+$0xD0]  }
0x6ce: {  	v42 =	vld [tilespmem:s7+$0xE0];
	[tilespmem:s7+$0x50] =	vst v40;
	v33 =	vmul.f32 v37, v33  }
0x6cf: {  	v55 =	vld [tilespmem:s7+$0xF0];
	v38 =	vmul.f32 v38, v32;
	[tilespmem:s7+$0x60] =	vst v39  }
0x6d0: {  	v56 =	vld [tilespmem:s7+$0x100];
	v36 =	vmul.f32 v36, v32;
	[tilespmem:s7+$0x70] =	vst v33  }
0x6d1: {  	v58 =	vld [tilespmem:s7+$0x120];
	[tilespmem:s7+$0x90] =	vst v38;
	v57 =	vmul.f32 v34, v32  }
0x6d2: {  	v59 =	vld [tilespmem:s7+$0x130];
	[tilespmem:s7+$0xA0] =	vst v36;
	v35 =	vmul.f32 v35, v32  }
0x6d3: {  	v61 =	vld [tilespmem:s7+$0x140];
	[tilespmem:s7+$0xB0] =	vst v57;
	v60 =	vmul.f32 v41, v32  }
0x6d4: {  	v63 =	vld [tilespmem:s7+$0x150];
	v62 =	vmul.f32 v42, v32;
	[tilespmem:s7+$0xC0] =	vst v35  }
0x6d5: {  	v45 =	vld [tilespmem:s7+$0x160];
	v44 =	vmul.f32 v55, v32;
	[tilespmem:s7+$0xD0] =	vst v60  }
0x6d6: {  	v46 =	vld [tilespmem:s7+$0x170];
	v34 =	vmul.f32 v58, v31;
	[tilespmem:s7+$0xE0] =	vst v62  }
0x6d7: {  	v48 =	vld [tilespmem:s7+$0x180];
	v47 =	vmul.f32 v56, v32;
	[tilespmem:s7+$0xF0] =	vst v44  }
0x6d8: {  	v52 =	vld [tilespmem:s7+$0x1B0];
	v36 =	vmul.f32 v59, v31;
	[tilespmem:s7+$0x120] =	vst v34  }
0x6d9: {  	v50 =	vld [tilespmem:s7+$0x190];
	v49 =	vmul.f32 v61, v31;
	[tilespmem:s7+$0x100] =	vst v47  }
0x6da: {  	v51 =	vmul.f32 v63, v31;
	[tilespmem:s7+$0x130] =	vst v36  }
0x6db: {  	v54 =	vld [tilespmem:s7+$0x1C0];
	v53 =	vmul.f32 v45, v31;
	[tilespmem:s7+$0x140] =	vst v49  }
0x6dc: {  	v55 =	vld [tilespmem:s7+$0x1D0];
	v56 =	vmul.f32 v48, v31;
	[tilespmem:s7+$0x150] =	vst v51  }
0x6dd: {  	v57 =	vld [tilespmem:s7+$0x1E0];
	v59 =	vmul.f32 v52, v30;
	[tilespmem:s7+$0x160] =	vst v53  }
0x6de: {  	v58 =	vld [tilespmem:s7+$0x1F0];
	v35 =	vmul.f32 v46, v31;
	v31 =	vmul.f32 v50, v31;
	[tilespmem:s7+$0x180] =	vst v56  }
0x6df: {  	v60 =	vld [tilespmem:s7+$0x200];
	[tilespmem:s7+$0x1B0] =	vst v59  }
0x6e0: {  	v61 =	vld [tilespmem:s7+$0x210];
	[tilespmem:s7+$0x190] =	vst v31;
	v31 =	vmul.f32 v54, v30  }
0x6e1: {  	[tilespmem:s7+$0x170] =	vst v35;
	v62 =	vmul.f32 v55, v30  }
0x6e2: {  	[tilespmem:s7+$0x1C0] =	vst v31;
	v31 =	vmul.f32 v57, v30  }
0x6e3: {  	p0 =	sne.s32 s13, $0x50;
	v63 =	vmul.f32 v58, v30;
	[tilespmem:s7+$0x1D0] =	vst v62  }
.Ltmp9:
0x6e4: {  	[tilespmem:s7+$0x1E0] =	vst v31;
	v31 =	vmul.f32 v60, v30;
	(pc) =	sbr.rel @p0 .LBB2_16-.Ltmp9, $4  }
0x6e5: {  	[tilespmem:s7+$0x1F0] =	vst v63;
	v30 =	vmul.f32 v61, v30  }
0x6e6: {  	[tilespmem:s7+$0x200] =	vst v31  }
0x6e7: {  	s4 =	simm.s32 $0x16A40;
	[tilespmem:s7+$0x210] =	vst v30  }
0x6e8: {  	[spmem:s2] =	stream.indirect.scatter.add.f32 [tilespmem:s23], [sflag:$0x2], $0x90, s4, s18, $0xb8;
	[tilespmem:$0x1E520] =	vst v63  }
0x6e9: {  	_ =	swait.ge [sflag:s1], $0x2400  }
0x6ea: {  	[sflag:s1] =	ssyncset.done $0x0  }
0x6eb: {  	[sflag:s1] =	ssyncadd.s32 $0xFFFFDC00  }
0x6ec: {  	_ =	swait.ge [sflag:s9], $0x2400  }
0x6ed: {  	[sflag:s9] =	ssyncset.done $0x0  }
0x6ee: {  	s12 =	simm.s32 $0x0;
	[sflag:s9] =	ssyncadd.s32 $0xFFFFDC00  }
0x6ef: {  	s13 =	simm.s32 $0x0;
	s7 =	simm.s32 $0x1C400;
	[bflag:$0x0] =	sbarrier.arrive $0xFFFF  }
.LBB2_22:
0x6f0: {  	s4 =	sshll.u32 s13, $0x6;
	s5 =	rddreg [dreg:$0x1a]  }
0x6f1: {  	s4 =	sadd.s32 s5, s4  }
0x6f2: {  	s5 =	smul.u32 $0x240, s4;
	_ =	sdelay $0x1  }
0x6f3: {  	s5 =	sshra.s32 s5, $0x2  }
0x6f4: {  	s5 =	sadd.s32 s5, s2  }
0x6f5: {  	v30 =	vmov s12;
	[tilespmem:s25], [sflag:$0x5] =	stream.linear.gather [spmem:s5], $0x2400, $0x38;
	[tilespmem:$0x1E520] =	vst v63  }
0x6f6: {  	v30 =	vmul.u32 $0x90, v30;
	_ =	swait.ge [sflag:s24], $0x2400  }
0x6f7: {  	s20 =	rddreg [dreg:$0xe]  }
0x6f8: {  	v30 =	vadd.s32 $0x80, v30;
	s4 =	sadd.s32 s20, s4  }
0x6f9: {  	v30 =	vbroadcast v30, $0x0;
	[sflag:s24] =	ssyncset.done $0x0;
	s21 =	rddreg [dreg:$0xd];
	s4 =	sshll.u32 s4, $0x4  }
0x6fa: {  	[sflag:s24] =	ssyncadd.s32 $0xFFFFDC00;
	s17 =	sadd.s32 s21, s4  }
0x6fb: {  	[tilespmem:s7], [sflag:$0x5] =	stream.linear.gather [hbm4b:s17+s12], $0x2000, $0x38;
	[tilespmem:$0x1E520] =	vst v63  }
0x6fc: {  	_ =	swait.ge [sflag:s24], $0x2000  }
0x6fd: {  	[sflag:s24] =	ssyncset.done $0x0  }
0x6fe: {  	[sflag:s24] =	ssyncadd.s32 $0xFFFFE000  }
0x6ff: {  	v30 =	vld.idx.msk [tilespmem:v30+s25+$0x0], $0xffff;
	_ =	sdelay $0x4  }
0x700: {  	v30 =	vadd.f32 $1.000000020e-16, v30;
	_ =	sdelay $0x1  }
0x701: {  	(erf) = vrcp.f32 v30;
	_ =	sdelay $0x3  }
0x702: {  	s8 =	simm.s32 $0x17C90  }
0x703: {  	v30 =	vld [tilespmem:s8+$0xFFFFFF70];
	_ =	sdelay $0x1  }
0x704: {  	v31 =	vld [tilespmem:$0x1E480];
	_ =	sdelay $0x1  }
0x705: {  	v32 =	vld [tilespmem:$0x1E510];
	v35 =	vpop (erf)  }
0x706: {  	s7 =	simm.s32 $0x1C480;
	v30 =	vmul.f32 v35, v30  }
0x707: {  	v33 =	vld [tilespmem:s7+$0xFFFFFF80]  }
0x708: {  	v30 =	vadd.f32 v30, v31;
	_ =	sdelay $0x1  }
0x709: {  	v30 =	vmul.f32 v32, v30;
	_ =	sdelay $0x1  }
0x70a: {  	v30 =	vadd.f32 v30, v33;
	_ =	sdelay $0x1  }
0x70b: {  	[tilespmem:s7+$0xFFFFFF80] =	vst v30  }
0x70c: {  	v30 =	vld [tilespmem:s8+$0xFFFFFF80];
	_ =	sdelay $0x1  }
0x70d: {  	v52 =	vld [tilespmem:$0x1E490];
	_ =	sdelay $0x1  }
0x70e: {  	v53 =	vld [tilespmem:$0x1E510]  }
0x70f: {  	v30 =	vmul.f32 v30, v35  }
0x710: {  	v34 =	vld [tilespmem:s7+$0xFFFFFF90]  }
0x711: {  	v30 =	vadd.f32 v30, v52;
	_ =	sdelay $0x1  }
0x712: {  	v30 =	vmul.f32 v53, v30;
	_ =	sdelay $0x1  }
0x713: {  	v30 =	vadd.f32 v30, v34;
	_ =	sdelay $0x1  }
0x714: {  	[tilespmem:s7+$0xFFFFFF90] =	vst v30  }
0x715: {  	v30 =	vld [tilespmem:s8+$0xFFFFFF90];
	_ =	sdelay $0x1  }
0x716: {  	v54 =	vld [tilespmem:$0x1E4A0];
	_ =	sdelay $0x1  }
0x717: {  	v55 =	vld [tilespmem:$0x1E510]  }
0x718: {  	v30 =	vmul.f32 v30, v35  }
0x719: {  	v56 =	vld [tilespmem:s7+$0xFFFFFFA0]  }
0x71a: {  	v30 =	vadd.f32 v30, v54;
	_ =	sdelay $0x1  }
0x71b: {  	v30 =	vmul.f32 v55, v30;
	_ =	sdelay $0x1  }
0x71c: {  	v30 =	vadd.f32 v30, v56;
	_ =	sdelay $0x1  }
0x71d: {  	[tilespmem:s7+$0xFFFFFFA0] =	vst v30  }
0x71e: {  	s22 =	simm.s32 $0x2;
	v57 =	vld [tilespmem:s8+$0xFFFFFFA0]  }
0x71f: {  	v30 =	vmov s22  }
0x720: {  	v30 =	vmul.u32 $0x90, v30;
	v58 =	vld [tilespmem:$0x1E4B0];
	_ =	sdelay $0x1  }
0x721: {  	v59 =	vld [tilespmem:$0x1E510];
	v30 =	vadd.s32 $0x80, v30  }
0x722: {  	v30 =	vbroadcast v30, $0x0;
	v32 =	vmul.f32 v57, v35  }
0x723: {  	v36 =	vld [tilespmem:s7+$0xFFFFFFB0]  }
0x724: {  	v32 =	vadd.f32 v32, v58;
	_ =	sdelay $0x1  }
0x725: {  	v32 =	vmul.f32 v59, v32;
	_ =	sdelay $0x1  }
0x726: {  	v30 =	vld.idx.msk [tilespmem:v30+s25+$0x0], $0xffff;
	v32 =	vadd.f32 v32, v36;
	_ =	sdelay $0x1  }
0x727: {  	[tilespmem:s7+$0xFFFFFFB0] =	vst v32  }
0x728: {  	v32 =	vld [tilespmem:s8+$0xFFFFFFB0];
	_ =	sdelay $0x1  }
0x729: {  	v30 =	vadd.f32 $1.000000020e-16, v30;
	v60 =	vld [tilespmem:$0x1E4C0];
	_ =	sdelay $0x1  }
0x72a: {  	(erf) = vrcp.f32 v30;
	v30 =	vld [tilespmem:$0x1E510]  }
0x72b: {  	v32 =	vmul.f32 v32, v35;
	_ =	sdelay $0x1  }
0x72c: {  	v61 =	vld [tilespmem:s7+$0xFFFFFFC0];
	v32 =	vadd.f32 v32, v60  }
0x72d: {  	s20 =	simm.s32 $0x17DB0  }
0x72e: {  	v62 =	vld [tilespmem:s20+$0xFFFFFF70];
	v30 =	vmul.f32 v30, v32;
	_ =	sdelay $0x1  }
0x72f: {  	v40 =	vld [tilespmem:$0x1E480]  }
0x730: {  	v32 =	vadd.f32 v30, v61  }
0x731: {  	s19 =	simm.s32 $0x1C580;
	v63 =	vld [tilespmem:$0x1E510];
	v30 =	vpop (erf)  }
0x732: {  	v41 =	vld [tilespmem:s19+$0xFFFFFF80];
	[tilespmem:s7+$0xFFFFFFC0] =	vst v32;
	v33 =	vmul.f32 v30, v62  }
0x733: {  	v32 =	vld [tilespmem:s8+$0xFFFFFFC0]  }
0x734: {  	v33 =	vadd.f32 v33, v40  }
0x735: {  	s31 =	simm.s32 $0x1;
	v38 =	vld [tilespmem:$0x1E4D0]  }
0x736: {  	v37 =	vmov s31;
	v33 =	vmul.f32 v63, v33  }
0x737: {  	v37 =	vmul.u32 $0x90, v37;
	v42 =	vld [tilespmem:$0x1E510]  }
0x738: {  	v32 =	vmul.f32 v32, v35;
	v33 =	vadd.f32 v33, v41  }
0x739: {  	v37 =	vadd.s32 $0x80, v37;
	v44 =	vld [tilespmem:s7+$0xFFFFFFD0]  }
0x73a: {  	v43 =	vbroadcast v37, $0x0;
	v32 =	vadd.f32 v32, v38;
	[tilespmem:s19+$0xFFFFFF80] =	vst v33  }
0x73b: {  	v33 =	vld [tilespmem:s20+$0xFFFFFF80]  }
0x73c: {  	v32 =	vmul.f32 v42, v32  }
0x73d: {  	v45 =	vld [tilespmem:$0x1E490]  }
0x73e: {  	v47 =	vld [tilespmem:s19+$0xFFFFFF90];
	v32 =	vadd.f32 v32, v44  }
0x73f: {  	v46 =	vld [tilespmem:$0x1E510]  }
0x740: {  	v36 =	vld.idx.msk [tilespmem:v43+s25+$0x0], $0xffff;
	[tilespmem:s7+$0xFFFFFFD0] =	vst v32;
	v33 =	vmul.f32 v33, v30  }
0x741: {  	v32 =	vld [tilespmem:s8+$0xFFFFFFD0]  }
0x742: {  	v33 =	vadd.f32 v33, v45  }
0x743: {  	v48 =	vld [tilespmem:$0x1E4E0]  }
0x744: {  	v33 =	vmul.f32 v46, v33  }
0x745: {  	v36 =	vadd.f32 $1.000000020e-16, v36;
	v49 =	vld [tilespmem:$0x1E510]  }
0x746: {  	v32 =	vmul.f32 v32, v35;
	v33 =	vadd.f32 v33, v47  }
0x747: {  	v50 =	vld [tilespmem:s7+$0xFFFFFFE0];
	(erf) = vrcp.f32 v36  }
0x748: {  	v32 =	vadd.f32 v32, v48;
	[tilespmem:s19+$0xFFFFFF90] =	vst v33  }
0x749: {  	v33 =	vld [tilespmem:s20+$0xFFFFFF90]  }
0x74a: {  	v32 =	vmul.f32 v49, v32  }
0x74b: {  	v52 =	vld [tilespmem:$0x1E4A0]  }
0x74c: {  	v51 =	vld [tilespmem:s8+$0x0];
	v32 =	vadd.f32 v32, v50  }
0x74d: {  	v53 =	vld [tilespmem:$0x1E510]  }
0x74e: {  	v33 =	vmul.f32 v33, v30  }
0x74f: {  	v41 =	vld [tilespmem:s19+$0xFFFFFFA0];
	[tilespmem:s7+$0xFFFFFFE0] =	vst v32  }
0x750: {  	v38 =	vld [tilespmem:$0x1E510];
	v32 =	vpop (erf);
	v33 =	vadd.f32 v33, v52  }
0x751: {  	v34 =	vmul.f32 v32, v51  }
0x752: {  	v54 =	vld [tilespmem:s7+$0x0];
	v33 =	vmul.f32 v53, v33  }
0x753: {  	v31 =	vadd.f32 v34, v31  }
0x754: {  	v33 =	vadd.f32 v33, v41  }
0x755: {  	v34 =	vmul.f32 v31, v38  }
0x756: {  	[tilespmem:s19+$0xFFFFFFA0] =	vst v33  }
0x757: {  	s4 =	simm.s32 $0x4;
	v55 =	vadd.f32 v34, v54;
	v58 =	vld [tilespmem:s20+$0xFFFFFFA0]  }
0x758: {  	v57 =	vmov s4  }
0x759: {  	v36 =	vmul.u32 $0x90, v57;
	v59 =	vld [tilespmem:$0x1E4B0];
	[tilespmem:s7+$0x0] =	vst v55  }
0x75a: {  	v33 =	vld [tilespmem:s8+$0x10]  }
0x75b: {  	v36 =	vadd.s32 $0x80, v36;
	v42 =	vld [tilespmem:$0x1E510]  }
0x75c: {  	v36 =	vbroadcast v36, $0x0;
	v43 =	vld [tilespmem:$0x1E490];
	v37 =	vmul.f32 v58, v30  }
0x75d: {  	v44 =	vld [tilespmem:s19+$0xFFFFFFB0]  }
0x75e: {  	v45 =	vld [tilespmem:$0x1E510];
	v37 =	vadd.f32 v37, v59  }
0x75f: {  	v33 =	vmul.f32 v33, v32  }
0x760: {  	v56 =	vld [tilespmem:s7+$0x10];
	v37 =	vmul.f32 v42, v37  }
0x761: {  	v33 =	vadd.f32 v33, v43  }
0x762: {  	v36 =	vld.idx.msk [tilespmem:v36+s25+$0x0], $0xffff;
	v37 =	vadd.f32 v37, v44  }
0x763: {  	v33 =	vmul.f32 v45, v33  }
0x764: {  	[tilespmem:s19+$0xFFFFFFB0] =	vst v37  }
0x765: {  	v33 =	vadd.f32 v33, v56;
	v61 =	vld [tilespmem:s20+$0xFFFFFFB0]  }
0x766: {  	v39 =	vld [tilespmem:s7+$0xFFFFFFF0]  }
0x767: {  	v36 =	vadd.f32 $1.000000020e-16, v36;
	v37 =	vld [tilespmem:$0x1E4C0];
	[tilespmem:s7+$0x10] =	vst v33  }
0x768: {  	v33 =	vld [tilespmem:s8+$0x20]  }
0x769: {  	(erf) = vrcp.f32 v36;
	v62 =	vld [tilespmem:$0x1E510]  }
0x76a: {  	v63 =	vld [tilespmem:$0x1E4A0];
	v34 =	vmul.f32 v61, v30  }
0x76b: {  	v48 =	vld [tilespmem:s19+$0xFFFFFFC0]  }
0x76c: {  	v49 =	vld [tilespmem:$0x1E510];
	v34 =	vadd.f32 v34, v37  }
0x76d: {  	s5 =	simm.s32 $0x17ED0;
	v60 =	vld [tilespmem:s7+$0x20];
	v33 =	vmul.f32 v33, v32  }
0x76e: {  	v50 =	vld [tilespmem:s5+$0xFFFFFF70];
	v34 =	vmul.f32 v62, v34  }
0x76f: {  	v36 =	vld [tilespmem:s8+$0xFFFFFFE0];
	v33 =	vadd.f32 v33, v63  }
0x770: {  	v37 =	vld [tilespmem:$0x1E480]  }
0x771: {  	v52 =	vld [tilespmem:$0x1E510];
	v51 =	vadd.f32 v34, v48;
	v33 =	vmul.f32 v49, v33  }
0x772: {  	s11 =	simm.s32 $0x1C680;
	v31 =	vld [tilespmem:s19+$0xFFFFFFF0];
	v34 =	vpop (erf)  }
0x773: {  	v54 =	vld [tilespmem:s11+$0xFFFFFF80];
	[tilespmem:s19+$0xFFFFFFC0] =	vst v51;
	v33 =	vadd.f32 v33, v60;
	v53 =	vmul.f32 v34, v50  }
0x774: {  	s10 =	simm.s32 $0x3;
	v55 =	vld [tilespmem:s20+$0xFFFFFFC0]  }
0x775: {  	v46 =	vmov s10;
	v57 =	vld [tilespmem:$0x1E4D0];
	[tilespmem:s7+$0x20] =	vst v33;
	v56 =	vadd.f32 v53, v37  }
0x776: {  	v58 =	vmul.u32 $0x90, v46;
	v59 =	vld [tilespmem:s8+$0x30]  }
0x777: {  	v60 =	vld [tilespmem:$0x1E510];
	v42 =	vmul.f32 v52, v56  }
0x778: {  	v33 =	vadd.s32 $0x80, v58;
	v47 =	vld [tilespmem:$0x1E4B0]  }
0x779: {  	v61 =	vld [tilespmem:s19+$0xFFFFFFD0];
	v33 =	vbroadcast v33, $0x0;
	v41 =	vmul.f32 v55, v30;
	v42 =	vadd.f32 v42, v54  }
0x77a: {  	v48 =	vld [tilespmem:$0x1E510]  }
0x77b: {  	v63 =	vld [tilespmem:s7+$0x30];
	v41 =	vadd.f32 v41, v57;
	v62 =	vmul.f32 v59, v32;
	[tilespmem:s11+$0xFFFFFF80] =	vst v42  }
0x77c: {  	v51 =	vld [tilespmem:s5+$0xFFFFFF80]  }
0x77d: {  	v43 =	vld [tilespmem:$0x1E4F0];
	v41 =	vmul.f32 v60, v41;
	v42 =	vadd.f32 v62, v47  }
0x77e: {  	v52 =	vld [tilespmem:$0x1E490]  }
0x77f: {  	v33 =	vld.idx.msk [tilespmem:v33+s25+$0x0], $0xffff;
	v41 =	vadd.f32 v41, v61;
	v42 =	vmul.f32 v48, v42  }
0x780: {  	v53 =	vld [tilespmem:$0x1E510]  }
0x781: {  	v54 =	vld [tilespmem:s11+$0xFFFFFF90];
	[tilespmem:s19+$0xFFFFFFD0] =	vst v41;
	v55 =	vadd.f32 v42, v63;
	v46 =	vmul.f32 v51, v34  }
0x782: {  	v56 =	vld [tilespmem:s20+$0xFFFFFFD0]  }
0x783: {  	v58 =	vld [tilespmem:$0x1E4E0];
	[tilespmem:s7+$0x30] =	vst v55;
	v57 =	vadd.f32 v46, v52  }
0x784: {  	v41 =	vld [tilespmem:s8+$0x40]  }
0x785: {  	v33 =	vadd.f32 $1.000000020e-16, v33;
	v59 =	vld [tilespmem:$0x1E510];
	v44 =	vmul.f32 v53, v57  }
0x786: {  	v60 =	vld [tilespmem:$0x1E4C0]  }
0x787: {  	v61 =	vld [tilespmem:s19+$0xFFFFFFE0];
	(erf) = vrcp.f32 v33;
	v42 =	vmul.f32 v56, v30;
	v44 =	vadd.f32 v44, v54  }
0x788: {  	v62 =	vld [tilespmem:$0x1E510]  }
0x789: {  	v63 =	vld [tilespmem:s7+$0x40];
	v42 =	vadd.f32 v42, v58;
	v41 =	vmul.f32 v41, v32;
	[tilespmem:s11+$0xFFFFFF90] =	vst v44  }
0x78a: {  	v52 =	vld [tilespmem:s5+$0xFFFFFF90]  }
0x78b: {  	v53 =	vld [tilespmem:s20+$0x0];
	v42 =	vmul.f32 v59, v42;
	v41 =	vadd.f32 v41, v60  }
0x78c: {  	v54 =	vld [tilespmem:$0x1E4A0]  }
0x78d: {  	v33 =	vld [tilespmem:s11+$0xFFFFFFF0];
	v42 =	vadd.f32 v42, v61;
	v41 =	vmul.f32 v62, v41  }
0x78e: {  	v35 =	vmul.f32 v36, v35;
	v55 =	vld [tilespmem:$0x1E510]  }
0x78f: {  	v56 =	vld [tilespmem:s11+$0xFFFFFFA0];
	[tilespmem:s19+$0xFFFFFFE0] =	vst v42;
	v41 =	vadd.f32 v41, v63;
	v46 =	vmul.f32 v52, v34  }
0x790: {  	v43 =	vadd.f32 v35, v43;
	v36 =	vpop (erf);
	v35 =	vld [tilespmem:$0x1E510]  }
0x791: {  	v58 =	vld [tilespmem:s19+$0x0];
	v45 =	vmul.f32 v36, v53;
	[tilespmem:s7+$0x40] =	vst v41;
	v57 =	vadd.f32 v46, v54  }
0x792: {  	v59 =	vmul.f32 v38, v43;
	v60 =	vld [tilespmem:s8+$0x50]  }
0x793: {  	v40 =	vadd.f32 v45, v40;
	v38 =	vld [tilespmem:s20+$0xFFFFFFE0];
	v61 =	vmul.f32 v55, v57  }
0x794: {  	s16 =	simm.s32 $0x6;
	v39 =	vadd.f32 v59, v39;
	v41 =	vld [tilespmem:$0x1E4D0]  }
0x795: {  	v63 =	vmov s16;
	v45 =	vld [tilespmem:s19+$0x10];
	v62 =	vmul.f32 v40, v35;
	v42 =	vadd.f32 v61, v56  }
0x796: {  	[tilespmem:s7+$0xFFFFFFF0] =	vst v39;
	v39 =	vmul.u32 $0x90, v63;
	v43 =	vld [tilespmem:$0x1E510]  }
0x797: {  	s15 =	simm.s32 $0x8;
	s21 =	simm.s32 $0x17ED0;
	s10 =	simm.s32 $0x1C680;
	v40 =	vld [tilespmem:s7+$0x50];
	v46 =	vmul.f32 v60, v32;
	[tilespmem:s11+$0xFFFFFFA0] =	vst v42;
	v42 =	vadd.f32 v62, v58  }
.LBB2_23:
0x798: {  	p0 =	slt.u32 s15, $0x3E;
	v39 =	vadd.s32 $0x80, v39;
	v44 =	vld [tilespmem:s5+$0xFFFFFFA0];
	v38 =	vmul.f32 v38, v30;
	v30 =	vmov v34  }
0x799: {  	v34 =	vbroadcast v39, $0x0;
	v39 =	vld [tilespmem:$0x1E4B0];
	[tilespmem:s19+$0x0] =	vst v42;
	v41 =	vadd.f32 v46, v41  }
0x79a: {  	v42 =	vld [tilespmem:s20+$0x10]  }
0x79b: {  	v46 =	vld [tilespmem:$0x1E510];
	v41 =	vmul.f32 v43, v41  }
0x79c: {  	v43 =	vld [tilespmem:$0x1E490]  }
0x79d: {  	v44 =	vmul.f32 v44, v30;
	v47 =	vld [tilespmem:s11+$0xFFFFFFB0];
	v40 =	vadd.f32 v41, v40  }
0x79e: {  	v41 =	vld [tilespmem:$0x1E510]  }
0x79f: {  	v34 =	vld.idx.msk [tilespmem:v34+s25+$0x0], $0xffff;
	v39 =	vadd.f32 v44, v39;
	v42 =	vmul.f32 v42, v36;
	[tilespmem:s7+$0x50] =	vst v40  }
0x7a0: {  	v40 =	vld [tilespmem:s8+$0x60]  }
0x7a1: {  	v44 =	vld [tilespmem:$0x1E510];
	v39 =	vmul.f32 v46, v39;
	v42 =	vadd.f32 v42, v43  }
0x7a2: {  	v43 =	vld [tilespmem:$0x1E4E0]  }
0x7a3: {  	v39 =	vadd.f32 v39, v47;
	v41 =	vmul.f32 v41, v42;
	v42 =	vld [tilespmem:s7+$0x60]  }
0x7a4: {  	v46 =	vld [tilespmem:$0x1E510]  }
0x7a5: {  	[tilespmem:s11+$0xFFFFFFB0] =	vst v39;
	v39 =	vadd.f32 v41, v45;
	v41 =	vld [tilespmem:s19+$0x20];
	v40 =	vmul.f32 v40, v32  }
0x7a6: {  	v34 =	vadd.f32 $1.000000020e-16, v34;
	v45 =	vld [tilespmem:s5+$0xFFFFFFB0]  }
0x7a7: {  	v47 =	vld [tilespmem:$0x1E4C0];
	[tilespmem:s19+$0x10] =	vst v39;
	v39 =	vadd.f32 v40, v43  }
0x7a8: {  	(erf) = vrcp.f32 v34;
	v34 =	vld [tilespmem:s20+$0x20]  }
0x7a9: {  	v40 =	vld [tilespmem:$0x1E510];
	v39 =	vmul.f32 v46, v39  }
0x7aa: {  	v43 =	vld [tilespmem:$0x1E4A0]  }
0x7ab: {  	v45 =	vmul.f32 v45, v30;
	v46 =	vld [tilespmem:s11+$0xFFFFFFC0];
	v39 =	vadd.f32 v39, v42  }
0x7ac: {  	s5 =	sadd.s32 $0x120, s5;
	v42 =	vld [tilespmem:$0x1E510]  }
0x7ad: {  	v48 =	vld [tilespmem:s5+$0xFFFFFF70];
	v45 =	vadd.f32 v45, v47;
	v34 =	vmul.f32 v34, v36;
	[tilespmem:s7+$0x60] =	vst v39  }
0x7ae: {  	v47 =	vld [tilespmem:s8+$0x70];
	s8 =	smov.u32 s20;
	s20 =	smov.u32 s21;
	s21 =	smov.u32 s5  }
0x7af: {  	v39 =	vld [tilespmem:$0x1E480];
	v40 =	vmul.f32 v40, v45;
	v43 =	vadd.f32 v34, v43  }
0x7b0: {  	v45 =	vld [tilespmem:$0x1E4F0]  }
0x7b1: {  	v34 =	vpop (erf);
	v40 =	vadd.f32 v40, v46;
	v42 =	vmul.f32 v42, v43;
	v43 =	vld [tilespmem:s7+$0x70]  }
0x7b2: {  	s11 =	sadd.s32 $0x100, s11;
	v46 =	vmul.f32 v34, v48;
	v48 =	vld [tilespmem:$0x1E510]  }
0x7b3: {  	v49 =	vld [tilespmem:s11+$0xFFFFFF80];
	[tilespmem:s10+$0xFFFFFFC0] =	vst v40;
	v40 =	vadd.f32 v42, v41;
	v41 =	vmul.f32 v47, v32;
	v32 =	vmov v36  }
0x7b4: {  	s22 =	sadd.s32 $0x1, s4;
	s4 =	smov.u32 s16;
	s16 =	smov.u32 s15;
	v36 =	vadd.f32 v46, v39;
	v42 =	vld [tilespmem:s20+$0xFFFFFFC0]  }
0x7b5: {  	v47 =	vmov s22;
	v46 =	vld [tilespmem:$0x1E4D0];
	[tilespmem:s19+$0x20] =	vst v40;
	v40 =	vadd.f32 v41, v45  }
0x7b6: {  	v41 =	vmul.u32 $0x90, v47;
	v36 =	vmul.f32 v44, v36;
	v44 =	vld [tilespmem:s8+$0x30]  }
0x7b7: {  	v45 =	vld [tilespmem:$0x1E510];
	v40 =	vmul.f32 v48, v40  }
0x7b8: {  	v41 =	vadd.s32 $0x80, v41;
	v36 =	vadd.f32 v36, v49;
	v47 =	vld [tilespmem:$0x1E4B0]  }
0x7b9: {  	v41 =	vbroadcast v41, $0x0;
	v42 =	vmul.f32 v42, v30;
	v48 =	vld [tilespmem:s10+$0xFFFFFFD0];
	v40 =	vadd.f32 v40, v43  }
0x7ba: {  	[tilespmem:s11+$0xFFFFFF80] =	vst v36;
	v36 =	vld [tilespmem:$0x1E510]  }
0x7bb: {  	v42 =	vadd.f32 v42, v46;
	v43 =	vmul.f32 v44, v32;
	v44 =	vld [tilespmem:s19+$0x30];
	[tilespmem:s7+$0x70] =	vst v40;
	s7 =	smov.u32 s19;
	s19 =	smov.u32 s10;
	s10 =	smov.u32 s11  }
0x7bc: {  	v40 =	vld [tilespmem:s5+$0xFFFFFF80]  }
0x7bd: {  	v42 =	vmul.f32 v45, v42;
	v45 =	vld [tilespmem:$0x1E4F0];
	v43 =	vadd.f32 v43, v47  }
0x7be: {  	v46 =	vld [tilespmem:$0x1E490]  }
0x7bf: {  	v42 =	vadd.f32 v42, v48;
	v41 =	vld.idx.msk [tilespmem:v41+s25+$0x0], $0xffff;
	v36 =	vmul.f32 v36, v43  }
0x7c0: {  	v43 =	vld [tilespmem:$0x1E510]  }
0x7c1: {  	v40 =	vmul.f32 v40, v34;
	v47 =	vld [tilespmem:s11+$0xFFFFFF90];
	[tilespmem:s19+$0xFFFFFFD0] =	vst v42;
	v36 =	vadd.f32 v36, v44  }
0x7c2: {  	v42 =	vld [tilespmem:s20+$0xFFFFFFD0];
	v38 =	vadd.f32 v38, v45  }
0x7c3: {  	v40 =	vadd.f32 v40, v46;
	v44 =	vld [tilespmem:$0x1E4E0];
	[tilespmem:s7+$0x30] =	vst v36  }
0x7c4: {  	v35 =	vmul.f32 v35, v38;
	v36 =	vld [tilespmem:s8+$0x40]  }
0x7c5: {  	v41 =	vadd.f32 $1.000000020e-16, v41;
	v38 =	vmul.f32 v43, v40;
	v40 =	vld [tilespmem:$0x1E510]  }
0x7c6: {  	v35 =	vadd.f32 v35, v31;
	v43 =	vld [tilespmem:$0x1E4C0];
	v31 =	vmov v33  }
0x7c7: {  	v33 =	vadd.f32 v38, v47;
	v38 =	vmul.f32 v42, v30;
	v42 =	vld [tilespmem:s19+$0xFFFFFFE0];
	(erf) = vrcp.f32 v41  }
0x7c8: {  	[tilespmem:s7+$0xFFFFFFF0] =	vst v35;
	v35 =	vld [tilespmem:$0x1E510]  }
0x7c9: {  	[tilespmem:s11+$0xFFFFFF90] =	vst v33;
	v33 =	vadd.f32 v38, v44;
	v36 =	vmul.f32 v36, v32;
	v38 =	vld [tilespmem:s7+$0x40]  }
0x7ca: {  	v41 =	vld [tilespmem:s5+$0xFFFFFF90]  }
0x7cb: {  	v40 =	vmul.f32 v40, v33;
	v44 =	vld [tilespmem:s20+$0x0];
	v36 =	vadd.f32 v36, v43  }
0x7cc: {  	v43 =	vld [tilespmem:$0x1E4A0]  }
0x7cd: {  	v33 =	vld [tilespmem:s11+$0xFFFFFFF0];
	v40 =	vadd.f32 v40, v42;
	v35 =	vmul.f32 v35, v36  }
0x7ce: {  	v42 =	vld [tilespmem:$0x1E510]  }
0x7cf: {  	v41 =	vmul.f32 v41, v34;
	v45 =	vld [tilespmem:s11+$0xFFFFFFA0];
	[tilespmem:s19+$0xFFFFFFE0] =	vst v40;
	v38 =	vadd.f32 v35, v38  }
0x7d0: {  	v35 =	vld [tilespmem:$0x1E510];
	v36 =	vpop (erf)  }
0x7d1: {  	v40 =	vadd.f32 v41, v43;
	v41 =	vmul.f32 v36, v44;
	v44 =	vld [tilespmem:s19+$0x0];
	[tilespmem:s7+$0x40] =	vst v38  }
0x7d2: {  	v46 =	vld [tilespmem:s8+$0x50]  }
.Ltmp10:
0x7d3: {  	v40 =	vmul.f32 v42, v40;
	v38 =	vld [tilespmem:s20+$0xFFFFFFE0];
	v42 =	vadd.f32 v41, v37;
	v37 =	vmov v39;
	(pc) =	sbr.rel @p0 .LBB2_23-.Ltmp10, $4  }
0x7d4: {  	v41 =	vld [tilespmem:$0x1E4D0]  }
0x7d5: {  	v39 =	vmov s15;
	v45 =	vadd.f32 v40, v45;
	v42 =	vmul.f32 v42, v35;
	v40 =	vld [tilespmem:s7+$0x50]  }
0x7d6: {  	v39 =	vmul.u32 $0x90, v39;
	v43 =	vld [tilespmem:$0x1E510]  }
0x7d7: {  	s15 =	sadd.s32 $0x2, s15;
	[tilespmem:s11+$0xFFFFFFA0] =	vst v45;
	v42 =	vadd.f32 v42, v44;
	v45 =	vld [tilespmem:s19+$0x10];
	v46 =	vmul.f32 v46, v32  }
0x7d8: {  	v39 =	vadd.s32 $0x80, v39  }
0x7d9: {  	v39 =	vbroadcast v39, $0x0;
	_ =	sdelay $0x5  }
0x7da: {  	v39 =	vld.idx.msk [tilespmem:v39+s25+$0x0], $0xffff;
	_ =	sdelay $0x4  }
0x7db: {  	v39 =	vadd.f32 $1.000000020e-16, v39;
	_ =	sdelay $0x1  }
0x7dc: {  	(erf) = vrcp.f32 v39;
	_ =	sdelay $0x3  }
0x7dd: {  	s22 =	sadd.s32 $0x120, s5  }
0x7de: {  	v44 =	vld [tilespmem:s22+$0xFFFFFF70];
	_ =	sdelay $0x1  }
0x7df: {  	v47 =	vld [tilespmem:$0x1E480];
	_ =	sdelay $0x1  }
0x7e0: {  	v48 =	vld [tilespmem:$0x1E510];
	v39 =	vpop (erf)  }
0x7e1: {  	s15 =	sadd.s32 $0x100, s11;
	v44 =	vmul.f32 v39, v44  }
0x7e2: {  	v49 =	vld [tilespmem:s15+$0xFFFFFF80]  }
0x7e3: {  	v44 =	vadd.f32 v44, v47;
	_ =	sdelay $0x1  }
0x7e4: {  	v44 =	vmul.f32 v48, v44;
	_ =	sdelay $0x1  }
0x7e5: {  	v44 =	vadd.f32 v44, v49;
	_ =	sdelay $0x1  }
0x7e6: {  	[tilespmem:s15+$0xFFFFFF80] =	vst v44  }
0x7e7: {  	v44 =	vld [tilespmem:s22+$0xFFFFFF80];
	_ =	sdelay $0x1  }
0x7e8: {  	v52 =	vld [tilespmem:$0x1E490];
	_ =	sdelay $0x1  }
0x7e9: {  	v53 =	vld [tilespmem:$0x1E510]  }
0x7ea: {  	v44 =	vmul.f32 v44, v39  }
0x7eb: {  	v50 =	vld [tilespmem:s15+$0xFFFFFF90]  }
0x7ec: {  	v44 =	vadd.f32 v44, v52;
	_ =	sdelay $0x1  }
0x7ed: {  	v44 =	vmul.f32 v53, v44;
	_ =	sdelay $0x1  }
0x7ee: {  	v44 =	vadd.f32 v44, v50;
	_ =	sdelay $0x1  }
0x7ef: {  	[tilespmem:s15+$0xFFFFFF90] =	vst v44  }
0x7f0: {  	v44 =	vld [tilespmem:s22+$0xFFFFFF90];
	_ =	sdelay $0x1  }
0x7f1: {  	v54 =	vld [tilespmem:$0x1E4A0];
	_ =	sdelay $0x1  }
0x7f2: {  	v55 =	vld [tilespmem:$0x1E510]  }
0x7f3: {  	v44 =	vmul.f32 v44, v39  }
0x7f4: {  	v56 =	vld [tilespmem:s15+$0xFFFFFFA0]  }
0x7f5: {  	v44 =	vadd.f32 v44, v54;
	_ =	sdelay $0x1  }
0x7f6: {  	v44 =	vmul.f32 v55, v44  }
0x7f7: {  	v57 =	vld [tilespmem:s5+$0xFFFFFFA0]  }
0x7f8: {  	v44 =	vadd.f32 v44, v56  }
0x7f9: {  	v58 =	vld [tilespmem:$0x1E4B0]  }
0x7fa: {  	v59 =	vld [tilespmem:$0x1E510];
	[tilespmem:s15+$0xFFFFFFA0] =	vst v44  }
0x7fb: {  	v44 =	vld [tilespmem:s22+$0xFFFFFFA0]  }
0x7fc: {  	v48 =	vmul.f32 v57, v34;
	v52 =	vld [tilespmem:s11+$0xFFFFFFB0]  }
0x7fd: {  	v51 =	vld [tilespmem:$0x1E4B0]  }
0x7fe: {  	v48 =	vadd.f32 v48, v58  }
0x7ff: {  	v60 =	vld [tilespmem:$0x1E510]  }
0x800: {  	v48 =	vmul.f32 v59, v48;
	v44 =	vmul.f32 v44, v39  }
0x801: {  	v61 =	vld [tilespmem:s15+$0xFFFFFFB0]  }
0x802: {  	v48 =	vadd.f32 v48, v52;
	v44 =	vadd.f32 v44, v51;
	_ =	sdelay $0x1  }
0x803: {  	[tilespmem:s11+$0xFFFFFFB0] =	vst v48;
	v44 =	vmul.f32 v60, v44  }
0x804: {  	v48 =	vld [tilespmem:s5+$0xFFFFFFB0]  }
0x805: {  	v44 =	vadd.f32 v44, v61  }
0x806: {  	v62 =	vld [tilespmem:$0x1E4C0]  }
0x807: {  	v63 =	vld [tilespmem:$0x1E510];
	[tilespmem:s15+$0xFFFFFFB0] =	vst v44  }
0x808: {  	v44 =	vld [tilespmem:s22+$0xFFFFFFB0]  }
0x809: {  	v57 =	vld [tilespmem:s11+$0xFFFFFFC0];
	v48 =	vmul.f32 v48, v34  }
0x80a: {  	v56 =	vld [tilespmem:$0x1E4C0]  }
0x80b: {  	v48 =	vadd.f32 v48, v62  }
0x80c: {  	v58 =	vld [tilespmem:$0x1E510]  }
0x80d: {  	v48 =	vmul.f32 v63, v48;
	v44 =	vmul.f32 v44, v39  }
0x80e: {  	v59 =	vld [tilespmem:s15+$0xFFFFFFC0]  }
0x80f: {  	v48 =	vadd.f32 v48, v57;
	v44 =	vadd.f32 v44, v56;
	_ =	sdelay $0x1  }
0x810: {  	[tilespmem:s10+$0xFFFFFFC0] =	vst v48;
	v44 =	vmul.f32 v58, v44  }
0x811: {  	v48 =	vld [tilespmem:s21+$0xFFFFFFC0]  }
0x812: {  	v44 =	vadd.f32 v44, v59  }
0x813: {  	s4 =	sadd.s32 $0x1, s4;
	v60 =	vld [tilespmem:$0x1E4D0]  }
0x814: {  	s31 =	sadd.s32 $0x1, s16;
	v57 =	vld [tilespmem:$0x1E510];
	v61 =	vmov s4;
	[tilespmem:s15+$0xFFFFFFC0] =	vst v44  }
0x815: {  	v53 =	vmov s31;
	v62 =	vmul.u32 $0x90, v61;
	v63 =	vld [tilespmem:s22+$0xFFFFFFC0]  }
0x816: {  	v53 =	vmul.u32 $0x90, v53;
	v54 =	vld [tilespmem:s10+$0xFFFFFFD0];
	v48 =	vmul.f32 v48, v34  }
0x817: {  	v44 =	vadd.s32 $0x80, v62;
	v58 =	vld [tilespmem:$0x1E4D0]  }
0x818: {  	v53 =	vadd.s32 $0x80, v53;
	v48 =	vadd.f32 v48, v60;
	v44 =	vbroadcast v44, $0x0  }
0x819: {  	v53 =	vbroadcast v53, $0x0;
	v59 =	vld [tilespmem:$0x1E510]  }
0x81a: {  	v48 =	vmul.f32 v57, v48;
	v50 =	vmul.f32 v63, v39  }
0x81b: {  	v60 =	vld [tilespmem:s15+$0xFFFFFFD0]  }
0x81c: {  	[tilespmem:s19+$0x0] =	vst v42;
	v48 =	vadd.f32 v48, v54;
	v61 =	vadd.f32 v50, v58  }
0x81d: {  	v49 =	vld [tilespmem:$0x1E490]  }
0x81e: {  	[tilespmem:s10+$0xFFFFFFD0] =	vst v48;
	v44 =	vld.idx.msk [tilespmem:v44+s25+$0x0], $0xffff;
	v42 =	vmul.f32 v59, v61  }
0x81f: {  	v48 =	vld [tilespmem:s21+$0xFFFFFFD0]  }
0x820: {  	v62 =	vld.idx.msk [tilespmem:v53+s25+$0x0], $0xffff;
	v42 =	vadd.f32 v42, v60  }
0x821: {  	v63 =	vld [tilespmem:$0x1E4E0]  }
0x822: {  	v50 =	vld [tilespmem:s20+$0x10];
	[tilespmem:s15+$0xFFFFFFD0] =	vst v42  }
0x823: {  	v56 =	vadd.f32 $1.000000020e-16, v44;
	v57 =	vld [tilespmem:s22+$0xFFFFFFD0]  }
0x824: {  	v58 =	vld [tilespmem:$0x1E510]  }
0x825: {  	v48 =	vmul.f32 v48, v34;
	(erf) = vrcp.f32 v56;
	v59 =	vld [tilespmem:$0x1E4E0]  }
0x826: {  	v51 =	vadd.f32 $1.000000020e-16, v62;
	v60 =	vld [tilespmem:s10+$0xFFFFFFE0]  }
0x827: {  	v48 =	vadd.f32 v48, v63;
	v61 =	vld [tilespmem:$0x1E510]  }
0x828: {  	v55 =	vld [tilespmem:$0x1E510];
	(erf) = vrcp.f32 v51;
	v44 =	vmul.f32 v57, v39  }
0x829: {  	v62 =	vld [tilespmem:s15+$0xFFFFFFE0];
	v48 =	vmul.f32 v58, v48  }
0x82a: {  	v63 =	vld [tilespmem:s21+$0x0];
	v42 =	vadd.f32 v44, v59  }
0x82b: {  	v56 =	vmul.f32 v50, v36;
	v48 =	vadd.f32 v48, v60  }
0x82c: {  	v57 =	vmul.f32 v61, v42  }
0x82d: {  	v58 =	vld [tilespmem:s22+$0x0];
	v49 =	vadd.f32 v56, v49;
	[tilespmem:s10+$0xFFFFFFE0] =	vst v48  }
0x82e: {  	v44 =	vpop (erf);
	v42 =	vld [tilespmem:$0x1E510];
	v50 =	vadd.f32 v57, v62  }
0x82f: {  	v49 =	vmul.f32 v55, v49;
	v59 =	vmul.f32 v44, v63  }
0x830: {  	v60 =	vld [tilespmem:s10+$0x0];
	[tilespmem:s15+$0xFFFFFFE0] =	vst v50  }
0x831: {  	v49 =	vadd.f32 v49, v45;
	v45 =	vpop (erf);
	v61 =	vadd.f32 v59, v37;
	v37 =	vld [tilespmem:$0x1E510]  }
0x832: {  	v48 =	vmul.f32 v45, v58  }
0x833: {  	v63 =	vld [tilespmem:s15+$0x0];
	v62 =	vmul.f32 v61, v42  }
0x834: {  	v47 =	vadd.f32 v48, v47  }
0x835: {  	v51 =	vld [tilespmem:s19+$0x20];
	[tilespmem:s19+$0x10] =	vst v49;
	v49 =	vadd.f32 v62, v60  }
0x836: {  	v57 =	vld [tilespmem:s20+$0x20];
	v47 =	vmul.f32 v47, v37  }
0x837: {  	v58 =	vld [tilespmem:$0x1E4A0];
	[tilespmem:s10+$0x0] =	vst v49  }
0x838: {  	v49 =	vld [tilespmem:s21+$0x10];
	v47 =	vadd.f32 v47, v63  }
0x839: {  	v59 =	vld [tilespmem:$0x1E510]  }
0x83a: {  	v61 =	vld [tilespmem:$0x1E490];
	[tilespmem:s15+$0x0] =	vst v47  }
0x83b: {  	v60 =	vmul.f32 v57, v36;
	v63 =	vld [tilespmem:s22+$0x10]  }
0x83c: {  	v57 =	vld [tilespmem:$0x1E510]  }
0x83d: {  	v62 =	vadd.f32 v60, v58;
	v49 =	vmul.f32 v49, v44;
	v58 =	vld [tilespmem:$0x1E490]  }
0x83e: {  	v52 =	vld [tilespmem:s10+$0x10]  }
0x83f: {  	v47 =	vmul.f32 v59, v62;
	v59 =	vld [tilespmem:$0x1E510];
	v49 =	vadd.f32 v49, v61  }
0x840: {  	v48 =	vmul.f32 v63, v45  }
0x841: {  	v47 =	vadd.f32 v47, v51;
	v61 =	vld [tilespmem:s15+$0x10];
	v60 =	vmul.f32 v57, v49  }
0x842: {  	v48 =	vadd.f32 v48, v58  }
0x843: {  	v56 =	vld [tilespmem:s19+$0x30];
	[tilespmem:s19+$0x20] =	vst v47;
	v47 =	vadd.f32 v60, v52  }
0x844: {  	v62 =	vld [tilespmem:s20+$0x30];
	v48 =	vmul.f32 v59, v48  }
0x845: {  	v63 =	vld [tilespmem:$0x1E4B0];
	[tilespmem:s10+$0x10] =	vst v47  }
0x846: {  	v47 =	vld [tilespmem:s21+$0x20];
	v48 =	vadd.f32 v48, v61  }
0x847: {  	v41 =	vadd.f32 v46, v41;
	v55 =	vld [tilespmem:$0x1E510]  }
0x848: {  	v58 =	vld [tilespmem:$0x1E4A0];
	[tilespmem:s15+$0x10] =	vst v48  }
0x849: {  	v41 =	vmul.f32 v43, v41;
	v57 =	vmul.f32 v62, v36;
	v59 =	vld [tilespmem:s22+$0x20]  }
0x84a: {  	v61 =	vld [tilespmem:$0x1E510]  }
0x84b: {  	v40 =	vadd.f32 v41, v40;
	v60 =	vadd.f32 v57, v63;
	v62 =	vmul.f32 v47, v44;
	v63 =	vld [tilespmem:$0x1E4A0]  }
0x84c: {  	v52 =	vld [tilespmem:s10+$0x20]  }
0x84d: {  	[tilespmem:s7+$0x50] =	vst v40;
	v48 =	vmul.f32 v55, v60;
	v54 =	vld [tilespmem:$0x1E510];
	v53 =	vadd.f32 v62, v58  }
0x84e: {  	v50 =	vld [tilespmem:s8+$0x60];
	v43 =	vmul.f32 v59, v45  }
0x84f: {  	v55 =	vld [tilespmem:s15+$0x20];
	v46 =	vadd.f32 v48, v56;
	v40 =	vmul.f32 v61, v53  }
0x850: {  	v49 =	vld [tilespmem:$0x1E4E0];
	v43 =	vadd.f32 v43, v63  }
0x851: {  	v58 =	vld [tilespmem:s19+$0x40];
	[tilespmem:s19+$0x30] =	vst v46;
	v40 =	vadd.f32 v40, v52  }
0x852: {  	v46 =	vld [tilespmem:s20+$0x40];
	v41 =	vmul.f32 v54, v43  }
0x853: {  	v56 =	vld [tilespmem:$0x1E4C0];
	[tilespmem:s10+$0x20] =	vst v40  }
0x854: {  	v40 =	vld [tilespmem:s21+$0x30];
	v41 =	vadd.f32 v41, v55  }
0x855: {  	v57 =	vld [tilespmem:$0x1E510]  }
0x856: {  	v59 =	vld [tilespmem:$0x1E4B0];
	[tilespmem:s15+$0x20] =	vst v41  }
0x857: {  	v46 =	vmul.f32 v46, v36;
	v41 =	vld [tilespmem:s22+$0x30]  }
0x858: {  	v60 =	vld [tilespmem:$0x1E510]  }
0x859: {  	v46 =	vadd.f32 v46, v56;
	v40 =	vmul.f32 v40, v44;
	v61 =	vld [tilespmem:$0x1E4B0]  }
0x85a: {  	v62 =	vld [tilespmem:s10+$0x30]  }
0x85b: {  	v43 =	vmul.f32 v57, v46;
	v63 =	vld [tilespmem:$0x1E510];
	v40 =	vadd.f32 v40, v59  }
0x85c: {  	v53 =	vld [tilespmem:s7+$0x60];
	v41 =	vmul.f32 v41, v45  }
0x85d: {  	v55 =	vld [tilespmem:s15+$0x30];
	v43 =	vadd.f32 v43, v58;
	v40 =	vmul.f32 v60, v40  }
0x85e: {  	v56 =	vld [tilespmem:$0x1E510];
	v41 =	vadd.f32 v41, v61  }
0x85f: {  	v58 =	vld [tilespmem:s19+$0x50];
	[tilespmem:s19+$0x40] =	vst v43;
	v40 =	vadd.f32 v40, v62  }
0x860: {  	v43 =	vld [tilespmem:s20+$0x50];
	v41 =	vmul.f32 v63, v41  }
0x861: {  	v57 =	vld [tilespmem:$0x1E4D0];
	[tilespmem:s10+$0x30] =	vst v40  }
0x862: {  	v40 =	vld [tilespmem:s21+$0x40];
	v41 =	vadd.f32 v41, v55  }
0x863: {  	v60 =	vld [tilespmem:$0x1E510]  }
0x864: {  	v59 =	vmul.f32 v50, v32;
	v61 =	vld [tilespmem:$0x1E4C0];
	[tilespmem:s15+$0x30] =	vst v41  }
0x865: {  	v43 =	vmul.f32 v43, v36;
	v63 =	vld [tilespmem:s22+$0x40]  }
0x866: {  	v62 =	vadd.f32 v59, v49;
	v54 =	vld [tilespmem:$0x1E510]  }
0x867: {  	v43 =	vadd.f32 v43, v57;
	v40 =	vmul.f32 v40, v44;
	v55 =	vld [tilespmem:$0x1E4C0]  }
0x868: {  	v41 =	vmul.f32 v56, v62;
	v56 =	vld [tilespmem:s10+$0x40]  }
0x869: {  	v43 =	vmul.f32 v60, v43;
	v57 =	vld [tilespmem:$0x1E510];
	v40 =	vadd.f32 v40, v61  }
0x86a: {  	v47 =	vmul.f32 v63, v45  }
0x86b: {  	v43 =	vadd.f32 v43, v58;
	v58 =	vld [tilespmem:s15+$0x40];
	v40 =	vmul.f32 v54, v40  }
0x86c: {  	v51 =	vld [tilespmem:s7+$0x70];
	v59 =	vadd.f32 v47, v55  }
0x86d: {  	v48 =	vld [tilespmem:$0x1E4F0];
	v40 =	vadd.f32 v40, v56  }
0x86e: {  	v52 =	vld [tilespmem:$0x1E4F0];
	v41 =	vadd.f32 v41, v53;
	[tilespmem:s19+$0x50] =	vst v43;
	v43 =	vmul.f32 v57, v59  }
0x86f: {  	v60 =	vld [tilespmem:s20+$0x60];
	[tilespmem:s10+$0x40] =	vst v40  }
0x870: {  	[tilespmem:s7+$0x60] =	vst v41;
	v40 =	vld [tilespmem:s21+$0x50];
	v41 =	vadd.f32 v43, v58  }
0x871: {  	v61 =	vld [tilespmem:$0x1E4E0]  }
0x872: {  	v56 =	vld [tilespmem:$0x1E4D0];
	[tilespmem:s15+$0x40] =	vst v41  }
0x873: {  	v41 =	vld [tilespmem:s22+$0x50]  }
0x874: {  	v57 =	vld [tilespmem:$0x1E510]  }
0x875: {  	v40 =	vmul.f32 v40, v44;
	v58 =	vld [tilespmem:$0x1E4D0]  }
0x876: {  	v59 =	vld [tilespmem:s10+$0x50]  }
0x877: {  	v47 =	vmul.f32 v60, v36;
	v60 =	vld [tilespmem:$0x1E510];
	v40 =	vadd.f32 v40, v56  }
0x878: {  	v63 =	vld [tilespmem:$0x1E510];
	v41 =	vmul.f32 v41, v45  }
0x879: {  	v47 =	vadd.f32 v47, v61;
	v61 =	vld [tilespmem:s15+$0x50];
	v40 =	vmul.f32 v57, v40  }
0x87a: {  	v49 =	vld [tilespmem:s21+$0xFFFFFFE0];
	v41 =	vadd.f32 v41, v58  }
0x87b: {  	v62 =	vld [tilespmem:s19+$0x60];
	v40 =	vadd.f32 v40, v59  }
0x87c: {  	v53 =	vld [tilespmem:s19+$0x70];
	v41 =	vmul.f32 v60, v41  }
0x87d: {  	v46 =	vld [tilespmem:s8+$0x70];
	[tilespmem:s10+$0x50] =	vst v40  }
0x87e: {  	v43 =	vmul.f32 v63, v47;
	v40 =	vld [tilespmem:s21+$0x60];
	v41 =	vadd.f32 v41, v61  }
0x87f: {  	v54 =	vld [tilespmem:$0x1E4F0]  }
0x880: {  	v43 =	vadd.f32 v43, v62;
	v62 =	vld [tilespmem:$0x1E4E0];
	[tilespmem:s15+$0x50] =	vst v41  }
0x881: {  	v41 =	vld [tilespmem:s22+$0x60]  }
0x882: {  	v63 =	vld [tilespmem:$0x1E510]  }
0x883: {  	v40 =	vmul.f32 v40, v44;
	v60 =	vld [tilespmem:$0x1E4E0]  }
0x884: {  	v61 =	vld [tilespmem:s10+$0x60]  }
0x885: {  	v40 =	vadd.f32 v40, v62;
	v62 =	vld [tilespmem:$0x1E510]  }
0x886: {  	v47 =	vld [tilespmem:$0x1E510];
	v41 =	vmul.f32 v41, v45  }
0x887: {  	[tilespmem:s19+$0x60] =	vst v43;
	v40 =	vmul.f32 v63, v40;
	v63 =	vld [tilespmem:s15+$0x60]  }
0x888: {  	v43 =	vld [tilespmem:s20+$0x70];
	v41 =	vadd.f32 v41, v60  }
0x889: {  	v56 =	vld [tilespmem:$0x1E4F0];
	v57 =	vmul.f32 v46, v32  }
0x88a: {  	v55 =	vld [tilespmem:$0x1E510];
	v40 =	vadd.f32 v40, v61;
	v41 =	vmul.f32 v62, v41  }
0x88b: {  	v32 =	vadd.f32 v57, v54;
	v57 =	vld [tilespmem:s15+$0xFFFFFFF0]  }
0x88c: {  	v30 =	vmul.f32 v38, v30;
	[tilespmem:s10+$0x60] =	vst v40;
	v40 =	vld [tilespmem:s22+$0xFFFFFFE0];
	v41 =	vadd.f32 v41, v63  }
0x88d: {  	v58 =	vld [tilespmem:s21+$0x70]  }
0x88e: {  	v30 =	vadd.f32 v30, v52;
	v62 =	vld [tilespmem:$0x1E4F0];
	[tilespmem:s15+$0x60] =	vst v41  }
0x88f: {  	v60 =	vld [tilespmem:s22+$0x70]  }
0x890: {  	v30 =	vmul.f32 v35, v30;
	v59 =	vld [tilespmem:$0x1E4F0];
	v63 =	vmul.f32 v49, v34  }
0x891: {  	v61 =	vmul.f32 v43, v36;
	v49 =	vld [tilespmem:$0x1E4F0]  }
0x892: {  	v30 =	vadd.f32 v30, v31;
	v41 =	vld [tilespmem:$0x1E510];
	v34 =	vadd.f32 v63, v48;
	v54 =	vmul.f32 v40, v39  }
0x893: {  	v32 =	vmul.f32 v47, v32;
	v36 =	vadd.f32 v61, v56;
	v44 =	vmul.f32 v58, v44;
	v56 =	vld [tilespmem:$0x1E510]  }
0x894: {  	v52 =	vld [tilespmem:s10+$0x70];
	v31 =	vmul.f32 v42, v34;
	v58 =	vadd.f32 v54, v62;
	v38 =	vmul.f32 v60, v45  }
0x895: {  	v32 =	vadd.f32 v32, v51;
	v36 =	vmul.f32 v55, v36;
	v44 =	vadd.f32 v44, v59;
	v59 =	vld [tilespmem:s15+$0x70]  }
0x896: {  	[tilespmem:s19+$0xFFFFFFF0] =	vst v30;
	v30 =	vadd.f32 v31, v33;
	v31 =	vmul.f32 v37, v58;
	v38 =	vadd.f32 v38, v49  }
0x897: {  	[tilespmem:s7+$0x70] =	vst v32;
	v61 =	vmul.f32 v41, v44;
	v60 =	vadd.f32 v36, v53  }
0x898: {  	[tilespmem:s10+$0xFFFFFFF0] =	vst v30;
	v30 =	vadd.f32 v31, v57;
	v63 =	vmul.f32 v56, v38  }
0x899: {  	v62 =	vadd.f32 v61, v52;
	[tilespmem:s19+$0x70] =	vst v60  }
0x89a: {  	s13 =	sadd.s32 $0x1, s13;
	[tilespmem:s15+$0xFFFFFFF0] =	vst v30;
	v31 =	vadd.f32 v63, v59  }
0x89b: {  	p0 =	sne.s32 s13, $0xA;
	[tilespmem:s10+$0x70] =	vst v62  }
.Ltmp11:
0x89c: {  	s7 =	simm.s32 $0x1C400;
	[tilespmem:s15+$0x70] =	vst v31;
	(pc) =	sbr.rel @p0 .LBB2_22-.Ltmp11, $4  }
0x89d: {  	[hbm4b:s17+s29] =	stream.linear.scatter [tilespmem:s7], [sflag:$0x5], $0x2000, $0x38;
	[tilespmem:$0x1E520] =	vst v63  }
0x89e: {  	_ =	swait.ge [sflag:s24], $0x2000  }
0x89f: {  	[sflag:s24] =	ssyncset.done $0x0  }
0x8a0: {  	[sflag:s24] =	ssyncadd.s32 $0xFFFFE000  }
0x8a1: {  	s5 =	sld [smem:$0x7F9];
	_ =	sdelay $0x1  }
0x8a2: {  	s4 =	rddreg [dreg:$0x18]  }
0x8a3: {  	s10 =	rddreg [dreg:$0x1];
	s5 =	sadd.s32 $0x1, s5  }
0x8a4: {  	s11 =	rddreg [dreg:$0x4];
	p0 =	sne.s32 s5, s4  }
.Ltmp12:
0x8a5: {  	s15 =	rddreg [dreg:$0x7];
	(pc) =	sbr.rel @p0 .LBB2_1-.Ltmp12, $4  }
0x8a6: {  	s16 =	rddreg [dreg:$0x8]  }
0x8a7: {  	s17 =	rddreg [dreg:$0xa]  }
0x8a8: {  	s19 =	rddreg [dreg:$0xf]  }
0x8a9: {  	s20 =	simm.s32 $0x16A80;
	s21 =	simm.s32 $0x16B00;
	s22 =	simm.s32 $0x16980  }
0x8aa: {  	_ =	sfence.sel $0x180000  }
0x8ab: {  	[bflag:$0x0] =	sbarrier.arrive $0xFFFF  }
0x8ac: {  	_ =	strace $0x90000047  }
0x8ad: {  	s0 =	stileid.u32;
	[bflag:$0x2] =	sbarrier.arrive $0xFFFF  }
0x8ae: {  	p0 =	sne.s32 s0, $0x0;
	s0 =	rddreg [dreg:$0x3]  }
0x8af: {  	s0 =	sadd.s32 @!p0 $0x100000, s0  }
0x8b0: {  	[sflag:s0] =	ssyncadd.tile.s32 @!p0 $0x1;
	_ =	shalt  }
.Lfunc_end2:
_tile_overlayer_lowered:
.L_overlay_start_2:
0x8b1: {  	(tag) =	ssettag $0x2  }
0x8b2: {  	s0 =	rddreg [dreg:$0x0];
	s2 =	stileid.u32  }
0x8b3: {  	s1 =	rddreg [dreg:$0x1];
	p0 =	sne.s32 s2, $0x0  }
0x8b4: {  	s3 =	rddreg [dreg:$0x2];
	[bflag:$0x3] =	sbarrier.arrive $0xFFFF;
	s2 =	simm.s32 @!p0 $0x1C05  }
0x8b5: {  	[timem:s3], [sflag:s2] =	dma.local @!p0 [hbm:s0], s1  }
0x8b6: {  	s0 =	simm.s32 @!p0 $0x5  }
0x8b7: {  	_ =	swait.ge @!p0 [sflag:s0], s1  }
0x8b8: {  	s1 =	ssub.s32 @!p0 $0x0, s1;
	[sflag:s0] =	ssyncset.done @!p0 $0x0  }
0x8b9: {  	[sflag:s0] =	ssyncadd.s32 @!p0 s1  }
0x8ba: {  	[bflag:$0x3] =	sbarrier.arrive $0xFFFF  }
0x8bb: {  	_ =	shalt  }

</sc_bundles>
